<compile_context>
chip_gen: v7x
topology: tpu7x:2x2x1
jax: 0.10.2.dev20260603
libtpu: 0.0.44.dev20260713+nightly
codegen_flags: <defaults>
</compile_context>

<pallas_src>
import jax
import jax.numpy as jnp
from jax import lax
from jax.experimental import pallas as pl
from jax.experimental.pallas import tpu as pltpu
from jax.experimental.pallas import tpu_sc as plsc

NUM_CLASSES = 1000
N_PROPS = 128
N_IN = N_PROPS + 1
N_OUT = NUM_CLASSES + N_PROPS
BATCH = 16384

NC = 2
NS = 16
L = 16
NW = NC * NS

CHUNK = 128
COLS_PER_W = BATCH // NW
N_CHUNKS = COLS_PER_W // CHUNK
N_SEG = 7
TAIL_OH = NUM_CLASSES - 128 * N_SEG
TAIL_ROWS = TAIL_OH + N_PROPS
NG = CHUNK // L


def _sc_body(xt_hbm, outT_hbm, xin, lastv, pp, tail,
             semA, semB, semT, semIA, semIB):
    wid = lax.axis_index("s") * NC + lax.axis_index("c")
    zeros_f = jnp.zeros((L,), jnp.float32)
    ones_f = jnp.ones((L,), jnp.float32)
    zero_ids = [jnp.zeros((L,), jnp.int32)] * (2 * NG)
    sems = [semA, semB]
    isems = [semIA, semIB]
    w0 = wid * COLS_PER_W

    def in_copies(k, slot):
        base = w0 + k * CHUNK
        return (
            pltpu.make_async_copy(
                xt_hbm.at[pl.ds(0, CHUNK), pl.ds(base, CHUNK)],
                xin.at[slot], isems[slot]),
            pltpu.make_async_copy(
                xt_hbm.at[pl.ds(N_PROPS, 1), pl.ds(base, CHUNK)],
                lastv.at[slot], isems[slot]),
        )

    def seg_copy(t, base, buf):
        return pltpu.make_async_copy(
            buf, outT_hbm.at[pl.ds(128 * t, 128), pl.ds(base, CHUNK)],
            sems[t % 2])

    def tail_copy(base):
        return pltpu.make_async_copy(
            tail, outT_hbm.at[pl.ds(128 * N_SEG, TAIL_ROWS), pl.ds(base, CHUNK)],
            semT)

    for c in in_copies(0, 0):
        c.start()
    for c in in_copies(1, 1):
        c.start()

    def zrow(r, carry):
        for b in range(NG):
            pp[0, r, pl.ds(16 * b, L)] = zeros_f
            pp[1, r, pl.ds(16 * b, L)] = zeros_f
        return carry

    lax.fori_loop(0, CHUNK, zrow, 0)

    def ztail(r, carry):
        for b in range(NG):
            tail[r, pl.ds(16 * b, L)] = zeros_f
        return carry

    lax.fori_loop(0, TAIL_OH, ztail, 0)

    def scat(buf, ids, t, val):
        for g in range(NG):
            cols = lax.iota(jnp.int32, L) + g * L
            plsc.store_scatter(buf, [ids[NG + g], cols], val,
                               mask=ids[g] == t)

    def chunk(k, slot, prev_ids, first, xbuf, lbuf):
        base = w0 + k * CHUNK
        for c in in_copies(k, slot):
            c.wait()

        his, los = [], []
        for g in range(NG):
            ids = xbuf[0, pl.ds(g * L, L)].astype(jnp.int32)
            his.append(lax.shift_right_logical(ids, 7))
            los.append(lax.bitwise_and(ids, 127))
        ids_k = his + los

        def drain_prev():
            seg_copy(N_SEG - 1, base - CHUNK, pp.at[0]).wait()
            scat(pp.at[0], prev_ids, N_SEG - 1, zeros_f)
            seg_copy(N_SEG - 2, base - CHUNK, pp.at[1]).wait()
            scat(pp.at[1], prev_ids, N_SEG - 2, zeros_f)
            tail_copy(base - CHUNK).wait()
            scat(tail.at[pl.ds(0, TAIL_OH)], prev_ids, N_SEG, zeros_f)

        if first:
            pl.when(k > 0)(drain_prev)
        else:
            drain_prev()

        handles = {}
        for t in range(N_SEG):
            buf = pp.at[t % 2]
            if t >= 2:
                handles[t - 2].wait()
                scat(buf, ids_k, t - 2, zeros_f)
            scat(buf, ids_k, t, ones_f)
            h = seg_copy(t, base, buf)
            h.start()
            handles[t] = h
            if t == 1:
                def tj(j, c):
                    for b in range(NG):
                        tail[TAIL_OH + j, pl.ds(16 * b, L)] = \
                            xbuf[j + 1, pl.ds(16 * b, L)]
                    return c

                lax.fori_loop(0, N_PROPS - 1, tj, 0)
                for b in range(NG):
                    tail[TAIL_OH + N_PROPS - 1, pl.ds(16 * b, L)] = \
                        lbuf[0, pl.ds(16 * b, L)]
                def prefetch():
                    for c in in_copies(k + 2, slot):
                        c.start()

                pl.when(k + 2 < N_CHUNKS)(prefetch)

        scat(tail.at[pl.ds(0, TAIL_OH)], ids_k, N_SEG, ones_f)
        tail_copy(base).start()
        return ids_k

    def pair(i, carry):
        ids_a = chunk(2 * i, 0, list(carry), True, xin.at[0], lastv.at[0])
        ids_b = chunk(2 * i + 1, 1, ids_a, False, xin.at[1], lastv.at[1])
        return tuple(ids_b)

    final_ids = lax.fori_loop(0, N_CHUNKS // 2, pair, tuple(zero_ids))

    last_base = w0 + (N_CHUNKS - 1) * CHUNK
    seg_copy(N_SEG - 1, last_base, pp.at[0]).wait()
    seg_copy(N_SEG - 2, last_base, pp.at[1]).wait()
    tail_copy(last_base).wait()
    del final_ids


def _sc_call(XT):
    fn = pl.kernel(
        _sc_body,
        out_type=jax.ShapeDtypeStruct((N_OUT, BATCH), jnp.float32),
        mesh=plsc.VectorSubcoreMesh(core_axis_name="c", subcore_axis_name="s"),
        scratch_types=[
            pltpu.VMEM((2, CHUNK, 128), jnp.float32),
            pltpu.VMEM((2, 1, CHUNK), jnp.float32),
            pltpu.VMEM((2, CHUNK, 128), jnp.float32),
            pltpu.VMEM((TAIL_ROWS, 128), jnp.float32),
            pltpu.SemaphoreType.DMA,
            pltpu.SemaphoreType.DMA,
            pltpu.SemaphoreType.DMA,
            pltpu.SemaphoreType.DMA,
            pltpu.SemaphoreType.DMA,
        ],
        compiler_params=pltpu.CompilerParams(
            use_tc_tiling_on_sc=True, needs_layout_passes=False,
            disable_bounds_checks=True,
        ),
    )
    return fn(XT)


@jax.jit
def _run(X):
    outT = _sc_call(X.T)
    return outT.T


def kernel(X):
    assert X.shape == (BATCH, N_IN) and X.dtype == jnp.float32
    return _run(X)

# --- scband reference (transcript-rebuilt; emitter-appended) ---
"""Pipeline reference for scband-input-encoding-22282290332404 (READ-ONLY COPY).

The authoritative reference and input builder live on the scoring server;
editing this copy changes nothing except your own understanding.
"""

import jax, jax.numpy as jnp
import numpy as np

NUM_INPUT_CLASSES = 1000
BATCH = 16384
N_PROPS = 128


def setup_inputs(seed: int = 0) -> dict:
    key = jax.random.key(seed)
    k1, k2 = jax.random.split(key)
    # Column 0 is the categorical class id stored as a float (as in the original
    # keras layer, which casts X[:, 0] to int32 before one_hot).
    ids = jax.random.randint(k1, (BATCH, 1), 0, NUM_INPUT_CLASSES).astype(jnp.float32)
    props = jax.random.uniform(k2, (BATCH, N_PROPS), dtype=jnp.float32)
    X = jnp.concatenate([ids, props], axis=-1)
    return {"X": X}


def reference(X):
    # Faithful translation of InputEncoding.call:
    #   Xid = tf.one_hot(tf.cast(X[:, 0], tf.int32), num_input_classes)
    #   Xprop = X[:, 1:]
    #   return tf.concat([Xid, Xprop], axis=-1)
    ids = jax.lax.stop_gradient(X[:, 0]).astype(jnp.int32)
    Xid = jax.nn.one_hot(ids, NUM_INPUT_CLASSES, dtype=X.dtype)
    Xprop = X[:, 1:]
    return jnp.concatenate([Xid, Xprop], axis=-1)

if __name__ == "__main__":
    import jax
    _d = setup_inputs()
    print(jax.jit(kernel)(*tuple(_d.values())))

</pallas_src>

<mosaic_0001>
#map = affine_map<(d0, d1) -> (0, 0)>
module attributes {stable_mosaic.version = 14 : i64} {
  func.func @_sc_body(%arg0: i32, %arg1: i32, %arg2: memref<129x16384xf32, #tpu.memory_space<hbm>>, %arg3: memref<1128x16384xf32, #tpu.memory_space<hbm>>, %arg4: memref<2x128x128xf32, #tpu.memory_space<vmem>>, %arg5: memref<2x1x128xf32, #tpu.memory_space<vmem>>, %arg6: memref<2x128x128xf32, #tpu.memory_space<vmem>>, %arg7: memref<232x128xf32, #tpu.memory_space<vmem>>, %arg8: memref<!tpu.dma_semaphore, #tpu.memory_space<semaphore_mem>>, %arg9: memref<!tpu.dma_semaphore, #tpu.memory_space<semaphore_mem>>, %arg10: memref<!tpu.dma_semaphore, #tpu.memory_space<semaphore_mem>>, %arg11: memref<!tpu.dma_semaphore, #tpu.memory_space<semaphore_mem>>, %arg12: memref<!tpu.dma_semaphore, #tpu.memory_space<semaphore_mem>>) attributes {dimension_semantics = [#tpu.dimension_semantics<core_parallel>, #tpu.dimension_semantics<subcore_parallel>], iteration_bounds = array<i64: 2, 16>, scalar_prefetch = 0 : i64, scratch_operands = 9 : i64, tpu.core_type = #tpu.core_type<sc_vector_subcore>, window_params = [{transform_indices = #map}, {transform_indices = #map}]} {
    %mul3A = arith.constant 2 : i32
    %mul3A_0 = arith.muli %arg1, %mul3A : i32
    %add3A = arith.addi %mul3A_0, %arg0 : i32
    %broadcast_in_dim3A = arith.constant 0.000000e+00 : f32
    %broadcast_in_dim3A_1 = vector.broadcast %broadcast_in_dim3A : f32 to vector<16xf32>
    %broadcast_in_dim3A_2 = arith.constant 1.000000e+00 : f32
    %broadcast_in_dim3A_3 = vector.broadcast %broadcast_in_dim3A_2 : f32 to vector<16xf32>
    %broadcast_in_dim3A_4 = arith.constant 0 : i32
    %broadcast_in_dim3A_5 = vector.broadcast %broadcast_in_dim3A_4 : i32 to vector<16xi32>
    %mul3A_6 = arith.constant 512 : i32
    %mul3A_7 = arith.muli %add3A, %mul3A_6 : i32
    %add3A_8 = arith.constant 0 : i32
    %add3A_9 = arith.addi %mul3A_7, %add3A_8 : i32
    %dma_start3A = arith.constant 0 : i32
    %dma_start3A_10 = arith.constant 0 : i32
    %dma_start3A_11 = arith.constant 0 : i32
    %dma_start3A_12 = tpu.memref_slice %arg4[%dma_start3A, %dma_start3A_10, %dma_start3A_11] : memref<2x128x128xf32, #tpu.memory_space<vmem>> -> memref<1x128x128xf32, #tpu.memory_space<vmem>>
    %dma_start3A_13 = tpu.memref_squeeze %dma_start3A_12 : memref<1x128x128xf32, #tpu.memory_space<vmem>> -> memref<128x128xf32, #tpu.memory_space<vmem>>
    %dma_start3A_14 = arith.constant 0 : i32
    %dma_start3A_15 = tpu.memref_slice %arg2[%dma_start3A_14, %add3A_9] : memref<129x16384xf32, #tpu.memory_space<hbm>> -> memref<128x128xf32, #tpu.memory_space<hbm>>
    %dma_start3A_16 = arith.constant 0 : i32
    %dma_start3A_17 = arith.constant 0 : i32
    %dma_start3A_18 = tpu.memref_slice %arg4[%dma_start3A, %dma_start3A_16, %dma_start3A_17] : memref<2x128x128xf32, #tpu.memory_space<vmem>> -> memref<1x128x128xf32, #tpu.memory_space<vmem>>
    %dma_start3A_19 = tpu.memref_squeeze %dma_start3A_18 : memref<1x128x128xf32, #tpu.memory_space<vmem>> -> memref<128x128xf32, #tpu.memory_space<vmem>>
    %dma_start3A_20 = arith.constant 0 : i32
    %dma_start3A_21 = tpu.memref_slice %arg2[%dma_start3A_20, %add3A_9] : memref<129x16384xf32, #tpu.memory_space<hbm>> -> memref<128x128xf32, #tpu.memory_space<hbm>>
    tpu.enqueue_dma source(%dma_start3A_21 : memref<128x128xf32, #tpu.memory_space<hbm>>) target(%dma_start3A_19 : memref<128x128xf32, #tpu.memory_space<vmem>>) target_semaphore(%arg11 : memref<!tpu.dma_semaphore, #tpu.memory_space<semaphore_mem>>)
    %dma_start3A_22 = arith.constant 0 : i32
    %dma_start3A_23 = arith.constant 0 : i32
    %dma_start3A_24 = arith.constant 0 : i32
    %dma_start3A_25 = tpu.memref_slice %arg5[%dma_start3A_22, %dma_start3A_23, %dma_start3A_24] : memref<2x1x128xf32, #tpu.memory_space<vmem>> -> memref<1x1x128xf32, #tpu.memory_space<vmem>>
    %dma_start3A_26 = tpu.memref_squeeze %dma_start3A_25 : memref<1x1x128xf32, #tpu.memory_space<vmem>> -> memref<1x128xf32, #tpu.memory_space<vmem>>
    %dma_start3A_27 = arith.constant 128 : i32
    %dma_start3A_28 = tpu.memref_slice %arg2[%dma_start3A_27, %add3A_9] : memref<129x16384xf32, #tpu.memory_space<hbm>> -> memref<1x128xf32, #tpu.memory_space<hbm>>
    %dma_start3A_29 = arith.constant 0 : i32
    %dma_start3A_30 = arith.constant 0 : i32
    %dma_start3A_31 = tpu.memref_slice %arg5[%dma_start3A_22, %dma_start3A_29, %dma_start3A_30] : memref<2x1x128xf32, #tpu.memory_space<vmem>> -> memref<1x1x128xf32, #tpu.memory_space<vmem>>
    %dma_start3A_32 = tpu.memref_squeeze %dma_start3A_31 : memref<1x1x128xf32, #tpu.memory_space<vmem>> -> memref<1x128xf32, #tpu.memory_space<vmem>>
    %dma_start3A_33 = arith.constant 128 : i32
    %dma_start3A_34 = tpu.memref_slice %arg2[%dma_start3A_33, %add3A_9] : memref<129x16384xf32, #tpu.memory_space<hbm>> -> memref<1x128xf32, #tpu.memory_space<hbm>>
    tpu.enqueue_dma source(%dma_start3A_34 : memref<1x128xf32, #tpu.memory_space<hbm>>) target(%dma_start3A_32 : memref<1x128xf32, #tpu.memory_space<vmem>>) target_semaphore(%arg11 : memref<!tpu.dma_semaphore, #tpu.memory_space<semaphore_mem>>)
    %add3A_35 = arith.constant 128 : i32
    %add3A_36 = arith.addi %mul3A_7, %add3A_35 : i32
    %dma_start3A_37 = arith.constant 1 : i32
    %dma_start3A_38 = arith.constant 0 : i32
    %dma_start3A_39 = arith.constant 0 : i32
    %dma_start3A_40 = tpu.memref_slice %arg4[%dma_start3A_37, %dma_start3A_38, %dma_start3A_39] : memref<2x128x128xf32, #tpu.memory_space<vmem>> -> memref<1x128x128xf32, #tpu.memory_space<vmem>>
    %dma_start3A_41 = tpu.memref_squeeze %dma_start3A_40 : memref<1x128x128xf32, #tpu.memory_space<vmem>> -> memref<128x128xf32, #tpu.memory_space<vmem>>
    %dma_start3A_42 = arith.constant 0 : i32
    %dma_start3A_43 = tpu.memref_slice %arg2[%dma_start3A_42, %add3A_36] : memref<129x16384xf32, #tpu.memory_space<hbm>> -> memref<128x128xf32, #tpu.memory_space<hbm>>
    %dma_start3A_44 = arith.constant 0 : i32
    %dma_start3A_45 = arith.constant 0 : i32
    %dma_start3A_46 = tpu.memref_slice %arg4[%dma_start3A_37, %dma_start3A_44, %dma_start3A_45] : memref<2x128x128xf32, #tpu.memory_space<vmem>> -> memref<1x128x128xf32, #tpu.memory_space<vmem>>
    %dma_start3A_47 = tpu.memref_squeeze %dma_start3A_46 : memref<1x128x128xf32, #tpu.memory_space<vmem>> -> memref<128x128xf32, #tpu.memory_space<vmem>>
    %dma_start3A_48 = arith.constant 0 : i32
    %dma_start3A_49 = tpu.memref_slice %arg2[%dma_start3A_48, %add3A_36] : memref<129x16384xf32, #tpu.memory_space<hbm>> -> memref<128x128xf32, #tpu.memory_space<hbm>>
    tpu.enqueue_dma source(%dma_start3A_49 : memref<128x128xf32, #tpu.memory_space<hbm>>) target(%dma_start3A_47 : memref<128x128xf32, #tpu.memory_space<vmem>>) target_semaphore(%arg12 : memref<!tpu.dma_semaphore, #tpu.memory_space<semaphore_mem>>)
    %dma_start3A_50 = arith.constant 1 : i32
    %dma_start3A_51 = arith.constant 0 : i32
    %dma_start3A_52 = arith.constant 0 : i32
    %dma_start3A_53 = tpu.memref_slice %arg5[%dma_start3A_50, %dma_start3A_51, %dma_start3A_52] : memref<2x1x128xf32, #tpu.memory_space<vmem>> -> memref<1x1x128xf32, #tpu.memory_space<vmem>>
    %dma_start3A_54 = tpu.memref_squeeze %dma_start3A_53 : memref<1x1x128xf32, #tpu.memory_space<vmem>> -> memref<1x128xf32, #tpu.memory_space<vmem>>
    %dma_start3A_55 = arith.constant 128 : i32
    %dma_start3A_56 = tpu.memref_slice %arg2[%dma_start3A_55, %add3A_36] : memref<129x16384xf32, #tpu.memory_space<hbm>> -> memref<1x128xf32, #tpu.memory_space<hbm>>
    %dma_start3A_57 = arith.constant 0 : i32
    %dma_start3A_58 = arith.constant 0 : i32
    %dma_start3A_59 = tpu.memref_slice %arg5[%dma_start3A_50, %dma_start3A_57, %dma_start3A_58] : memref<2x1x128xf32, #tpu.memory_space<vmem>> -> memref<1x1x128xf32, #tpu.memory_space<vmem>>
    %dma_start3A_60 = tpu.memref_squeeze %dma_start3A_59 : memref<1x1x128xf32, #tpu.memory_space<vmem>> -> memref<1x128xf32, #tpu.memory_space<vmem>>
    %dma_start3A_61 = arith.constant 128 : i32
    %dma_start3A_62 = tpu.memref_slice %arg2[%dma_start3A_61, %add3A_36] : memref<129x16384xf32, #tpu.memory_space<hbm>> -> memref<1x128xf32, #tpu.memory_space<hbm>>
    tpu.enqueue_dma source(%dma_start3A_62 : memref<1x128xf32, #tpu.memory_space<hbm>>) target(%dma_start3A_60 : memref<1x128xf32, #tpu.memory_space<vmem>>) target_semaphore(%arg12 : memref<!tpu.dma_semaphore, #tpu.memory_space<semaphore_mem>>)
    %scan3A = arith.constant 0 : i32
    %scan3A_63 = arith.constant 0 : i32
    %scan3A_64 = arith.constant 128 : i32
    %scan3A_65 = arith.addi %scan3A_63, %scan3A_64 : i32
    %scan3A_66 = arith.constant 1 : i32
    scf.for %scan3A_111 = %scan3A_63 to %scan3A_65 step %scan3A_66  : i32 {
      %swap3A = arith.constant 0 : i32
      %swap3A_112 = arith.index_cast %swap3A : i32 to index
      %swap3A_113 = arith.index_cast %scan3A_111 : i32 to index
      %swap3A_114 = arith.constant 0 : index
      %swap3A_115 = tpu.vector_load %arg6[%swap3A_112, %swap3A_113, %swap3A_114] {strides = array<i32>} : memref<2x128x128xf32, #tpu.memory_space<vmem>>, vector<16xf32>,
      tpu.vector_store %arg6[%swap3A_112, %swap3A_113, %swap3A_114], %broadcast_in_dim3A_1 {strides = array<i32>} : memref<2x128x128xf32, #tpu.memory_space<vmem>>, vector<16xf32>,
      %swap3A_116 = arith.constant 1 : i32
      %swap3A_117 = arith.index_cast %swap3A_116 : i32 to index
      %swap3A_118 = arith.index_cast %scan3A_111 : i32 to index
      %swap3A_119 = arith.constant 0 : index
      %swap3A_120 = tpu.vector_load %arg6[%swap3A_117, %swap3A_118, %swap3A_119] {strides = array<i32>} : memref<2x128x128xf32, #tpu.memory_space<vmem>>, vector<16xf32>,
      tpu.vector_store %arg6[%swap3A_117, %swap3A_118, %swap3A_119], %broadcast_in_dim3A_1 {strides = array<i32>} : memref<2x128x128xf32, #tpu.memory_space<vmem>>, vector<16xf32>,
      %swap3A_121 = arith.constant 0 : i32
      %swap3A_122 = arith.index_cast %swap3A_121 : i32 to index
      %swap3A_123 = arith.index_cast %scan3A_111 : i32 to index
      %swap3A_124 = arith.constant 16 : index
      %swap3A_125 = tpu.vector_load %arg6[%swap3A_122, %swap3A_123, %swap3A_124] {strides = array<i32>} : memref<2x128x128xf32, #tpu.memory_space<vmem>>, vector<16xf32>,
      tpu.vector_store %arg6[%swap3A_122, %swap3A_123, %swap3A_124], %broadcast_in_dim3A_1 {strides = array<i32>} : memref<2x128x128xf32, #tpu.memory_space<vmem>>, vector<16xf32>,
      %swap3A_126 = arith.constant 1 : i32
      %swap3A_127 = arith.index_cast %swap3A_126 : i32 to index
      %swap3A_128 = arith.index_cast %scan3A_111 : i32 to index
      %swap3A_129 = arith.constant 16 : index
      %swap3A_130 = tpu.vector_load %arg6[%swap3A_127, %swap3A_128, %swap3A_129] {strides = array<i32>} : memref<2x128x128xf32, #tpu.memory_space<vmem>>, vector<16xf32>,
      tpu.vector_store %arg6[%swap3A_127, %swap3A_128, %swap3A_129], %broadcast_in_dim3A_1 {strides = array<i32>} : memref<2x128x128xf32, #tpu.memory_space<vmem>>, vector<16xf32>,
      %swap3A_131 = arith.constant 0 : i32
      %swap3A_132 = arith.index_cast %swap3A_131 : i32 to index
      %swap3A_133 = arith.index_cast %scan3A_111 : i32 to index
      %swap3A_134 = arith.constant 32 : index
      %swap3A_135 = tpu.vector_load %arg6[%swap3A_132, %swap3A_133, %swap3A_134] {strides = array<i32>} : memref<2x128x128xf32, #tpu.memory_space<vmem>>, vector<16xf32>,
      tpu.vector_store %arg6[%swap3A_132, %swap3A_133, %swap3A_134], %broadcast_in_dim3A_1 {strides = array<i32>} : memref<2x128x128xf32, #tpu.memory_space<vmem>>, vector<16xf32>,
      %swap3A_136 = arith.constant 1 : i32
      %swap3A_137 = arith.index_cast %swap3A_136 : i32 to index
      %swap3A_138 = arith.index_cast %scan3A_111 : i32 to index
      %swap3A_139 = arith.constant 32 : index
      %swap3A_140 = tpu.vector_load %arg6[%swap3A_137, %swap3A_138, %swap3A_139] {strides = array<i32>} : memref<2x128x128xf32, #tpu.memory_space<vmem>>, vector<16xf32>,
      tpu.vector_store %arg6[%swap3A_137, %swap3A_138, %swap3A_139], %broadcast_in_dim3A_1 {strides = array<i32>} : memref<2x128x128xf32, #tpu.memory_space<vmem>>, vector<16xf32>,
      %swap3A_141 = arith.constant 0 : i32
      %swap3A_142 = arith.index_cast %swap3A_141 : i32 to index
      %swap3A_143 = arith.index_cast %scan3A_111 : i32 to index
      %swap3A_144 = arith.constant 48 : index
      %swap3A_145 = tpu.vector_load %arg6[%swap3A_142, %swap3A_143, %swap3A_144] {strides = array<i32>} : memref<2x128x128xf32, #tpu.memory_space<vmem>>, vector<16xf32>,
      tpu.vector_store %arg6[%swap3A_142, %swap3A_143, %swap3A_144], %broadcast_in_dim3A_1 {strides = array<i32>} : memref<2x128x128xf32, #tpu.memory_space<vmem>>, vector<16xf32>,
      %swap3A_146 = arith.constant 1 : i32
      %swap3A_147 = arith.index_cast %swap3A_146 : i32 to index
      %swap3A_148 = arith.index_cast %scan3A_111 : i32 to index
      %swap3A_149 = arith.constant 48 : index
      %swap3A_150 = tpu.vector_load %arg6[%swap3A_147, %swap3A_148, %swap3A_149] {strides = array<i32>} : memref<2x128x128xf32, #tpu.memory_space<vmem>>, vector<16xf32>,
      tpu.vector_store %arg6[%swap3A_147, %swap3A_148, %swap3A_149], %broadcast_in_dim3A_1 {strides = array<i32>} : memref<2x128x128xf32, #tpu.memory_space<vmem>>, vector<16xf32>,
      %swap3A_151 = arith.constant 0 : i32
      %swap3A_152 = arith.index_cast %swap3A_151 : i32 to index
      %swap3A_153 = arith.index_cast %scan3A_111 : i32 to index
      %swap3A_154 = arith.constant 64 : index
      %swap3A_155 = tpu.vector_load %arg6[%swap3A_152, %swap3A_153, %swap3A_154] {strides = array<i32>} : memref<2x128x128xf32, #tpu.memory_space<vmem>>, vector<16xf32>,
      tpu.vector_store %arg6[%swap3A_152, %swap3A_153, %swap3A_154], %broadcast_in_dim3A_1 {strides = array<i32>} : memref<2x128x128xf32, #tpu.memory_space<vmem>>, vector<16xf32>,
      %swap3A_156 = arith.constant 1 : i32
      %swap3A_157 = arith.index_cast %swap3A_156 : i32 to index
      %swap3A_158 = arith.index_cast %scan3A_111 : i32 to index
      %swap3A_159 = arith.constant 64 : index
      %swap3A_160 = tpu.vector_load %arg6[%swap3A_157, %swap3A_158, %swap3A_159] {strides = array<i32>} : memref<2x128x128xf32, #tpu.memory_space<vmem>>, vector<16xf32>,
      tpu.vector_store %arg6[%swap3A_157, %swap3A_158, %swap3A_159], %broadcast_in_dim3A_1 {strides = array<i32>} : memref<2x128x128xf32, #tpu.memory_space<vmem>>, vector<16xf32>,
      %swap3A_161 = arith.constant 0 : i32
      %swap3A_162 = arith.index_cast %swap3A_161 : i32 to index
      %swap3A_163 = arith.index_cast %scan3A_111 : i32 to index
      %swap3A_164 = arith.constant 80 : index
      %swap3A_165 = tpu.vector_load %arg6[%swap3A_162, %swap3A_163, %swap3A_164] {strides = array<i32>} : memref<2x128x128xf32, #tpu.memory_space<vmem>>, vector<16xf32>,
      tpu.vector_store %arg6[%swap3A_162, %swap3A_163, %swap3A_164], %broadcast_in_dim3A_1 {strides = array<i32>} : memref<2x128x128xf32, #tpu.memory_space<vmem>>, vector<16xf32>,
      %swap3A_166 = arith.constant 1 : i32
      %swap3A_167 = arith.index_cast %swap3A_166 : i32 to index
      %swap3A_168 = arith.index_cast %scan3A_111 : i32 to index
      %swap3A_169 = arith.constant 80 : index
      %swap3A_170 = tpu.vector_load %arg6[%swap3A_167, %swap3A_168, %swap3A_169] {strides = array<i32>} : memref<2x128x128xf32, #tpu.memory_space<vmem>>, vector<16xf32>,
      tpu.vector_store %arg6[%swap3A_167, %swap3A_168, %swap3A_169], %broadcast_in_dim3A_1 {strides = array<i32>} : memref<2x128x128xf32, #tpu.memory_space<vmem>>, vector<16xf32>,
      %swap3A_171 = arith.constant 0 : i32
      %swap3A_172 = arith.index_cast %swap3A_171 : i32 to index
      %swap3A_173 = arith.index_cast %scan3A_111 : i32 to index
      %swap3A_174 = arith.constant 96 : index
      %swap3A_175 = tpu.vector_load %arg6[%swap3A_172, %swap3A_173, %swap3A_174] {strides = array<i32>} : memref<2x128x128xf32, #tpu.memory_space<vmem>>, vector<16xf32>,
      tpu.vector_store %arg6[%swap3A_172, %swap3A_173, %swap3A_174], %broadcast_in_dim3A_1 {strides = array<i32>} : memref<2x128x128xf32, #tpu.memory_space<vmem>>, vector<16xf32>,
      %swap3A_176 = arith.constant 1 : i32
      %swap3A_177 = arith.index_cast %swap3A_176 : i32 to index
      %swap3A_178 = arith.index_cast %scan3A_111 : i32 to index
      %swap3A_179 = arith.constant 96 : index
      %swap3A_180 = tpu.vector_load %arg6[%swap3A_177, %swap3A_178, %swap3A_179] {strides = array<i32>} : memref<2x128x128xf32, #tpu.memory_space<vmem>>, vector<16xf32>,
      tpu.vector_store %arg6[%swap3A_177, %swap3A_178, %swap3A_179], %broadcast_in_dim3A_1 {strides = array<i32>} : memref<2x128x128xf32, #tpu.memory_space<vmem>>, vector<16xf32>,
      %swap3A_181 = arith.constant 0 : i32
      %swap3A_182 = arith.index_cast %swap3A_181 : i32 to index
      %swap3A_183 = arith.index_cast %scan3A_111 : i32 to index
      %swap3A_184 = arith.constant 112 : index
      %swap3A_185 = tpu.vector_load %arg6[%swap3A_182, %swap3A_183, %swap3A_184] {strides = array<i32>} : memref<2x128x128xf32, #tpu.memory_space<vmem>>, vector<16xf32>,
      tpu.vector_store %arg6[%swap3A_182, %swap3A_183, %swap3A_184], %broadcast_in_dim3A_1 {strides = array<i32>} : memref<2x128x128xf32, #tpu.memory_space<vmem>>, vector<16xf32>,
      %swap3A_186 = arith.constant 1 : i32
      %swap3A_187 = arith.index_cast %swap3A_186 : i32 to index
      %swap3A_188 = arith.index_cast %scan3A_111 : i32 to index
      %swap3A_189 = arith.constant 112 : index
      %swap3A_190 = tpu.vector_load %arg6[%swap3A_187, %swap3A_188, %swap3A_189] {strides = array<i32>} : memref<2x128x128xf32, #tpu.memory_space<vmem>>, vector<16xf32>,
      tpu.vector_store %arg6[%swap3A_187, %swap3A_188, %swap3A_189], %broadcast_in_dim3A_1 {strides = array<i32>} : memref<2x128x128xf32, #tpu.memory_space<vmem>>, vector<16xf32>,
    }
    %scan3A_67 = arith.constant 128 : i32
    %scan3A_68 = arith.constant 0 : i32
    %scan3A_69 = arith.constant 0 : i32
    %scan3A_70 = arith.constant 104 : i32
    %scan3A_71 = arith.addi %scan3A_69, %scan3A_70 : i32
    %scan3A_72 = arith.constant 1 : i32
    scf.for %scan3A_111 = %scan3A_69 to %scan3A_71 step %scan3A_72  : i32 {
      %swap3A = arith.index_cast %scan3A_111 : i32 to index
      %swap3A_112 = arith.constant 0 : index
      %swap3A_113 = tpu.vector_load %arg7[%swap3A, %swap3A_112] {strides = array<i32>} : memref<232x128xf32, #tpu.memory_space<vmem>>, vector<16xf32>,
      tpu.vector_store %arg7[%swap3A, %swap3A_112], %broadcast_in_dim3A_1 {strides = array<i32>} : memref<232x128xf32, #tpu.memory_space<vmem>>, vector<16xf32>,
      %swap3A_114 = arith.index_cast %scan3A_111 : i32 to index
      %swap3A_115 = arith.constant 16 : index
      %swap3A_116 = tpu.vector_load %arg7[%swap3A_114, %swap3A_115] {strides = array<i32>} : memref<232x128xf32, #tpu.memory_space<vmem>>, vector<16xf32>,
      tpu.vector_store %arg7[%swap3A_114, %swap3A_115], %broadcast_in_dim3A_1 {strides = array<i32>} : memref<232x128xf32, #tpu.memory_space<vmem>>, vector<16xf32>,
      %swap3A_117 = arith.index_cast %scan3A_111 : i32 to index
      %swap3A_118 = arith.constant 32 : index
      %swap3A_119 = tpu.vector_load %arg7[%swap3A_117, %swap3A_118] {strides = array<i32>} : memref<232x128xf32, #tpu.memory_space<vmem>>, vector<16xf32>,
      tpu.vector_store %arg7[%swap3A_117, %swap3A_118], %broadcast_in_dim3A_1 {strides = array<i32>} : memref<232x128xf32, #tpu.memory_space<vmem>>, vector<16xf32>,
      %swap3A_120 = arith.index_cast %scan3A_111 : i32 to index
      %swap3A_121 = arith.constant 48 : index
      %swap3A_122 = tpu.vector_load %arg7[%swap3A_120, %swap3A_121] {strides = array<i32>} : memref<232x128xf32, #tpu.memory_space<vmem>>, vector<16xf32>,
      tpu.vector_store %arg7[%swap3A_120, %swap3A_121], %broadcast_in_dim3A_1 {strides = array<i32>} : memref<232x128xf32, #tpu.memory_space<vmem>>, vector<16xf32>,
      %swap3A_123 = arith.index_cast %scan3A_111 : i32 to index
      %swap3A_124 = arith.constant 64 : index
      %swap3A_125 = tpu.vector_load %arg7[%swap3A_123, %swap3A_124] {strides = array<i32>} : memref<232x128xf32, #tpu.memory_space<vmem>>, vector<16xf32>,
      tpu.vector_store %arg7[%swap3A_123, %swap3A_124], %broadcast_in_dim3A_1 {strides = array<i32>} : memref<232x128xf32, #tpu.memory_space<vmem>>, vector<16xf32>,
      %swap3A_126 = arith.index_cast %scan3A_111 : i32 to index
      %swap3A_127 = arith.constant 80 : index
      %swap3A_128 = tpu.vector_load %arg7[%swap3A_126, %swap3A_127] {strides = array<i32>} : memref<232x128xf32, #tpu.memory_space<vmem>>, vector<16xf32>,
      tpu.vector_store %arg7[%swap3A_126, %swap3A_127], %broadcast_in_dim3A_1 {strides = array<i32>} : memref<232x128xf32, #tpu.memory_space<vmem>>, vector<16xf32>,
      %swap3A_129 = arith.index_cast %scan3A_111 : i32 to index
      %swap3A_130 = arith.constant 96 : index
      %swap3A_131 = tpu.vector_load %arg7[%swap3A_129, %swap3A_130] {strides = array<i32>} : memref<232x128xf32, #tpu.memory_space<vmem>>, vector<16xf32>,
      tpu.vector_store %arg7[%swap3A_129, %swap3A_130], %broadcast_in_dim3A_1 {strides = array<i32>} : memref<232x128xf32, #tpu.memory_space<vmem>>, vector<16xf32>,
      %swap3A_132 = arith.index_cast %scan3A_111 : i32 to index
      %swap3A_133 = arith.constant 112 : index
      %swap3A_134 = tpu.vector_load %arg7[%swap3A_132, %swap3A_133] {strides = array<i32>} : memref<232x128xf32, #tpu.memory_space<vmem>>, vector<16xf32>,
      tpu.vector_store %arg7[%swap3A_132, %swap3A_133], %broadcast_in_dim3A_1 {strides = array<i32>} : memref<232x128xf32, #tpu.memory_space<vmem>>, vector<16xf32>,
    }
    %scan3A_73 = arith.constant 104 : i32
    %scan3A_74 = arith.constant 0 : i32
    %scan3A_75 = arith.constant 2 : i32
    %scan3A_76 = arith.addi %scan3A_74, %scan3A_75 : i32
    %scan3A_77 = arith.constant 1 : i32
    %scan3A_78:16 = scf.for %scan3A_111 = %scan3A_74 to %scan3A_76 step %scan3A_77 iter_args(%scan3A_112 = %broadcast_in_dim3A_5, %scan3A_113 = %broadcast_in_dim3A_5, %scan3A_114 = %broadcast_in_dim3A_5, %scan3A_115 = %broadcast_in_dim3A_5, %scan3A_116 = %broadcast_in_dim3A_5, %scan3A_117 = %broadcast_in_dim3A_5, %scan3A_118 = %broadcast_in_dim3A_5, %scan3A_119 = %broadcast_in_dim3A_5, %scan3A_120 = %broadcast_in_dim3A_5, %scan3A_121 = %broadcast_in_dim3A_5, %scan3A_122 = %broadcast_in_dim3A_5, %scan3A_123 = %broadcast_in_dim3A_5, %scan3A_124 = %broadcast_in_dim3A_5, %scan3A_125 = %broadcast_in_dim3A_5, %scan3A_126 = %broadcast_in_dim3A_5, %scan3A_127 = %broadcast_in_dim3A_5) -> (vector<16xi32>, vector<16xi32>, vector<16xi32>, vector<16xi32>, vector<16xi32>, vector<16xi32>, vector<16xi32>, vector<16xi32>, vector<16xi32>, vector<16xi32>, vector<16xi32>, vector<16xi32>, vector<16xi32>, vector<16xi32>, vector<16xi32>, vector<16xi32>)  : i32 {
      %mul3A_128 = arith.constant 2 : i32
      %mul3A_129 = arith.muli %mul3A_128, %scan3A_111 : i32
      %mul3A_130 = arith.constant 128 : i32
      %mul3A_131 = arith.muli %mul3A_129, %mul3A_130 : i32
      %add3A_132 = arith.addi %mul3A_7, %mul3A_131 : i32
      %mul3A_133 = arith.constant 128 : i32
      %mul3A_134 = arith.muli %mul3A_129, %mul3A_133 : i32
      %add3A_135 = arith.addi %mul3A_7, %mul3A_134 : i32
      %dma_wait3A_136 = arith.constant 0 : i32
      %dma_wait3A_137 = arith.constant 0 : i32
      %dma_wait3A_138 = arith.constant 0 : i32
      %dma_wait3A_139 = tpu.memref_slice %arg4[%dma_wait3A_136, %dma_wait3A_137, %dma_wait3A_138] : memref<2x128x128xf32, #tpu.memory_space<vmem>> -> memref<1x128x128xf32, #tpu.memory_space<vmem>>
      %dma_wait3A_140 = tpu.memref_squeeze %dma_wait3A_139 : memref<1x128x128xf32, #tpu.memory_space<vmem>> -> memref<128x128xf32, #tpu.memory_space<vmem>>
      %dma_wait3A_141 = arith.constant 0 : i32
      %dma_wait3A_142 = tpu.memref_slice %arg2[%dma_wait3A_141, %add3A_135] : memref<129x16384xf32, #tpu.memory_space<hbm>> -> memref<128x128xf32, #tpu.memory_space<hbm>>
      %dma_wait3A_143 = arith.constant 0 : i32
      %dma_wait3A_144 = arith.constant 0 : i32
      %dma_wait3A_145 = tpu.memref_slice %arg4[%dma_wait3A_136, %dma_wait3A_143, %dma_wait3A_144] : memref<2x128x128xf32, #tpu.memory_space<vmem>> -> memref<1x128x128xf32, #tpu.memory_space<vmem>>
      %dma_wait3A_146 = tpu.memref_squeeze %dma_wait3A_145 : memref<1x128x128xf32, #tpu.memory_space<vmem>> -> memref<128x128xf32, #tpu.memory_space<vmem>>
      %dma_wait3A_147 = arith.constant 0 : i32
      %dma_wait3A_148 = tpu.memref_slice %arg2[%dma_wait3A_147, %add3A_135] : memref<129x16384xf32, #tpu.memory_space<hbm>> -> memref<128x128xf32, #tpu.memory_space<hbm>>
      tpu.wait_dma2 semaphore(%arg11 : memref<!tpu.dma_semaphore, #tpu.memory_space<semaphore_mem>>) src(%dma_wait3A_148 : memref<128x128xf32, #tpu.memory_space<hbm>>) dst(%dma_wait3A_146 : memref<128x128xf32, #tpu.memory_space<vmem>>)
      %dma_wait3A_149 = arith.constant 0 : i32
      %dma_wait3A_150 = arith.constant 0 : i32
      %dma_wait3A_151 = arith.constant 0 : i32
      %dma_wait3A_152 = tpu.memref_slice %arg5[%dma_wait3A_149, %dma_wait3A_150, %dma_wait3A_151] : memref<2x1x128xf32, #tpu.memory_space<vmem>> -> memref<1x1x128xf32, #tpu.memory_space<vmem>>
      %dma_wait3A_153 = tpu.memref_squeeze %dma_wait3A_152 : memref<1x1x128xf32, #tpu.memory_space<vmem>> -> memref<1x128xf32, #tpu.memory_space<vmem>>
      %dma_wait3A_154 = arith.constant 128 : i32
      %dma_wait3A_155 = tpu.memref_slice %arg2[%dma_wait3A_154, %add3A_135] : memref<129x16384xf32, #tpu.memory_space<hbm>> -> memref<1x128xf32, #tpu.memory_space<hbm>>
      %dma_wait3A_156 = arith.constant 0 : i32
      %dma_wait3A_157 = arith.constant 0 : i32
      %dma_wait3A_158 = tpu.memref_slice %arg5[%dma_wait3A_149, %dma_wait3A_156, %dma_wait3A_157] : memref<2x1x128xf32, #tpu.memory_space<vmem>> -> memref<1x1x128xf32, #tpu.memory_space<vmem>>
      %dma_wait3A_159 = tpu.memref_squeeze %dma_wait3A_158 : memref<1x1x128xf32, #tpu.memory_space<vmem>> -> memref<1x128xf32, #tpu.memory_space<vmem>>
      %dma_wait3A_160 = arith.constant 128 : i32
      %dma_wait3A_161 = tpu.memref_slice %arg2[%dma_wait3A_160, %add3A_135] : memref<129x16384xf32, #tpu.memory_space<hbm>> -> memref<1x128xf32, #tpu.memory_space<hbm>>
      tpu.wait_dma2 semaphore(%arg11 : memref<!tpu.dma_semaphore, #tpu.memory_space<semaphore_mem>>) src(%dma_wait3A_161 : memref<1x128xf32, #tpu.memory_space<hbm>>) dst(%dma_wait3A_159 : memref<1x128xf32, #tpu.memory_space<vmem>>)
      %get3A = arith.constant 0 : i32
      %get3A_162 = arith.constant 0 : i32
      %get3A_163 = arith.constant 0 : i32
      %get3A_164 = arith.constant 0 : i32
      %get3A_165 = tpu.memref_slice %arg4[%get3A, %get3A_163, %get3A_164] : memref<2x128x128xf32, #tpu.memory_space<vmem>> -> memref<1x128x128xf32, #tpu.memory_space<vmem>>
      %get3A_166 = tpu.memref_squeeze %get3A_165 : memref<1x128x128xf32, #tpu.memory_space<vmem>> -> memref<128x128xf32, #tpu.memory_space<vmem>>
      %get3A_167 = arith.index_cast %get3A_162 : i32 to index
      %get3A_168 = arith.constant 0 : index
      %get3A_169 = tpu.vector_load %get3A_166[%get3A_167, %get3A_168] {strides = array<i32>} : memref<128x128xf32, #tpu.memory_space<vmem>>, vector<16xf32>,
      %convert_element_type3A = arith.fptosi %get3A_169 : vector<16xf32> to vector<16xi32>
      %shift_right_logical3A = arith.constant 7 : i32
      %shift_right_logical3A_170 = vector.broadcast %shift_right_logical3A : i32 to vector<16xi32>
      %shift_right_logical3A_171 = arith.shrui %convert_element_type3A, %shift_right_logical3A_170 : vector<16xi32>
      %and3A = arith.constant 127 : i32
      %and3A_172 = vector.broadcast %and3A : i32 to vector<16xi32>
      %and3A_173 = arith.andi %convert_element_type3A, %and3A_172 : vector<16xi32>
      %get3A_174 = arith.constant 0 : i32
      %get3A_175 = arith.constant 0 : i32
      %get3A_176 = arith.constant 0 : i32
      %get3A_177 = arith.constant 0 : i32
      %get3A_178 = tpu.memref_slice %arg4[%get3A_174, %get3A_176, %get3A_177] : memref<2x128x128xf32, #tpu.memory_space<vmem>> -> memref<1x128x128xf32, #tpu.memory_space<vmem>>
      %get3A_179 = tpu.memref_squeeze %get3A_178 : memref<1x128x128xf32, #tpu.memory_space<vmem>> -> memref<128x128xf32, #tpu.memory_space<vmem>>
      %get3A_180 = arith.index_cast %get3A_175 : i32 to index
      %get3A_181 = arith.constant 16 : index
      %get3A_182 = tpu.vector_load %get3A_179[%get3A_180, %get3A_181] {strides = array<i32>} : memref<128x128xf32, #tpu.memory_space<vmem>>, vector<16xf32>,
      %convert_element_type3A_183 = arith.fptosi %get3A_182 : vector<16xf32> to vector<16xi32>
      %shift_right_logical3A_184 = arith.constant 7 : i32
      %shift_right_logical3A_185 = vector.broadcast %shift_right_logical3A_184 : i32 to vector<16xi32>
      %shift_right_logical3A_186 = arith.shrui %convert_element_type3A_183, %shift_right_logical3A_185 : vector<16xi32>
      %and3A_187 = arith.constant 127 : i32
      %and3A_188 = vector.broadcast %and3A_187 : i32 to vector<16xi32>
      %and3A_189 = arith.andi %convert_element_type3A_183, %and3A_188 : vector<16xi32>
      %get3A_190 = arith.constant 0 : i32
      %get3A_191 = arith.constant 0 : i32
      %get3A_192 = arith.constant 0 : i32
      %get3A_193 = arith.constant 0 : i32
      %get3A_194 = tpu.memref_slice %arg4[%get3A_190, %get3A_192, %get3A_193] : memref<2x128x128xf32, #tpu.memory_space<vmem>> -> memref<1x128x128xf32, #tpu.memory_space<vmem>>
      %get3A_195 = tpu.memref_squeeze %get3A_194 : memref<1x128x128xf32, #tpu.memory_space<vmem>> -> memref<128x128xf32, #tpu.memory_space<vmem>>
      %get3A_196 = arith.index_cast %get3A_191 : i32 to index
      %get3A_197 = arith.constant 32 : index
      %get3A_198 = tpu.vector_load %get3A_195[%get3A_196, %get3A_197] {strides = array<i32>} : memref<128x128xf32, #tpu.memory_space<vmem>>, vector<16xf32>,
      %convert_element_type3A_199 = arith.fptosi %get3A_198 : vector<16xf32> to vector<16xi32>
      %shift_right_logical3A_200 = arith.constant 7 : i32
      %shift_right_logical3A_201 = vector.broadcast %shift_right_logical3A_200 : i32 to vector<16xi32>
      %shift_right_logical3A_202 = arith.shrui %convert_element_type3A_199, %shift_right_logical3A_201 : vector<16xi32>
      %and3A_203 = arith.constant 127 : i32
      %and3A_204 = vector.broadcast %and3A_203 : i32 to vector<16xi32>
      %and3A_205 = arith.andi %convert_element_type3A_199, %and3A_204 : vector<16xi32>
      %get3A_206 = arith.constant 0 : i32
      %get3A_207 = arith.constant 0 : i32
      %get3A_208 = arith.constant 0 : i32
      %get3A_209 = arith.constant 0 : i32
      %get3A_210 = tpu.memref_slice %arg4[%get3A_206, %get3A_208, %get3A_209] : memref<2x128x128xf32, #tpu.memory_space<vmem>> -> memref<1x128x128xf32, #tpu.memory_space<vmem>>
      %get3A_211 = tpu.memref_squeeze %get3A_210 : memref<1x128x128xf32, #tpu.memory_space<vmem>> -> memref<128x128xf32, #tpu.memory_space<vmem>>
      %get3A_212 = arith.index_cast %get3A_207 : i32 to index
      %get3A_213 = arith.constant 48 : index
      %get3A_214 = tpu.vector_load %get3A_211[%get3A_212, %get3A_213] {strides = array<i32>} : memref<128x128xf32, #tpu.memory_space<vmem>>, vector<16xf32>,
      %convert_element_type3A_215 = arith.fptosi %get3A_214 : vector<16xf32> to vector<16xi32>
      %shift_right_logical3A_216 = arith.constant 7 : i32
      %shift_right_logical3A_217 = vector.broadcast %shift_right_logical3A_216 : i32 to vector<16xi32>
      %shift_right_logical3A_218 = arith.shrui %convert_element_type3A_215, %shift_right_logical3A_217 : vector<16xi32>
      %and3A_219 = arith.constant 127 : i32
      %and3A_220 = vector.broadcast %and3A_219 : i32 to vector<16xi32>
      %and3A_221 = arith.andi %convert_element_type3A_215, %and3A_220 : vector<16xi32>
      %get3A_222 = arith.constant 0 : i32
      %get3A_223 = arith.constant 0 : i32
      %get3A_224 = arith.constant 0 : i32
      %get3A_225 = arith.constant 0 : i32
      %get3A_226 = tpu.memref_slice %arg4[%get3A_222, %get3A_224, %get3A_225] : memref<2x128x128xf32, #tpu.memory_space<vmem>> -> memref<1x128x128xf32, #tpu.memory_space<vmem>>
      %get3A_227 = tpu.memref_squeeze %get3A_226 : memref<1x128x128xf32, #tpu.memory_space<vmem>> -> memref<128x128xf32, #tpu.memory_space<vmem>>
      %get3A_228 = arith.index_cast %get3A_223 : i32 to index
      %get3A_229 = arith.constant 64 : index
      %get3A_230 = tpu.vector_load %get3A_227[%get3A_228, %get3A_229] {strides = array<i32>} : memref<128x128xf32, #tpu.memory_space<vmem>>, vector<16xf32>,
      %convert_element_type3A_231 = arith.fptosi %get3A_230 : vector<16xf32> to vector<16xi32>
      %shift_right_logical3A_232 = arith.constant 7 : i32
      %shift_right_logical3A_233 = vector.broadcast %shift_right_logical3A_232 : i32 to vector<16xi32>
      %shift_right_logical3A_234 = arith.shrui %convert_element_type3A_231, %shift_right_logical3A_233 : vector<16xi32>
      %and3A_235 = arith.constant 127 : i32
      %and3A_236 = vector.broadcast %and3A_235 : i32 to vector<16xi32>
      %and3A_237 = arith.andi %convert_element_type3A_231, %and3A_236 : vector<16xi32>
      %get3A_238 = arith.constant 0 : i32
      %get3A_239 = arith.constant 0 : i32
      %get3A_240 = arith.constant 0 : i32
      %get3A_241 = arith.constant 0 : i32
      %get3A_242 = tpu.memref_slice %arg4[%get3A_238, %get3A_240, %get3A_241] : memref<2x128x128xf32, #tpu.memory_space<vmem>> -> memref<1x128x128xf32, #tpu.memory_space<vmem>>
      %get3A_243 = tpu.memref_squeeze %get3A_242 : memref<1x128x128xf32, #tpu.memory_space<vmem>> -> memref<128x128xf32, #tpu.memory_space<vmem>>
      %get3A_244 = arith.index_cast %get3A_239 : i32 to index
      %get3A_245 = arith.constant 80 : index
      %get3A_246 = tpu.vector_load %get3A_243[%get3A_244, %get3A_245] {strides = array<i32>} : memref<128x128xf32, #tpu.memory_space<vmem>>, vector<16xf32>,
      %convert_element_type3A_247 = arith.fptosi %get3A_246 : vector<16xf32> to vector<16xi32>
      %shift_right_logical3A_248 = arith.constant 7 : i32
      %shift_right_logical3A_249 = vector.broadcast %shift_right_logical3A_248 : i32 to vector<16xi32>
      %shift_right_logical3A_250 = arith.shrui %convert_element_type3A_247, %shift_right_logical3A_249 : vector<16xi32>
      %and3A_251 = arith.constant 127 : i32
      %and3A_252 = vector.broadcast %and3A_251 : i32 to vector<16xi32>
      %and3A_253 = arith.andi %convert_element_type3A_247, %and3A_252 : vector<16xi32>
      %get3A_254 = arith.constant 0 : i32
      %get3A_255 = arith.constant 0 : i32
      %get3A_256 = arith.constant 0 : i32
      %get3A_257 = arith.constant 0 : i32
      %get3A_258 = tpu.memref_slice %arg4[%get3A_254, %get3A_256, %get3A_257] : memref<2x128x128xf32, #tpu.memory_space<vmem>> -> memref<1x128x128xf32, #tpu.memory_space<vmem>>
      %get3A_259 = tpu.memref_squeeze %get3A_258 : memref<1x128x128xf32, #tpu.memory_space<vmem>> -> memref<128x128xf32, #tpu.memory_space<vmem>>
      %get3A_260 = arith.index_cast %get3A_255 : i32 to index
      %get3A_261 = arith.constant 96 : index
      %get3A_262 = tpu.vector_load %get3A_259[%get3A_260, %get3A_261] {strides = array<i32>} : memref<128x128xf32, #tpu.memory_space<vmem>>, vector<16xf32>,
      %convert_element_type3A_263 = arith.fptosi %get3A_262 : vector<16xf32> to vector<16xi32>
      %shift_right_logical3A_264 = arith.constant 7 : i32
      %shift_right_logical3A_265 = vector.broadcast %shift_right_logical3A_264 : i32 to vector<16xi32>
      %shift_right_logical3A_266 = arith.shrui %convert_element_type3A_263, %shift_right_logical3A_265 : vector<16xi32>
      %and3A_267 = arith.constant 127 : i32
      %and3A_268 = vector.broadcast %and3A_267 : i32 to vector<16xi32>
      %and3A_269 = arith.andi %convert_element_type3A_263, %and3A_268 : vector<16xi32>
      %get3A_270 = arith.constant 0 : i32
      %get3A_271 = arith.constant 0 : i32
      %get3A_272 = arith.constant 0 : i32
      %get3A_273 = arith.constant 0 : i32
      %get3A_274 = tpu.memref_slice %arg4[%get3A_270, %get3A_272, %get3A_273] : memref<2x128x128xf32, #tpu.memory_space<vmem>> -> memref<1x128x128xf32, #tpu.memory_space<vmem>>
      %get3A_275 = tpu.memref_squeeze %get3A_274 : memref<1x128x128xf32, #tpu.memory_space<vmem>> -> memref<128x128xf32, #tpu.memory_space<vmem>>
      %get3A_276 = arith.index_cast %get3A_271 : i32 to index
      %get3A_277 = arith.constant 112 : index
      %get3A_278 = tpu.vector_load %get3A_275[%get3A_276, %get3A_277] {strides = array<i32>} : memref<128x128xf32, #tpu.memory_space<vmem>>, vector<16xf32>,
      %convert_element_type3A_279 = arith.fptosi %get3A_278 : vector<16xf32> to vector<16xi32>
      %shift_right_logical3A_280 = arith.constant 7 : i32
      %shift_right_logical3A_281 = vector.broadcast %shift_right_logical3A_280 : i32 to vector<16xi32>
      %shift_right_logical3A_282 = arith.shrui %convert_element_type3A_279, %shift_right_logical3A_281 : vector<16xi32>
      %and3A_283 = arith.constant 127 : i32
      %and3A_284 = vector.broadcast %and3A_283 : i32 to vector<16xi32>
      %and3A_285 = arith.andi %convert_element_type3A_279, %and3A_284 : vector<16xi32>
      %gt3A = arith.constant 0 : i32
      %gt3A_286 = arith.cmpi sgt, %mul3A_129, %gt3A : i32
      %convert_element_type3A_287 = arith.extui %gt3A_286 : i1 to i32
      %cond3A = arith.constant 0 : i32
      %cond3A_288 = arith.cmpi ne, %convert_element_type3A_287, %cond3A : i32
      scf.if %cond3A_288 {
        %sub3A_3775 = arith.constant 128 : i32
        %sub3A_3776 = arith.subi %add3A_132, %sub3A_3775 : i32
        %dma_wait3A_3777 = arith.constant 0 : i32
        %dma_wait3A_3778 = arith.constant 0 : i32
        %dma_wait3A_3779 = arith.constant 0 : i32
        %dma_wait3A_3780 = tpu.memref_slice %arg6[%dma_wait3A_3777, %dma_wait3A_3778, %dma_wait3A_3779] : memref<2x128x128xf32, #tpu.memory_space<vmem>> -> memref<1x128x128xf32, #tpu.memory_space<vmem>>
        %dma_wait3A_3781 = tpu.memref_squeeze %dma_wait3A_3780 : memref<1x128x128xf32, #tpu.memory_space<vmem>> -> memref<128x128xf32, #tpu.memory_space<vmem>>
        %dma_wait3A_3782 = arith.constant 768 : i32
        %dma_wait3A_3783 = tpu.memref_slice %arg3[%dma_wait3A_3782, %sub3A_3776] : memref<1128x16384xf32, #tpu.memory_space<hbm>> -> memref<128x128xf32, #tpu.memory_space<hbm>>
        %dma_wait3A_3784 = arith.constant 768 : i32
        %dma_wait3A_3785 = tpu.memref_slice %arg3[%dma_wait3A_3784, %sub3A_3776] : memref<1128x16384xf32, #tpu.memory_space<hbm>> -> memref<128x128xf32, #tpu.memory_space<hbm>>
        %dma_wait3A_3786 = arith.constant 0 : i32
        %dma_wait3A_3787 = arith.constant 0 : i32
        %dma_wait3A_3788 = tpu.memref_slice %arg6[%dma_wait3A_3777, %dma_wait3A_3786, %dma_wait3A_3787] : memref<2x128x128xf32, #tpu.memory_space<vmem>> -> memref<1x128x128xf32, #tpu.memory_space<vmem>>
        %dma_wait3A_3789 = tpu.memref_squeeze %dma_wait3A_3788 : memref<1x128x128xf32, #tpu.memory_space<vmem>> -> memref<128x128xf32, #tpu.memory_space<vmem>>
        tpu.wait_dma2 semaphore(%arg8 : memref<!tpu.dma_semaphore, #tpu.memory_space<semaphore_mem>>) src(%dma_wait3A_3789 : memref<128x128xf32, #tpu.memory_space<vmem>>) dst(%dma_wait3A_3785 : memref<128x128xf32, #tpu.memory_space<hbm>>)
        %iota3A_3790 = tpu.iota {dimensions = array<i32: 0>} : vector<16xi32>
        %add3A_3791 = arith.constant 0 : i32
        %add3A_3792 = vector.broadcast %add3A_3791 : i32 to vector<16xi32>
        %add3A_3793 = arith.addi %iota3A_3790, %add3A_3792 : vector<16xi32>
        %eq3A_3794 = arith.constant 6 : i32
        %eq3A_3795 = vector.broadcast %eq3A_3794 : i32 to vector<16xi32>
        %eq3A_3796 = arith.cmpi eq, %scan3A_112, %eq3A_3795 : vector<16xi32>
        %scatter3A_3797 = arith.constant 0 : i32
        %scatter3A_3798 = arith.constant 0 : i32
        %scatter3A_3799 = arith.constant 0 : i32
        %scatter3A_3800 = tpu.memref_slice %arg6[%scatter3A_3797, %scatter3A_3798, %scatter3A_3799] : memref<2x128x128xf32, #tpu.memory_space<vmem>> -> memref<1x128x128xf32, #tpu.memory_space<vmem>>
        %scatter3A_3801 = tpu.memref_squeeze %scatter3A_3800 : memref<1x128x128xf32, #tpu.memory_space<vmem>> -> memref<128x128xf32, #tpu.memory_space<vmem>>
        tpu.vector_store_idx %scatter3A_3801[%scan3A_120, %add3A_3793], %broadcast_in_dim3A_1 masked %eq3A_3796 : memref<128x128xf32, #tpu.memory_space<vmem>>[vector<16xi32>, vector<16xi32>], vector<16xf32>, vector<16xi1>
        %iota3A_3802 = tpu.iota {dimensions = array<i32: 0>} : vector<16xi32>
        %add3A_3803 = arith.constant 16 : i32
        %add3A_3804 = vector.broadcast %add3A_3803 : i32 to vector<16xi32>
        %add3A_3805 = arith.addi %iota3A_3802, %add3A_3804 : vector<16xi32>
        %eq3A_3806 = arith.constant 6 : i32
        %eq3A_3807 = vector.broadcast %eq3A_3806 : i32 to vector<16xi32>
        %eq3A_3808 = arith.cmpi eq, %scan3A_113, %eq3A_3807 : vector<16xi32>
        %scatter3A_3809 = arith.constant 0 : i32
        %scatter3A_3810 = arith.constant 0 : i32
        %scatter3A_3811 = arith.constant 0 : i32
        %scatter3A_3812 = tpu.memref_slice %arg6[%scatter3A_3809, %scatter3A_3810, %scatter3A_3811] : memref<2x128x128xf32, #tpu.memory_space<vmem>> -> memref<1x128x128xf32, #tpu.memory_space<vmem>>
        %scatter3A_3813 = tpu.memref_squeeze %scatter3A_3812 : memref<1x128x128xf32, #tpu.memory_space<vmem>> -> memref<128x128xf32, #tpu.memory_space<vmem>>
        tpu.vector_store_idx %scatter3A_3813[%scan3A_121, %add3A_3805], %broadcast_in_dim3A_1 masked %eq3A_3808 : memref<128x128xf32, #tpu.memory_space<vmem>>[vector<16xi32>, vector<16xi32>], vector<16xf32>, vector<16xi1>
        %iota3A_3814 = tpu.iota {dimensions = array<i32: 0>} : vector<16xi32>
        %add3A_3815 = arith.constant 32 : i32
        %add3A_3816 = vector.broadcast %add3A_3815 : i32 to vector<16xi32>
        %add3A_3817 = arith.addi %iota3A_3814, %add3A_3816 : vector<16xi32>
        %eq3A_3818 = arith.constant 6 : i32
        %eq3A_3819 = vector.broadcast %eq3A_3818 : i32 to vector<16xi32>
        %eq3A_3820 = arith.cmpi eq, %scan3A_114, %eq3A_3819 : vector<16xi32>
        %scatter3A_3821 = arith.constant 0 : i32
        %scatter3A_3822 = arith.constant 0 : i32
        %scatter3A_3823 = arith.constant 0 : i32
        %scatter3A_3824 = tpu.memref_slice %arg6[%scatter3A_3821, %scatter3A_3822, %scatter3A_3823] : memref<2x128x128xf32, #tpu.memory_space<vmem>> -> memref<1x128x128xf32, #tpu.memory_space<vmem>>
        %scatter3A_3825 = tpu.memref_squeeze %scatter3A_3824 : memref<1x128x128xf32, #tpu.memory_space<vmem>> -> memref<128x128xf32, #tpu.memory_space<vmem>>
        tpu.vector_store_idx %scatter3A_3825[%scan3A_122, %add3A_3817], %broadcast_in_dim3A_1 masked %eq3A_3820 : memref<128x128xf32, #tpu.memory_space<vmem>>[vector<16xi32>, vector<16xi32>], vector<16xf32>, vector<16xi1>
        %iota3A_3826 = tpu.iota {dimensions = array<i32: 0>} : vector<16xi32>
        %add3A_3827 = arith.constant 48 : i32
        %add3A_3828 = vector.broadcast %add3A_3827 : i32 to vector<16xi32>
        %add3A_3829 = arith.addi %iota3A_3826, %add3A_3828 : vector<16xi32>
        %eq3A_3830 = arith.constant 6 : i32
        %eq3A_3831 = vector.broadcast %eq3A_3830 : i32 to vector<16xi32>
        %eq3A_3832 = arith.cmpi eq, %scan3A_115, %eq3A_3831 : vector<16xi32>
        %scatter3A_3833 = arith.constant 0 : i32
        %scatter3A_3834 = arith.constant 0 : i32
        %scatter3A_3835 = arith.constant 0 : i32
        %scatter3A_3836 = tpu.memref_slice %arg6[%scatter3A_3833, %scatter3A_3834, %scatter3A_3835] : memref<2x128x128xf32, #tpu.memory_space<vmem>> -> memref<1x128x128xf32, #tpu.memory_space<vmem>>
        %scatter3A_3837 = tpu.memref_squeeze %scatter3A_3836 : memref<1x128x128xf32, #tpu.memory_space<vmem>> -> memref<128x128xf32, #tpu.memory_space<vmem>>
        tpu.vector_store_idx %scatter3A_3837[%scan3A_123, %add3A_3829], %broadcast_in_dim3A_1 masked %eq3A_3832 : memref<128x128xf32, #tpu.memory_space<vmem>>[vector<16xi32>, vector<16xi32>], vector<16xf32>, vector<16xi1>
        %iota3A_3838 = tpu.iota {dimensions = array<i32: 0>} : vector<16xi32>
        %add3A_3839 = arith.constant 64 : i32
        %add3A_3840 = vector.broadcast %add3A_3839 : i32 to vector<16xi32>
        %add3A_3841 = arith.addi %iota3A_3838, %add3A_3840 : vector<16xi32>
        %eq3A_3842 = arith.constant 6 : i32
        %eq3A_3843 = vector.broadcast %eq3A_3842 : i32 to vector<16xi32>
        %eq3A_3844 = arith.cmpi eq, %scan3A_116, %eq3A_3843 : vector<16xi32>
        %scatter3A_3845 = arith.constant 0 : i32
        %scatter3A_3846 = arith.constant 0 : i32
        %scatter3A_3847 = arith.constant 0 : i32
        %scatter3A_3848 = tpu.memref_slice %arg6[%scatter3A_3845, %scatter3A_3846, %scatter3A_3847] : memref<2x128x128xf32, #tpu.memory_space<vmem>> -> memref<1x128x128xf32, #tpu.memory_space<vmem>>
        %scatter3A_3849 = tpu.memref_squeeze %scatter3A_3848 : memref<1x128x128xf32, #tpu.memory_space<vmem>> -> memref<128x128xf32, #tpu.memory_space<vmem>>
        tpu.vector_store_idx %scatter3A_3849[%scan3A_124, %add3A_3841], %broadcast_in_dim3A_1 masked %eq3A_3844 : memref<128x128xf32, #tpu.memory_space<vmem>>[vector<16xi32>, vector<16xi32>], vector<16xf32>, vector<16xi1>
        %iota3A_3850 = tpu.iota {dimensions = array<i32: 0>} : vector<16xi32>
        %add3A_3851 = arith.constant 80 : i32
        %add3A_3852 = vector.broadcast %add3A_3851 : i32 to vector<16xi32>
        %add3A_3853 = arith.addi %iota3A_3850, %add3A_3852 : vector<16xi32>
        %eq3A_3854 = arith.constant 6 : i32
        %eq3A_3855 = vector.broadcast %eq3A_3854 : i32 to vector<16xi32>
        %eq3A_3856 = arith.cmpi eq, %scan3A_117, %eq3A_3855 : vector<16xi32>
        %scatter3A_3857 = arith.constant 0 : i32
        %scatter3A_3858 = arith.constant 0 : i32
        %scatter3A_3859 = arith.constant 0 : i32
        %scatter3A_3860 = tpu.memref_slice %arg6[%scatter3A_3857, %scatter3A_3858, %scatter3A_3859] : memref<2x128x128xf32, #tpu.memory_space<vmem>> -> memref<1x128x128xf32, #tpu.memory_space<vmem>>
        %scatter3A_3861 = tpu.memref_squeeze %scatter3A_3860 : memref<1x128x128xf32, #tpu.memory_space<vmem>> -> memref<128x128xf32, #tpu.memory_space<vmem>>
        tpu.vector_store_idx %scatter3A_3861[%scan3A_125, %add3A_3853], %broadcast_in_dim3A_1 masked %eq3A_3856 : memref<128x128xf32, #tpu.memory_space<vmem>>[vector<16xi32>, vector<16xi32>], vector<16xf32>, vector<16xi1>
        %iota3A_3862 = tpu.iota {dimensions = array<i32: 0>} : vector<16xi32>
        %add3A_3863 = arith.constant 96 : i32
        %add3A_3864 = vector.broadcast %add3A_3863 : i32 to vector<16xi32>
        %add3A_3865 = arith.addi %iota3A_3862, %add3A_3864 : vector<16xi32>
        %eq3A_3866 = arith.constant 6 : i32
        %eq3A_3867 = vector.broadcast %eq3A_3866 : i32 to vector<16xi32>
        %eq3A_3868 = arith.cmpi eq, %scan3A_118, %eq3A_3867 : vector<16xi32>
        %scatter3A_3869 = arith.constant 0 : i32
        %scatter3A_3870 = arith.constant 0 : i32
        %scatter3A_3871 = arith.constant 0 : i32
        %scatter3A_3872 = tpu.memref_slice %arg6[%scatter3A_3869, %scatter3A_3870, %scatter3A_3871] : memref<2x128x128xf32, #tpu.memory_space<vmem>> -> memref<1x128x128xf32, #tpu.memory_space<vmem>>
        %scatter3A_3873 = tpu.memref_squeeze %scatter3A_3872 : memref<1x128x128xf32, #tpu.memory_space<vmem>> -> memref<128x128xf32, #tpu.memory_space<vmem>>
        tpu.vector_store_idx %scatter3A_3873[%scan3A_126, %add3A_3865], %broadcast_in_dim3A_1 masked %eq3A_3868 : memref<128x128xf32, #tpu.memory_space<vmem>>[vector<16xi32>, vector<16xi32>], vector<16xf32>, vector<16xi1>
        %iota3A_3874 = tpu.iota {dimensions = array<i32: 0>} : vector<16xi32>
        %add3A_3875 = arith.constant 112 : i32
        %add3A_3876 = vector.broadcast %add3A_3875 : i32 to vector<16xi32>
        %add3A_3877 = arith.addi %iota3A_3874, %add3A_3876 : vector<16xi32>
        %eq3A_3878 = arith.constant 6 : i32
        %eq3A_3879 = vector.broadcast %eq3A_3878 : i32 to vector<16xi32>
        %eq3A_3880 = arith.cmpi eq, %scan3A_119, %eq3A_3879 : vector<16xi32>
        %scatter3A_3881 = arith.constant 0 : i32
        %scatter3A_3882 = arith.constant 0 : i32
        %scatter3A_3883 = arith.constant 0 : i32
        %scatter3A_3884 = tpu.memref_slice %arg6[%scatter3A_3881, %scatter3A_3882, %scatter3A_3883] : memref<2x128x128xf32, #tpu.memory_space<vmem>> -> memref<1x128x128xf32, #tpu.memory_space<vmem>>
        %scatter3A_3885 = tpu.memref_squeeze %scatter3A_3884 : memref<1x128x128xf32, #tpu.memory_space<vmem>> -> memref<128x128xf32, #tpu.memory_space<vmem>>
        tpu.vector_store_idx %scatter3A_3885[%scan3A_127, %add3A_3877], %broadcast_in_dim3A_1 masked %eq3A_3880 : memref<128x128xf32, #tpu.memory_space<vmem>>[vector<16xi32>, vector<16xi32>], vector<16xf32>, vector<16xi1>
        %sub3A_3886 = arith.constant 128 : i32
        %sub3A_3887 = arith.subi %add3A_132, %sub3A_3886 : i32
        %dma_wait3A_3888 = arith.constant 1 : i32
        %dma_wait3A_3889 = arith.constant 0 : i32
        %dma_wait3A_3890 = arith.constant 0 : i32
        %dma_wait3A_3891 = tpu.memref_slice %arg6[%dma_wait3A_3888, %dma_wait3A_3889, %dma_wait3A_3890] : memref<2x128x128xf32, #tpu.memory_space<vmem>> -> memref<1x128x128xf32, #tpu.memory_space<vmem>>
        %dma_wait3A_3892 = tpu.memref_squeeze %dma_wait3A_3891 : memref<1x128x128xf32, #tpu.memory_space<vmem>> -> memref<128x128xf32, #tpu.memory_space<vmem>>
        %dma_wait3A_3893 = arith.constant 640 : i32
        %dma_wait3A_3894 = tpu.memref_slice %arg3[%dma_wait3A_3893, %sub3A_3887] : memref<1128x16384xf32, #tpu.memory_space<hbm>> -> memref<128x128xf32, #tpu.memory_space<hbm>>
        %dma_wait3A_3895 = arith.constant 640 : i32
        %dma_wait3A_3896 = tpu.memref_slice %arg3[%dma_wait3A_3895, %sub3A_3887] : memref<1128x16384xf32, #tpu.memory_space<hbm>> -> memref<128x128xf32, #tpu.memory_space<hbm>>
        %dma_wait3A_3897 = arith.constant 0 : i32
        %dma_wait3A_3898 = arith.constant 0 : i32
        %dma_wait3A_3899 = tpu.memref_slice %arg6[%dma_wait3A_3888, %dma_wait3A_3897, %dma_wait3A_3898] : memref<2x128x128xf32, #tpu.memory_space<vmem>> -> memref<1x128x128xf32, #tpu.memory_space<vmem>>
        %dma_wait3A_3900 = tpu.memref_squeeze %dma_wait3A_3899 : memref<1x128x128xf32, #tpu.memory_space<vmem>> -> memref<128x128xf32, #tpu.memory_space<vmem>>
        tpu.wait_dma2 semaphore(%arg9 : memref<!tpu.dma_semaphore, #tpu.memory_space<semaphore_mem>>) src(%dma_wait3A_3900 : memref<128x128xf32, #tpu.memory_space<vmem>>) dst(%dma_wait3A_3896 : memref<128x128xf32, #tpu.memory_space<hbm>>)
        %iota3A_3901 = tpu.iota {dimensions = array<i32: 0>} : vector<16xi32>
        %add3A_3902 = arith.constant 0 : i32
        %add3A_3903 = vector.broadcast %add3A_3902 : i32 to vector<16xi32>
        %add3A_3904 = arith.addi %iota3A_3901, %add3A_3903 : vector<16xi32>
        %eq3A_3905 = arith.constant 5 : i32
        %eq3A_3906 = vector.broadcast %eq3A_3905 : i32 to vector<16xi32>
        %eq3A_3907 = arith.cmpi eq, %scan3A_112, %eq3A_3906 : vector<16xi32>
        %scatter3A_3908 = arith.constant 1 : i32
        %scatter3A_3909 = arith.constant 0 : i32
        %scatter3A_3910 = arith.constant 0 : i32
        %scatter3A_3911 = tpu.memref_slice %arg6[%scatter3A_3908, %scatter3A_3909, %scatter3A_3910] : memref<2x128x128xf32, #tpu.memory_space<vmem>> -> memref<1x128x128xf32, #tpu.memory_space<vmem>>
        %scatter3A_3912 = tpu.memref_squeeze %scatter3A_3911 : memref<1x128x128xf32, #tpu.memory_space<vmem>> -> memref<128x128xf32, #tpu.memory_space<vmem>>
        tpu.vector_store_idx %scatter3A_3912[%scan3A_120, %add3A_3904], %broadcast_in_dim3A_1 masked %eq3A_3907 : memref<128x128xf32, #tpu.memory_space<vmem>>[vector<16xi32>, vector<16xi32>], vector<16xf32>, vector<16xi1>
        %iota3A_3913 = tpu.iota {dimensions = array<i32: 0>} : vector<16xi32>
        %add3A_3914 = arith.constant 16 : i32
        %add3A_3915 = vector.broadcast %add3A_3914 : i32 to vector<16xi32>
        %add3A_3916 = arith.addi %iota3A_3913, %add3A_3915 : vector<16xi32>
        %eq3A_3917 = arith.constant 5 : i32
        %eq3A_3918 = vector.broadcast %eq3A_3917 : i32 to vector<16xi32>
        %eq3A_3919 = arith.cmpi eq, %scan3A_113, %eq3A_3918 : vector<16xi32>
        %scatter3A_3920 = arith.constant 1 : i32
        %scatter3A_3921 = arith.constant 0 : i32
        %scatter3A_3922 = arith.constant 0 : i32
        %scatter3A_3923 = tpu.memref_slice %arg6[%scatter3A_3920, %scatter3A_3921, %scatter3A_3922] : memref<2x128x128xf32, #tpu.memory_space<vmem>> -> memref<1x128x128xf32, #tpu.memory_space<vmem>>
        %scatter3A_3924 = tpu.memref_squeeze %scatter3A_3923 : memref<1x128x128xf32, #tpu.memory_space<vmem>> -> memref<128x128xf32, #tpu.memory_space<vmem>>
        tpu.vector_store_idx %scatter3A_3924[%scan3A_121, %add3A_3916], %broadcast_in_dim3A_1 masked %eq3A_3919 : memref<128x128xf32, #tpu.memory_space<vmem>>[vector<16xi32>, vector<16xi32>], vector<16xf32>, vector<16xi1>
        %iota3A_3925 = tpu.iota {dimensions = array<i32: 0>} : vector<16xi32>
        %add3A_3926 = arith.constant 32 : i32
        %add3A_3927 = vector.broadcast %add3A_3926 : i32 to vector<16xi32>
        %add3A_3928 = arith.addi %iota3A_3925, %add3A_3927 : vector<16xi32>
        %eq3A_3929 = arith.constant 5 : i32
        %eq3A_3930 = vector.broadcast %eq3A_3929 : i32 to vector<16xi32>
        %eq3A_3931 = arith.cmpi eq, %scan3A_114, %eq3A_3930 : vector<16xi32>
        %scatter3A_3932 = arith.constant 1 : i32
        %scatter3A_3933 = arith.constant 0 : i32
        %scatter3A_3934 = arith.constant 0 : i32
        %scatter3A_3935 = tpu.memref_slice %arg6[%scatter3A_3932, %scatter3A_3933, %scatter3A_3934] : memref<2x128x128xf32, #tpu.memory_space<vmem>> -> memref<1x128x128xf32, #tpu.memory_space<vmem>>
        %scatter3A_3936 = tpu.memref_squeeze %scatter3A_3935 : memref<1x128x128xf32, #tpu.memory_space<vmem>> -> memref<128x128xf32, #tpu.memory_space<vmem>>
        tpu.vector_store_idx %scatter3A_3936[%scan3A_122, %add3A_3928], %broadcast_in_dim3A_1 masked %eq3A_3931 : memref<128x128xf32, #tpu.memory_space<vmem>>[vector<16xi32>, vector<16xi32>], vector<16xf32>, vector<16xi1>
        %iota3A_3937 = tpu.iota {dimensions = array<i32: 0>} : vector<16xi32>
        %add3A_3938 = arith.constant 48 : i32
        %add3A_3939 = vector.broadcast %add3A_3938 : i32 to vector<16xi32>
        %add3A_3940 = arith.addi %iota3A_3937, %add3A_3939 : vector<16xi32>
        %eq3A_3941 = arith.constant 5 : i32
        %eq3A_3942 = vector.broadcast %eq3A_3941 : i32 to vector<16xi32>
        %eq3A_3943 = arith.cmpi eq, %scan3A_115, %eq3A_3942 : vector<16xi32>
        %scatter3A_3944 = arith.constant 1 : i32
        %scatter3A_3945 = arith.constant 0 : i32
        %scatter3A_3946 = arith.constant 0 : i32
        %scatter3A_3947 = tpu.memref_slice %arg6[%scatter3A_3944, %scatter3A_3945, %scatter3A_3946] : memref<2x128x128xf32, #tpu.memory_space<vmem>> -> memref<1x128x128xf32, #tpu.memory_space<vmem>>
        %scatter3A_3948 = tpu.memref_squeeze %scatter3A_3947 : memref<1x128x128xf32, #tpu.memory_space<vmem>> -> memref<128x128xf32, #tpu.memory_space<vmem>>
        tpu.vector_store_idx %scatter3A_3948[%scan3A_123, %add3A_3940], %broadcast_in_dim3A_1 masked %eq3A_3943 : memref<128x128xf32, #tpu.memory_space<vmem>>[vector<16xi32>, vector<16xi32>], vector<16xf32>, vector<16xi1>
        %iota3A_3949 = tpu.iota {dimensions = array<i32: 0>} : vector<16xi32>
        %add3A_3950 = arith.constant 64 : i32
        %add3A_3951 = vector.broadcast %add3A_3950 : i32 to vector<16xi32>
        %add3A_3952 = arith.addi %iota3A_3949, %add3A_3951 : vector<16xi32>
        %eq3A_3953 = arith.constant 5 : i32
        %eq3A_3954 = vector.broadcast %eq3A_3953 : i32 to vector<16xi32>
        %eq3A_3955 = arith.cmpi eq, %scan3A_116, %eq3A_3954 : vector<16xi32>
        %scatter3A_3956 = arith.constant 1 : i32
        %scatter3A_3957 = arith.constant 0 : i32
        %scatter3A_3958 = arith.constant 0 : i32
        %scatter3A_3959 = tpu.memref_slice %arg6[%scatter3A_3956, %scatter3A_3957, %scatter3A_3958] : memref<2x128x128xf32, #tpu.memory_space<vmem>> -> memref<1x128x128xf32, #tpu.memory_space<vmem>>
        %scatter3A_3960 = tpu.memref_squeeze %scatter3A_3959 : memref<1x128x128xf32, #tpu.memory_space<vmem>> -> memref<128x128xf32, #tpu.memory_space<vmem>>
        tpu.vector_store_idx %scatter3A_3960[%scan3A_124, %add3A_3952], %broadcast_in_dim3A_1 masked %eq3A_3955 : memref<128x128xf32, #tpu.memory_space<vmem>>[vector<16xi32>, vector<16xi32>], vector<16xf32>, vector<16xi1>
        %iota3A_3961 = tpu.iota {dimensions = array<i32: 0>} : vector<16xi32>
        %add3A_3962 = arith.constant 80 : i32
        %add3A_3963 = vector.broadcast %add3A_3962 : i32 to vector<16xi32>
        %add3A_3964 = arith.addi %iota3A_3961, %add3A_3963 : vector<16xi32>
        %eq3A_3965 = arith.constant 5 : i32
        %eq3A_3966 = vector.broadcast %eq3A_3965 : i32 to vector<16xi32>
        %eq3A_3967 = arith.cmpi eq, %scan3A_117, %eq3A_3966 : vector<16xi32>
        %scatter3A_3968 = arith.constant 1 : i32
        %scatter3A_3969 = arith.constant 0 : i32
        %scatter3A_3970 = arith.constant 0 : i32
        %scatter3A_3971 = tpu.memref_slice %arg6[%scatter3A_3968, %scatter3A_3969, %scatter3A_3970] : memref<2x128x128xf32, #tpu.memory_space<vmem>> -> memref<1x128x128xf32, #tpu.memory_space<vmem>>
        %scatter3A_3972 = tpu.memref_squeeze %scatter3A_3971 : memref<1x128x128xf32, #tpu.memory_space<vmem>> -> memref<128x128xf32, #tpu.memory_space<vmem>>
        tpu.vector_store_idx %scatter3A_3972[%scan3A_125, %add3A_3964], %broadcast_in_dim3A_1 masked %eq3A_3967 : memref<128x128xf32, #tpu.memory_space<vmem>>[vector<16xi32>, vector<16xi32>], vector<16xf32>, vector<16xi1>
        %iota3A_3973 = tpu.iota {dimensions = array<i32: 0>} : vector<16xi32>
        %add3A_3974 = arith.constant 96 : i32
        %add3A_3975 = vector.broadcast %add3A_3974 : i32 to vector<16xi32>
        %add3A_3976 = arith.addi %iota3A_3973, %add3A_3975 : vector<16xi32>
        %eq3A_3977 = arith.constant 5 : i32
        %eq3A_3978 = vector.broadcast %eq3A_3977 : i32 to vector<16xi32>
        %eq3A_3979 = arith.cmpi eq, %scan3A_118, %eq3A_3978 : vector<16xi32>
        %scatter3A_3980 = arith.constant 1 : i32
        %scatter3A_3981 = arith.constant 0 : i32
        %scatter3A_3982 = arith.constant 0 : i32
        %scatter3A_3983 = tpu.memref_slice %arg6[%scatter3A_3980, %scatter3A_3981, %scatter3A_3982] : memref<2x128x128xf32, #tpu.memory_space<vmem>> -> memref<1x128x128xf32, #tpu.memory_space<vmem>>
        %scatter3A_3984 = tpu.memref_squeeze %scatter3A_3983 : memref<1x128x128xf32, #tpu.memory_space<vmem>> -> memref<128x128xf32, #tpu.memory_space<vmem>>
        tpu.vector_store_idx %scatter3A_3984[%scan3A_126, %add3A_3976], %broadcast_in_dim3A_1 masked %eq3A_3979 : memref<128x128xf32, #tpu.memory_space<vmem>>[vector<16xi32>, vector<16xi32>], vector<16xf32>, vector<16xi1>
        %iota3A_3985 = tpu.iota {dimensions = array<i32: 0>} : vector<16xi32>
        %add3A_3986 = arith.constant 112 : i32
        %add3A_3987 = vector.broadcast %add3A_3986 : i32 to vector<16xi32>
        %add3A_3988 = arith.addi %iota3A_3985, %add3A_3987 : vector<16xi32>
        %eq3A_3989 = arith.constant 5 : i32
        %eq3A_3990 = vector.broadcast %eq3A_3989 : i32 to vector<16xi32>
        %eq3A_3991 = arith.cmpi eq, %scan3A_119, %eq3A_3990 : vector<16xi32>
        %scatter3A_3992 = arith.constant 1 : i32
        %scatter3A_3993 = arith.constant 0 : i32
        %scatter3A_3994 = arith.constant 0 : i32
        %scatter3A_3995 = tpu.memref_slice %arg6[%scatter3A_3992, %scatter3A_3993, %scatter3A_3994] : memref<2x128x128xf32, #tpu.memory_space<vmem>> -> memref<1x128x128xf32, #tpu.memory_space<vmem>>
        %scatter3A_3996 = tpu.memref_squeeze %scatter3A_3995 : memref<1x128x128xf32, #tpu.memory_space<vmem>> -> memref<128x128xf32, #tpu.memory_space<vmem>>
        tpu.vector_store_idx %scatter3A_3996[%scan3A_127, %add3A_3988], %broadcast_in_dim3A_1 masked %eq3A_3991 : memref<128x128xf32, #tpu.memory_space<vmem>>[vector<16xi32>, vector<16xi32>], vector<16xf32>, vector<16xi1>
        %sub3A_3997 = arith.constant 128 : i32
        %sub3A_3998 = arith.subi %add3A_132, %sub3A_3997 : i32
        %dma_wait3A_3999 = arith.constant 896 : i32
        %dma_wait3A_4000 = tpu.memref_slice %arg3[%dma_wait3A_3999, %sub3A_3998] : memref<1128x16384xf32, #tpu.memory_space<hbm>> -> memref<232x128xf32, #tpu.memory_space<hbm>>
        %dma_wait3A_4001 = arith.constant 896 : i32
        %dma_wait3A_4002 = tpu.memref_slice %arg3[%dma_wait3A_4001, %sub3A_3998] : memref<1128x16384xf32, #tpu.memory_space<hbm>> -> memref<232x128xf32, #tpu.memory_space<hbm>>
        tpu.wait_dma2 semaphore(%arg10 : memref<!tpu.dma_semaphore, #tpu.memory_space<semaphore_mem>>) src(%arg7 : memref<232x128xf32, #tpu.memory_space<vmem>>) dst(%dma_wait3A_4002 : memref<232x128xf32, #tpu.memory_space<hbm>>)
        %iota3A_4003 = tpu.iota {dimensions = array<i32: 0>} : vector<16xi32>
        %add3A_4004 = arith.constant 0 : i32
        %add3A_4005 = vector.broadcast %add3A_4004 : i32 to vector<16xi32>
        %add3A_4006 = arith.addi %iota3A_4003, %add3A_4005 : vector<16xi32>
        %eq3A_4007 = arith.constant 7 : i32
        %eq3A_4008 = vector.broadcast %eq3A_4007 : i32 to vector<16xi32>
        %eq3A_4009 = arith.cmpi eq, %scan3A_112, %eq3A_4008 : vector<16xi32>
        %scatter3A_4010 = arith.constant 0 : i32
        %scatter3A_4011 = arith.constant 0 : i32
        %scatter3A_4012 = tpu.memref_slice %arg7[%scatter3A_4010, %scatter3A_4011] : memref<232x128xf32, #tpu.memory_space<vmem>> -> memref<104x128xf32, #tpu.memory_space<vmem>>
        tpu.vector_store_idx %scatter3A_4012[%scan3A_120, %add3A_4006], %broadcast_in_dim3A_1 masked %eq3A_4009 : memref<104x128xf32, #tpu.memory_space<vmem>>[vector<16xi32>, vector<16xi32>], vector<16xf32>, vector<16xi1>
        %iota3A_4013 = tpu.iota {dimensions = array<i32: 0>} : vector<16xi32>
        %add3A_4014 = arith.constant 16 : i32
        %add3A_4015 = vector.broadcast %add3A_4014 : i32 to vector<16xi32>
        %add3A_4016 = arith.addi %iota3A_4013, %add3A_4015 : vector<16xi32>
        %eq3A_4017 = arith.constant 7 : i32
        %eq3A_4018 = vector.broadcast %eq3A_4017 : i32 to vector<16xi32>
        %eq3A_4019 = arith.cmpi eq, %scan3A_113, %eq3A_4018 : vector<16xi32>
        %scatter3A_4020 = arith.constant 0 : i32
        %scatter3A_4021 = arith.constant 0 : i32
        %scatter3A_4022 = tpu.memref_slice %arg7[%scatter3A_4020, %scatter3A_4021] : memref<232x128xf32, #tpu.memory_space<vmem>> -> memref<104x128xf32, #tpu.memory_space<vmem>>
        tpu.vector_store_idx %scatter3A_4022[%scan3A_121, %add3A_4016], %broadcast_in_dim3A_1 masked %eq3A_4019 : memref<104x128xf32, #tpu.memory_space<vmem>>[vector<16xi32>, vector<16xi32>], vector<16xf32>, vector<16xi1>
        %iota3A_4023 = tpu.iota {dimensions = array<i32: 0>} : vector<16xi32>
        %add3A_4024 = arith.constant 32 : i32
        %add3A_4025 = vector.broadcast %add3A_4024 : i32 to vector<16xi32>
        %add3A_4026 = arith.addi %iota3A_4023, %add3A_4025 : vector<16xi32>
        %eq3A_4027 = arith.constant 7 : i32
        %eq3A_4028 = vector.broadcast %eq3A_4027 : i32 to vector<16xi32>
        %eq3A_4029 = arith.cmpi eq, %scan3A_114, %eq3A_4028 : vector<16xi32>
        %scatter3A_4030 = arith.constant 0 : i32
        %scatter3A_4031 = arith.constant 0 : i32
        %scatter3A_4032 = tpu.memref_slice %arg7[%scatter3A_4030, %scatter3A_4031] : memref<232x128xf32, #tpu.memory_space<vmem>> -> memref<104x128xf32, #tpu.memory_space<vmem>>
        tpu.vector_store_idx %scatter3A_4032[%scan3A_122, %add3A_4026], %broadcast_in_dim3A_1 masked %eq3A_4029 : memref<104x128xf32, #tpu.memory_space<vmem>>[vector<16xi32>, vector<16xi32>], vector<16xf32>, vector<16xi1>
        %iota3A_4033 = tpu.iota {dimensions = array<i32: 0>} : vector<16xi32>
        %add3A_4034 = arith.constant 48 : i32
        %add3A_4035 = vector.broadcast %add3A_4034 : i32 to vector<16xi32>
        %add3A_4036 = arith.addi %iota3A_4033, %add3A_4035 : vector<16xi32>
        %eq3A_4037 = arith.constant 7 : i32
        %eq3A_4038 = vector.broadcast %eq3A_4037 : i32 to vector<16xi32>
        %eq3A_4039 = arith.cmpi eq, %scan3A_115, %eq3A_4038 : vector<16xi32>
        %scatter3A_4040 = arith.constant 0 : i32
        %scatter3A_4041 = arith.constant 0 : i32
        %scatter3A_4042 = tpu.memref_slice %arg7[%scatter3A_4040, %scatter3A_4041] : memref<232x128xf32, #tpu.memory_space<vmem>> -> memref<104x128xf32, #tpu.memory_space<vmem>>
        tpu.vector_store_idx %scatter3A_4042[%scan3A_123, %add3A_4036], %broadcast_in_dim3A_1 masked %eq3A_4039 : memref<104x128xf32, #tpu.memory_space<vmem>>[vector<16xi32>, vector<16xi32>], vector<16xf32>, vector<16xi1>
        %iota3A_4043 = tpu.iota {dimensions = array<i32: 0>} : vector<16xi32>
        %add3A_4044 = arith.constant 64 : i32
        %add3A_4045 = vector.broadcast %add3A_4044 : i32 to vector<16xi32>
        %add3A_4046 = arith.addi %iota3A_4043, %add3A_4045 : vector<16xi32>
        %eq3A_4047 = arith.constant 7 : i32
        %eq3A_4048 = vector.broadcast %eq3A_4047 : i32 to vector<16xi32>
        %eq3A_4049 = arith.cmpi eq, %scan3A_116, %eq3A_4048 : vector<16xi32>
        %scatter3A_4050 = arith.constant 0 : i32
        %scatter3A_4051 = arith.constant 0 : i32
        %scatter3A_4052 = tpu.memref_slice %arg7[%scatter3A_4050, %scatter3A_4051] : memref<232x128xf32, #tpu.memory_space<vmem>> -> memref<104x128xf32, #tpu.memory_space<vmem>>
        tpu.vector_store_idx %scatter3A_4052[%scan3A_124, %add3A_4046], %broadcast_in_dim3A_1 masked %eq3A_4049 : memref<104x128xf32, #tpu.memory_space<vmem>>[vector<16xi32>, vector<16xi32>], vector<16xf32>, vector<16xi1>
        %iota3A_4053 = tpu.iota {dimensions = array<i32: 0>} : vector<16xi32>
        %add3A_4054 = arith.constant 80 : i32
        %add3A_4055 = vector.broadcast %add3A_4054 : i32 to vector<16xi32>
        %add3A_4056 = arith.addi %iota3A_4053, %add3A_4055 : vector<16xi32>
        %eq3A_4057 = arith.constant 7 : i32
        %eq3A_4058 = vector.broadcast %eq3A_4057 : i32 to vector<16xi32>
        %eq3A_4059 = arith.cmpi eq, %scan3A_117, %eq3A_4058 : vector<16xi32>
        %scatter3A_4060 = arith.constant 0 : i32
        %scatter3A_4061 = arith.constant 0 : i32
        %scatter3A_4062 = tpu.memref_slice %arg7[%scatter3A_4060, %scatter3A_4061] : memref<232x128xf32, #tpu.memory_space<vmem>> -> memref<104x128xf32, #tpu.memory_space<vmem>>
        tpu.vector_store_idx %scatter3A_4062[%scan3A_125, %add3A_4056], %broadcast_in_dim3A_1 masked %eq3A_4059 : memref<104x128xf32, #tpu.memory_space<vmem>>[vector<16xi32>, vector<16xi32>], vector<16xf32>, vector<16xi1>
        %iota3A_4063 = tpu.iota {dimensions = array<i32: 0>} : vector<16xi32>
        %add3A_4064 = arith.constant 96 : i32
        %add3A_4065 = vector.broadcast %add3A_4064 : i32 to vector<16xi32>
        %add3A_4066 = arith.addi %iota3A_4063, %add3A_4065 : vector<16xi32>
        %eq3A_4067 = arith.constant 7 : i32
        %eq3A_4068 = vector.broadcast %eq3A_4067 : i32 to vector<16xi32>
        %eq3A_4069 = arith.cmpi eq, %scan3A_118, %eq3A_4068 : vector<16xi32>
        %scatter3A_4070 = arith.constant 0 : i32
        %scatter3A_4071 = arith.constant 0 : i32
        %scatter3A_4072 = tpu.memref_slice %arg7[%scatter3A_4070, %scatter3A_4071] : memref<232x128xf32, #tpu.memory_space<vmem>> -> memref<104x128xf32, #tpu.memory_space<vmem>>
        tpu.vector_store_idx %scatter3A_4072[%scan3A_126, %add3A_4066], %broadcast_in_dim3A_1 masked %eq3A_4069 : memref<104x128xf32, #tpu.memory_space<vmem>>[vector<16xi32>, vector<16xi32>], vector<16xf32>, vector<16xi1>
        %iota3A_4073 = tpu.iota {dimensions = array<i32: 0>} : vector<16xi32>
        %add3A_4074 = arith.constant 112 : i32
        %add3A_4075 = vector.broadcast %add3A_4074 : i32 to vector<16xi32>
        %add3A_4076 = arith.addi %iota3A_4073, %add3A_4075 : vector<16xi32>
        %eq3A_4077 = arith.constant 7 : i32
        %eq3A_4078 = vector.broadcast %eq3A_4077 : i32 to vector<16xi32>
        %eq3A_4079 = arith.cmpi eq, %scan3A_119, %eq3A_4078 : vector<16xi32>
        %scatter3A_4080 = arith.constant 0 : i32
        %scatter3A_4081 = arith.constant 0 : i32
        %scatter3A_4082 = tpu.memref_slice %arg7[%scatter3A_4080, %scatter3A_4081] : memref<232x128xf32, #tpu.memory_space<vmem>> -> memref<104x128xf32, #tpu.memory_space<vmem>>
        tpu.vector_store_idx %scatter3A_4082[%scan3A_127, %add3A_4076], %broadcast_in_dim3A_1 masked %eq3A_4079 : memref<104x128xf32, #tpu.memory_space<vmem>>[vector<16xi32>, vector<16xi32>], vector<16xf32>, vector<16xi1>
      } else {
      }
      %iota3A = tpu.iota {dimensions = array<i32: 0>} : vector<16xi32>
      %add3A_289 = arith.constant 0 : i32
      %add3A_290 = vector.broadcast %add3A_289 : i32 to vector<16xi32>
      %add3A_291 = arith.addi %iota3A, %add3A_290 : vector<16xi32>
      %eq3A = arith.constant 0 : i32
      %eq3A_292 = vector.broadcast %eq3A : i32 to vector<16xi32>
      %eq3A_293 = arith.cmpi eq, %shift_right_logical3A_171, %eq3A_292 : vector<16xi32>
      %scatter3A = arith.constant 0 : i32
      %scatter3A_294 = arith.constant 0 : i32
      %scatter3A_295 = arith.constant 0 : i32
      %scatter3A_296 = tpu.memref_slice %arg6[%scatter3A, %scatter3A_294, %scatter3A_295] : memref<2x128x128xf32, #tpu.memory_space<vmem>> -> memref<1x128x128xf32, #tpu.memory_space<vmem>>
      %scatter3A_297 = tpu.memref_squeeze %scatter3A_296 : memref<1x128x128xf32, #tpu.memory_space<vmem>> -> memref<128x128xf32, #tpu.memory_space<vmem>>
      tpu.vector_store_idx %scatter3A_297[%and3A_173, %add3A_291], %broadcast_in_dim3A_3 masked %eq3A_293 : memref<128x128xf32, #tpu.memory_space<vmem>>[vector<16xi32>, vector<16xi32>], vector<16xf32>, vector<16xi1>
      %iota3A_298 = tpu.iota {dimensions = array<i32: 0>} : vector<16xi32>
      %add3A_299 = arith.constant 16 : i32
      %add3A_300 = vector.broadcast %add3A_299 : i32 to vector<16xi32>
      %add3A_301 = arith.addi %iota3A_298, %add3A_300 : vector<16xi32>
      %eq3A_302 = arith.constant 0 : i32
      %eq3A_303 = vector.broadcast %eq3A_302 : i32 to vector<16xi32>
      %eq3A_304 = arith.cmpi eq, %shift_right_logical3A_186, %eq3A_303 : vector<16xi32>
      %scatter3A_305 = arith.constant 0 : i32
      %scatter3A_306 = arith.constant 0 : i32
      %scatter3A_307 = arith.constant 0 : i32
      %scatter3A_308 = tpu.memref_slice %arg6[%scatter3A_305, %scatter3A_306, %scatter3A_307] : memref<2x128x128xf32, #tpu.memory_space<vmem>> -> memref<1x128x128xf32, #tpu.memory_space<vmem>>
      %scatter3A_309 = tpu.memref_squeeze %scatter3A_308 : memref<1x128x128xf32, #tpu.memory_space<vmem>> -> memref<128x128xf32, #tpu.memory_space<vmem>>
      tpu.vector_store_idx %scatter3A_309[%and3A_189, %add3A_301], %broadcast_in_dim3A_3 masked %eq3A_304 : memref<128x128xf32, #tpu.memory_space<vmem>>[vector<16xi32>, vector<16xi32>], vector<16xf32>, vector<16xi1>
      %iota3A_310 = tpu.iota {dimensions = array<i32: 0>} : vector<16xi32>
      %add3A_311 = arith.constant 32 : i32
      %add3A_312 = vector.broadcast %add3A_311 : i32 to vector<16xi32>
      %add3A_313 = arith.addi %iota3A_310, %add3A_312 : vector<16xi32>
      %eq3A_314 = arith.constant 0 : i32
      %eq3A_315 = vector.broadcast %eq3A_314 : i32 to vector<16xi32>
      %eq3A_316 = arith.cmpi eq, %shift_right_logical3A_202, %eq3A_315 : vector<16xi32>
      %scatter3A_317 = arith.constant 0 : i32
      %scatter3A_318 = arith.constant 0 : i32
      %scatter3A_319 = arith.constant 0 : i32
      %scatter3A_320 = tpu.memref_slice %arg6[%scatter3A_317, %scatter3A_318, %scatter3A_319] : memref<2x128x128xf32, #tpu.memory_space<vmem>> -> memref<1x128x128xf32, #tpu.memory_space<vmem>>
      %scatter3A_321 = tpu.memref_squeeze %scatter3A_320 : memref<1x128x128xf32, #tpu.memory_space<vmem>> -> memref<128x128xf32, #tpu.memory_space<vmem>>
      tpu.vector_store_idx %scatter3A_321[%and3A_205, %add3A_313], %broadcast_in_dim3A_3 masked %eq3A_316 : memref<128x128xf32, #tpu.memory_space<vmem>>[vector<16xi32>, vector<16xi32>], vector<16xf32>, vector<16xi1>
      %iota3A_322 = tpu.iota {dimensions = array<i32: 0>} : vector<16xi32>
      %add3A_323 = arith.constant 48 : i32
      %add3A_324 = vector.broadcast %add3A_323 : i32 to vector<16xi32>
      %add3A_325 = arith.addi %iota3A_322, %add3A_324 : vector<16xi32>
      %eq3A_326 = arith.constant 0 : i32
      %eq3A_327 = vector.broadcast %eq3A_326 : i32 to vector<16xi32>
      %eq3A_328 = arith.cmpi eq, %shift_right_logical3A_218, %eq3A_327 : vector<16xi32>
      %scatter3A_329 = arith.constant 0 : i32
      %scatter3A_330 = arith.constant 0 : i32
      %scatter3A_331 = arith.constant 0 : i32
      %scatter3A_332 = tpu.memref_slice %arg6[%scatter3A_329, %scatter3A_330, %scatter3A_331] : memref<2x128x128xf32, #tpu.memory_space<vmem>> -> memref<1x128x128xf32, #tpu.memory_space<vmem>>
      %scatter3A_333 = tpu.memref_squeeze %scatter3A_332 : memref<1x128x128xf32, #tpu.memory_space<vmem>> -> memref<128x128xf32, #tpu.memory_space<vmem>>
      tpu.vector_store_idx %scatter3A_333[%and3A_221, %add3A_325], %broadcast_in_dim3A_3 masked %eq3A_328 : memref<128x128xf32, #tpu.memory_space<vmem>>[vector<16xi32>, vector<16xi32>], vector<16xf32>, vector<16xi1>
      %iota3A_334 = tpu.iota {dimensions = array<i32: 0>} : vector<16xi32>
      %add3A_335 = arith.constant 64 : i32
      %add3A_336 = vector.broadcast %add3A_335 : i32 to vector<16xi32>
      %add3A_337 = arith.addi %iota3A_334, %add3A_336 : vector<16xi32>
      %eq3A_338 = arith.constant 0 : i32
      %eq3A_339 = vector.broadcast %eq3A_338 : i32 to vector<16xi32>
      %eq3A_340 = arith.cmpi eq, %shift_right_logical3A_234, %eq3A_339 : vector<16xi32>
      %scatter3A_341 = arith.constant 0 : i32
      %scatter3A_342 = arith.constant 0 : i32
      %scatter3A_343 = arith.constant 0 : i32
      %scatter3A_344 = tpu.memref_slice %arg6[%scatter3A_341, %scatter3A_342, %scatter3A_343] : memref<2x128x128xf32, #tpu.memory_space<vmem>> -> memref<1x128x128xf32, #tpu.memory_space<vmem>>
      %scatter3A_345 = tpu.memref_squeeze %scatter3A_344 : memref<1x128x128xf32, #tpu.memory_space<vmem>> -> memref<128x128xf32, #tpu.memory_space<vmem>>
      tpu.vector_store_idx %scatter3A_345[%and3A_237, %add3A_337], %broadcast_in_dim3A_3 masked %eq3A_340 : memref<128x128xf32, #tpu.memory_space<vmem>>[vector<16xi32>, vector<16xi32>], vector<16xf32>, vector<16xi1>
      %iota3A_346 = tpu.iota {dimensions = array<i32: 0>} : vector<16xi32>
      %add3A_347 = arith.constant 80 : i32
      %add3A_348 = vector.broadcast %add3A_347 : i32 to vector<16xi32>
      %add3A_349 = arith.addi %iota3A_346, %add3A_348 : vector<16xi32>
      %eq3A_350 = arith.constant 0 : i32
      %eq3A_351 = vector.broadcast %eq3A_350 : i32 to vector<16xi32>
      %eq3A_352 = arith.cmpi eq, %shift_right_logical3A_250, %eq3A_351 : vector<16xi32>
      %scatter3A_353 = arith.constant 0 : i32
      %scatter3A_354 = arith.constant 0 : i32
      %scatter3A_355 = arith.constant 0 : i32
      %scatter3A_356 = tpu.memref_slice %arg6[%scatter3A_353, %scatter3A_354, %scatter3A_355] : memref<2x128x128xf32, #tpu.memory_space<vmem>> -> memref<1x128x128xf32, #tpu.memory_space<vmem>>
      %scatter3A_357 = tpu.memref_squeeze %scatter3A_356 : memref<1x128x128xf32, #tpu.memory_space<vmem>> -> memref<128x128xf32, #tpu.memory_space<vmem>>
      tpu.vector_store_idx %scatter3A_357[%and3A_253, %add3A_349], %broadcast_in_dim3A_3 masked %eq3A_352 : memref<128x128xf32, #tpu.memory_space<vmem>>[vector<16xi32>, vector<16xi32>], vector<16xf32>, vector<16xi1>
      %iota3A_358 = tpu.iota {dimensions = array<i32: 0>} : vector<16xi32>
      %add3A_359 = arith.constant 96 : i32
      %add3A_360 = vector.broadcast %add3A_359 : i32 to vector<16xi32>
      %add3A_361 = arith.addi %iota3A_358, %add3A_360 : vector<16xi32>
      %eq3A_362 = arith.constant 0 : i32
      %eq3A_363 = vector.broadcast %eq3A_362 : i32 to vector<16xi32>
      %eq3A_364 = arith.cmpi eq, %shift_right_logical3A_266, %eq3A_363 : vector<16xi32>
      %scatter3A_365 = arith.constant 0 : i32
      %scatter3A_366 = arith.constant 0 : i32
      %scatter3A_367 = arith.constant 0 : i32
      %scatter3A_368 = tpu.memref_slice %arg6[%scatter3A_365, %scatter3A_366, %scatter3A_367] : memref<2x128x128xf32, #tpu.memory_space<vmem>> -> memref<1x128x128xf32, #tpu.memory_space<vmem>>
      %scatter3A_369 = tpu.memref_squeeze %scatter3A_368 : memref<1x128x128xf32, #tpu.memory_space<vmem>> -> memref<128x128xf32, #tpu.memory_space<vmem>>
      tpu.vector_store_idx %scatter3A_369[%and3A_269, %add3A_361], %broadcast_in_dim3A_3 masked %eq3A_364 : memref<128x128xf32, #tpu.memory_space<vmem>>[vector<16xi32>, vector<16xi32>], vector<16xf32>, vector<16xi1>
      %iota3A_370 = tpu.iota {dimensions = array<i32: 0>} : vector<16xi32>
      %add3A_371 = arith.constant 112 : i32
      %add3A_372 = vector.broadcast %add3A_371 : i32 to vector<16xi32>
      %add3A_373 = arith.addi %iota3A_370, %add3A_372 : vector<16xi32>
      %eq3A_374 = arith.constant 0 : i32
      %eq3A_375 = vector.broadcast %eq3A_374 : i32 to vector<16xi32>
      %eq3A_376 = arith.cmpi eq, %shift_right_logical3A_282, %eq3A_375 : vector<16xi32>
      %scatter3A_377 = arith.constant 0 : i32
      %scatter3A_378 = arith.constant 0 : i32
      %scatter3A_379 = arith.constant 0 : i32
      %scatter3A_380 = tpu.memref_slice %arg6[%scatter3A_377, %scatter3A_378, %scatter3A_379] : memref<2x128x128xf32, #tpu.memory_space<vmem>> -> memref<1x128x128xf32, #tpu.memory_space<vmem>>
      %scatter3A_381 = tpu.memref_squeeze %scatter3A_380 : memref<1x128x128xf32, #tpu.memory_space<vmem>> -> memref<128x128xf32, #tpu.memory_space<vmem>>
      tpu.vector_store_idx %scatter3A_381[%and3A_285, %add3A_373], %broadcast_in_dim3A_3 masked %eq3A_376 : memref<128x128xf32, #tpu.memory_space<vmem>>[vector<16xi32>, vector<16xi32>], vector<16xf32>, vector<16xi1>
      %dma_start3A_382 = arith.constant 0 : i32
      %dma_start3A_383 = arith.constant 0 : i32
      %dma_start3A_384 = arith.constant 0 : i32
      %dma_start3A_385 = tpu.memref_slice %arg6[%dma_start3A_382, %dma_start3A_383, %dma_start3A_384] : memref<2x128x128xf32, #tpu.memory_space<vmem>> -> memref<1x128x128xf32, #tpu.memory_space<vmem>>
      %dma_start3A_386 = tpu.memref_squeeze %dma_start3A_385 : memref<1x128x128xf32, #tpu.memory_space<vmem>> -> memref<128x128xf32, #tpu.memory_space<vmem>>
      %dma_start3A_387 = arith.constant 0 : i32
      %dma_start3A_388 = tpu.memref_slice %arg3[%dma_start3A_387, %add3A_132] : memref<1128x16384xf32, #tpu.memory_space<hbm>> -> memref<128x128xf32, #tpu.memory_space<hbm>>
      %dma_start3A_389 = arith.constant 0 : i32
      %dma_start3A_390 = tpu.memref_slice %arg3[%dma_start3A_389, %add3A_132] : memref<1128x16384xf32, #tpu.memory_space<hbm>> -> memref<128x128xf32, #tpu.memory_space<hbm>>
      %dma_start3A_391 = arith.constant 0 : i32
      %dma_start3A_392 = arith.constant 0 : i32
      %dma_start3A_393 = tpu.memref_slice %arg6[%dma_start3A_382, %dma_start3A_391, %dma_start3A_392] : memref<2x128x128xf32, #tpu.memory_space<vmem>> -> memref<1x128x128xf32, #tpu.memory_space<vmem>>
      %dma_start3A_394 = tpu.memref_squeeze %dma_start3A_393 : memref<1x128x128xf32, #tpu.memory_space<vmem>> -> memref<128x128xf32, #tpu.memory_space<vmem>>
      tpu.enqueue_dma source(%dma_start3A_394 : memref<128x128xf32, #tpu.memory_space<vmem>>) target(%dma_start3A_390 : memref<128x128xf32, #tpu.memory_space<hbm>>) target_semaphore(%arg8 : memref<!tpu.dma_semaphore, #tpu.memory_space<semaphore_mem>>)
      %iota3A_395 = tpu.iota {dimensions = array<i32: 0>} : vector<16xi32>
      %add3A_396 = arith.constant 0 : i32
      %add3A_397 = vector.broadcast %add3A_396 : i32 to vector<16xi32>
      %add3A_398 = arith.addi %iota3A_395, %add3A_397 : vector<16xi32>
      %eq3A_399 = arith.constant 1 : i32
      %eq3A_400 = vector.broadcast %eq3A_399 : i32 to vector<16xi32>
      %eq3A_401 = arith.cmpi eq, %shift_right_logical3A_171, %eq3A_400 : vector<16xi32>
      %scatter3A_402 = arith.constant 1 : i32
      %scatter3A_403 = arith.constant 0 : i32
      %scatter3A_404 = arith.constant 0 : i32
      %scatter3A_405 = tpu.memref_slice %arg6[%scatter3A_402, %scatter3A_403, %scatter3A_404] : memref<2x128x128xf32, #tpu.memory_space<vmem>> -> memref<1x128x128xf32, #tpu.memory_space<vmem>>
      %scatter3A_406 = tpu.memref_squeeze %scatter3A_405 : memref<1x128x128xf32, #tpu.memory_space<vmem>> -> memref<128x128xf32, #tpu.memory_space<vmem>>
      tpu.vector_store_idx %scatter3A_406[%and3A_173, %add3A_398], %broadcast_in_dim3A_3 masked %eq3A_401 : memref<128x128xf32, #tpu.memory_space<vmem>>[vector<16xi32>, vector<16xi32>], vector<16xf32>, vector<16xi1>
      %iota3A_407 = tpu.iota {dimensions = array<i32: 0>} : vector<16xi32>
      %add3A_408 = arith.constant 16 : i32
      %add3A_409 = vector.broadcast %add3A_408 : i32 to vector<16xi32>
      %add3A_410 = arith.addi %iota3A_407, %add3A_409 : vector<16xi32>
      %eq3A_411 = arith.constant 1 : i32
      %eq3A_412 = vector.broadcast %eq3A_411 : i32 to vector<16xi32>
      %eq3A_413 = arith.cmpi eq, %shift_right_logical3A_186, %eq3A_412 : vector<16xi32>
      %scatter3A_414 = arith.constant 1 : i32
      %scatter3A_415 = arith.constant 0 : i32
      %scatter3A_416 = arith.constant 0 : i32
      %scatter3A_417 = tpu.memref_slice %arg6[%scatter3A_414, %scatter3A_415, %scatter3A_416] : memref<2x128x128xf32, #tpu.memory_space<vmem>> -> memref<1x128x128xf32, #tpu.memory_space<vmem>>
      %scatter3A_418 = tpu.memref_squeeze %scatter3A_417 : memref<1x128x128xf32, #tpu.memory_space<vmem>> -> memref<128x128xf32, #tpu.memory_space<vmem>>
      tpu.vector_store_idx %scatter3A_418[%and3A_189, %add3A_410], %broadcast_in_dim3A_3 masked %eq3A_413 : memref<128x128xf32, #tpu.memory_space<vmem>>[vector<16xi32>, vector<16xi32>], vector<16xf32>, vector<16xi1>
      %iota3A_419 = tpu.iota {dimensions = array<i32: 0>} : vector<16xi32>
      %add3A_420 = arith.constant 32 : i32
      %add3A_421 = vector.broadcast %add3A_420 : i32 to vector<16xi32>
      %add3A_422 = arith.addi %iota3A_419, %add3A_421 : vector<16xi32>
      %eq3A_423 = arith.constant 1 : i32
      %eq3A_424 = vector.broadcast %eq3A_423 : i32 to vector<16xi32>
      %eq3A_425 = arith.cmpi eq, %shift_right_logical3A_202, %eq3A_424 : vector<16xi32>
      %scatter3A_426 = arith.constant 1 : i32
      %scatter3A_427 = arith.constant 0 : i32
      %scatter3A_428 = arith.constant 0 : i32
      %scatter3A_429 = tpu.memref_slice %arg6[%scatter3A_426, %scatter3A_427, %scatter3A_428] : memref<2x128x128xf32, #tpu.memory_space<vmem>> -> memref<1x128x128xf32, #tpu.memory_space<vmem>>
      %scatter3A_430 = tpu.memref_squeeze %scatter3A_429 : memref<1x128x128xf32, #tpu.memory_space<vmem>> -> memref<128x128xf32, #tpu.memory_space<vmem>>
      tpu.vector_store_idx %scatter3A_430[%and3A_205, %add3A_422], %broadcast_in_dim3A_3 masked %eq3A_425 : memref<128x128xf32, #tpu.memory_space<vmem>>[vector<16xi32>, vector<16xi32>], vector<16xf32>, vector<16xi1>
      %iota3A_431 = tpu.iota {dimensions = array<i32: 0>} : vector<16xi32>
      %add3A_432 = arith.constant 48 : i32
      %add3A_433 = vector.broadcast %add3A_432 : i32 to vector<16xi32>
      %add3A_434 = arith.addi %iota3A_431, %add3A_433 : vector<16xi32>
      %eq3A_435 = arith.constant 1 : i32
      %eq3A_436 = vector.broadcast %eq3A_435 : i32 to vector<16xi32>
      %eq3A_437 = arith.cmpi eq, %shift_right_logical3A_218, %eq3A_436 : vector<16xi32>
      %scatter3A_438 = arith.constant 1 : i32
      %scatter3A_439 = arith.constant 0 : i32
      %scatter3A_440 = arith.constant 0 : i32
      %scatter3A_441 = tpu.memref_slice %arg6[%scatter3A_438, %scatter3A_439, %scatter3A_440] : memref<2x128x128xf32, #tpu.memory_space<vmem>> -> memref<1x128x128xf32, #tpu.memory_space<vmem>>
      %scatter3A_442 = tpu.memref_squeeze %scatter3A_441 : memref<1x128x128xf32, #tpu.memory_space<vmem>> -> memref<128x128xf32, #tpu.memory_space<vmem>>
      tpu.vector_store_idx %scatter3A_442[%and3A_221, %add3A_434], %broadcast_in_dim3A_3 masked %eq3A_437 : memref<128x128xf32, #tpu.memory_space<vmem>>[vector<16xi32>, vector<16xi32>], vector<16xf32>, vector<16xi1>
      %iota3A_443 = tpu.iota {dimensions = array<i32: 0>} : vector<16xi32>
      %add3A_444 = arith.constant 64 : i32
      %add3A_445 = vector.broadcast %add3A_444 : i32 to vector<16xi32>
      %add3A_446 = arith.addi %iota3A_443, %add3A_445 : vector<16xi32>
      %eq3A_447 = arith.constant 1 : i32
      %eq3A_448 = vector.broadcast %eq3A_447 : i32 to vector<16xi32>
      %eq3A_449 = arith.cmpi eq, %shift_right_logical3A_234, %eq3A_448 : vector<16xi32>
      %scatter3A_450 = arith.constant 1 : i32
      %scatter3A_451 = arith.constant 0 : i32
      %scatter3A_452 = arith.constant 0 : i32
      %scatter3A_453 = tpu.memref_slice %arg6[%scatter3A_450, %scatter3A_451, %scatter3A_452] : memref<2x128x128xf32, #tpu.memory_space<vmem>> -> memref<1x128x128xf32, #tpu.memory_space<vmem>>
      %scatter3A_454 = tpu.memref_squeeze %scatter3A_453 : memref<1x128x128xf32, #tpu.memory_space<vmem>> -> memref<128x128xf32, #tpu.memory_space<vmem>>
      tpu.vector_store_idx %scatter3A_454[%and3A_237, %add3A_446], %broadcast_in_dim3A_3 masked %eq3A_449 : memref<128x128xf32, #tpu.memory_space<vmem>>[vector<16xi32>, vector<16xi32>], vector<16xf32>, vector<16xi1>
      %iota3A_455 = tpu.iota {dimensions = array<i32: 0>} : vector<16xi32>
      %add3A_456 = arith.constant 80 : i32
      %add3A_457 = vector.broadcast %add3A_456 : i32 to vector<16xi32>
      %add3A_458 = arith.addi %iota3A_455, %add3A_457 : vector<16xi32>
      %eq3A_459 = arith.constant 1 : i32
      %eq3A_460 = vector.broadcast %eq3A_459 : i32 to vector<16xi32>
      %eq3A_461 = arith.cmpi eq, %shift_right_logical3A_250, %eq3A_460 : vector<16xi32>
      %scatter3A_462 = arith.constant 1 : i32
      %scatter3A_463 = arith.constant 0 : i32
      %scatter3A_464 = arith.constant 0 : i32
      %scatter3A_465 = tpu.memref_slice %arg6[%scatter3A_462, %scatter3A_463, %scatter3A_464] : memref<2x128x128xf32, #tpu.memory_space<vmem>> -> memref<1x128x128xf32, #tpu.memory_space<vmem>>
      %scatter3A_466 = tpu.memref_squeeze %scatter3A_465 : memref<1x128x128xf32, #tpu.memory_space<vmem>> -> memref<128x128xf32, #tpu.memory_space<vmem>>
      tpu.vector_store_idx %scatter3A_466[%and3A_253, %add3A_458], %broadcast_in_dim3A_3 masked %eq3A_461 : memref<128x128xf32, #tpu.memory_space<vmem>>[vector<16xi32>, vector<16xi32>], vector<16xf32>, vector<16xi1>
      %iota3A_467 = tpu.iota {dimensions = array<i32: 0>} : vector<16xi32>
      %add3A_468 = arith.constant 96 : i32
      %add3A_469 = vector.broadcast %add3A_468 : i32 to vector<16xi32>
      %add3A_470 = arith.addi %iota3A_467, %add3A_469 : vector<16xi32>
      %eq3A_471 = arith.constant 1 : i32
      %eq3A_472 = vector.broadcast %eq3A_471 : i32 to vector<16xi32>
      %eq3A_473 = arith.cmpi eq, %shift_right_logical3A_266, %eq3A_472 : vector<16xi32>
      %scatter3A_474 = arith.constant 1 : i32
      %scatter3A_475 = arith.constant 0 : i32
      %scatter3A_476 = arith.constant 0 : i32
      %scatter3A_477 = tpu.memref_slice %arg6[%scatter3A_474, %scatter3A_475, %scatter3A_476] : memref<2x128x128xf32, #tpu.memory_space<vmem>> -> memref<1x128x128xf32, #tpu.memory_space<vmem>>
      %scatter3A_478 = tpu.memref_squeeze %scatter3A_477 : memref<1x128x128xf32, #tpu.memory_space<vmem>> -> memref<128x128xf32, #tpu.memory_space<vmem>>
      tpu.vector_store_idx %scatter3A_478[%and3A_269, %add3A_470], %broadcast_in_dim3A_3 masked %eq3A_473 : memref<128x128xf32, #tpu.memory_space<vmem>>[vector<16xi32>, vector<16xi32>], vector<16xf32>, vector<16xi1>
      %iota3A_479 = tpu.iota {dimensions = array<i32: 0>} : vector<16xi32>
      %add3A_480 = arith.constant 112 : i32
      %add3A_481 = vector.broadcast %add3A_480 : i32 to vector<16xi32>
      %add3A_482 = arith.addi %iota3A_479, %add3A_481 : vector<16xi32>
      %eq3A_483 = arith.constant 1 : i32
      %eq3A_484 = vector.broadcast %eq3A_483 : i32 to vector<16xi32>
      %eq3A_485 = arith.cmpi eq, %shift_right_logical3A_282, %eq3A_484 : vector<16xi32>
      %scatter3A_486 = arith.constant 1 : i32
      %scatter3A_487 = arith.constant 0 : i32
      %scatter3A_488 = arith.constant 0 : i32
      %scatter3A_489 = tpu.memref_slice %arg6[%scatter3A_486, %scatter3A_487, %scatter3A_488] : memref<2x128x128xf32, #tpu.memory_space<vmem>> -> memref<1x128x128xf32, #tpu.memory_space<vmem>>
      %scatter3A_490 = tpu.memref_squeeze %scatter3A_489 : memref<1x128x128xf32, #tpu.memory_space<vmem>> -> memref<128x128xf32, #tpu.memory_space<vmem>>
      tpu.vector_store_idx %scatter3A_490[%and3A_285, %add3A_482], %broadcast_in_dim3A_3 masked %eq3A_485 : memref<128x128xf32, #tpu.memory_space<vmem>>[vector<16xi32>, vector<16xi32>], vector<16xf32>, vector<16xi1>
      %dma_start3A_491 = arith.constant 1 : i32
      %dma_start3A_492 = arith.constant 0 : i32
      %dma_start3A_493 = arith.constant 0 : i32
      %dma_start3A_494 = tpu.memref_slice %arg6[%dma_start3A_491, %dma_start3A_492, %dma_start3A_493] : memref<2x128x128xf32, #tpu.memory_space<vmem>> -> memref<1x128x128xf32, #tpu.memory_space<vmem>>
      %dma_start3A_495 = tpu.memref_squeeze %dma_start3A_494 : memref<1x128x128xf32, #tpu.memory_space<vmem>> -> memref<128x128xf32, #tpu.memory_space<vmem>>
      %dma_start3A_496 = arith.constant 128 : i32
      %dma_start3A_497 = tpu.memref_slice %arg3[%dma_start3A_496, %add3A_132] : memref<1128x16384xf32, #tpu.memory_space<hbm>> -> memref<128x128xf32, #tpu.memory_space<hbm>>
      %dma_start3A_498 = arith.constant 128 : i32
      %dma_start3A_499 = tpu.memref_slice %arg3[%dma_start3A_498, %add3A_132] : memref<1128x16384xf32, #tpu.memory_space<hbm>> -> memref<128x128xf32, #tpu.memory_space<hbm>>
      %dma_start3A_500 = arith.constant 0 : i32
      %dma_start3A_501 = arith.constant 0 : i32
      %dma_start3A_502 = tpu.memref_slice %arg6[%dma_start3A_491, %dma_start3A_500, %dma_start3A_501] : memref<2x128x128xf32, #tpu.memory_space<vmem>> -> memref<1x128x128xf32, #tpu.memory_space<vmem>>
      %dma_start3A_503 = tpu.memref_squeeze %dma_start3A_502 : memref<1x128x128xf32, #tpu.memory_space<vmem>> -> memref<128x128xf32, #tpu.memory_space<vmem>>
      tpu.enqueue_dma source(%dma_start3A_503 : memref<128x128xf32, #tpu.memory_space<vmem>>) target(%dma_start3A_499 : memref<128x128xf32, #tpu.memory_space<hbm>>) target_semaphore(%arg9 : memref<!tpu.dma_semaphore, #tpu.memory_space<semaphore_mem>>)
      %scan3A_504 = arith.constant 0 : i32
      %scan3A_505 = arith.constant 0 : i32
      %scan3A_506 = arith.constant 0 : i32
      %scan3A_507 = arith.constant 127 : i32
      %scan3A_508 = arith.addi %scan3A_506, %scan3A_507 : i32
      %scan3A_509 = arith.constant 1 : i32
      scf.for %scan3A_3775 = %scan3A_506 to %scan3A_508 step %scan3A_509  : i32 {
        %add3A_3776 = arith.constant 1 : i32
        %add3A_3777 = arith.addi %scan3A_3775, %add3A_3776 : i32
        %get3A_3778 = arith.constant 0 : i32
        %get3A_3779 = arith.constant 0 : i32
        %get3A_3780 = tpu.memref_slice %arg4[%scan3A_505, %get3A_3778, %get3A_3779] : memref<2x128x128xf32, #tpu.memory_space<vmem>> -> memref<1x128x128xf32, #tpu.memory_space<vmem>>
        %get3A_3781 = tpu.memref_squeeze %get3A_3780 : memref<1x128x128xf32, #tpu.memory_space<vmem>> -> memref<128x128xf32, #tpu.memory_space<vmem>>
        %get3A_3782 = arith.index_cast %add3A_3777 : i32 to index
        %get3A_3783 = arith.constant 0 : index
        %get3A_3784 = tpu.vector_load %get3A_3781[%get3A_3782, %get3A_3783] {strides = array<i32>} : memref<128x128xf32, #tpu.memory_space<vmem>>, vector<16xf32>,
        %add3A_3785 = arith.constant 104 : i32
        %add3A_3786 = arith.addi %add3A_3785, %scan3A_3775 : i32
        %swap3A_3787 = arith.index_cast %add3A_3786 : i32 to index
        %swap3A_3788 = arith.constant 0 : index
        %swap3A_3789 = tpu.vector_load %arg7[%swap3A_3787, %swap3A_3788] {strides = array<i32>} : memref<232x128xf32, #tpu.memory_space<vmem>>, vector<16xf32>,
        tpu.vector_store %arg7[%swap3A_3787, %swap3A_3788], %get3A_3784 {strides = array<i32>} : memref<232x128xf32, #tpu.memory_space<vmem>>, vector<16xf32>,
        %add3A_3790 = arith.constant 1 : i32
        %add3A_3791 = arith.addi %scan3A_3775, %add3A_3790 : i32
        %get3A_3792 = arith.constant 0 : i32
        %get3A_3793 = arith.constant 0 : i32
        %get3A_3794 = tpu.memref_slice %arg4[%scan3A_505, %get3A_3792, %get3A_3793] : memref<2x128x128xf32, #tpu.memory_space<vmem>> -> memref<1x128x128xf32, #tpu.memory_space<vmem>>
        %get3A_3795 = tpu.memref_squeeze %get3A_3794 : memref<1x128x128xf32, #tpu.memory_space<vmem>> -> memref<128x128xf32, #tpu.memory_space<vmem>>
        %get3A_3796 = arith.index_cast %add3A_3791 : i32 to index
        %get3A_3797 = arith.constant 16 : index
        %get3A_3798 = tpu.vector_load %get3A_3795[%get3A_3796, %get3A_3797] {strides = array<i32>} : memref<128x128xf32, #tpu.memory_space<vmem>>, vector<16xf32>,
        %add3A_3799 = arith.constant 104 : i32
        %add3A_3800 = arith.addi %add3A_3799, %scan3A_3775 : i32
        %swap3A_3801 = arith.index_cast %add3A_3800 : i32 to index
        %swap3A_3802 = arith.constant 16 : index
        %swap3A_3803 = tpu.vector_load %arg7[%swap3A_3801, %swap3A_3802] {strides = array<i32>} : memref<232x128xf32, #tpu.memory_space<vmem>>, vector<16xf32>,
        tpu.vector_store %arg7[%swap3A_3801, %swap3A_3802], %get3A_3798 {strides = array<i32>} : memref<232x128xf32, #tpu.memory_space<vmem>>, vector<16xf32>,
        %add3A_3804 = arith.constant 1 : i32
        %add3A_3805 = arith.addi %scan3A_3775, %add3A_3804 : i32
        %get3A_3806 = arith.constant 0 : i32
        %get3A_3807 = arith.constant 0 : i32
        %get3A_3808 = tpu.memref_slice %arg4[%scan3A_505, %get3A_3806, %get3A_3807] : memref<2x128x128xf32, #tpu.memory_space<vmem>> -> memref<1x128x128xf32, #tpu.memory_space<vmem>>
        %get3A_3809 = tpu.memref_squeeze %get3A_3808 : memref<1x128x128xf32, #tpu.memory_space<vmem>> -> memref<128x128xf32, #tpu.memory_space<vmem>>
        %get3A_3810 = arith.index_cast %add3A_3805 : i32 to index
        %get3A_3811 = arith.constant 32 : index
        %get3A_3812 = tpu.vector_load %get3A_3809[%get3A_3810, %get3A_3811] {strides = array<i32>} : memref<128x128xf32, #tpu.memory_space<vmem>>, vector<16xf32>,
        %add3A_3813 = arith.constant 104 : i32
        %add3A_3814 = arith.addi %add3A_3813, %scan3A_3775 : i32
        %swap3A_3815 = arith.index_cast %add3A_3814 : i32 to index
        %swap3A_3816 = arith.constant 32 : index
        %swap3A_3817 = tpu.vector_load %arg7[%swap3A_3815, %swap3A_3816] {strides = array<i32>} : memref<232x128xf32, #tpu.memory_space<vmem>>, vector<16xf32>,
        tpu.vector_store %arg7[%swap3A_3815, %swap3A_3816], %get3A_3812 {strides = array<i32>} : memref<232x128xf32, #tpu.memory_space<vmem>>, vector<16xf32>,
        %add3A_3818 = arith.constant 1 : i32
        %add3A_3819 = arith.addi %scan3A_3775, %add3A_3818 : i32
        %get3A_3820 = arith.constant 0 : i32
        %get3A_3821 = arith.constant 0 : i32
        %get3A_3822 = tpu.memref_slice %arg4[%scan3A_505, %get3A_3820, %get3A_3821] : memref<2x128x128xf32, #tpu.memory_space<vmem>> -> memref<1x128x128xf32, #tpu.memory_space<vmem>>
        %get3A_3823 = tpu.memref_squeeze %get3A_3822 : memref<1x128x128xf32, #tpu.memory_space<vmem>> -> memref<128x128xf32, #tpu.memory_space<vmem>>
        %get3A_3824 = arith.index_cast %add3A_3819 : i32 to index
        %get3A_3825 = arith.constant 48 : index
        %get3A_3826 = tpu.vector_load %get3A_3823[%get3A_3824, %get3A_3825] {strides = array<i32>} : memref<128x128xf32, #tpu.memory_space<vmem>>, vector<16xf32>,
        %add3A_3827 = arith.constant 104 : i32
        %add3A_3828 = arith.addi %add3A_3827, %scan3A_3775 : i32
        %swap3A_3829 = arith.index_cast %add3A_3828 : i32 to index
        %swap3A_3830 = arith.constant 48 : index
        %swap3A_3831 = tpu.vector_load %arg7[%swap3A_3829, %swap3A_3830] {strides = array<i32>} : memref<232x128xf32, #tpu.memory_space<vmem>>, vector<16xf32>,
        tpu.vector_store %arg7[%swap3A_3829, %swap3A_3830], %get3A_3826 {strides = array<i32>} : memref<232x128xf32, #tpu.memory_space<vmem>>, vector<16xf32>,
        %add3A_3832 = arith.constant 1 : i32
        %add3A_3833 = arith.addi %scan3A_3775, %add3A_3832 : i32
        %get3A_3834 = arith.constant 0 : i32
        %get3A_3835 = arith.constant 0 : i32
        %get3A_3836 = tpu.memref_slice %arg4[%scan3A_505, %get3A_3834, %get3A_3835] : memref<2x128x128xf32, #tpu.memory_space<vmem>> -> memref<1x128x128xf32, #tpu.memory_space<vmem>>
        %get3A_3837 = tpu.memref_squeeze %get3A_3836 : memref<1x128x128xf32, #tpu.memory_space<vmem>> -> memref<128x128xf32, #tpu.memory_space<vmem>>
        %get3A_3838 = arith.index_cast %add3A_3833 : i32 to index
        %get3A_3839 = arith.constant 64 : index
        %get3A_3840 = tpu.vector_load %get3A_3837[%get3A_3838, %get3A_3839] {strides = array<i32>} : memref<128x128xf32, #tpu.memory_space<vmem>>, vector<16xf32>,
        %add3A_3841 = arith.constant 104 : i32
        %add3A_3842 = arith.addi %add3A_3841, %scan3A_3775 : i32
        %swap3A_3843 = arith.index_cast %add3A_3842 : i32 to index
        %swap3A_3844 = arith.constant 64 : index
        %swap3A_3845 = tpu.vector_load %arg7[%swap3A_3843, %swap3A_3844] {strides = array<i32>} : memref<232x128xf32, #tpu.memory_space<vmem>>, vector<16xf32>,
        tpu.vector_store %arg7[%swap3A_3843, %swap3A_3844], %get3A_3840 {strides = array<i32>} : memref<232x128xf32, #tpu.memory_space<vmem>>, vector<16xf32>,
        %add3A_3846 = arith.constant 1 : i32
        %add3A_3847 = arith.addi %scan3A_3775, %add3A_3846 : i32
        %get3A_3848 = arith.constant 0 : i32
        %get3A_3849 = arith.constant 0 : i32
        %get3A_3850 = tpu.memref_slice %arg4[%scan3A_505, %get3A_3848, %get3A_3849] : memref<2x128x128xf32, #tpu.memory_space<vmem>> -> memref<1x128x128xf32, #tpu.memory_space<vmem>>
        %get3A_3851 = tpu.memref_squeeze %get3A_3850 : memref<1x128x128xf32, #tpu.memory_space<vmem>> -> memref<128x128xf32, #tpu.memory_space<vmem>>
        %get3A_3852 = arith.index_cast %add3A_3847 : i32 to index
        %get3A_3853 = arith.constant 80 : index
        %get3A_3854 = tpu.vector_load %get3A_3851[%get3A_3852, %get3A_3853] {strides = array<i32>} : memref<128x128xf32, #tpu.memory_space<vmem>>, vector<16xf32>,
        %add3A_3855 = arith.constant 104 : i32
        %add3A_3856 = arith.addi %add3A_3855, %scan3A_3775 : i32
        %swap3A_3857 = arith.index_cast %add3A_3856 : i32 to index
        %swap3A_3858 = arith.constant 80 : index
        %swap3A_3859 = tpu.vector_load %arg7[%swap3A_3857, %swap3A_3858] {strides = array<i32>} : memref<232x128xf32, #tpu.memory_space<vmem>>, vector<16xf32>,
        tpu.vector_store %arg7[%swap3A_3857, %swap3A_3858], %get3A_3854 {strides = array<i32>} : memref<232x128xf32, #tpu.memory_space<vmem>>, vector<16xf32>,
        %add3A_3860 = arith.constant 1 : i32
        %add3A_3861 = arith.addi %scan3A_3775, %add3A_3860 : i32
        %get3A_3862 = arith.constant 0 : i32
        %get3A_3863 = arith.constant 0 : i32
        %get3A_3864 = tpu.memref_slice %arg4[%scan3A_505, %get3A_3862, %get3A_3863] : memref<2x128x128xf32, #tpu.memory_space<vmem>> -> memref<1x128x128xf32, #tpu.memory_space<vmem>>
        %get3A_3865 = tpu.memref_squeeze %get3A_3864 : memref<1x128x128xf32, #tpu.memory_space<vmem>> -> memref<128x128xf32, #tpu.memory_space<vmem>>
        %get3A_3866 = arith.index_cast %add3A_3861 : i32 to index
        %get3A_3867 = arith.constant 96 : index
        %get3A_3868 = tpu.vector_load %get3A_3865[%get3A_3866, %get3A_3867] {strides = array<i32>} : memref<128x128xf32, #tpu.memory_space<vmem>>, vector<16xf32>,
        %add3A_3869 = arith.constant 104 : i32
        %add3A_3870 = arith.addi %add3A_3869, %scan3A_3775 : i32
        %swap3A_3871 = arith.index_cast %add3A_3870 : i32 to index
        %swap3A_3872 = arith.constant 96 : index
        %swap3A_3873 = tpu.vector_load %arg7[%swap3A_3871, %swap3A_3872] {strides = array<i32>} : memref<232x128xf32, #tpu.memory_space<vmem>>, vector<16xf32>,
        tpu.vector_store %arg7[%swap3A_3871, %swap3A_3872], %get3A_3868 {strides = array<i32>} : memref<232x128xf32, #tpu.memory_space<vmem>>, vector<16xf32>,
        %add3A_3874 = arith.constant 1 : i32
        %add3A_3875 = arith.addi %scan3A_3775, %add3A_3874 : i32
        %get3A_3876 = arith.constant 0 : i32
        %get3A_3877 = arith.constant 0 : i32
        %get3A_3878 = tpu.memref_slice %arg4[%scan3A_505, %get3A_3876, %get3A_3877] : memref<2x128x128xf32, #tpu.memory_space<vmem>> -> memref<1x128x128xf32, #tpu.memory_space<vmem>>
        %get3A_3879 = tpu.memref_squeeze %get3A_3878 : memref<1x128x128xf32, #tpu.memory_space<vmem>> -> memref<128x128xf32, #tpu.memory_space<vmem>>
        %get3A_3880 = arith.index_cast %add3A_3875 : i32 to index
        %get3A_3881 = arith.constant 112 : index
        %get3A_3882 = tpu.vector_load %get3A_3879[%get3A_3880, %get3A_3881] {strides = array<i32>} : memref<128x128xf32, #tpu.memory_space<vmem>>, vector<16xf32>,
        %add3A_3883 = arith.constant 104 : i32
        %add3A_3884 = arith.addi %add3A_3883, %scan3A_3775 : i32
        %swap3A_3885 = arith.index_cast %add3A_3884 : i32 to index
        %swap3A_3886 = arith.constant 112 : index
        %swap3A_3887 = tpu.vector_load %arg7[%swap3A_3885, %swap3A_3886] {strides = array<i32>} : memref<232x128xf32, #tpu.memory_space<vmem>>, vector<16xf32>,
        tpu.vector_store %arg7[%swap3A_3885, %swap3A_3886], %get3A_3882 {strides = array<i32>} : memref<232x128xf32, #tpu.memory_space<vmem>>, vector<16xf32>,
      }
      %scan3A_510 = arith.constant 127 : i32
      %get3A_511 = arith.constant 0 : i32
      %get3A_512 = arith.constant 0 : i32
      %get3A_513 = arith.constant 0 : i32
      %get3A_514 = arith.constant 0 : i32
      %get3A_515 = tpu.memref_slice %arg5[%get3A_511, %get3A_513, %get3A_514] : memref<2x1x128xf32, #tpu.memory_space<vmem>> -> memref<1x1x128xf32, #tpu.memory_space<vmem>>
      %get3A_516 = tpu.memref_squeeze %get3A_515 : memref<1x1x128xf32, #tpu.memory_space<vmem>> -> memref<1x128xf32, #tpu.memory_space<vmem>>
      %get3A_517 = arith.index_cast %get3A_512 : i32 to index
      %get3A_518 = arith.constant 0 : index
      %get3A_519 = tpu.vector_load %get3A_516[%get3A_517, %get3A_518] {strides = array<i32>} : memref<1x128xf32, #tpu.memory_space<vmem>>, vector<16xf32>,
      %swap3A = arith.constant 231 : i32
      %swap3A_520 = arith.index_cast %swap3A : i32 to index
      %swap3A_521 = arith.constant 0 : index
      %swap3A_522 = tpu.vector_load %arg7[%swap3A_520, %swap3A_521] {strides = array<i32>} : memref<232x128xf32, #tpu.memory_space<vmem>>, vector<16xf32>,
      tpu.vector_store %arg7[%swap3A_520, %swap3A_521], %get3A_519 {strides = array<i32>} : memref<232x128xf32, #tpu.memory_space<vmem>>, vector<16xf32>,
      %get3A_523 = arith.constant 0 : i32
      %get3A_524 = arith.constant 0 : i32
      %get3A_525 = arith.constant 0 : i32
      %get3A_526 = arith.constant 0 : i32
      %get3A_527 = tpu.memref_slice %arg5[%get3A_523, %get3A_525, %get3A_526] : memref<2x1x128xf32, #tpu.memory_space<vmem>> -> memref<1x1x128xf32, #tpu.memory_space<vmem>>
      %get3A_528 = tpu.memref_squeeze %get3A_527 : memref<1x1x128xf32, #tpu.memory_space<vmem>> -> memref<1x128xf32, #tpu.memory_space<vmem>>
      %get3A_529 = arith.index_cast %get3A_524 : i32 to index
      %get3A_530 = arith.constant 16 : index
      %get3A_531 = tpu.vector_load %get3A_528[%get3A_529, %get3A_530] {strides = array<i32>} : memref<1x128xf32, #tpu.memory_space<vmem>>, vector<16xf32>,
      %swap3A_532 = arith.constant 231 : i32
      %swap3A_533 = arith.index_cast %swap3A_532 : i32 to index
      %swap3A_534 = arith.constant 16 : index
      %swap3A_535 = tpu.vector_load %arg7[%swap3A_533, %swap3A_534] {strides = array<i32>} : memref<232x128xf32, #tpu.memory_space<vmem>>, vector<16xf32>,
      tpu.vector_store %arg7[%swap3A_533, %swap3A_534], %get3A_531 {strides = array<i32>} : memref<232x128xf32, #tpu.memory_space<vmem>>, vector<16xf32>,
      %get3A_536 = arith.constant 0 : i32
      %get3A_537 = arith.constant 0 : i32
      %get3A_538 = arith.constant 0 : i32
      %get3A_539 = arith.constant 0 : i32
      %get3A_540 = tpu.memref_slice %arg5[%get3A_536, %get3A_538, %get3A_539] : memref<2x1x128xf32, #tpu.memory_space<vmem>> -> memref<1x1x128xf32, #tpu.memory_space<vmem>>
      %get3A_541 = tpu.memref_squeeze %get3A_540 : memref<1x1x128xf32, #tpu.memory_space<vmem>> -> memref<1x128xf32, #tpu.memory_space<vmem>>
      %get3A_542 = arith.index_cast %get3A_537 : i32 to index
      %get3A_543 = arith.constant 32 : index
      %get3A_544 = tpu.vector_load %get3A_541[%get3A_542, %get3A_543] {strides = array<i32>} : memref<1x128xf32, #tpu.memory_space<vmem>>, vector<16xf32>,
      %swap3A_545 = arith.constant 231 : i32
      %swap3A_546 = arith.index_cast %swap3A_545 : i32 to index
      %swap3A_547 = arith.constant 32 : index
      %swap3A_548 = tpu.vector_load %arg7[%swap3A_546, %swap3A_547] {strides = array<i32>} : memref<232x128xf32, #tpu.memory_space<vmem>>, vector<16xf32>,
      tpu.vector_store %arg7[%swap3A_546, %swap3A_547], %get3A_544 {strides = array<i32>} : memref<232x128xf32, #tpu.memory_space<vmem>>, vector<16xf32>,
      %get3A_549 = arith.constant 0 : i32
      %get3A_550 = arith.constant 0 : i32
      %get3A_551 = arith.constant 0 : i32
      %get3A_552 = arith.constant 0 : i32
      %get3A_553 = tpu.memref_slice %arg5[%get3A_549, %get3A_551, %get3A_552] : memref<2x1x128xf32, #tpu.memory_space<vmem>> -> memref<1x1x128xf32, #tpu.memory_space<vmem>>
      %get3A_554 = tpu.memref_squeeze %get3A_553 : memref<1x1x128xf32, #tpu.memory_space<vmem>> -> memref<1x128xf32, #tpu.memory_space<vmem>>
      %get3A_555 = arith.index_cast %get3A_550 : i32 to index
      %get3A_556 = arith.constant 48 : index
      %get3A_557 = tpu.vector_load %get3A_554[%get3A_555, %get3A_556] {strides = array<i32>} : memref<1x128xf32, #tpu.memory_space<vmem>>, vector<16xf32>,
      %swap3A_558 = arith.constant 231 : i32
      %swap3A_559 = arith.index_cast %swap3A_558 : i32 to index
      %swap3A_560 = arith.constant 48 : index
      %swap3A_561 = tpu.vector_load %arg7[%swap3A_559, %swap3A_560] {strides = array<i32>} : memref<232x128xf32, #tpu.memory_space<vmem>>, vector<16xf32>,
      tpu.vector_store %arg7[%swap3A_559, %swap3A_560], %get3A_557 {strides = array<i32>} : memref<232x128xf32, #tpu.memory_space<vmem>>, vector<16xf32>,
      %get3A_562 = arith.constant 0 : i32
      %get3A_563 = arith.constant 0 : i32
      %get3A_564 = arith.constant 0 : i32
      %get3A_565 = arith.constant 0 : i32
      %get3A_566 = tpu.memref_slice %arg5[%get3A_562, %get3A_564, %get3A_565] : memref<2x1x128xf32, #tpu.memory_space<vmem>> -> memref<1x1x128xf32, #tpu.memory_space<vmem>>
      %get3A_567 = tpu.memref_squeeze %get3A_566 : memref<1x1x128xf32, #tpu.memory_space<vmem>> -> memref<1x128xf32, #tpu.memory_space<vmem>>
      %get3A_568 = arith.index_cast %get3A_563 : i32 to index
      %get3A_569 = arith.constant 64 : index
      %get3A_570 = tpu.vector_load %get3A_567[%get3A_568, %get3A_569] {strides = array<i32>} : memref<1x128xf32, #tpu.memory_space<vmem>>, vector<16xf32>,
      %swap3A_571 = arith.constant 231 : i32
      %swap3A_572 = arith.index_cast %swap3A_571 : i32 to index
      %swap3A_573 = arith.constant 64 : index
      %swap3A_574 = tpu.vector_load %arg7[%swap3A_572, %swap3A_573] {strides = array<i32>} : memref<232x128xf32, #tpu.memory_space<vmem>>, vector<16xf32>,
      tpu.vector_store %arg7[%swap3A_572, %swap3A_573], %get3A_570 {strides = array<i32>} : memref<232x128xf32, #tpu.memory_space<vmem>>, vector<16xf32>,
      %get3A_575 = arith.constant 0 : i32
      %get3A_576 = arith.constant 0 : i32
      %get3A_577 = arith.constant 0 : i32
      %get3A_578 = arith.constant 0 : i32
      %get3A_579 = tpu.memref_slice %arg5[%get3A_575, %get3A_577, %get3A_578] : memref<2x1x128xf32, #tpu.memory_space<vmem>> -> memref<1x1x128xf32, #tpu.memory_space<vmem>>
      %get3A_580 = tpu.memref_squeeze %get3A_579 : memref<1x1x128xf32, #tpu.memory_space<vmem>> -> memref<1x128xf32, #tpu.memory_space<vmem>>
      %get3A_581 = arith.index_cast %get3A_576 : i32 to index
      %get3A_582 = arith.constant 80 : index
      %get3A_583 = tpu.vector_load %get3A_580[%get3A_581, %get3A_582] {strides = array<i32>} : memref<1x128xf32, #tpu.memory_space<vmem>>, vector<16xf32>,
      %swap3A_584 = arith.constant 231 : i32
      %swap3A_585 = arith.index_cast %swap3A_584 : i32 to index
      %swap3A_586 = arith.constant 80 : index
      %swap3A_587 = tpu.vector_load %arg7[%swap3A_585, %swap3A_586] {strides = array<i32>} : memref<232x128xf32, #tpu.memory_space<vmem>>, vector<16xf32>,
      tpu.vector_store %arg7[%swap3A_585, %swap3A_586], %get3A_583 {strides = array<i32>} : memref<232x128xf32, #tpu.memory_space<vmem>>, vector<16xf32>,
      %get3A_588 = arith.constant 0 : i32
      %get3A_589 = arith.constant 0 : i32
      %get3A_590 = arith.constant 0 : i32
      %get3A_591 = arith.constant 0 : i32
      %get3A_592 = tpu.memref_slice %arg5[%get3A_588, %get3A_590, %get3A_591] : memref<2x1x128xf32, #tpu.memory_space<vmem>> -> memref<1x1x128xf32, #tpu.memory_space<vmem>>
      %get3A_593 = tpu.memref_squeeze %get3A_592 : memref<1x1x128xf32, #tpu.memory_space<vmem>> -> memref<1x128xf32, #tpu.memory_space<vmem>>
      %get3A_594 = arith.index_cast %get3A_589 : i32 to index
      %get3A_595 = arith.constant 96 : index
      %get3A_596 = tpu.vector_load %get3A_593[%get3A_594, %get3A_595] {strides = array<i32>} : memref<1x128xf32, #tpu.memory_space<vmem>>, vector<16xf32>,
      %swap3A_597 = arith.constant 231 : i32
      %swap3A_598 = arith.index_cast %swap3A_597 : i32 to index
      %swap3A_599 = arith.constant 96 : index
      %swap3A_600 = tpu.vector_load %arg7[%swap3A_598, %swap3A_599] {strides = array<i32>} : memref<232x128xf32, #tpu.memory_space<vmem>>, vector<16xf32>,
      tpu.vector_store %arg7[%swap3A_598, %swap3A_599], %get3A_596 {strides = array<i32>} : memref<232x128xf32, #tpu.memory_space<vmem>>, vector<16xf32>,
      %get3A_601 = arith.constant 0 : i32
      %get3A_602 = arith.constant 0 : i32
      %get3A_603 = arith.constant 0 : i32
      %get3A_604 = arith.constant 0 : i32
      %get3A_605 = tpu.memref_slice %arg5[%get3A_601, %get3A_603, %get3A_604] : memref<2x1x128xf32, #tpu.memory_space<vmem>> -> memref<1x1x128xf32, #tpu.memory_space<vmem>>
      %get3A_606 = tpu.memref_squeeze %get3A_605 : memref<1x1x128xf32, #tpu.memory_space<vmem>> -> memref<1x128xf32, #tpu.memory_space<vmem>>
      %get3A_607 = arith.index_cast %get3A_602 : i32 to index
      %get3A_608 = arith.constant 112 : index
      %get3A_609 = tpu.vector_load %get3A_606[%get3A_607, %get3A_608] {strides = array<i32>} : memref<1x128xf32, #tpu.memory_space<vmem>>, vector<16xf32>,
      %swap3A_610 = arith.constant 231 : i32
      %swap3A_611 = arith.index_cast %swap3A_610 : i32 to index
      %swap3A_612 = arith.constant 112 : index
      %swap3A_613 = tpu.vector_load %arg7[%swap3A_611, %swap3A_612] {strides = array<i32>} : memref<232x128xf32, #tpu.memory_space<vmem>>, vector<16xf32>,
      tpu.vector_store %arg7[%swap3A_611, %swap3A_612], %get3A_609 {strides = array<i32>} : memref<232x128xf32, #tpu.memory_space<vmem>>, vector<16xf32>,
      %add3A_614 = arith.constant 2 : i32
      %add3A_615 = arith.addi %mul3A_129, %add3A_614 : i32
      %lt3A = arith.constant 4 : i32
      %lt3A_616 = arith.cmpi slt, %add3A_615, %lt3A : i32
      %convert_element_type3A_617 = arith.extui %lt3A_616 : i1 to i32
      %cond3A_618 = arith.constant 0 : i32
      %cond3A_619 = arith.cmpi ne, %convert_element_type3A_617, %cond3A_618 : i32
      scf.if %cond3A_619 {
        %add3A_3775 = arith.constant 2 : i32
        %add3A_3776 = arith.addi %mul3A_129, %add3A_3775 : i32
        %mul3A_3777 = arith.constant 128 : i32
        %mul3A_3778 = arith.muli %add3A_3776, %mul3A_3777 : i32
        %add3A_3779 = arith.addi %mul3A_7, %mul3A_3778 : i32
        %dma_start3A_3780 = arith.constant 0 : i32
        %dma_start3A_3781 = arith.constant 0 : i32
        %dma_start3A_3782 = arith.constant 0 : i32
        %dma_start3A_3783 = tpu.memref_slice %arg4[%dma_start3A_3780, %dma_start3A_3781, %dma_start3A_3782] : memref<2x128x128xf32, #tpu.memory_space<vmem>> -> memref<1x128x128xf32, #tpu.memory_space<vmem>>
        %dma_start3A_3784 = tpu.memref_squeeze %dma_start3A_3783 : memref<1x128x128xf32, #tpu.memory_space<vmem>> -> memref<128x128xf32, #tpu.memory_space<vmem>>
        %dma_start3A_3785 = arith.constant 0 : i32
        %dma_start3A_3786 = tpu.memref_slice %arg2[%dma_start3A_3785, %add3A_3779] : memref<129x16384xf32, #tpu.memory_space<hbm>> -> memref<128x128xf32, #tpu.memory_space<hbm>>
        %dma_start3A_3787 = arith.constant 0 : i32
        %dma_start3A_3788 = arith.constant 0 : i32
        %dma_start3A_3789 = tpu.memref_slice %arg4[%dma_start3A_3780, %dma_start3A_3787, %dma_start3A_3788] : memref<2x128x128xf32, #tpu.memory_space<vmem>> -> memref<1x128x128xf32, #tpu.memory_space<vmem>>
        %dma_start3A_3790 = tpu.memref_squeeze %dma_start3A_3789 : memref<1x128x128xf32, #tpu.memory_space<vmem>> -> memref<128x128xf32, #tpu.memory_space<vmem>>
        %dma_start3A_3791 = arith.constant 0 : i32
        %dma_start3A_3792 = tpu.memref_slice %arg2[%dma_start3A_3791, %add3A_3779] : memref<129x16384xf32, #tpu.memory_space<hbm>> -> memref<128x128xf32, #tpu.memory_space<hbm>>
        tpu.enqueue_dma source(%dma_start3A_3792 : memref<128x128xf32, #tpu.memory_space<hbm>>) target(%dma_start3A_3790 : memref<128x128xf32, #tpu.memory_space<vmem>>) target_semaphore(%arg11 : memref<!tpu.dma_semaphore, #tpu.memory_space<semaphore_mem>>)
        %dma_start3A_3793 = arith.constant 0 : i32
        %dma_start3A_3794 = arith.constant 0 : i32
        %dma_start3A_3795 = arith.constant 0 : i32
        %dma_start3A_3796 = tpu.memref_slice %arg5[%dma_start3A_3793, %dma_start3A_3794, %dma_start3A_3795] : memref<2x1x128xf32, #tpu.memory_space<vmem>> -> memref<1x1x128xf32, #tpu.memory_space<vmem>>
        %dma_start3A_3797 = tpu.memref_squeeze %dma_start3A_3796 : memref<1x1x128xf32, #tpu.memory_space<vmem>> -> memref<1x128xf32, #tpu.memory_space<vmem>>
        %dma_start3A_3798 = arith.constant 128 : i32
        %dma_start3A_3799 = tpu.memref_slice %arg2[%dma_start3A_3798, %add3A_3779] : memref<129x16384xf32, #tpu.memory_space<hbm>> -> memref<1x128xf32, #tpu.memory_space<hbm>>
        %dma_start3A_3800 = arith.constant 0 : i32
        %dma_start3A_3801 = arith.constant 0 : i32
        %dma_start3A_3802 = tpu.memref_slice %arg5[%dma_start3A_3793, %dma_start3A_3800, %dma_start3A_3801] : memref<2x1x128xf32, #tpu.memory_space<vmem>> -> memref<1x1x128xf32, #tpu.memory_space<vmem>>
        %dma_start3A_3803 = tpu.memref_squeeze %dma_start3A_3802 : memref<1x1x128xf32, #tpu.memory_space<vmem>> -> memref<1x128xf32, #tpu.memory_space<vmem>>
        %dma_start3A_3804 = arith.constant 128 : i32
        %dma_start3A_3805 = tpu.memref_slice %arg2[%dma_start3A_3804, %add3A_3779] : memref<129x16384xf32, #tpu.memory_space<hbm>> -> memref<1x128xf32, #tpu.memory_space<hbm>>
        tpu.enqueue_dma source(%dma_start3A_3805 : memref<1x128xf32, #tpu.memory_space<hbm>>) target(%dma_start3A_3803 : memref<1x128xf32, #tpu.memory_space<vmem>>) target_semaphore(%arg11 : memref<!tpu.dma_semaphore, #tpu.memory_space<semaphore_mem>>)
      } else {
      }
      %dma_wait3A_620 = arith.constant 0 : i32
      %dma_wait3A_621 = arith.constant 0 : i32
      %dma_wait3A_622 = arith.constant 0 : i32
      %dma_wait3A_623 = tpu.memref_slice %arg6[%dma_wait3A_620, %dma_wait3A_621, %dma_wait3A_622] : memref<2x128x128xf32, #tpu.memory_space<vmem>> -> memref<1x128x128xf32, #tpu.memory_space<vmem>>
      %dma_wait3A_624 = tpu.memref_squeeze %dma_wait3A_623 : memref<1x128x128xf32, #tpu.memory_space<vmem>> -> memref<128x128xf32, #tpu.memory_space<vmem>>
      %dma_wait3A_625 = arith.constant 0 : i32
      %dma_wait3A_626 = tpu.memref_slice %arg3[%dma_wait3A_625, %add3A_132] : memref<1128x16384xf32, #tpu.memory_space<hbm>> -> memref<128x128xf32, #tpu.memory_space<hbm>>
      %dma_wait3A_627 = arith.constant 0 : i32
      %dma_wait3A_628 = tpu.memref_slice %arg3[%dma_wait3A_627, %add3A_132] : memref<1128x16384xf32, #tpu.memory_space<hbm>> -> memref<128x128xf32, #tpu.memory_space<hbm>>
      %dma_wait3A_629 = arith.constant 0 : i32
      %dma_wait3A_630 = arith.constant 0 : i32
      %dma_wait3A_631 = tpu.memref_slice %arg6[%dma_wait3A_620, %dma_wait3A_629, %dma_wait3A_630] : memref<2x128x128xf32, #tpu.memory_space<vmem>> -> memref<1x128x128xf32, #tpu.memory_space<vmem>>
      %dma_wait3A_632 = tpu.memref_squeeze %dma_wait3A_631 : memref<1x128x128xf32, #tpu.memory_space<vmem>> -> memref<128x128xf32, #tpu.memory_space<vmem>>
      tpu.wait_dma2 semaphore(%arg8 : memref<!tpu.dma_semaphore, #tpu.memory_space<semaphore_mem>>) src(%dma_wait3A_632 : memref<128x128xf32, #tpu.memory_space<vmem>>) dst(%dma_wait3A_628 : memref<128x128xf32, #tpu.memory_space<hbm>>)
      %iota3A_633 = tpu.iota {dimensions = array<i32: 0>} : vector<16xi32>
      %add3A_634 = arith.constant 0 : i32
      %add3A_635 = vector.broadcast %add3A_634 : i32 to vector<16xi32>
      %add3A_636 = arith.addi %iota3A_633, %add3A_635 : vector<16xi32>
      %eq3A_637 = arith.constant 0 : i32
      %eq3A_638 = vector.broadcast %eq3A_637 : i32 to vector<16xi32>
      %eq3A_639 = arith.cmpi eq, %shift_right_logical3A_171, %eq3A_638 : vector<16xi32>
      %scatter3A_640 = arith.constant 0 : i32
      %scatter3A_641 = arith.constant 0 : i32
      %scatter3A_642 = arith.constant 0 : i32
      %scatter3A_643 = tpu.memref_slice %arg6[%scatter3A_640, %scatter3A_641, %scatter3A_642] : memref<2x128x128xf32, #tpu.memory_space<vmem>> -> memref<1x128x128xf32, #tpu.memory_space<vmem>>
      %scatter3A_644 = tpu.memref_squeeze %scatter3A_643 : memref<1x128x128xf32, #tpu.memory_space<vmem>> -> memref<128x128xf32, #tpu.memory_space<vmem>>
      tpu.vector_store_idx %scatter3A_644[%and3A_173, %add3A_636], %broadcast_in_dim3A_1 masked %eq3A_639 : memref<128x128xf32, #tpu.memory_space<vmem>>[vector<16xi32>, vector<16xi32>], vector<16xf32>, vector<16xi1>
      %iota3A_645 = tpu.iota {dimensions = array<i32: 0>} : vector<16xi32>
      %add3A_646 = arith.constant 16 : i32
      %add3A_647 = vector.broadcast %add3A_646 : i32 to vector<16xi32>
      %add3A_648 = arith.addi %iota3A_645, %add3A_647 : vector<16xi32>
      %eq3A_649 = arith.constant 0 : i32
      %eq3A_650 = vector.broadcast %eq3A_649 : i32 to vector<16xi32>
      %eq3A_651 = arith.cmpi eq, %shift_right_logical3A_186, %eq3A_650 : vector<16xi32>
      %scatter3A_652 = arith.constant 0 : i32
      %scatter3A_653 = arith.constant 0 : i32
      %scatter3A_654 = arith.constant 0 : i32
      %scatter3A_655 = tpu.memref_slice %arg6[%scatter3A_652, %scatter3A_653, %scatter3A_654] : memref<2x128x128xf32, #tpu.memory_space<vmem>> -> memref<1x128x128xf32, #tpu.memory_space<vmem>>
      %scatter3A_656 = tpu.memref_squeeze %scatter3A_655 : memref<1x128x128xf32, #tpu.memory_space<vmem>> -> memref<128x128xf32, #tpu.memory_space<vmem>>
      tpu.vector_store_idx %scatter3A_656[%and3A_189, %add3A_648], %broadcast_in_dim3A_1 masked %eq3A_651 : memref<128x128xf32, #tpu.memory_space<vmem>>[vector<16xi32>, vector<16xi32>], vector<16xf32>, vector<16xi1>
      %iota3A_657 = tpu.iota {dimensions = array<i32: 0>} : vector<16xi32>
      %add3A_658 = arith.constant 32 : i32
      %add3A_659 = vector.broadcast %add3A_658 : i32 to vector<16xi32>
      %add3A_660 = arith.addi %iota3A_657, %add3A_659 : vector<16xi32>
      %eq3A_661 = arith.constant 0 : i32
      %eq3A_662 = vector.broadcast %eq3A_661 : i32 to vector<16xi32>
      %eq3A_663 = arith.cmpi eq, %shift_right_logical3A_202, %eq3A_662 : vector<16xi32>
      %scatter3A_664 = arith.constant 0 : i32
      %scatter3A_665 = arith.constant 0 : i32
      %scatter3A_666 = arith.constant 0 : i32
      %scatter3A_667 = tpu.memref_slice %arg6[%scatter3A_664, %scatter3A_665, %scatter3A_666] : memref<2x128x128xf32, #tpu.memory_space<vmem>> -> memref<1x128x128xf32, #tpu.memory_space<vmem>>
      %scatter3A_668 = tpu.memref_squeeze %scatter3A_667 : memref<1x128x128xf32, #tpu.memory_space<vmem>> -> memref<128x128xf32, #tpu.memory_space<vmem>>
      tpu.vector_store_idx %scatter3A_668[%and3A_205, %add3A_660], %broadcast_in_dim3A_1 masked %eq3A_663 : memref<128x128xf32, #tpu.memory_space<vmem>>[vector<16xi32>, vector<16xi32>], vector<16xf32>, vector<16xi1>
      %iota3A_669 = tpu.iota {dimensions = array<i32: 0>} : vector<16xi32>
      %add3A_670 = arith.constant 48 : i32
      %add3A_671 = vector.broadcast %add3A_670 : i32 to vector<16xi32>
      %add3A_672 = arith.addi %iota3A_669, %add3A_671 : vector<16xi32>
      %eq3A_673 = arith.constant 0 : i32
      %eq3A_674 = vector.broadcast %eq3A_673 : i32 to vector<16xi32>
      %eq3A_675 = arith.cmpi eq, %shift_right_logical3A_218, %eq3A_674 : vector<16xi32>
      %scatter3A_676 = arith.constant 0 : i32
      %scatter3A_677 = arith.constant 0 : i32
      %scatter3A_678 = arith.constant 0 : i32
      %scatter3A_679 = tpu.memref_slice %arg6[%scatter3A_676, %scatter3A_677, %scatter3A_678] : memref<2x128x128xf32, #tpu.memory_space<vmem>> -> memref<1x128x128xf32, #tpu.memory_space<vmem>>
      %scatter3A_680 = tpu.memref_squeeze %scatter3A_679 : memref<1x128x128xf32, #tpu.memory_space<vmem>> -> memref<128x128xf32, #tpu.memory_space<vmem>>
      tpu.vector_store_idx %scatter3A_680[%and3A_221, %add3A_672], %broadcast_in_dim3A_1 masked %eq3A_675 : memref<128x128xf32, #tpu.memory_space<vmem>>[vector<16xi32>, vector<16xi32>], vector<16xf32>, vector<16xi1>
      %iota3A_681 = tpu.iota {dimensions = array<i32: 0>} : vector<16xi32>
      %add3A_682 = arith.constant 64 : i32
      %add3A_683 = vector.broadcast %add3A_682 : i32 to vector<16xi32>
      %add3A_684 = arith.addi %iota3A_681, %add3A_683 : vector<16xi32>
      %eq3A_685 = arith.constant 0 : i32
      %eq3A_686 = vector.broadcast %eq3A_685 : i32 to vector<16xi32>
      %eq3A_687 = arith.cmpi eq, %shift_right_logical3A_234, %eq3A_686 : vector<16xi32>
      %scatter3A_688 = arith.constant 0 : i32
      %scatter3A_689 = arith.constant 0 : i32
      %scatter3A_690 = arith.constant 0 : i32
      %scatter3A_691 = tpu.memref_slice %arg6[%scatter3A_688, %scatter3A_689, %scatter3A_690] : memref<2x128x128xf32, #tpu.memory_space<vmem>> -> memref<1x128x128xf32, #tpu.memory_space<vmem>>
      %scatter3A_692 = tpu.memref_squeeze %scatter3A_691 : memref<1x128x128xf32, #tpu.memory_space<vmem>> -> memref<128x128xf32, #tpu.memory_space<vmem>>
      tpu.vector_store_idx %scatter3A_692[%and3A_237, %add3A_684], %broadcast_in_dim3A_1 masked %eq3A_687 : memref<128x128xf32, #tpu.memory_space<vmem>>[vector<16xi32>, vector<16xi32>], vector<16xf32>, vector<16xi1>
      %iota3A_693 = tpu.iota {dimensions = array<i32: 0>} : vector<16xi32>
      %add3A_694 = arith.constant 80 : i32
      %add3A_695 = vector.broadcast %add3A_694 : i32 to vector<16xi32>
      %add3A_696 = arith.addi %iota3A_693, %add3A_695 : vector<16xi32>
      %eq3A_697 = arith.constant 0 : i32
      %eq3A_698 = vector.broadcast %eq3A_697 : i32 to vector<16xi32>
      %eq3A_699 = arith.cmpi eq, %shift_right_logical3A_250, %eq3A_698 : vector<16xi32>
      %scatter3A_700 = arith.constant 0 : i32
      %scatter3A_701 = arith.constant 0 : i32
      %scatter3A_702 = arith.constant 0 : i32
      %scatter3A_703 = tpu.memref_slice %arg6[%scatter3A_700, %scatter3A_701, %scatter3A_702] : memref<2x128x128xf32, #tpu.memory_space<vmem>> -> memref<1x128x128xf32, #tpu.memory_space<vmem>>
      %scatter3A_704 = tpu.memref_squeeze %scatter3A_703 : memref<1x128x128xf32, #tpu.memory_space<vmem>> -> memref<128x128xf32, #tpu.memory_space<vmem>>
      tpu.vector_store_idx %scatter3A_704[%and3A_253, %add3A_696], %broadcast_in_dim3A_1 masked %eq3A_699 : memref<128x128xf32, #tpu.memory_space<vmem>>[vector<16xi32>, vector<16xi32>], vector<16xf32>, vector<16xi1>
      %iota3A_705 = tpu.iota {dimensions = array<i32: 0>} : vector<16xi32>
      %add3A_706 = arith.constant 96 : i32
      %add3A_707 = vector.broadcast %add3A_706 : i32 to vector<16xi32>
      %add3A_708 = arith.addi %iota3A_705, %add3A_707 : vector<16xi32>
      %eq3A_709 = arith.constant 0 : i32
      %eq3A_710 = vector.broadcast %eq3A_709 : i32 to vector<16xi32>
      %eq3A_711 = arith.cmpi eq, %shift_right_logical3A_266, %eq3A_710 : vector<16xi32>
      %scatter3A_712 = arith.constant 0 : i32
      %scatter3A_713 = arith.constant 0 : i32
      %scatter3A_714 = arith.constant 0 : i32
      %scatter3A_715 = tpu.memref_slice %arg6[%scatter3A_712, %scatter3A_713, %scatter3A_714] : memref<2x128x128xf32, #tpu.memory_space<vmem>> -> memref<1x128x128xf32, #tpu.memory_space<vmem>>
      %scatter3A_716 = tpu.memref_squeeze %scatter3A_715 : memref<1x128x128xf32, #tpu.memory_space<vmem>> -> memref<128x128xf32, #tpu.memory_space<vmem>>
      tpu.vector_store_idx %scatter3A_716[%and3A_269, %add3A_708], %broadcast_in_dim3A_1 masked %eq3A_711 : memref<128x128xf32, #tpu.memory_space<vmem>>[vector<16xi32>, vector<16xi32>], vector<16xf32>, vector<16xi1>
      %iota3A_717 = tpu.iota {dimensions = array<i32: 0>} : vector<16xi32>
      %add3A_718 = arith.constant 112 : i32
      %add3A_719 = vector.broadcast %add3A_718 : i32 to vector<16xi32>
      %add3A_720 = arith.addi %iota3A_717, %add3A_719 : vector<16xi32>
      %eq3A_721 = arith.constant 0 : i32
      %eq3A_722 = vector.broadcast %eq3A_721 : i32 to vector<16xi32>
      %eq3A_723 = arith.cmpi eq, %shift_right_logical3A_282, %eq3A_722 : vector<16xi32>
      %scatter3A_724 = arith.constant 0 : i32
      %scatter3A_725 = arith.constant 0 : i32
      %scatter3A_726 = arith.constant 0 : i32
      %scatter3A_727 = tpu.memref_slice %arg6[%scatter3A_724, %scatter3A_725, %scatter3A_726] : memref<2x128x128xf32, #tpu.memory_space<vmem>> -> memref<1x128x128xf32, #tpu.memory_space<vmem>>
      %scatter3A_728 = tpu.memref_squeeze %scatter3A_727 : memref<1x128x128xf32, #tpu.memory_space<vmem>> -> memref<128x128xf32, #tpu.memory_space<vmem>>
      tpu.vector_store_idx %scatter3A_728[%and3A_285, %add3A_720], %broadcast_in_dim3A_1 masked %eq3A_723 : memref<128x128xf32, #tpu.memory_space<vmem>>[vector<16xi32>, vector<16xi32>], vector<16xf32>, vector<16xi1>
      %iota3A_729 = tpu.iota {dimensions = array<i32: 0>} : vector<16xi32>
      %add3A_730 = arith.constant 0 : i32
      %add3A_731 = vector.broadcast %add3A_730 : i32 to vector<16xi32>
      %add3A_732 = arith.addi %iota3A_729, %add3A_731 : vector<16xi32>
      %eq3A_733 = arith.constant 2 : i32
      %eq3A_734 = vector.broadcast %eq3A_733 : i32 to vector<16xi32>
      %eq3A_735 = arith.cmpi eq, %shift_right_logical3A_171, %eq3A_734 : vector<16xi32>
      %scatter3A_736 = arith.constant 0 : i32
      %scatter3A_737 = arith.constant 0 : i32
      %scatter3A_738 = arith.constant 0 : i32
      %scatter3A_739 = tpu.memref_slice %arg6[%scatter3A_736, %scatter3A_737, %scatter3A_738] : memref<2x128x128xf32, #tpu.memory_space<vmem>> -> memref<1x128x128xf32, #tpu.memory_space<vmem>>
      %scatter3A_740 = tpu.memref_squeeze %scatter3A_739 : memref<1x128x128xf32, #tpu.memory_space<vmem>> -> memref<128x128xf32, #tpu.memory_space<vmem>>
      tpu.vector_store_idx %scatter3A_740[%and3A_173, %add3A_732], %broadcast_in_dim3A_3 masked %eq3A_735 : memref<128x128xf32, #tpu.memory_space<vmem>>[vector<16xi32>, vector<16xi32>], vector<16xf32>, vector<16xi1>
      %iota3A_741 = tpu.iota {dimensions = array<i32: 0>} : vector<16xi32>
      %add3A_742 = arith.constant 16 : i32
      %add3A_743 = vector.broadcast %add3A_742 : i32 to vector<16xi32>
      %add3A_744 = arith.addi %iota3A_741, %add3A_743 : vector<16xi32>
      %eq3A_745 = arith.constant 2 : i32
      %eq3A_746 = vector.broadcast %eq3A_745 : i32 to vector<16xi32>
      %eq3A_747 = arith.cmpi eq, %shift_right_logical3A_186, %eq3A_746 : vector<16xi32>
      %scatter3A_748 = arith.constant 0 : i32
      %scatter3A_749 = arith.constant 0 : i32
      %scatter3A_750 = arith.constant 0 : i32
      %scatter3A_751 = tpu.memref_slice %arg6[%scatter3A_748, %scatter3A_749, %scatter3A_750] : memref<2x128x128xf32, #tpu.memory_space<vmem>> -> memref<1x128x128xf32, #tpu.memory_space<vmem>>
      %scatter3A_752 = tpu.memref_squeeze %scatter3A_751 : memref<1x128x128xf32, #tpu.memory_space<vmem>> -> memref<128x128xf32, #tpu.memory_space<vmem>>
      tpu.vector_store_idx %scatter3A_752[%and3A_189, %add3A_744], %broadcast_in_dim3A_3 masked %eq3A_747 : memref<128x128xf32, #tpu.memory_space<vmem>>[vector<16xi32>, vector<16xi32>], vector<16xf32>, vector<16xi1>
      %iota3A_753 = tpu.iota {dimensions = array<i32: 0>} : vector<16xi32>
      %add3A_754 = arith.constant 32 : i32
      %add3A_755 = vector.broadcast %add3A_754 : i32 to vector<16xi32>
      %add3A_756 = arith.addi %iota3A_753, %add3A_755 : vector<16xi32>
      %eq3A_757 = arith.constant 2 : i32
      %eq3A_758 = vector.broadcast %eq3A_757 : i32 to vector<16xi32>
      %eq3A_759 = arith.cmpi eq, %shift_right_logical3A_202, %eq3A_758 : vector<16xi32>
      %scatter3A_760 = arith.constant 0 : i32
      %scatter3A_761 = arith.constant 0 : i32
      %scatter3A_762 = arith.constant 0 : i32
      %scatter3A_763 = tpu.memref_slice %arg6[%scatter3A_760, %scatter3A_761, %scatter3A_762] : memref<2x128x128xf32, #tpu.memory_space<vmem>> -> memref<1x128x128xf32, #tpu.memory_space<vmem>>
      %scatter3A_764 = tpu.memref_squeeze %scatter3A_763 : memref<1x128x128xf32, #tpu.memory_space<vmem>> -> memref<128x128xf32, #tpu.memory_space<vmem>>
      tpu.vector_store_idx %scatter3A_764[%and3A_205, %add3A_756], %broadcast_in_dim3A_3 masked %eq3A_759 : memref<128x128xf32, #tpu.memory_space<vmem>>[vector<16xi32>, vector<16xi32>], vector<16xf32>, vector<16xi1>
      %iota3A_765 = tpu.iota {dimensions = array<i32: 0>} : vector<16xi32>
      %add3A_766 = arith.constant 48 : i32
      %add3A_767 = vector.broadcast %add3A_766 : i32 to vector<16xi32>
      %add3A_768 = arith.addi %iota3A_765, %add3A_767 : vector<16xi32>
      %eq3A_769 = arith.constant 2 : i32
      %eq3A_770 = vector.broadcast %eq3A_769 : i32 to vector<16xi32>
      %eq3A_771 = arith.cmpi eq, %shift_right_logical3A_218, %eq3A_770 : vector<16xi32>
      %scatter3A_772 = arith.constant 0 : i32
      %scatter3A_773 = arith.constant 0 : i32
      %scatter3A_774 = arith.constant 0 : i32
      %scatter3A_775 = tpu.memref_slice %arg6[%scatter3A_772, %scatter3A_773, %scatter3A_774] : memref<2x128x128xf32, #tpu.memory_space<vmem>> -> memref<1x128x128xf32, #tpu.memory_space<vmem>>
      %scatter3A_776 = tpu.memref_squeeze %scatter3A_775 : memref<1x128x128xf32, #tpu.memory_space<vmem>> -> memref<128x128xf32, #tpu.memory_space<vmem>>
      tpu.vector_store_idx %scatter3A_776[%and3A_221, %add3A_768], %broadcast_in_dim3A_3 masked %eq3A_771 : memref<128x128xf32, #tpu.memory_space<vmem>>[vector<16xi32>, vector<16xi32>], vector<16xf32>, vector<16xi1>
      %iota3A_777 = tpu.iota {dimensions = array<i32: 0>} : vector<16xi32>
      %add3A_778 = arith.constant 64 : i32
      %add3A_779 = vector.broadcast %add3A_778 : i32 to vector<16xi32>
      %add3A_780 = arith.addi %iota3A_777, %add3A_779 : vector<16xi32>
      %eq3A_781 = arith.constant 2 : i32
      %eq3A_782 = vector.broadcast %eq3A_781 : i32 to vector<16xi32>
      %eq3A_783 = arith.cmpi eq, %shift_right_logical3A_234, %eq3A_782 : vector<16xi32>
      %scatter3A_784 = arith.constant 0 : i32
      %scatter3A_785 = arith.constant 0 : i32
      %scatter3A_786 = arith.constant 0 : i32
      %scatter3A_787 = tpu.memref_slice %arg6[%scatter3A_784, %scatter3A_785, %scatter3A_786] : memref<2x128x128xf32, #tpu.memory_space<vmem>> -> memref<1x128x128xf32, #tpu.memory_space<vmem>>
      %scatter3A_788 = tpu.memref_squeeze %scatter3A_787 : memref<1x128x128xf32, #tpu.memory_space<vmem>> -> memref<128x128xf32, #tpu.memory_space<vmem>>
      tpu.vector_store_idx %scatter3A_788[%and3A_237, %add3A_780], %broadcast_in_dim3A_3 masked %eq3A_783 : memref<128x128xf32, #tpu.memory_space<vmem>>[vector<16xi32>, vector<16xi32>], vector<16xf32>, vector<16xi1>
      %iota3A_789 = tpu.iota {dimensions = array<i32: 0>} : vector<16xi32>
      %add3A_790 = arith.constant 80 : i32
      %add3A_791 = vector.broadcast %add3A_790 : i32 to vector<16xi32>
      %add3A_792 = arith.addi %iota3A_789, %add3A_791 : vector<16xi32>
      %eq3A_793 = arith.constant 2 : i32
      %eq3A_794 = vector.broadcast %eq3A_793 : i32 to vector<16xi32>
      %eq3A_795 = arith.cmpi eq, %shift_right_logical3A_250, %eq3A_794 : vector<16xi32>
      %scatter3A_796 = arith.constant 0 : i32
      %scatter3A_797 = arith.constant 0 : i32
      %scatter3A_798 = arith.constant 0 : i32
      %scatter3A_799 = tpu.memref_slice %arg6[%scatter3A_796, %scatter3A_797, %scatter3A_798] : memref<2x128x128xf32, #tpu.memory_space<vmem>> -> memref<1x128x128xf32, #tpu.memory_space<vmem>>
      %scatter3A_800 = tpu.memref_squeeze %scatter3A_799 : memref<1x128x128xf32, #tpu.memory_space<vmem>> -> memref<128x128xf32, #tpu.memory_space<vmem>>
      tpu.vector_store_idx %scatter3A_800[%and3A_253, %add3A_792], %broadcast_in_dim3A_3 masked %eq3A_795 : memref<128x128xf32, #tpu.memory_space<vmem>>[vector<16xi32>, vector<16xi32>], vector<16xf32>, vector<16xi1>
      %iota3A_801 = tpu.iota {dimensions = array<i32: 0>} : vector<16xi32>
      %add3A_802 = arith.constant 96 : i32
      %add3A_803 = vector.broadcast %add3A_802 : i32 to vector<16xi32>
      %add3A_804 = arith.addi %iota3A_801, %add3A_803 : vector<16xi32>
      %eq3A_805 = arith.constant 2 : i32
      %eq3A_806 = vector.broadcast %eq3A_805 : i32 to vector<16xi32>
      %eq3A_807 = arith.cmpi eq, %shift_right_logical3A_266, %eq3A_806 : vector<16xi32>
      %scatter3A_808 = arith.constant 0 : i32
      %scatter3A_809 = arith.constant 0 : i32
      %scatter3A_810 = arith.constant 0 : i32
      %scatter3A_811 = tpu.memref_slice %arg6[%scatter3A_808, %scatter3A_809, %scatter3A_810] : memref<2x128x128xf32, #tpu.memory_space<vmem>> -> memref<1x128x128xf32, #tpu.memory_space<vmem>>
      %scatter3A_812 = tpu.memref_squeeze %scatter3A_811 : memref<1x128x128xf32, #tpu.memory_space<vmem>> -> memref<128x128xf32, #tpu.memory_space<vmem>>
      tpu.vector_store_idx %scatter3A_812[%and3A_269, %add3A_804], %broadcast_in_dim3A_3 masked %eq3A_807 : memref<128x128xf32, #tpu.memory_space<vmem>>[vector<16xi32>, vector<16xi32>], vector<16xf32>, vector<16xi1>
      %iota3A_813 = tpu.iota {dimensions = array<i32: 0>} : vector<16xi32>
      %add3A_814 = arith.constant 112 : i32
      %add3A_815 = vector.broadcast %add3A_814 : i32 to vector<16xi32>
      %add3A_816 = arith.addi %iota3A_813, %add3A_815 : vector<16xi32>
      %eq3A_817 = arith.constant 2 : i32
      %eq3A_818 = vector.broadcast %eq3A_817 : i32 to vector<16xi32>
      %eq3A_819 = arith.cmpi eq, %shift_right_logical3A_282, %eq3A_818 : vector<16xi32>
      %scatter3A_820 = arith.constant 0 : i32
      %scatter3A_821 = arith.constant 0 : i32
      %scatter3A_822 = arith.constant 0 : i32
      %scatter3A_823 = tpu.memref_slice %arg6[%scatter3A_820, %scatter3A_821, %scatter3A_822] : memref<2x128x128xf32, #tpu.memory_space<vmem>> -> memref<1x128x128xf32, #tpu.memory_space<vmem>>
      %scatter3A_824 = tpu.memref_squeeze %scatter3A_823 : memref<1x128x128xf32, #tpu.memory_space<vmem>> -> memref<128x128xf32, #tpu.memory_space<vmem>>
      tpu.vector_store_idx %scatter3A_824[%and3A_285, %add3A_816], %broadcast_in_dim3A_3 masked %eq3A_819 : memref<128x128xf32, #tpu.memory_space<vmem>>[vector<16xi32>, vector<16xi32>], vector<16xf32>, vector<16xi1>
      %dma_start3A_825 = arith.constant 0 : i32
      %dma_start3A_826 = arith.constant 0 : i32
      %dma_start3A_827 = arith.constant 0 : i32
      %dma_start3A_828 = tpu.memref_slice %arg6[%dma_start3A_825, %dma_start3A_826, %dma_start3A_827] : memref<2x128x128xf32, #tpu.memory_space<vmem>> -> memref<1x128x128xf32, #tpu.memory_space<vmem>>
      %dma_start3A_829 = tpu.memref_squeeze %dma_start3A_828 : memref<1x128x128xf32, #tpu.memory_space<vmem>> -> memref<128x128xf32, #tpu.memory_space<vmem>>
      %dma_start3A_830 = arith.constant 256 : i32
      %dma_start3A_831 = tpu.memref_slice %arg3[%dma_start3A_830, %add3A_132] : memref<1128x16384xf32, #tpu.memory_space<hbm>> -> memref<128x128xf32, #tpu.memory_space<hbm>>
      %dma_start3A_832 = arith.constant 256 : i32
      %dma_start3A_833 = tpu.memref_slice %arg3[%dma_start3A_832, %add3A_132] : memref<1128x16384xf32, #tpu.memory_space<hbm>> -> memref<128x128xf32, #tpu.memory_space<hbm>>
      %dma_start3A_834 = arith.constant 0 : i32
      %dma_start3A_835 = arith.constant 0 : i32
      %dma_start3A_836 = tpu.memref_slice %arg6[%dma_start3A_825, %dma_start3A_834, %dma_start3A_835] : memref<2x128x128xf32, #tpu.memory_space<vmem>> -> memref<1x128x128xf32, #tpu.memory_space<vmem>>
      %dma_start3A_837 = tpu.memref_squeeze %dma_start3A_836 : memref<1x128x128xf32, #tpu.memory_space<vmem>> -> memref<128x128xf32, #tpu.memory_space<vmem>>
      tpu.enqueue_dma source(%dma_start3A_837 : memref<128x128xf32, #tpu.memory_space<vmem>>) target(%dma_start3A_833 : memref<128x128xf32, #tpu.memory_space<hbm>>) target_semaphore(%arg8 : memref<!tpu.dma_semaphore, #tpu.memory_space<semaphore_mem>>)
      %dma_wait3A_838 = arith.constant 1 : i32
      %dma_wait3A_839 = arith.constant 0 : i32
      %dma_wait3A_840 = arith.constant 0 : i32
      %dma_wait3A_841 = tpu.memref_slice %arg6[%dma_wait3A_838, %dma_wait3A_839, %dma_wait3A_840] : memref<2x128x128xf32, #tpu.memory_space<vmem>> -> memref<1x128x128xf32, #tpu.memory_space<vmem>>
      %dma_wait3A_842 = tpu.memref_squeeze %dma_wait3A_841 : memref<1x128x128xf32, #tpu.memory_space<vmem>> -> memref<128x128xf32, #tpu.memory_space<vmem>>
      %dma_wait3A_843 = arith.constant 128 : i32
      %dma_wait3A_844 = tpu.memref_slice %arg3[%dma_wait3A_843, %add3A_132] : memref<1128x16384xf32, #tpu.memory_space<hbm>> -> memref<128x128xf32, #tpu.memory_space<hbm>>
      %dma_wait3A_845 = arith.constant 128 : i32
      %dma_wait3A_846 = tpu.memref_slice %arg3[%dma_wait3A_845, %add3A_132] : memref<1128x16384xf32, #tpu.memory_space<hbm>> -> memref<128x128xf32, #tpu.memory_space<hbm>>
      %dma_wait3A_847 = arith.constant 0 : i32
      %dma_wait3A_848 = arith.constant 0 : i32
      %dma_wait3A_849 = tpu.memref_slice %arg6[%dma_wait3A_838, %dma_wait3A_847, %dma_wait3A_848] : memref<2x128x128xf32, #tpu.memory_space<vmem>> -> memref<1x128x128xf32, #tpu.memory_space<vmem>>
      %dma_wait3A_850 = tpu.memref_squeeze %dma_wait3A_849 : memref<1x128x128xf32, #tpu.memory_space<vmem>> -> memref<128x128xf32, #tpu.memory_space<vmem>>
      tpu.wait_dma2 semaphore(%arg9 : memref<!tpu.dma_semaphore, #tpu.memory_space<semaphore_mem>>) src(%dma_wait3A_850 : memref<128x128xf32, #tpu.memory_space<vmem>>) dst(%dma_wait3A_846 : memref<128x128xf32, #tpu.memory_space<hbm>>)
      %iota3A_851 = tpu.iota {dimensions = array<i32: 0>} : vector<16xi32>
      %add3A_852 = arith.constant 0 : i32
      %add3A_853 = vector.broadcast %add3A_852 : i32 to vector<16xi32>
      %add3A_854 = arith.addi %iota3A_851, %add3A_853 : vector<16xi32>
      %eq3A_855 = arith.constant 1 : i32
      %eq3A_856 = vector.broadcast %eq3A_855 : i32 to vector<16xi32>
      %eq3A_857 = arith.cmpi eq, %shift_right_logical3A_171, %eq3A_856 : vector<16xi32>
      %scatter3A_858 = arith.constant 1 : i32
      %scatter3A_859 = arith.constant 0 : i32
      %scatter3A_860 = arith.constant 0 : i32
      %scatter3A_861 = tpu.memref_slice %arg6[%scatter3A_858, %scatter3A_859, %scatter3A_860] : memref<2x128x128xf32, #tpu.memory_space<vmem>> -> memref<1x128x128xf32, #tpu.memory_space<vmem>>
      %scatter3A_862 = tpu.memref_squeeze %scatter3A_861 : memref<1x128x128xf32, #tpu.memory_space<vmem>> -> memref<128x128xf32, #tpu.memory_space<vmem>>
      tpu.vector_store_idx %scatter3A_862[%and3A_173, %add3A_854], %broadcast_in_dim3A_1 masked %eq3A_857 : memref<128x128xf32, #tpu.memory_space<vmem>>[vector<16xi32>, vector<16xi32>], vector<16xf32>, vector<16xi1>
      %iota3A_863 = tpu.iota {dimensions = array<i32: 0>} : vector<16xi32>
      %add3A_864 = arith.constant 16 : i32
      %add3A_865 = vector.broadcast %add3A_864 : i32 to vector<16xi32>
      %add3A_866 = arith.addi %iota3A_863, %add3A_865 : vector<16xi32>
      %eq3A_867 = arith.constant 1 : i32
      %eq3A_868 = vector.broadcast %eq3A_867 : i32 to vector<16xi32>
      %eq3A_869 = arith.cmpi eq, %shift_right_logical3A_186, %eq3A_868 : vector<16xi32>
      %scatter3A_870 = arith.constant 1 : i32
      %scatter3A_871 = arith.constant 0 : i32
      %scatter3A_872 = arith.constant 0 : i32
      %scatter3A_873 = tpu.memref_slice %arg6[%scatter3A_870, %scatter3A_871, %scatter3A_872] : memref<2x128x128xf32, #tpu.memory_space<vmem>> -> memref<1x128x128xf32, #tpu.memory_space<vmem>>
      %scatter3A_874 = tpu.memref_squeeze %scatter3A_873 : memref<1x128x128xf32, #tpu.memory_space<vmem>> -> memref<128x128xf32, #tpu.memory_space<vmem>>
      tpu.vector_store_idx %scatter3A_874[%and3A_189, %add3A_866], %broadcast_in_dim3A_1 masked %eq3A_869 : memref<128x128xf32, #tpu.memory_space<vmem>>[vector<16xi32>, vector<16xi32>], vector<16xf32>, vector<16xi1>
      %iota3A_875 = tpu.iota {dimensions = array<i32: 0>} : vector<16xi32>
      %add3A_876 = arith.constant 32 : i32
      %add3A_877 = vector.broadcast %add3A_876 : i32 to vector<16xi32>
      %add3A_878 = arith.addi %iota3A_875, %add3A_877 : vector<16xi32>
      %eq3A_879 = arith.constant 1 : i32
      %eq3A_880 = vector.broadcast %eq3A_879 : i32 to vector<16xi32>
      %eq3A_881 = arith.cmpi eq, %shift_right_logical3A_202, %eq3A_880 : vector<16xi32>
      %scatter3A_882 = arith.constant 1 : i32
      %scatter3A_883 = arith.constant 0 : i32
      %scatter3A_884 = arith.constant 0 : i32
      %scatter3A_885 = tpu.memref_slice %arg6[%scatter3A_882, %scatter3A_883, %scatter3A_884] : memref<2x128x128xf32, #tpu.memory_space<vmem>> -> memref<1x128x128xf32, #tpu.memory_space<vmem>>
      %scatter3A_886 = tpu.memref_squeeze %scatter3A_885 : memref<1x128x128xf32, #tpu.memory_space<vmem>> -> memref<128x128xf32, #tpu.memory_space<vmem>>
      tpu.vector_store_idx %scatter3A_886[%and3A_205, %add3A_878], %broadcast_in_dim3A_1 masked %eq3A_881 : memref<128x128xf32, #tpu.memory_space<vmem>>[vector<16xi32>, vector<16xi32>], vector<16xf32>, vector<16xi1>
      %iota3A_887 = tpu.iota {dimensions = array<i32: 0>} : vector<16xi32>
      %add3A_888 = arith.constant 48 : i32
      %add3A_889 = vector.broadcast %add3A_888 : i32 to vector<16xi32>
      %add3A_890 = arith.addi %iota3A_887, %add3A_889 : vector<16xi32>
      %eq3A_891 = arith.constant 1 : i32
      %eq3A_892 = vector.broadcast %eq3A_891 : i32 to vector<16xi32>
      %eq3A_893 = arith.cmpi eq, %shift_right_logical3A_218, %eq3A_892 : vector<16xi32>
      %scatter3A_894 = arith.constant 1 : i32
      %scatter3A_895 = arith.constant 0 : i32
      %scatter3A_896 = arith.constant 0 : i32
      %scatter3A_897 = tpu.memref_slice %arg6[%scatter3A_894, %scatter3A_895, %scatter3A_896] : memref<2x128x128xf32, #tpu.memory_space<vmem>> -> memref<1x128x128xf32, #tpu.memory_space<vmem>>
      %scatter3A_898 = tpu.memref_squeeze %scatter3A_897 : memref<1x128x128xf32, #tpu.memory_space<vmem>> -> memref<128x128xf32, #tpu.memory_space<vmem>>
      tpu.vector_store_idx %scatter3A_898[%and3A_221, %add3A_890], %broadcast_in_dim3A_1 masked %eq3A_893 : memref<128x128xf32, #tpu.memory_space<vmem>>[vector<16xi32>, vector<16xi32>], vector<16xf32>, vector<16xi1>
      %iota3A_899 = tpu.iota {dimensions = array<i32: 0>} : vector<16xi32>
      %add3A_900 = arith.constant 64 : i32
      %add3A_901 = vector.broadcast %add3A_900 : i32 to vector<16xi32>
      %add3A_902 = arith.addi %iota3A_899, %add3A_901 : vector<16xi32>
      %eq3A_903 = arith.constant 1 : i32
      %eq3A_904 = vector.broadcast %eq3A_903 : i32 to vector<16xi32>
      %eq3A_905 = arith.cmpi eq, %shift_right_logical3A_234, %eq3A_904 : vector<16xi32>
      %scatter3A_906 = arith.constant 1 : i32
      %scatter3A_907 = arith.constant 0 : i32
      %scatter3A_908 = arith.constant 0 : i32
      %scatter3A_909 = tpu.memref_slice %arg6[%scatter3A_906, %scatter3A_907, %scatter3A_908] : memref<2x128x128xf32, #tpu.memory_space<vmem>> -> memref<1x128x128xf32, #tpu.memory_space<vmem>>
      %scatter3A_910 = tpu.memref_squeeze %scatter3A_909 : memref<1x128x128xf32, #tpu.memory_space<vmem>> -> memref<128x128xf32, #tpu.memory_space<vmem>>
      tpu.vector_store_idx %scatter3A_910[%and3A_237, %add3A_902], %broadcast_in_dim3A_1 masked %eq3A_905 : memref<128x128xf32, #tpu.memory_space<vmem>>[vector<16xi32>, vector<16xi32>], vector<16xf32>, vector<16xi1>
      %iota3A_911 = tpu.iota {dimensions = array<i32: 0>} : vector<16xi32>
      %add3A_912 = arith.constant 80 : i32
      %add3A_913 = vector.broadcast %add3A_912 : i32 to vector<16xi32>
      %add3A_914 = arith.addi %iota3A_911, %add3A_913 : vector<16xi32>
      %eq3A_915 = arith.constant 1 : i32
      %eq3A_916 = vector.broadcast %eq3A_915 : i32 to vector<16xi32>
      %eq3A_917 = arith.cmpi eq, %shift_right_logical3A_250, %eq3A_916 : vector<16xi32>
      %scatter3A_918 = arith.constant 1 : i32
      %scatter3A_919 = arith.constant 0 : i32
      %scatter3A_920 = arith.constant 0 : i32
      %scatter3A_921 = tpu.memref_slice %arg6[%scatter3A_918, %scatter3A_919, %scatter3A_920] : memref<2x128x128xf32, #tpu.memory_space<vmem>> -> memref<1x128x128xf32, #tpu.memory_space<vmem>>
      %scatter3A_922 = tpu.memref_squeeze %scatter3A_921 : memref<1x128x128xf32, #tpu.memory_space<vmem>> -> memref<128x128xf32, #tpu.memory_space<vmem>>
      tpu.vector_store_idx %scatter3A_922[%and3A_253, %add3A_914], %broadcast_in_dim3A_1 masked %eq3A_917 : memref<128x128xf32, #tpu.memory_space<vmem>>[vector<16xi32>, vector<16xi32>], vector<16xf32>, vector<16xi1>
      %iota3A_923 = tpu.iota {dimensions = array<i32: 0>} : vector<16xi32>
      %add3A_924 = arith.constant 96 : i32
      %add3A_925 = vector.broadcast %add3A_924 : i32 to vector<16xi32>
      %add3A_926 = arith.addi %iota3A_923, %add3A_925 : vector<16xi32>
      %eq3A_927 = arith.constant 1 : i32
      %eq3A_928 = vector.broadcast %eq3A_927 : i32 to vector<16xi32>
      %eq3A_929 = arith.cmpi eq, %shift_right_logical3A_266, %eq3A_928 : vector<16xi32>
      %scatter3A_930 = arith.constant 1 : i32
      %scatter3A_931 = arith.constant 0 : i32
      %scatter3A_932 = arith.constant 0 : i32
      %scatter3A_933 = tpu.memref_slice %arg6[%scatter3A_930, %scatter3A_931, %scatter3A_932] : memref<2x128x128xf32, #tpu.memory_space<vmem>> -> memref<1x128x128xf32, #tpu.memory_space<vmem>>
      %scatter3A_934 = tpu.memref_squeeze %scatter3A_933 : memref<1x128x128xf32, #tpu.memory_space<vmem>> -> memref<128x128xf32, #tpu.memory_space<vmem>>
      tpu.vector_store_idx %scatter3A_934[%and3A_269, %add3A_926], %broadcast_in_dim3A_1 masked %eq3A_929 : memref<128x128xf32, #tpu.memory_space<vmem>>[vector<16xi32>, vector<16xi32>], vector<16xf32>, vector<16xi1>
      %iota3A_935 = tpu.iota {dimensions = array<i32: 0>} : vector<16xi32>
      %add3A_936 = arith.constant 112 : i32
      %add3A_937 = vector.broadcast %add3A_936 : i32 to vector<16xi32>
      %add3A_938 = arith.addi %iota3A_935, %add3A_937 : vector<16xi32>
      %eq3A_939 = arith.constant 1 : i32
      %eq3A_940 = vector.broadcast %eq3A_939 : i32 to vector<16xi32>
      %eq3A_941 = arith.cmpi eq, %shift_right_logical3A_282, %eq3A_940 : vector<16xi32>
      %scatter3A_942 = arith.constant 1 : i32
      %scatter3A_943 = arith.constant 0 : i32
      %scatter3A_944 = arith.constant 0 : i32
      %scatter3A_945 = tpu.memref_slice %arg6[%scatter3A_942, %scatter3A_943, %scatter3A_944] : memref<2x128x128xf32, #tpu.memory_space<vmem>> -> memref<1x128x128xf32, #tpu.memory_space<vmem>>
      %scatter3A_946 = tpu.memref_squeeze %scatter3A_945 : memref<1x128x128xf32, #tpu.memory_space<vmem>> -> memref<128x128xf32, #tpu.memory_space<vmem>>
      tpu.vector_store_idx %scatter3A_946[%and3A_285, %add3A_938], %broadcast_in_dim3A_1 masked %eq3A_941 : memref<128x128xf32, #tpu.memory_space<vmem>>[vector<16xi32>, vector<16xi32>], vector<16xf32>, vector<16xi1>
      %iota3A_947 = tpu.iota {dimensions = array<i32: 0>} : vector<16xi32>
      %add3A_948 = arith.constant 0 : i32
      %add3A_949 = vector.broadcast %add3A_948 : i32 to vector<16xi32>
      %add3A_950 = arith.addi %iota3A_947, %add3A_949 : vector<16xi32>
      %eq3A_951 = arith.constant 3 : i32
      %eq3A_952 = vector.broadcast %eq3A_951 : i32 to vector<16xi32>
      %eq3A_953 = arith.cmpi eq, %shift_right_logical3A_171, %eq3A_952 : vector<16xi32>
      %scatter3A_954 = arith.constant 1 : i32
      %scatter3A_955 = arith.constant 0 : i32
      %scatter3A_956 = arith.constant 0 : i32
      %scatter3A_957 = tpu.memref_slice %arg6[%scatter3A_954, %scatter3A_955, %scatter3A_956] : memref<2x128x128xf32, #tpu.memory_space<vmem>> -> memref<1x128x128xf32, #tpu.memory_space<vmem>>
      %scatter3A_958 = tpu.memref_squeeze %scatter3A_957 : memref<1x128x128xf32, #tpu.memory_space<vmem>> -> memref<128x128xf32, #tpu.memory_space<vmem>>
      tpu.vector_store_idx %scatter3A_958[%and3A_173, %add3A_950], %broadcast_in_dim3A_3 masked %eq3A_953 : memref<128x128xf32, #tpu.memory_space<vmem>>[vector<16xi32>, vector<16xi32>], vector<16xf32>, vector<16xi1>
      %iota3A_959 = tpu.iota {dimensions = array<i32: 0>} : vector<16xi32>
      %add3A_960 = arith.constant 16 : i32
      %add3A_961 = vector.broadcast %add3A_960 : i32 to vector<16xi32>
      %add3A_962 = arith.addi %iota3A_959, %add3A_961 : vector<16xi32>
      %eq3A_963 = arith.constant 3 : i32
      %eq3A_964 = vector.broadcast %eq3A_963 : i32 to vector<16xi32>
      %eq3A_965 = arith.cmpi eq, %shift_right_logical3A_186, %eq3A_964 : vector<16xi32>
      %scatter3A_966 = arith.constant 1 : i32
      %scatter3A_967 = arith.constant 0 : i32
      %scatter3A_968 = arith.constant 0 : i32
      %scatter3A_969 = tpu.memref_slice %arg6[%scatter3A_966, %scatter3A_967, %scatter3A_968] : memref<2x128x128xf32, #tpu.memory_space<vmem>> -> memref<1x128x128xf32, #tpu.memory_space<vmem>>
      %scatter3A_970 = tpu.memref_squeeze %scatter3A_969 : memref<1x128x128xf32, #tpu.memory_space<vmem>> -> memref<128x128xf32, #tpu.memory_space<vmem>>
      tpu.vector_store_idx %scatter3A_970[%and3A_189, %add3A_962], %broadcast_in_dim3A_3 masked %eq3A_965 : memref<128x128xf32, #tpu.memory_space<vmem>>[vector<16xi32>, vector<16xi32>], vector<16xf32>, vector<16xi1>
      %iota3A_971 = tpu.iota {dimensions = array<i32: 0>} : vector<16xi32>
      %add3A_972 = arith.constant 32 : i32
      %add3A_973 = vector.broadcast %add3A_972 : i32 to vector<16xi32>
      %add3A_974 = arith.addi %iota3A_971, %add3A_973 : vector<16xi32>
      %eq3A_975 = arith.constant 3 : i32
      %eq3A_976 = vector.broadcast %eq3A_975 : i32 to vector<16xi32>
      %eq3A_977 = arith.cmpi eq, %shift_right_logical3A_202, %eq3A_976 : vector<16xi32>
      %scatter3A_978 = arith.constant 1 : i32
      %scatter3A_979 = arith.constant 0 : i32
      %scatter3A_980 = arith.constant 0 : i32
      %scatter3A_981 = tpu.memref_slice %arg6[%scatter3A_978, %scatter3A_979, %scatter3A_980] : memref<2x128x128xf32, #tpu.memory_space<vmem>> -> memref<1x128x128xf32, #tpu.memory_space<vmem>>
      %scatter3A_982 = tpu.memref_squeeze %scatter3A_981 : memref<1x128x128xf32, #tpu.memory_space<vmem>> -> memref<128x128xf32, #tpu.memory_space<vmem>>
      tpu.vector_store_idx %scatter3A_982[%and3A_205, %add3A_974], %broadcast_in_dim3A_3 masked %eq3A_977 : memref<128x128xf32, #tpu.memory_space<vmem>>[vector<16xi32>, vector<16xi32>], vector<16xf32>, vector<16xi1>
      %iota3A_983 = tpu.iota {dimensions = array<i32: 0>} : vector<16xi32>
      %add3A_984 = arith.constant 48 : i32
      %add3A_985 = vector.broadcast %add3A_984 : i32 to vector<16xi32>
      %add3A_986 = arith.addi %iota3A_983, %add3A_985 : vector<16xi32>
      %eq3A_987 = arith.constant 3 : i32
      %eq3A_988 = vector.broadcast %eq3A_987 : i32 to vector<16xi32>
      %eq3A_989 = arith.cmpi eq, %shift_right_logical3A_218, %eq3A_988 : vector<16xi32>
      %scatter3A_990 = arith.constant 1 : i32
      %scatter3A_991 = arith.constant 0 : i32
      %scatter3A_992 = arith.constant 0 : i32
      %scatter3A_993 = tpu.memref_slice %arg6[%scatter3A_990, %scatter3A_991, %scatter3A_992] : memref<2x128x128xf32, #tpu.memory_space<vmem>> -> memref<1x128x128xf32, #tpu.memory_space<vmem>>
      %scatter3A_994 = tpu.memref_squeeze %scatter3A_993 : memref<1x128x128xf32, #tpu.memory_space<vmem>> -> memref<128x128xf32, #tpu.memory_space<vmem>>
      tpu.vector_store_idx %scatter3A_994[%and3A_221, %add3A_986], %broadcast_in_dim3A_3 masked %eq3A_989 : memref<128x128xf32, #tpu.memory_space<vmem>>[vector<16xi32>, vector<16xi32>], vector<16xf32>, vector<16xi1>
      %iota3A_995 = tpu.iota {dimensions = array<i32: 0>} : vector<16xi32>
      %add3A_996 = arith.constant 64 : i32
      %add3A_997 = vector.broadcast %add3A_996 : i32 to vector<16xi32>
      %add3A_998 = arith.addi %iota3A_995, %add3A_997 : vector<16xi32>
      %eq3A_999 = arith.constant 3 : i32
      %eq3A_1000 = vector.broadcast %eq3A_999 : i32 to vector<16xi32>
      %eq3A_1001 = arith.cmpi eq, %shift_right_logical3A_234, %eq3A_1000 : vector<16xi32>
      %scatter3A_1002 = arith.constant 1 : i32
      %scatter3A_1003 = arith.constant 0 : i32
      %scatter3A_1004 = arith.constant 0 : i32
      %scatter3A_1005 = tpu.memref_slice %arg6[%scatter3A_1002, %scatter3A_1003, %scatter3A_1004] : memref<2x128x128xf32, #tpu.memory_space<vmem>> -> memref<1x128x128xf32, #tpu.memory_space<vmem>>
      %scatter3A_1006 = tpu.memref_squeeze %scatter3A_1005 : memref<1x128x128xf32, #tpu.memory_space<vmem>> -> memref<128x128xf32, #tpu.memory_space<vmem>>
      tpu.vector_store_idx %scatter3A_1006[%and3A_237, %add3A_998], %broadcast_in_dim3A_3 masked %eq3A_1001 : memref<128x128xf32, #tpu.memory_space<vmem>>[vector<16xi32>, vector<16xi32>], vector<16xf32>, vector<16xi1>
      %iota3A_1007 = tpu.iota {dimensions = array<i32: 0>} : vector<16xi32>
      %add3A_1008 = arith.constant 80 : i32
      %add3A_1009 = vector.broadcast %add3A_1008 : i32 to vector<16xi32>
      %add3A_1010 = arith.addi %iota3A_1007, %add3A_1009 : vector<16xi32>
      %eq3A_1011 = arith.constant 3 : i32
      %eq3A_1012 = vector.broadcast %eq3A_1011 : i32 to vector<16xi32>
      %eq3A_1013 = arith.cmpi eq, %shift_right_logical3A_250, %eq3A_1012 : vector<16xi32>
      %scatter3A_1014 = arith.constant 1 : i32
      %scatter3A_1015 = arith.constant 0 : i32
      %scatter3A_1016 = arith.constant 0 : i32
      %scatter3A_1017 = tpu.memref_slice %arg6[%scatter3A_1014, %scatter3A_1015, %scatter3A_1016] : memref<2x128x128xf32, #tpu.memory_space<vmem>> -> memref<1x128x128xf32, #tpu.memory_space<vmem>>
      %scatter3A_1018 = tpu.memref_squeeze %scatter3A_1017 : memref<1x128x128xf32, #tpu.memory_space<vmem>> -> memref<128x128xf32, #tpu.memory_space<vmem>>
      tpu.vector_store_idx %scatter3A_1018[%and3A_253, %add3A_1010], %broadcast_in_dim3A_3 masked %eq3A_1013 : memref<128x128xf32, #tpu.memory_space<vmem>>[vector<16xi32>, vector<16xi32>], vector<16xf32>, vector<16xi1>
      %iota3A_1019 = tpu.iota {dimensions = array<i32: 0>} : vector<16xi32>
      %add3A_1020 = arith.constant 96 : i32
      %add3A_1021 = vector.broadcast %add3A_1020 : i32 to vector<16xi32>
      %add3A_1022 = arith.addi %iota3A_1019, %add3A_1021 : vector<16xi32>
      %eq3A_1023 = arith.constant 3 : i32
      %eq3A_1024 = vector.broadcast %eq3A_1023 : i32 to vector<16xi32>
      %eq3A_1025 = arith.cmpi eq, %shift_right_logical3A_266, %eq3A_1024 : vector<16xi32>
      %scatter3A_1026 = arith.constant 1 : i32
      %scatter3A_1027 = arith.constant 0 : i32
      %scatter3A_1028 = arith.constant 0 : i32
      %scatter3A_1029 = tpu.memref_slice %arg6[%scatter3A_1026, %scatter3A_1027, %scatter3A_1028] : memref<2x128x128xf32, #tpu.memory_space<vmem>> -> memref<1x128x128xf32, #tpu.memory_space<vmem>>
      %scatter3A_1030 = tpu.memref_squeeze %scatter3A_1029 : memref<1x128x128xf32, #tpu.memory_space<vmem>> -> memref<128x128xf32, #tpu.memory_space<vmem>>
      tpu.vector_store_idx %scatter3A_1030[%and3A_269, %add3A_1022], %broadcast_in_dim3A_3 masked %eq3A_1025 : memref<128x128xf32, #tpu.memory_space<vmem>>[vector<16xi32>, vector<16xi32>], vector<16xf32>, vector<16xi1>
      %iota3A_1031 = tpu.iota {dimensions = array<i32: 0>} : vector<16xi32>
      %add3A_1032 = arith.constant 112 : i32
      %add3A_1033 = vector.broadcast %add3A_1032 : i32 to vector<16xi32>
      %add3A_1034 = arith.addi %iota3A_1031, %add3A_1033 : vector<16xi32>
      %eq3A_1035 = arith.constant 3 : i32
      %eq3A_1036 = vector.broadcast %eq3A_1035 : i32 to vector<16xi32>
      %eq3A_1037 = arith.cmpi eq, %shift_right_logical3A_282, %eq3A_1036 : vector<16xi32>
      %scatter3A_1038 = arith.constant 1 : i32
      %scatter3A_1039 = arith.constant 0 : i32
      %scatter3A_1040 = arith.constant 0 : i32
      %scatter3A_1041 = tpu.memref_slice %arg6[%scatter3A_1038, %scatter3A_1039, %scatter3A_1040] : memref<2x128x128xf32, #tpu.memory_space<vmem>> -> memref<1x128x128xf32, #tpu.memory_space<vmem>>
      %scatter3A_1042 = tpu.memref_squeeze %scatter3A_1041 : memref<1x128x128xf32, #tpu.memory_space<vmem>> -> memref<128x128xf32, #tpu.memory_space<vmem>>
      tpu.vector_store_idx %scatter3A_1042[%and3A_285, %add3A_1034], %broadcast_in_dim3A_3 masked %eq3A_1037 : memref<128x128xf32, #tpu.memory_space<vmem>>[vector<16xi32>, vector<16xi32>], vector<16xf32>, vector<16xi1>
      %dma_start3A_1043 = arith.constant 1 : i32
      %dma_start3A_1044 = arith.constant 0 : i32
      %dma_start3A_1045 = arith.constant 0 : i32
      %dma_start3A_1046 = tpu.memref_slice %arg6[%dma_start3A_1043, %dma_start3A_1044, %dma_start3A_1045] : memref<2x128x128xf32, #tpu.memory_space<vmem>> -> memref<1x128x128xf32, #tpu.memory_space<vmem>>
      %dma_start3A_1047 = tpu.memref_squeeze %dma_start3A_1046 : memref<1x128x128xf32, #tpu.memory_space<vmem>> -> memref<128x128xf32, #tpu.memory_space<vmem>>
      %dma_start3A_1048 = arith.constant 384 : i32
      %dma_start3A_1049 = tpu.memref_slice %arg3[%dma_start3A_1048, %add3A_132] : memref<1128x16384xf32, #tpu.memory_space<hbm>> -> memref<128x128xf32, #tpu.memory_space<hbm>>
      %dma_start3A_1050 = arith.constant 384 : i32
      %dma_start3A_1051 = tpu.memref_slice %arg3[%dma_start3A_1050, %add3A_132] : memref<1128x16384xf32, #tpu.memory_space<hbm>> -> memref<128x128xf32, #tpu.memory_space<hbm>>
      %dma_start3A_1052 = arith.constant 0 : i32
      %dma_start3A_1053 = arith.constant 0 : i32
      %dma_start3A_1054 = tpu.memref_slice %arg6[%dma_start3A_1043, %dma_start3A_1052, %dma_start3A_1053] : memref<2x128x128xf32, #tpu.memory_space<vmem>> -> memref<1x128x128xf32, #tpu.memory_space<vmem>>
      %dma_start3A_1055 = tpu.memref_squeeze %dma_start3A_1054 : memref<1x128x128xf32, #tpu.memory_space<vmem>> -> memref<128x128xf32, #tpu.memory_space<vmem>>
      tpu.enqueue_dma source(%dma_start3A_1055 : memref<128x128xf32, #tpu.memory_space<vmem>>) target(%dma_start3A_1051 : memref<128x128xf32, #tpu.memory_space<hbm>>) target_semaphore(%arg9 : memref<!tpu.dma_semaphore, #tpu.memory_space<semaphore_mem>>)
      %dma_wait3A_1056 = arith.constant 0 : i32
      %dma_wait3A_1057 = arith.constant 0 : i32
      %dma_wait3A_1058 = arith.constant 0 : i32
      %dma_wait3A_1059 = tpu.memref_slice %arg6[%dma_wait3A_1056, %dma_wait3A_1057, %dma_wait3A_1058] : memref<2x128x128xf32, #tpu.memory_space<vmem>> -> memref<1x128x128xf32, #tpu.memory_space<vmem>>
      %dma_wait3A_1060 = tpu.memref_squeeze %dma_wait3A_1059 : memref<1x128x128xf32, #tpu.memory_space<vmem>> -> memref<128x128xf32, #tpu.memory_space<vmem>>
      %dma_wait3A_1061 = arith.constant 256 : i32
      %dma_wait3A_1062 = tpu.memref_slice %arg3[%dma_wait3A_1061, %add3A_132] : memref<1128x16384xf32, #tpu.memory_space<hbm>> -> memref<128x128xf32, #tpu.memory_space<hbm>>
      %dma_wait3A_1063 = arith.constant 256 : i32
      %dma_wait3A_1064 = tpu.memref_slice %arg3[%dma_wait3A_1063, %add3A_132] : memref<1128x16384xf32, #tpu.memory_space<hbm>> -> memref<128x128xf32, #tpu.memory_space<hbm>>
      %dma_wait3A_1065 = arith.constant 0 : i32
      %dma_wait3A_1066 = arith.constant 0 : i32
      %dma_wait3A_1067 = tpu.memref_slice %arg6[%dma_wait3A_1056, %dma_wait3A_1065, %dma_wait3A_1066] : memref<2x128x128xf32, #tpu.memory_space<vmem>> -> memref<1x128x128xf32, #tpu.memory_space<vmem>>
      %dma_wait3A_1068 = tpu.memref_squeeze %dma_wait3A_1067 : memref<1x128x128xf32, #tpu.memory_space<vmem>> -> memref<128x128xf32, #tpu.memory_space<vmem>>
      tpu.wait_dma2 semaphore(%arg8 : memref<!tpu.dma_semaphore, #tpu.memory_space<semaphore_mem>>) src(%dma_wait3A_1068 : memref<128x128xf32, #tpu.memory_space<vmem>>) dst(%dma_wait3A_1064 : memref<128x128xf32, #tpu.memory_space<hbm>>)
      %iota3A_1069 = tpu.iota {dimensions = array<i32: 0>} : vector<16xi32>
      %add3A_1070 = arith.constant 0 : i32
      %add3A_1071 = vector.broadcast %add3A_1070 : i32 to vector<16xi32>
      %add3A_1072 = arith.addi %iota3A_1069, %add3A_1071 : vector<16xi32>
      %eq3A_1073 = arith.constant 2 : i32
      %eq3A_1074 = vector.broadcast %eq3A_1073 : i32 to vector<16xi32>
      %eq3A_1075 = arith.cmpi eq, %shift_right_logical3A_171, %eq3A_1074 : vector<16xi32>
      %scatter3A_1076 = arith.constant 0 : i32
      %scatter3A_1077 = arith.constant 0 : i32
      %scatter3A_1078 = arith.constant 0 : i32
      %scatter3A_1079 = tpu.memref_slice %arg6[%scatter3A_1076, %scatter3A_1077, %scatter3A_1078] : memref<2x128x128xf32, #tpu.memory_space<vmem>> -> memref<1x128x128xf32, #tpu.memory_space<vmem>>
      %scatter3A_1080 = tpu.memref_squeeze %scatter3A_1079 : memref<1x128x128xf32, #tpu.memory_space<vmem>> -> memref<128x128xf32, #tpu.memory_space<vmem>>
      tpu.vector_store_idx %scatter3A_1080[%and3A_173, %add3A_1072], %broadcast_in_dim3A_1 masked %eq3A_1075 : memref<128x128xf32, #tpu.memory_space<vmem>>[vector<16xi32>, vector<16xi32>], vector<16xf32>, vector<16xi1>
      %iota3A_1081 = tpu.iota {dimensions = array<i32: 0>} : vector<16xi32>
      %add3A_1082 = arith.constant 16 : i32
      %add3A_1083 = vector.broadcast %add3A_1082 : i32 to vector<16xi32>
      %add3A_1084 = arith.addi %iota3A_1081, %add3A_1083 : vector<16xi32>
      %eq3A_1085 = arith.constant 2 : i32
      %eq3A_1086 = vector.broadcast %eq3A_1085 : i32 to vector<16xi32>
      %eq3A_1087 = arith.cmpi eq, %shift_right_logical3A_186, %eq3A_1086 : vector<16xi32>
      %scatter3A_1088 = arith.constant 0 : i32
      %scatter3A_1089 = arith.constant 0 : i32
      %scatter3A_1090 = arith.constant 0 : i32
      %scatter3A_1091 = tpu.memref_slice %arg6[%scatter3A_1088, %scatter3A_1089, %scatter3A_1090] : memref<2x128x128xf32, #tpu.memory_space<vmem>> -> memref<1x128x128xf32, #tpu.memory_space<vmem>>
      %scatter3A_1092 = tpu.memref_squeeze %scatter3A_1091 : memref<1x128x128xf32, #tpu.memory_space<vmem>> -> memref<128x128xf32, #tpu.memory_space<vmem>>
      tpu.vector_store_idx %scatter3A_1092[%and3A_189, %add3A_1084], %broadcast_in_dim3A_1 masked %eq3A_1087 : memref<128x128xf32, #tpu.memory_space<vmem>>[vector<16xi32>, vector<16xi32>], vector<16xf32>, vector<16xi1>
      %iota3A_1093 = tpu.iota {dimensions = array<i32: 0>} : vector<16xi32>
      %add3A_1094 = arith.constant 32 : i32
      %add3A_1095 = vector.broadcast %add3A_1094 : i32 to vector<16xi32>
      %add3A_1096 = arith.addi %iota3A_1093, %add3A_1095 : vector<16xi32>
      %eq3A_1097 = arith.constant 2 : i32
      %eq3A_1098 = vector.broadcast %eq3A_1097 : i32 to vector<16xi32>
      %eq3A_1099 = arith.cmpi eq, %shift_right_logical3A_202, %eq3A_1098 : vector<16xi32>
      %scatter3A_1100 = arith.constant 0 : i32
      %scatter3A_1101 = arith.constant 0 : i32
      %scatter3A_1102 = arith.constant 0 : i32
      %scatter3A_1103 = tpu.memref_slice %arg6[%scatter3A_1100, %scatter3A_1101, %scatter3A_1102] : memref<2x128x128xf32, #tpu.memory_space<vmem>> -> memref<1x128x128xf32, #tpu.memory_space<vmem>>
      %scatter3A_1104 = tpu.memref_squeeze %scatter3A_1103 : memref<1x128x128xf32, #tpu.memory_space<vmem>> -> memref<128x128xf32, #tpu.memory_space<vmem>>
      tpu.vector_store_idx %scatter3A_1104[%and3A_205, %add3A_1096], %broadcast_in_dim3A_1 masked %eq3A_1099 : memref<128x128xf32, #tpu.memory_space<vmem>>[vector<16xi32>, vector<16xi32>], vector<16xf32>, vector<16xi1>
      %iota3A_1105 = tpu.iota {dimensions = array<i32: 0>} : vector<16xi32>
      %add3A_1106 = arith.constant 48 : i32
      %add3A_1107 = vector.broadcast %add3A_1106 : i32 to vector<16xi32>
      %add3A_1108 = arith.addi %iota3A_1105, %add3A_1107 : vector<16xi32>
      %eq3A_1109 = arith.constant 2 : i32
      %eq3A_1110 = vector.broadcast %eq3A_1109 : i32 to vector<16xi32>
      %eq3A_1111 = arith.cmpi eq, %shift_right_logical3A_218, %eq3A_1110 : vector<16xi32>
      %scatter3A_1112 = arith.constant 0 : i32
      %scatter3A_1113 = arith.constant 0 : i32
      %scatter3A_1114 = arith.constant 0 : i32
      %scatter3A_1115 = tpu.memref_slice %arg6[%scatter3A_1112, %scatter3A_1113, %scatter3A_1114] : memref<2x128x128xf32, #tpu.memory_space<vmem>> -> memref<1x128x128xf32, #tpu.memory_space<vmem>>
      %scatter3A_1116 = tpu.memref_squeeze %scatter3A_1115 : memref<1x128x128xf32, #tpu.memory_space<vmem>> -> memref<128x128xf32, #tpu.memory_space<vmem>>
      tpu.vector_store_idx %scatter3A_1116[%and3A_221, %add3A_1108], %broadcast_in_dim3A_1 masked %eq3A_1111 : memref<128x128xf32, #tpu.memory_space<vmem>>[vector<16xi32>, vector<16xi32>], vector<16xf32>, vector<16xi1>
      %iota3A_1117 = tpu.iota {dimensions = array<i32: 0>} : vector<16xi32>
      %add3A_1118 = arith.constant 64 : i32
      %add3A_1119 = vector.broadcast %add3A_1118 : i32 to vector<16xi32>
      %add3A_1120 = arith.addi %iota3A_1117, %add3A_1119 : vector<16xi32>
      %eq3A_1121 = arith.constant 2 : i32
      %eq3A_1122 = vector.broadcast %eq3A_1121 : i32 to vector<16xi32>
      %eq3A_1123 = arith.cmpi eq, %shift_right_logical3A_234, %eq3A_1122 : vector<16xi32>
      %scatter3A_1124 = arith.constant 0 : i32
      %scatter3A_1125 = arith.constant 0 : i32
      %scatter3A_1126 = arith.constant 0 : i32
      %scatter3A_1127 = tpu.memref_slice %arg6[%scatter3A_1124, %scatter3A_1125, %scatter3A_1126] : memref<2x128x128xf32, #tpu.memory_space<vmem>> -> memref<1x128x128xf32, #tpu.memory_space<vmem>>
      %scatter3A_1128 = tpu.memref_squeeze %scatter3A_1127 : memref<1x128x128xf32, #tpu.memory_space<vmem>> -> memref<128x128xf32, #tpu.memory_space<vmem>>
      tpu.vector_store_idx %scatter3A_1128[%and3A_237, %add3A_1120], %broadcast_in_dim3A_1 masked %eq3A_1123 : memref<128x128xf32, #tpu.memory_space<vmem>>[vector<16xi32>, vector<16xi32>], vector<16xf32>, vector<16xi1>
      %iota3A_1129 = tpu.iota {dimensions = array<i32: 0>} : vector<16xi32>
      %add3A_1130 = arith.constant 80 : i32
      %add3A_1131 = vector.broadcast %add3A_1130 : i32 to vector<16xi32>
      %add3A_1132 = arith.addi %iota3A_1129, %add3A_1131 : vector<16xi32>
      %eq3A_1133 = arith.constant 2 : i32
      %eq3A_1134 = vector.broadcast %eq3A_1133 : i32 to vector<16xi32>
      %eq3A_1135 = arith.cmpi eq, %shift_right_logical3A_250, %eq3A_1134 : vector<16xi32>
      %scatter3A_1136 = arith.constant 0 : i32
      %scatter3A_1137 = arith.constant 0 : i32
      %scatter3A_1138 = arith.constant 0 : i32
      %scatter3A_1139 = tpu.memref_slice %arg6[%scatter3A_1136, %scatter3A_1137, %scatter3A_1138] : memref<2x128x128xf32, #tpu.memory_space<vmem>> -> memref<1x128x128xf32, #tpu.memory_space<vmem>>
      %scatter3A_1140 = tpu.memref_squeeze %scatter3A_1139 : memref<1x128x128xf32, #tpu.memory_space<vmem>> -> memref<128x128xf32, #tpu.memory_space<vmem>>
      tpu.vector_store_idx %scatter3A_1140[%and3A_253, %add3A_1132], %broadcast_in_dim3A_1 masked %eq3A_1135 : memref<128x128xf32, #tpu.memory_space<vmem>>[vector<16xi32>, vector<16xi32>], vector<16xf32>, vector<16xi1>
      %iota3A_1141 = tpu.iota {dimensions = array<i32: 0>} : vector<16xi32>
      %add3A_1142 = arith.constant 96 : i32
      %add3A_1143 = vector.broadcast %add3A_1142 : i32 to vector<16xi32>
      %add3A_1144 = arith.addi %iota3A_1141, %add3A_1143 : vector<16xi32>
      %eq3A_1145 = arith.constant 2 : i32
      %eq3A_1146 = vector.broadcast %eq3A_1145 : i32 to vector<16xi32>
      %eq3A_1147 = arith.cmpi eq, %shift_right_logical3A_266, %eq3A_1146 : vector<16xi32>
      %scatter3A_1148 = arith.constant 0 : i32
      %scatter3A_1149 = arith.constant 0 : i32
      %scatter3A_1150 = arith.constant 0 : i32
      %scatter3A_1151 = tpu.memref_slice %arg6[%scatter3A_1148, %scatter3A_1149, %scatter3A_1150] : memref<2x128x128xf32, #tpu.memory_space<vmem>> -> memref<1x128x128xf32, #tpu.memory_space<vmem>>
      %scatter3A_1152 = tpu.memref_squeeze %scatter3A_1151 : memref<1x128x128xf32, #tpu.memory_space<vmem>> -> memref<128x128xf32, #tpu.memory_space<vmem>>
      tpu.vector_store_idx %scatter3A_1152[%and3A_269, %add3A_1144], %broadcast_in_dim3A_1 masked %eq3A_1147 : memref<128x128xf32, #tpu.memory_space<vmem>>[vector<16xi32>, vector<16xi32>], vector<16xf32>, vector<16xi1>
      %iota3A_1153 = tpu.iota {dimensions = array<i32: 0>} : vector<16xi32>
      %add3A_1154 = arith.constant 112 : i32
      %add3A_1155 = vector.broadcast %add3A_1154 : i32 to vector<16xi32>
      %add3A_1156 = arith.addi %iota3A_1153, %add3A_1155 : vector<16xi32>
      %eq3A_1157 = arith.constant 2 : i32
      %eq3A_1158 = vector.broadcast %eq3A_1157 : i32 to vector<16xi32>
      %eq3A_1159 = arith.cmpi eq, %shift_right_logical3A_282, %eq3A_1158 : vector<16xi32>
      %scatter3A_1160 = arith.constant 0 : i32
      %scatter3A_1161 = arith.constant 0 : i32
      %scatter3A_1162 = arith.constant 0 : i32
      %scatter3A_1163 = tpu.memref_slice %arg6[%scatter3A_1160, %scatter3A_1161, %scatter3A_1162] : memref<2x128x128xf32, #tpu.memory_space<vmem>> -> memref<1x128x128xf32, #tpu.memory_space<vmem>>
      %scatter3A_1164 = tpu.memref_squeeze %scatter3A_1163 : memref<1x128x128xf32, #tpu.memory_space<vmem>> -> memref<128x128xf32, #tpu.memory_space<vmem>>
      tpu.vector_store_idx %scatter3A_1164[%and3A_285, %add3A_1156], %broadcast_in_dim3A_1 masked %eq3A_1159 : memref<128x128xf32, #tpu.memory_space<vmem>>[vector<16xi32>, vector<16xi32>], vector<16xf32>, vector<16xi1>
      %iota3A_1165 = tpu.iota {dimensions = array<i32: 0>} : vector<16xi32>
      %add3A_1166 = arith.constant 0 : i32
      %add3A_1167 = vector.broadcast %add3A_1166 : i32 to vector<16xi32>
      %add3A_1168 = arith.addi %iota3A_1165, %add3A_1167 : vector<16xi32>
      %eq3A_1169 = arith.constant 4 : i32
      %eq3A_1170 = vector.broadcast %eq3A_1169 : i32 to vector<16xi32>
      %eq3A_1171 = arith.cmpi eq, %shift_right_logical3A_171, %eq3A_1170 : vector<16xi32>
      %scatter3A_1172 = arith.constant 0 : i32
      %scatter3A_1173 = arith.constant 0 : i32
      %scatter3A_1174 = arith.constant 0 : i32
      %scatter3A_1175 = tpu.memref_slice %arg6[%scatter3A_1172, %scatter3A_1173, %scatter3A_1174] : memref<2x128x128xf32, #tpu.memory_space<vmem>> -> memref<1x128x128xf32, #tpu.memory_space<vmem>>
      %scatter3A_1176 = tpu.memref_squeeze %scatter3A_1175 : memref<1x128x128xf32, #tpu.memory_space<vmem>> -> memref<128x128xf32, #tpu.memory_space<vmem>>
      tpu.vector_store_idx %scatter3A_1176[%and3A_173, %add3A_1168], %broadcast_in_dim3A_3 masked %eq3A_1171 : memref<128x128xf32, #tpu.memory_space<vmem>>[vector<16xi32>, vector<16xi32>], vector<16xf32>, vector<16xi1>
      %iota3A_1177 = tpu.iota {dimensions = array<i32: 0>} : vector<16xi32>
      %add3A_1178 = arith.constant 16 : i32
      %add3A_1179 = vector.broadcast %add3A_1178 : i32 to vector<16xi32>
      %add3A_1180 = arith.addi %iota3A_1177, %add3A_1179 : vector<16xi32>
      %eq3A_1181 = arith.constant 4 : i32
      %eq3A_1182 = vector.broadcast %eq3A_1181 : i32 to vector<16xi32>
      %eq3A_1183 = arith.cmpi eq, %shift_right_logical3A_186, %eq3A_1182 : vector<16xi32>
      %scatter3A_1184 = arith.constant 0 : i32
      %scatter3A_1185 = arith.constant 0 : i32
      %scatter3A_1186 = arith.constant 0 : i32
      %scatter3A_1187 = tpu.memref_slice %arg6[%scatter3A_1184, %scatter3A_1185, %scatter3A_1186] : memref<2x128x128xf32, #tpu.memory_space<vmem>> -> memref<1x128x128xf32, #tpu.memory_space<vmem>>
      %scatter3A_1188 = tpu.memref_squeeze %scatter3A_1187 : memref<1x128x128xf32, #tpu.memory_space<vmem>> -> memref<128x128xf32, #tpu.memory_space<vmem>>
      tpu.vector_store_idx %scatter3A_1188[%and3A_189, %add3A_1180], %broadcast_in_dim3A_3 masked %eq3A_1183 : memref<128x128xf32, #tpu.memory_space<vmem>>[vector<16xi32>, vector<16xi32>], vector<16xf32>, vector<16xi1>
      %iota3A_1189 = tpu.iota {dimensions = array<i32: 0>} : vector<16xi32>
      %add3A_1190 = arith.constant 32 : i32
      %add3A_1191 = vector.broadcast %add3A_1190 : i32 to vector<16xi32>
      %add3A_1192 = arith.addi %iota3A_1189, %add3A_1191 : vector<16xi32>
      %eq3A_1193 = arith.constant 4 : i32
      %eq3A_1194 = vector.broadcast %eq3A_1193 : i32 to vector<16xi32>
      %eq3A_1195 = arith.cmpi eq, %shift_right_logical3A_202, %eq3A_1194 : vector<16xi32>
      %scatter3A_1196 = arith.constant 0 : i32
      %scatter3A_1197 = arith.constant 0 : i32
      %scatter3A_1198 = arith.constant 0 : i32
      %scatter3A_1199 = tpu.memref_slice %arg6[%scatter3A_1196, %scatter3A_1197, %scatter3A_1198] : memref<2x128x128xf32, #tpu.memory_space<vmem>> -> memref<1x128x128xf32, #tpu.memory_space<vmem>>
      %scatter3A_1200 = tpu.memref_squeeze %scatter3A_1199 : memref<1x128x128xf32, #tpu.memory_space<vmem>> -> memref<128x128xf32, #tpu.memory_space<vmem>>
      tpu.vector_store_idx %scatter3A_1200[%and3A_205, %add3A_1192], %broadcast_in_dim3A_3 masked %eq3A_1195 : memref<128x128xf32, #tpu.memory_space<vmem>>[vector<16xi32>, vector<16xi32>], vector<16xf32>, vector<16xi1>
      %iota3A_1201 = tpu.iota {dimensions = array<i32: 0>} : vector<16xi32>
      %add3A_1202 = arith.constant 48 : i32
      %add3A_1203 = vector.broadcast %add3A_1202 : i32 to vector<16xi32>
      %add3A_1204 = arith.addi %iota3A_1201, %add3A_1203 : vector<16xi32>
      %eq3A_1205 = arith.constant 4 : i32
      %eq3A_1206 = vector.broadcast %eq3A_1205 : i32 to vector<16xi32>
      %eq3A_1207 = arith.cmpi eq, %shift_right_logical3A_218, %eq3A_1206 : vector<16xi32>
      %scatter3A_1208 = arith.constant 0 : i32
      %scatter3A_1209 = arith.constant 0 : i32
      %scatter3A_1210 = arith.constant 0 : i32
      %scatter3A_1211 = tpu.memref_slice %arg6[%scatter3A_1208, %scatter3A_1209, %scatter3A_1210] : memref<2x128x128xf32, #tpu.memory_space<vmem>> -> memref<1x128x128xf32, #tpu.memory_space<vmem>>
      %scatter3A_1212 = tpu.memref_squeeze %scatter3A_1211 : memref<1x128x128xf32, #tpu.memory_space<vmem>> -> memref<128x128xf32, #tpu.memory_space<vmem>>
      tpu.vector_store_idx %scatter3A_1212[%and3A_221, %add3A_1204], %broadcast_in_dim3A_3 masked %eq3A_1207 : memref<128x128xf32, #tpu.memory_space<vmem>>[vector<16xi32>, vector<16xi32>], vector<16xf32>, vector<16xi1>
      %iota3A_1213 = tpu.iota {dimensions = array<i32: 0>} : vector<16xi32>
      %add3A_1214 = arith.constant 64 : i32
      %add3A_1215 = vector.broadcast %add3A_1214 : i32 to vector<16xi32>
      %add3A_1216 = arith.addi %iota3A_1213, %add3A_1215 : vector<16xi32>
      %eq3A_1217 = arith.constant 4 : i32
      %eq3A_1218 = vector.broadcast %eq3A_1217 : i32 to vector<16xi32>
      %eq3A_1219 = arith.cmpi eq, %shift_right_logical3A_234, %eq3A_1218 : vector<16xi32>
      %scatter3A_1220 = arith.constant 0 : i32
      %scatter3A_1221 = arith.constant 0 : i32
      %scatter3A_1222 = arith.constant 0 : i32
      %scatter3A_1223 = tpu.memref_slice %arg6[%scatter3A_1220, %scatter3A_1221, %scatter3A_1222] : memref<2x128x128xf32, #tpu.memory_space<vmem>> -> memref<1x128x128xf32, #tpu.memory_space<vmem>>
      %scatter3A_1224 = tpu.memref_squeeze %scatter3A_1223 : memref<1x128x128xf32, #tpu.memory_space<vmem>> -> memref<128x128xf32, #tpu.memory_space<vmem>>
      tpu.vector_store_idx %scatter3A_1224[%and3A_237, %add3A_1216], %broadcast_in_dim3A_3 masked %eq3A_1219 : memref<128x128xf32, #tpu.memory_space<vmem>>[vector<16xi32>, vector<16xi32>], vector<16xf32>, vector<16xi1>
      %iota3A_1225 = tpu.iota {dimensions = array<i32: 0>} : vector<16xi32>
      %add3A_1226 = arith.constant 80 : i32
      %add3A_1227 = vector.broadcast %add3A_1226 : i32 to vector<16xi32>
      %add3A_1228 = arith.addi %iota3A_1225, %add3A_1227 : vector<16xi32>
      %eq3A_1229 = arith.constant 4 : i32
      %eq3A_1230 = vector.broadcast %eq3A_1229 : i32 to vector<16xi32>
      %eq3A_1231 = arith.cmpi eq, %shift_right_logical3A_250, %eq3A_1230 : vector<16xi32>
      %scatter3A_1232 = arith.constant 0 : i32
      %scatter3A_1233 = arith.constant 0 : i32
      %scatter3A_1234 = arith.constant 0 : i32
      %scatter3A_1235 = tpu.memref_slice %arg6[%scatter3A_1232, %scatter3A_1233, %scatter3A_1234] : memref<2x128x128xf32, #tpu.memory_space<vmem>> -> memref<1x128x128xf32, #tpu.memory_space<vmem>>
      %scatter3A_1236 = tpu.memref_squeeze %scatter3A_1235 : memref<1x128x128xf32, #tpu.memory_space<vmem>> -> memref<128x128xf32, #tpu.memory_space<vmem>>
      tpu.vector_store_idx %scatter3A_1236[%and3A_253, %add3A_1228], %broadcast_in_dim3A_3 masked %eq3A_1231 : memref<128x128xf32, #tpu.memory_space<vmem>>[vector<16xi32>, vector<16xi32>], vector<16xf32>, vector<16xi1>
      %iota3A_1237 = tpu.iota {dimensions = array<i32: 0>} : vector<16xi32>
      %add3A_1238 = arith.constant 96 : i32
      %add3A_1239 = vector.broadcast %add3A_1238 : i32 to vector<16xi32>
      %add3A_1240 = arith.addi %iota3A_1237, %add3A_1239 : vector<16xi32>
      %eq3A_1241 = arith.constant 4 : i32
      %eq3A_1242 = vector.broadcast %eq3A_1241 : i32 to vector<16xi32>
      %eq3A_1243 = arith.cmpi eq, %shift_right_logical3A_266, %eq3A_1242 : vector<16xi32>
      %scatter3A_1244 = arith.constant 0 : i32
      %scatter3A_1245 = arith.constant 0 : i32
      %scatter3A_1246 = arith.constant 0 : i32
      %scatter3A_1247 = tpu.memref_slice %arg6[%scatter3A_1244, %scatter3A_1245, %scatter3A_1246] : memref<2x128x128xf32, #tpu.memory_space<vmem>> -> memref<1x128x128xf32, #tpu.memory_space<vmem>>
      %scatter3A_1248 = tpu.memref_squeeze %scatter3A_1247 : memref<1x128x128xf32, #tpu.memory_space<vmem>> -> memref<128x128xf32, #tpu.memory_space<vmem>>
      tpu.vector_store_idx %scatter3A_1248[%and3A_269, %add3A_1240], %broadcast_in_dim3A_3 masked %eq3A_1243 : memref<128x128xf32, #tpu.memory_space<vmem>>[vector<16xi32>, vector<16xi32>], vector<16xf32>, vector<16xi1>
      %iota3A_1249 = tpu.iota {dimensions = array<i32: 0>} : vector<16xi32>
      %add3A_1250 = arith.constant 112 : i32
      %add3A_1251 = vector.broadcast %add3A_1250 : i32 to vector<16xi32>
      %add3A_1252 = arith.addi %iota3A_1249, %add3A_1251 : vector<16xi32>
      %eq3A_1253 = arith.constant 4 : i32
      %eq3A_1254 = vector.broadcast %eq3A_1253 : i32 to vector<16xi32>
      %eq3A_1255 = arith.cmpi eq, %shift_right_logical3A_282, %eq3A_1254 : vector<16xi32>
      %scatter3A_1256 = arith.constant 0 : i32
      %scatter3A_1257 = arith.constant 0 : i32
      %scatter3A_1258 = arith.constant 0 : i32
      %scatter3A_1259 = tpu.memref_slice %arg6[%scatter3A_1256, %scatter3A_1257, %scatter3A_1258] : memref<2x128x128xf32, #tpu.memory_space<vmem>> -> memref<1x128x128xf32, #tpu.memory_space<vmem>>
      %scatter3A_1260 = tpu.memref_squeeze %scatter3A_1259 : memref<1x128x128xf32, #tpu.memory_space<vmem>> -> memref<128x128xf32, #tpu.memory_space<vmem>>
      tpu.vector_store_idx %scatter3A_1260[%and3A_285, %add3A_1252], %broadcast_in_dim3A_3 masked %eq3A_1255 : memref<128x128xf32, #tpu.memory_space<vmem>>[vector<16xi32>, vector<16xi32>], vector<16xf32>, vector<16xi1>
      %dma_start3A_1261 = arith.constant 0 : i32
      %dma_start3A_1262 = arith.constant 0 : i32
      %dma_start3A_1263 = arith.constant 0 : i32
      %dma_start3A_1264 = tpu.memref_slice %arg6[%dma_start3A_1261, %dma_start3A_1262, %dma_start3A_1263] : memref<2x128x128xf32, #tpu.memory_space<vmem>> -> memref<1x128x128xf32, #tpu.memory_space<vmem>>
      %dma_start3A_1265 = tpu.memref_squeeze %dma_start3A_1264 : memref<1x128x128xf32, #tpu.memory_space<vmem>> -> memref<128x128xf32, #tpu.memory_space<vmem>>
      %dma_start3A_1266 = arith.constant 512 : i32
      %dma_start3A_1267 = tpu.memref_slice %arg3[%dma_start3A_1266, %add3A_132] : memref<1128x16384xf32, #tpu.memory_space<hbm>> -> memref<128x128xf32, #tpu.memory_space<hbm>>
      %dma_start3A_1268 = arith.constant 512 : i32
      %dma_start3A_1269 = tpu.memref_slice %arg3[%dma_start3A_1268, %add3A_132] : memref<1128x16384xf32, #tpu.memory_space<hbm>> -> memref<128x128xf32, #tpu.memory_space<hbm>>
      %dma_start3A_1270 = arith.constant 0 : i32
      %dma_start3A_1271 = arith.constant 0 : i32
      %dma_start3A_1272 = tpu.memref_slice %arg6[%dma_start3A_1261, %dma_start3A_1270, %dma_start3A_1271] : memref<2x128x128xf32, #tpu.memory_space<vmem>> -> memref<1x128x128xf32, #tpu.memory_space<vmem>>
      %dma_start3A_1273 = tpu.memref_squeeze %dma_start3A_1272 : memref<1x128x128xf32, #tpu.memory_space<vmem>> -> memref<128x128xf32, #tpu.memory_space<vmem>>
      tpu.enqueue_dma source(%dma_start3A_1273 : memref<128x128xf32, #tpu.memory_space<vmem>>) target(%dma_start3A_1269 : memref<128x128xf32, #tpu.memory_space<hbm>>) target_semaphore(%arg8 : memref<!tpu.dma_semaphore, #tpu.memory_space<semaphore_mem>>)
      %dma_wait3A_1274 = arith.constant 1 : i32
      %dma_wait3A_1275 = arith.constant 0 : i32
      %dma_wait3A_1276 = arith.constant 0 : i32
      %dma_wait3A_1277 = tpu.memref_slice %arg6[%dma_wait3A_1274, %dma_wait3A_1275, %dma_wait3A_1276] : memref<2x128x128xf32, #tpu.memory_space<vmem>> -> memref<1x128x128xf32, #tpu.memory_space<vmem>>
      %dma_wait3A_1278 = tpu.memref_squeeze %dma_wait3A_1277 : memref<1x128x128xf32, #tpu.memory_space<vmem>> -> memref<128x128xf32, #tpu.memory_space<vmem>>
      %dma_wait3A_1279 = arith.constant 384 : i32
      %dma_wait3A_1280 = tpu.memref_slice %arg3[%dma_wait3A_1279, %add3A_132] : memref<1128x16384xf32, #tpu.memory_space<hbm>> -> memref<128x128xf32, #tpu.memory_space<hbm>>
      %dma_wait3A_1281 = arith.constant 384 : i32
      %dma_wait3A_1282 = tpu.memref_slice %arg3[%dma_wait3A_1281, %add3A_132] : memref<1128x16384xf32, #tpu.memory_space<hbm>> -> memref<128x128xf32, #tpu.memory_space<hbm>>
      %dma_wait3A_1283 = arith.constant 0 : i32
      %dma_wait3A_1284 = arith.constant 0 : i32
      %dma_wait3A_1285 = tpu.memref_slice %arg6[%dma_wait3A_1274, %dma_wait3A_1283, %dma_wait3A_1284] : memref<2x128x128xf32, #tpu.memory_space<vmem>> -> memref<1x128x128xf32, #tpu.memory_space<vmem>>
      %dma_wait3A_1286 = tpu.memref_squeeze %dma_wait3A_1285 : memref<1x128x128xf32, #tpu.memory_space<vmem>> -> memref<128x128xf32, #tpu.memory_space<vmem>>
      tpu.wait_dma2 semaphore(%arg9 : memref<!tpu.dma_semaphore, #tpu.memory_space<semaphore_mem>>) src(%dma_wait3A_1286 : memref<128x128xf32, #tpu.memory_space<vmem>>) dst(%dma_wait3A_1282 : memref<128x128xf32, #tpu.memory_space<hbm>>)
      %iota3A_1287 = tpu.iota {dimensions = array<i32: 0>} : vector<16xi32>
      %add3A_1288 = arith.constant 0 : i32
      %add3A_1289 = vector.broadcast %add3A_1288 : i32 to vector<16xi32>
      %add3A_1290 = arith.addi %iota3A_1287, %add3A_1289 : vector<16xi32>
      %eq3A_1291 = arith.constant 3 : i32
      %eq3A_1292 = vector.broadcast %eq3A_1291 : i32 to vector<16xi32>
      %eq3A_1293 = arith.cmpi eq, %shift_right_logical3A_171, %eq3A_1292 : vector<16xi32>
      %scatter3A_1294 = arith.constant 1 : i32
      %scatter3A_1295 = arith.constant 0 : i32
      %scatter3A_1296 = arith.constant 0 : i32
      %scatter3A_1297 = tpu.memref_slice %arg6[%scatter3A_1294, %scatter3A_1295, %scatter3A_1296] : memref<2x128x128xf32, #tpu.memory_space<vmem>> -> memref<1x128x128xf32, #tpu.memory_space<vmem>>
      %scatter3A_1298 = tpu.memref_squeeze %scatter3A_1297 : memref<1x128x128xf32, #tpu.memory_space<vmem>> -> memref<128x128xf32, #tpu.memory_space<vmem>>
      tpu.vector_store_idx %scatter3A_1298[%and3A_173, %add3A_1290], %broadcast_in_dim3A_1 masked %eq3A_1293 : memref<128x128xf32, #tpu.memory_space<vmem>>[vector<16xi32>, vector<16xi32>], vector<16xf32>, vector<16xi1>
      %iota3A_1299 = tpu.iota {dimensions = array<i32: 0>} : vector<16xi32>
      %add3A_1300 = arith.constant 16 : i32
      %add3A_1301 = vector.broadcast %add3A_1300 : i32 to vector<16xi32>
      %add3A_1302 = arith.addi %iota3A_1299, %add3A_1301 : vector<16xi32>
      %eq3A_1303 = arith.constant 3 : i32
      %eq3A_1304 = vector.broadcast %eq3A_1303 : i32 to vector<16xi32>
      %eq3A_1305 = arith.cmpi eq, %shift_right_logical3A_186, %eq3A_1304 : vector<16xi32>
      %scatter3A_1306 = arith.constant 1 : i32
      %scatter3A_1307 = arith.constant 0 : i32
      %scatter3A_1308 = arith.constant 0 : i32
      %scatter3A_1309 = tpu.memref_slice %arg6[%scatter3A_1306, %scatter3A_1307, %scatter3A_1308] : memref<2x128x128xf32, #tpu.memory_space<vmem>> -> memref<1x128x128xf32, #tpu.memory_space<vmem>>
      %scatter3A_1310 = tpu.memref_squeeze %scatter3A_1309 : memref<1x128x128xf32, #tpu.memory_space<vmem>> -> memref<128x128xf32, #tpu.memory_space<vmem>>
      tpu.vector_store_idx %scatter3A_1310[%and3A_189, %add3A_1302], %broadcast_in_dim3A_1 masked %eq3A_1305 : memref<128x128xf32, #tpu.memory_space<vmem>>[vector<16xi32>, vector<16xi32>], vector<16xf32>, vector<16xi1>
      %iota3A_1311 = tpu.iota {dimensions = array<i32: 0>} : vector<16xi32>
      %add3A_1312 = arith.constant 32 : i32
      %add3A_1313 = vector.broadcast %add3A_1312 : i32 to vector<16xi32>
      %add3A_1314 = arith.addi %iota3A_1311, %add3A_1313 : vector<16xi32>
      %eq3A_1315 = arith.constant 3 : i32
      %eq3A_1316 = vector.broadcast %eq3A_1315 : i32 to vector<16xi32>
      %eq3A_1317 = arith.cmpi eq, %shift_right_logical3A_202, %eq3A_1316 : vector<16xi32>
      %scatter3A_1318 = arith.constant 1 : i32
      %scatter3A_1319 = arith.constant 0 : i32
      %scatter3A_1320 = arith.constant 0 : i32
      %scatter3A_1321 = tpu.memref_slice %arg6[%scatter3A_1318, %scatter3A_1319, %scatter3A_1320] : memref<2x128x128xf32, #tpu.memory_space<vmem>> -> memref<1x128x128xf32, #tpu.memory_space<vmem>>
      %scatter3A_1322 = tpu.memref_squeeze %scatter3A_1321 : memref<1x128x128xf32, #tpu.memory_space<vmem>> -> memref<128x128xf32, #tpu.memory_space<vmem>>
      tpu.vector_store_idx %scatter3A_1322[%and3A_205, %add3A_1314], %broadcast_in_dim3A_1 masked %eq3A_1317 : memref<128x128xf32, #tpu.memory_space<vmem>>[vector<16xi32>, vector<16xi32>], vector<16xf32>, vector<16xi1>
      %iota3A_1323 = tpu.iota {dimensions = array<i32: 0>} : vector<16xi32>
      %add3A_1324 = arith.constant 48 : i32
      %add3A_1325 = vector.broadcast %add3A_1324 : i32 to vector<16xi32>
      %add3A_1326 = arith.addi %iota3A_1323, %add3A_1325 : vector<16xi32>
      %eq3A_1327 = arith.constant 3 : i32
      %eq3A_1328 = vector.broadcast %eq3A_1327 : i32 to vector<16xi32>
      %eq3A_1329 = arith.cmpi eq, %shift_right_logical3A_218, %eq3A_1328 : vector<16xi32>
      %scatter3A_1330 = arith.constant 1 : i32
      %scatter3A_1331 = arith.constant 0 : i32
      %scatter3A_1332 = arith.constant 0 : i32
      %scatter3A_1333 = tpu.memref_slice %arg6[%scatter3A_1330, %scatter3A_1331, %scatter3A_1332] : memref<2x128x128xf32, #tpu.memory_space<vmem>> -> memref<1x128x128xf32, #tpu.memory_space<vmem>>
      %scatter3A_1334 = tpu.memref_squeeze %scatter3A_1333 : memref<1x128x128xf32, #tpu.memory_space<vmem>> -> memref<128x128xf32, #tpu.memory_space<vmem>>
      tpu.vector_store_idx %scatter3A_1334[%and3A_221, %add3A_1326], %broadcast_in_dim3A_1 masked %eq3A_1329 : memref<128x128xf32, #tpu.memory_space<vmem>>[vector<16xi32>, vector<16xi32>], vector<16xf32>, vector<16xi1>
      %iota3A_1335 = tpu.iota {dimensions = array<i32: 0>} : vector<16xi32>
      %add3A_1336 = arith.constant 64 : i32
      %add3A_1337 = vector.broadcast %add3A_1336 : i32 to vector<16xi32>
      %add3A_1338 = arith.addi %iota3A_1335, %add3A_1337 : vector<16xi32>
      %eq3A_1339 = arith.constant 3 : i32
      %eq3A_1340 = vector.broadcast %eq3A_1339 : i32 to vector<16xi32>
      %eq3A_1341 = arith.cmpi eq, %shift_right_logical3A_234, %eq3A_1340 : vector<16xi32>
      %scatter3A_1342 = arith.constant 1 : i32
      %scatter3A_1343 = arith.constant 0 : i32
      %scatter3A_1344 = arith.constant 0 : i32
      %scatter3A_1345 = tpu.memref_slice %arg6[%scatter3A_1342, %scatter3A_1343, %scatter3A_1344] : memref<2x128x128xf32, #tpu.memory_space<vmem>> -> memref<1x128x128xf32, #tpu.memory_space<vmem>>
      %scatter3A_1346 = tpu.memref_squeeze %scatter3A_1345 : memref<1x128x128xf32, #tpu.memory_space<vmem>> -> memref<128x128xf32, #tpu.memory_space<vmem>>
      tpu.vector_store_idx %scatter3A_1346[%and3A_237, %add3A_1338], %broadcast_in_dim3A_1 masked %eq3A_1341 : memref<128x128xf32, #tpu.memory_space<vmem>>[vector<16xi32>, vector<16xi32>], vector<16xf32>, vector<16xi1>
      %iota3A_1347 = tpu.iota {dimensions = array<i32: 0>} : vector<16xi32>
      %add3A_1348 = arith.constant 80 : i32
      %add3A_1349 = vector.broadcast %add3A_1348 : i32 to vector<16xi32>
      %add3A_1350 = arith.addi %iota3A_1347, %add3A_1349 : vector<16xi32>
      %eq3A_1351 = arith.constant 3 : i32
      %eq3A_1352 = vector.broadcast %eq3A_1351 : i32 to vector<16xi32>
      %eq3A_1353 = arith.cmpi eq, %shift_right_logical3A_250, %eq3A_1352 : vector<16xi32>
      %scatter3A_1354 = arith.constant 1 : i32
      %scatter3A_1355 = arith.constant 0 : i32
      %scatter3A_1356 = arith.constant 0 : i32
      %scatter3A_1357 = tpu.memref_slice %arg6[%scatter3A_1354, %scatter3A_1355, %scatter3A_1356] : memref<2x128x128xf32, #tpu.memory_space<vmem>> -> memref<1x128x128xf32, #tpu.memory_space<vmem>>
      %scatter3A_1358 = tpu.memref_squeeze %scatter3A_1357 : memref<1x128x128xf32, #tpu.memory_space<vmem>> -> memref<128x128xf32, #tpu.memory_space<vmem>>
      tpu.vector_store_idx %scatter3A_1358[%and3A_253, %add3A_1350], %broadcast_in_dim3A_1 masked %eq3A_1353 : memref<128x128xf32, #tpu.memory_space<vmem>>[vector<16xi32>, vector<16xi32>], vector<16xf32>, vector<16xi1>
      %iota3A_1359 = tpu.iota {dimensions = array<i32: 0>} : vector<16xi32>
      %add3A_1360 = arith.constant 96 : i32
      %add3A_1361 = vector.broadcast %add3A_1360 : i32 to vector<16xi32>
      %add3A_1362 = arith.addi %iota3A_1359, %add3A_1361 : vector<16xi32>
      %eq3A_1363 = arith.constant 3 : i32
      %eq3A_1364 = vector.broadcast %eq3A_1363 : i32 to vector<16xi32>
      %eq3A_1365 = arith.cmpi eq, %shift_right_logical3A_266, %eq3A_1364 : vector<16xi32>
      %scatter3A_1366 = arith.constant 1 : i32
      %scatter3A_1367 = arith.constant 0 : i32
      %scatter3A_1368 = arith.constant 0 : i32
      %scatter3A_1369 = tpu.memref_slice %arg6[%scatter3A_1366, %scatter3A_1367, %scatter3A_1368] : memref<2x128x128xf32, #tpu.memory_space<vmem>> -> memref<1x128x128xf32, #tpu.memory_space<vmem>>
      %scatter3A_1370 = tpu.memref_squeeze %scatter3A_1369 : memref<1x128x128xf32, #tpu.memory_space<vmem>> -> memref<128x128xf32, #tpu.memory_space<vmem>>
      tpu.vector_store_idx %scatter3A_1370[%and3A_269, %add3A_1362], %broadcast_in_dim3A_1 masked %eq3A_1365 : memref<128x128xf32, #tpu.memory_space<vmem>>[vector<16xi32>, vector<16xi32>], vector<16xf32>, vector<16xi1>
      %iota3A_1371 = tpu.iota {dimensions = array<i32: 0>} : vector<16xi32>
      %add3A_1372 = arith.constant 112 : i32
      %add3A_1373 = vector.broadcast %add3A_1372 : i32 to vector<16xi32>
      %add3A_1374 = arith.addi %iota3A_1371, %add3A_1373 : vector<16xi32>
      %eq3A_1375 = arith.constant 3 : i32
      %eq3A_1376 = vector.broadcast %eq3A_1375 : i32 to vector<16xi32>
      %eq3A_1377 = arith.cmpi eq, %shift_right_logical3A_282, %eq3A_1376 : vector<16xi32>
      %scatter3A_1378 = arith.constant 1 : i32
      %scatter3A_1379 = arith.constant 0 : i32
      %scatter3A_1380 = arith.constant 0 : i32
      %scatter3A_1381 = tpu.memref_slice %arg6[%scatter3A_1378, %scatter3A_1379, %scatter3A_1380] : memref<2x128x128xf32, #tpu.memory_space<vmem>> -> memref<1x128x128xf32, #tpu.memory_space<vmem>>
      %scatter3A_1382 = tpu.memref_squeeze %scatter3A_1381 : memref<1x128x128xf32, #tpu.memory_space<vmem>> -> memref<128x128xf32, #tpu.memory_space<vmem>>
      tpu.vector_store_idx %scatter3A_1382[%and3A_285, %add3A_1374], %broadcast_in_dim3A_1 masked %eq3A_1377 : memref<128x128xf32, #tpu.memory_space<vmem>>[vector<16xi32>, vector<16xi32>], vector<16xf32>, vector<16xi1>
      %iota3A_1383 = tpu.iota {dimensions = array<i32: 0>} : vector<16xi32>
      %add3A_1384 = arith.constant 0 : i32
      %add3A_1385 = vector.broadcast %add3A_1384 : i32 to vector<16xi32>
      %add3A_1386 = arith.addi %iota3A_1383, %add3A_1385 : vector<16xi32>
      %eq3A_1387 = arith.constant 5 : i32
      %eq3A_1388 = vector.broadcast %eq3A_1387 : i32 to vector<16xi32>
      %eq3A_1389 = arith.cmpi eq, %shift_right_logical3A_171, %eq3A_1388 : vector<16xi32>
      %scatter3A_1390 = arith.constant 1 : i32
      %scatter3A_1391 = arith.constant 0 : i32
      %scatter3A_1392 = arith.constant 0 : i32
      %scatter3A_1393 = tpu.memref_slice %arg6[%scatter3A_1390, %scatter3A_1391, %scatter3A_1392] : memref<2x128x128xf32, #tpu.memory_space<vmem>> -> memref<1x128x128xf32, #tpu.memory_space<vmem>>
      %scatter3A_1394 = tpu.memref_squeeze %scatter3A_1393 : memref<1x128x128xf32, #tpu.memory_space<vmem>> -> memref<128x128xf32, #tpu.memory_space<vmem>>
      tpu.vector_store_idx %scatter3A_1394[%and3A_173, %add3A_1386], %broadcast_in_dim3A_3 masked %eq3A_1389 : memref<128x128xf32, #tpu.memory_space<vmem>>[vector<16xi32>, vector<16xi32>], vector<16xf32>, vector<16xi1>
      %iota3A_1395 = tpu.iota {dimensions = array<i32: 0>} : vector<16xi32>
      %add3A_1396 = arith.constant 16 : i32
      %add3A_1397 = vector.broadcast %add3A_1396 : i32 to vector<16xi32>
      %add3A_1398 = arith.addi %iota3A_1395, %add3A_1397 : vector<16xi32>
      %eq3A_1399 = arith.constant 5 : i32
      %eq3A_1400 = vector.broadcast %eq3A_1399 : i32 to vector<16xi32>
      %eq3A_1401 = arith.cmpi eq, %shift_right_logical3A_186, %eq3A_1400 : vector<16xi32>
      %scatter3A_1402 = arith.constant 1 : i32
      %scatter3A_1403 = arith.constant 0 : i32
      %scatter3A_1404 = arith.constant 0 : i32
      %scatter3A_1405 = tpu.memref_slice %arg6[%scatter3A_1402, %scatter3A_1403, %scatter3A_1404] : memref<2x128x128xf32, #tpu.memory_space<vmem>> -> memref<1x128x128xf32, #tpu.memory_space<vmem>>
      %scatter3A_1406 = tpu.memref_squeeze %scatter3A_1405 : memref<1x128x128xf32, #tpu.memory_space<vmem>> -> memref<128x128xf32, #tpu.memory_space<vmem>>
      tpu.vector_store_idx %scatter3A_1406[%and3A_189, %add3A_1398], %broadcast_in_dim3A_3 masked %eq3A_1401 : memref<128x128xf32, #tpu.memory_space<vmem>>[vector<16xi32>, vector<16xi32>], vector<16xf32>, vector<16xi1>
      %iota3A_1407 = tpu.iota {dimensions = array<i32: 0>} : vector<16xi32>
      %add3A_1408 = arith.constant 32 : i32
      %add3A_1409 = vector.broadcast %add3A_1408 : i32 to vector<16xi32>
      %add3A_1410 = arith.addi %iota3A_1407, %add3A_1409 : vector<16xi32>
      %eq3A_1411 = arith.constant 5 : i32
      %eq3A_1412 = vector.broadcast %eq3A_1411 : i32 to vector<16xi32>
      %eq3A_1413 = arith.cmpi eq, %shift_right_logical3A_202, %eq3A_1412 : vector<16xi32>
      %scatter3A_1414 = arith.constant 1 : i32
      %scatter3A_1415 = arith.constant 0 : i32
      %scatter3A_1416 = arith.constant 0 : i32
      %scatter3A_1417 = tpu.memref_slice %arg6[%scatter3A_1414, %scatter3A_1415, %scatter3A_1416] : memref<2x128x128xf32, #tpu.memory_space<vmem>> -> memref<1x128x128xf32, #tpu.memory_space<vmem>>
      %scatter3A_1418 = tpu.memref_squeeze %scatter3A_1417 : memref<1x128x128xf32, #tpu.memory_space<vmem>> -> memref<128x128xf32, #tpu.memory_space<vmem>>
      tpu.vector_store_idx %scatter3A_1418[%and3A_205, %add3A_1410], %broadcast_in_dim3A_3 masked %eq3A_1413 : memref<128x128xf32, #tpu.memory_space<vmem>>[vector<16xi32>, vector<16xi32>], vector<16xf32>, vector<16xi1>
      %iota3A_1419 = tpu.iota {dimensions = array<i32: 0>} : vector<16xi32>
      %add3A_1420 = arith.constant 48 : i32
      %add3A_1421 = vector.broadcast %add3A_1420 : i32 to vector<16xi32>
      %add3A_1422 = arith.addi %iota3A_1419, %add3A_1421 : vector<16xi32>
      %eq3A_1423 = arith.constant 5 : i32
      %eq3A_1424 = vector.broadcast %eq3A_1423 : i32 to vector<16xi32>
      %eq3A_1425 = arith.cmpi eq, %shift_right_logical3A_218, %eq3A_1424 : vector<16xi32>
      %scatter3A_1426 = arith.constant 1 : i32
      %scatter3A_1427 = arith.constant 0 : i32
      %scatter3A_1428 = arith.constant 0 : i32
      %scatter3A_1429 = tpu.memref_slice %arg6[%scatter3A_1426, %scatter3A_1427, %scatter3A_1428] : memref<2x128x128xf32, #tpu.memory_space<vmem>> -> memref<1x128x128xf32, #tpu.memory_space<vmem>>
      %scatter3A_1430 = tpu.memref_squeeze %scatter3A_1429 : memref<1x128x128xf32, #tpu.memory_space<vmem>> -> memref<128x128xf32, #tpu.memory_space<vmem>>
      tpu.vector_store_idx %scatter3A_1430[%and3A_221, %add3A_1422], %broadcast_in_dim3A_3 masked %eq3A_1425 : memref<128x128xf32, #tpu.memory_space<vmem>>[vector<16xi32>, vector<16xi32>], vector<16xf32>, vector<16xi1>
      %iota3A_1431 = tpu.iota {dimensions = array<i32: 0>} : vector<16xi32>
      %add3A_1432 = arith.constant 64 : i32
      %add3A_1433 = vector.broadcast %add3A_1432 : i32 to vector<16xi32>
      %add3A_1434 = arith.addi %iota3A_1431, %add3A_1433 : vector<16xi32>
      %eq3A_1435 = arith.constant 5 : i32
      %eq3A_1436 = vector.broadcast %eq3A_1435 : i32 to vector<16xi32>
      %eq3A_1437 = arith.cmpi eq, %shift_right_logical3A_234, %eq3A_1436 : vector<16xi32>
      %scatter3A_1438 = arith.constant 1 : i32
      %scatter3A_1439 = arith.constant 0 : i32
      %scatter3A_1440 = arith.constant 0 : i32
      %scatter3A_1441 = tpu.memref_slice %arg6[%scatter3A_1438, %scatter3A_1439, %scatter3A_1440] : memref<2x128x128xf32, #tpu.memory_space<vmem>> -> memref<1x128x128xf32, #tpu.memory_space<vmem>>
      %scatter3A_1442 = tpu.memref_squeeze %scatter3A_1441 : memref<1x128x128xf32, #tpu.memory_space<vmem>> -> memref<128x128xf32, #tpu.memory_space<vmem>>
      tpu.vector_store_idx %scatter3A_1442[%and3A_237, %add3A_1434], %broadcast_in_dim3A_3 masked %eq3A_1437 : memref<128x128xf32, #tpu.memory_space<vmem>>[vector<16xi32>, vector<16xi32>], vector<16xf32>, vector<16xi1>
      %iota3A_1443 = tpu.iota {dimensions = array<i32: 0>} : vector<16xi32>
      %add3A_1444 = arith.constant 80 : i32
      %add3A_1445 = vector.broadcast %add3A_1444 : i32 to vector<16xi32>
      %add3A_1446 = arith.addi %iota3A_1443, %add3A_1445 : vector<16xi32>
      %eq3A_1447 = arith.constant 5 : i32
      %eq3A_1448 = vector.broadcast %eq3A_1447 : i32 to vector<16xi32>
      %eq3A_1449 = arith.cmpi eq, %shift_right_logical3A_250, %eq3A_1448 : vector<16xi32>
      %scatter3A_1450 = arith.constant 1 : i32
      %scatter3A_1451 = arith.constant 0 : i32
      %scatter3A_1452 = arith.constant 0 : i32
      %scatter3A_1453 = tpu.memref_slice %arg6[%scatter3A_1450, %scatter3A_1451, %scatter3A_1452] : memref<2x128x128xf32, #tpu.memory_space<vmem>> -> memref<1x128x128xf32, #tpu.memory_space<vmem>>
      %scatter3A_1454 = tpu.memref_squeeze %scatter3A_1453 : memref<1x128x128xf32, #tpu.memory_space<vmem>> -> memref<128x128xf32, #tpu.memory_space<vmem>>
      tpu.vector_store_idx %scatter3A_1454[%and3A_253, %add3A_1446], %broadcast_in_dim3A_3 masked %eq3A_1449 : memref<128x128xf32, #tpu.memory_space<vmem>>[vector<16xi32>, vector<16xi32>], vector<16xf32>, vector<16xi1>
      %iota3A_1455 = tpu.iota {dimensions = array<i32: 0>} : vector<16xi32>
      %add3A_1456 = arith.constant 96 : i32
      %add3A_1457 = vector.broadcast %add3A_1456 : i32 to vector<16xi32>
      %add3A_1458 = arith.addi %iota3A_1455, %add3A_1457 : vector<16xi32>
      %eq3A_1459 = arith.constant 5 : i32
      %eq3A_1460 = vector.broadcast %eq3A_1459 : i32 to vector<16xi32>
      %eq3A_1461 = arith.cmpi eq, %shift_right_logical3A_266, %eq3A_1460 : vector<16xi32>
      %scatter3A_1462 = arith.constant 1 : i32
      %scatter3A_1463 = arith.constant 0 : i32
      %scatter3A_1464 = arith.constant 0 : i32
      %scatter3A_1465 = tpu.memref_slice %arg6[%scatter3A_1462, %scatter3A_1463, %scatter3A_1464] : memref<2x128x128xf32, #tpu.memory_space<vmem>> -> memref<1x128x128xf32, #tpu.memory_space<vmem>>
      %scatter3A_1466 = tpu.memref_squeeze %scatter3A_1465 : memref<1x128x128xf32, #tpu.memory_space<vmem>> -> memref<128x128xf32, #tpu.memory_space<vmem>>
      tpu.vector_store_idx %scatter3A_1466[%and3A_269, %add3A_1458], %broadcast_in_dim3A_3 masked %eq3A_1461 : memref<128x128xf32, #tpu.memory_space<vmem>>[vector<16xi32>, vector<16xi32>], vector<16xf32>, vector<16xi1>
      %iota3A_1467 = tpu.iota {dimensions = array<i32: 0>} : vector<16xi32>
      %add3A_1468 = arith.constant 112 : i32
      %add3A_1469 = vector.broadcast %add3A_1468 : i32 to vector<16xi32>
      %add3A_1470 = arith.addi %iota3A_1467, %add3A_1469 : vector<16xi32>
      %eq3A_1471 = arith.constant 5 : i32
      %eq3A_1472 = vector.broadcast %eq3A_1471 : i32 to vector<16xi32>
      %eq3A_1473 = arith.cmpi eq, %shift_right_logical3A_282, %eq3A_1472 : vector<16xi32>
      %scatter3A_1474 = arith.constant 1 : i32
      %scatter3A_1475 = arith.constant 0 : i32
      %scatter3A_1476 = arith.constant 0 : i32
      %scatter3A_1477 = tpu.memref_slice %arg6[%scatter3A_1474, %scatter3A_1475, %scatter3A_1476] : memref<2x128x128xf32, #tpu.memory_space<vmem>> -> memref<1x128x128xf32, #tpu.memory_space<vmem>>
      %scatter3A_1478 = tpu.memref_squeeze %scatter3A_1477 : memref<1x128x128xf32, #tpu.memory_space<vmem>> -> memref<128x128xf32, #tpu.memory_space<vmem>>
      tpu.vector_store_idx %scatter3A_1478[%and3A_285, %add3A_1470], %broadcast_in_dim3A_3 masked %eq3A_1473 : memref<128x128xf32, #tpu.memory_space<vmem>>[vector<16xi32>, vector<16xi32>], vector<16xf32>, vector<16xi1>
      %dma_start3A_1479 = arith.constant 1 : i32
      %dma_start3A_1480 = arith.constant 0 : i32
      %dma_start3A_1481 = arith.constant 0 : i32
      %dma_start3A_1482 = tpu.memref_slice %arg6[%dma_start3A_1479, %dma_start3A_1480, %dma_start3A_1481] : memref<2x128x128xf32, #tpu.memory_space<vmem>> -> memref<1x128x128xf32, #tpu.memory_space<vmem>>
      %dma_start3A_1483 = tpu.memref_squeeze %dma_start3A_1482 : memref<1x128x128xf32, #tpu.memory_space<vmem>> -> memref<128x128xf32, #tpu.memory_space<vmem>>
      %dma_start3A_1484 = arith.constant 640 : i32
      %dma_start3A_1485 = tpu.memref_slice %arg3[%dma_start3A_1484, %add3A_132] : memref<1128x16384xf32, #tpu.memory_space<hbm>> -> memref<128x128xf32, #tpu.memory_space<hbm>>
      %dma_start3A_1486 = arith.constant 640 : i32
      %dma_start3A_1487 = tpu.memref_slice %arg3[%dma_start3A_1486, %add3A_132] : memref<1128x16384xf32, #tpu.memory_space<hbm>> -> memref<128x128xf32, #tpu.memory_space<hbm>>
      %dma_start3A_1488 = arith.constant 0 : i32
      %dma_start3A_1489 = arith.constant 0 : i32
      %dma_start3A_1490 = tpu.memref_slice %arg6[%dma_start3A_1479, %dma_start3A_1488, %dma_start3A_1489] : memref<2x128x128xf32, #tpu.memory_space<vmem>> -> memref<1x128x128xf32, #tpu.memory_space<vmem>>
      %dma_start3A_1491 = tpu.memref_squeeze %dma_start3A_1490 : memref<1x128x128xf32, #tpu.memory_space<vmem>> -> memref<128x128xf32, #tpu.memory_space<vmem>>
      tpu.enqueue_dma source(%dma_start3A_1491 : memref<128x128xf32, #tpu.memory_space<vmem>>) target(%dma_start3A_1487 : memref<128x128xf32, #tpu.memory_space<hbm>>) target_semaphore(%arg9 : memref<!tpu.dma_semaphore, #tpu.memory_space<semaphore_mem>>)
      %dma_wait3A_1492 = arith.constant 0 : i32
      %dma_wait3A_1493 = arith.constant 0 : i32
      %dma_wait3A_1494 = arith.constant 0 : i32
      %dma_wait3A_1495 = tpu.memref_slice %arg6[%dma_wait3A_1492, %dma_wait3A_1493, %dma_wait3A_1494] : memref<2x128x128xf32, #tpu.memory_space<vmem>> -> memref<1x128x128xf32, #tpu.memory_space<vmem>>
      %dma_wait3A_1496 = tpu.memref_squeeze %dma_wait3A_1495 : memref<1x128x128xf32, #tpu.memory_space<vmem>> -> memref<128x128xf32, #tpu.memory_space<vmem>>
      %dma_wait3A_1497 = arith.constant 512 : i32
      %dma_wait3A_1498 = tpu.memref_slice %arg3[%dma_wait3A_1497, %add3A_132] : memref<1128x16384xf32, #tpu.memory_space<hbm>> -> memref<128x128xf32, #tpu.memory_space<hbm>>
      %dma_wait3A_1499 = arith.constant 512 : i32
      %dma_wait3A_1500 = tpu.memref_slice %arg3[%dma_wait3A_1499, %add3A_132] : memref<1128x16384xf32, #tpu.memory_space<hbm>> -> memref<128x128xf32, #tpu.memory_space<hbm>>
      %dma_wait3A_1501 = arith.constant 0 : i32
      %dma_wait3A_1502 = arith.constant 0 : i32
      %dma_wait3A_1503 = tpu.memref_slice %arg6[%dma_wait3A_1492, %dma_wait3A_1501, %dma_wait3A_1502] : memref<2x128x128xf32, #tpu.memory_space<vmem>> -> memref<1x128x128xf32, #tpu.memory_space<vmem>>
      %dma_wait3A_1504 = tpu.memref_squeeze %dma_wait3A_1503 : memref<1x128x128xf32, #tpu.memory_space<vmem>> -> memref<128x128xf32, #tpu.memory_space<vmem>>
      tpu.wait_dma2 semaphore(%arg8 : memref<!tpu.dma_semaphore, #tpu.memory_space<semaphore_mem>>) src(%dma_wait3A_1504 : memref<128x128xf32, #tpu.memory_space<vmem>>) dst(%dma_wait3A_1500 : memref<128x128xf32, #tpu.memory_space<hbm>>)
      %iota3A_1505 = tpu.iota {dimensions = array<i32: 0>} : vector<16xi32>
      %add3A_1506 = arith.constant 0 : i32
      %add3A_1507 = vector.broadcast %add3A_1506 : i32 to vector<16xi32>
      %add3A_1508 = arith.addi %iota3A_1505, %add3A_1507 : vector<16xi32>
      %eq3A_1509 = arith.constant 4 : i32
      %eq3A_1510 = vector.broadcast %eq3A_1509 : i32 to vector<16xi32>
      %eq3A_1511 = arith.cmpi eq, %shift_right_logical3A_171, %eq3A_1510 : vector<16xi32>
      %scatter3A_1512 = arith.constant 0 : i32
      %scatter3A_1513 = arith.constant 0 : i32
      %scatter3A_1514 = arith.constant 0 : i32
      %scatter3A_1515 = tpu.memref_slice %arg6[%scatter3A_1512, %scatter3A_1513, %scatter3A_1514] : memref<2x128x128xf32, #tpu.memory_space<vmem>> -> memref<1x128x128xf32, #tpu.memory_space<vmem>>
      %scatter3A_1516 = tpu.memref_squeeze %scatter3A_1515 : memref<1x128x128xf32, #tpu.memory_space<vmem>> -> memref<128x128xf32, #tpu.memory_space<vmem>>
      tpu.vector_store_idx %scatter3A_1516[%and3A_173, %add3A_1508], %broadcast_in_dim3A_1 masked %eq3A_1511 : memref<128x128xf32, #tpu.memory_space<vmem>>[vector<16xi32>, vector<16xi32>], vector<16xf32>, vector<16xi1>
      %iota3A_1517 = tpu.iota {dimensions = array<i32: 0>} : vector<16xi32>
      %add3A_1518 = arith.constant 16 : i32
      %add3A_1519 = vector.broadcast %add3A_1518 : i32 to vector<16xi32>
      %add3A_1520 = arith.addi %iota3A_1517, %add3A_1519 : vector<16xi32>
      %eq3A_1521 = arith.constant 4 : i32
      %eq3A_1522 = vector.broadcast %eq3A_1521 : i32 to vector<16xi32>
      %eq3A_1523 = arith.cmpi eq, %shift_right_logical3A_186, %eq3A_1522 : vector<16xi32>
      %scatter3A_1524 = arith.constant 0 : i32
      %scatter3A_1525 = arith.constant 0 : i32
      %scatter3A_1526 = arith.constant 0 : i32
      %scatter3A_1527 = tpu.memref_slice %arg6[%scatter3A_1524, %scatter3A_1525, %scatter3A_1526] : memref<2x128x128xf32, #tpu.memory_space<vmem>> -> memref<1x128x128xf32, #tpu.memory_space<vmem>>
      %scatter3A_1528 = tpu.memref_squeeze %scatter3A_1527 : memref<1x128x128xf32, #tpu.memory_space<vmem>> -> memref<128x128xf32, #tpu.memory_space<vmem>>
      tpu.vector_store_idx %scatter3A_1528[%and3A_189, %add3A_1520], %broadcast_in_dim3A_1 masked %eq3A_1523 : memref<128x128xf32, #tpu.memory_space<vmem>>[vector<16xi32>, vector<16xi32>], vector<16xf32>, vector<16xi1>
      %iota3A_1529 = tpu.iota {dimensions = array<i32: 0>} : vector<16xi32>
      %add3A_1530 = arith.constant 32 : i32
      %add3A_1531 = vector.broadcast %add3A_1530 : i32 to vector<16xi32>
      %add3A_1532 = arith.addi %iota3A_1529, %add3A_1531 : vector<16xi32>
      %eq3A_1533 = arith.constant 4 : i32
      %eq3A_1534 = vector.broadcast %eq3A_1533 : i32 to vector<16xi32>
      %eq3A_1535 = arith.cmpi eq, %shift_right_logical3A_202, %eq3A_1534 : vector<16xi32>
      %scatter3A_1536 = arith.constant 0 : i32
      %scatter3A_1537 = arith.constant 0 : i32
      %scatter3A_1538 = arith.constant 0 : i32
      %scatter3A_1539 = tpu.memref_slice %arg6[%scatter3A_1536, %scatter3A_1537, %scatter3A_1538] : memref<2x128x128xf32, #tpu.memory_space<vmem>> -> memref<1x128x128xf32, #tpu.memory_space<vmem>>
      %scatter3A_1540 = tpu.memref_squeeze %scatter3A_1539 : memref<1x128x128xf32, #tpu.memory_space<vmem>> -> memref<128x128xf32, #tpu.memory_space<vmem>>
      tpu.vector_store_idx %scatter3A_1540[%and3A_205, %add3A_1532], %broadcast_in_dim3A_1 masked %eq3A_1535 : memref<128x128xf32, #tpu.memory_space<vmem>>[vector<16xi32>, vector<16xi32>], vector<16xf32>, vector<16xi1>
      %iota3A_1541 = tpu.iota {dimensions = array<i32: 0>} : vector<16xi32>
      %add3A_1542 = arith.constant 48 : i32
      %add3A_1543 = vector.broadcast %add3A_1542 : i32 to vector<16xi32>
      %add3A_1544 = arith.addi %iota3A_1541, %add3A_1543 : vector<16xi32>
      %eq3A_1545 = arith.constant 4 : i32
      %eq3A_1546 = vector.broadcast %eq3A_1545 : i32 to vector<16xi32>
      %eq3A_1547 = arith.cmpi eq, %shift_right_logical3A_218, %eq3A_1546 : vector<16xi32>
      %scatter3A_1548 = arith.constant 0 : i32
      %scatter3A_1549 = arith.constant 0 : i32
      %scatter3A_1550 = arith.constant 0 : i32
      %scatter3A_1551 = tpu.memref_slice %arg6[%scatter3A_1548, %scatter3A_1549, %scatter3A_1550] : memref<2x128x128xf32, #tpu.memory_space<vmem>> -> memref<1x128x128xf32, #tpu.memory_space<vmem>>
      %scatter3A_1552 = tpu.memref_squeeze %scatter3A_1551 : memref<1x128x128xf32, #tpu.memory_space<vmem>> -> memref<128x128xf32, #tpu.memory_space<vmem>>
      tpu.vector_store_idx %scatter3A_1552[%and3A_221, %add3A_1544], %broadcast_in_dim3A_1 masked %eq3A_1547 : memref<128x128xf32, #tpu.memory_space<vmem>>[vector<16xi32>, vector<16xi32>], vector<16xf32>, vector<16xi1>
      %iota3A_1553 = tpu.iota {dimensions = array<i32: 0>} : vector<16xi32>
      %add3A_1554 = arith.constant 64 : i32
      %add3A_1555 = vector.broadcast %add3A_1554 : i32 to vector<16xi32>
      %add3A_1556 = arith.addi %iota3A_1553, %add3A_1555 : vector<16xi32>
      %eq3A_1557 = arith.constant 4 : i32
      %eq3A_1558 = vector.broadcast %eq3A_1557 : i32 to vector<16xi32>
      %eq3A_1559 = arith.cmpi eq, %shift_right_logical3A_234, %eq3A_1558 : vector<16xi32>
      %scatter3A_1560 = arith.constant 0 : i32
      %scatter3A_1561 = arith.constant 0 : i32
      %scatter3A_1562 = arith.constant 0 : i32
      %scatter3A_1563 = tpu.memref_slice %arg6[%scatter3A_1560, %scatter3A_1561, %scatter3A_1562] : memref<2x128x128xf32, #tpu.memory_space<vmem>> -> memref<1x128x128xf32, #tpu.memory_space<vmem>>
      %scatter3A_1564 = tpu.memref_squeeze %scatter3A_1563 : memref<1x128x128xf32, #tpu.memory_space<vmem>> -> memref<128x128xf32, #tpu.memory_space<vmem>>
      tpu.vector_store_idx %scatter3A_1564[%and3A_237, %add3A_1556], %broadcast_in_dim3A_1 masked %eq3A_1559 : memref<128x128xf32, #tpu.memory_space<vmem>>[vector<16xi32>, vector<16xi32>], vector<16xf32>, vector<16xi1>
      %iota3A_1565 = tpu.iota {dimensions = array<i32: 0>} : vector<16xi32>
      %add3A_1566 = arith.constant 80 : i32
      %add3A_1567 = vector.broadcast %add3A_1566 : i32 to vector<16xi32>
      %add3A_1568 = arith.addi %iota3A_1565, %add3A_1567 : vector<16xi32>
      %eq3A_1569 = arith.constant 4 : i32
      %eq3A_1570 = vector.broadcast %eq3A_1569 : i32 to vector<16xi32>
      %eq3A_1571 = arith.cmpi eq, %shift_right_logical3A_250, %eq3A_1570 : vector<16xi32>
      %scatter3A_1572 = arith.constant 0 : i32
      %scatter3A_1573 = arith.constant 0 : i32
      %scatter3A_1574 = arith.constant 0 : i32
      %scatter3A_1575 = tpu.memref_slice %arg6[%scatter3A_1572, %scatter3A_1573, %scatter3A_1574] : memref<2x128x128xf32, #tpu.memory_space<vmem>> -> memref<1x128x128xf32, #tpu.memory_space<vmem>>
      %scatter3A_1576 = tpu.memref_squeeze %scatter3A_1575 : memref<1x128x128xf32, #tpu.memory_space<vmem>> -> memref<128x128xf32, #tpu.memory_space<vmem>>
      tpu.vector_store_idx %scatter3A_1576[%and3A_253, %add3A_1568], %broadcast_in_dim3A_1 masked %eq3A_1571 : memref<128x128xf32, #tpu.memory_space<vmem>>[vector<16xi32>, vector<16xi32>], vector<16xf32>, vector<16xi1>
      %iota3A_1577 = tpu.iota {dimensions = array<i32: 0>} : vector<16xi32>
      %add3A_1578 = arith.constant 96 : i32
      %add3A_1579 = vector.broadcast %add3A_1578 : i32 to vector<16xi32>
      %add3A_1580 = arith.addi %iota3A_1577, %add3A_1579 : vector<16xi32>
      %eq3A_1581 = arith.constant 4 : i32
      %eq3A_1582 = vector.broadcast %eq3A_1581 : i32 to vector<16xi32>
      %eq3A_1583 = arith.cmpi eq, %shift_right_logical3A_266, %eq3A_1582 : vector<16xi32>
      %scatter3A_1584 = arith.constant 0 : i32
      %scatter3A_1585 = arith.constant 0 : i32
      %scatter3A_1586 = arith.constant 0 : i32
      %scatter3A_1587 = tpu.memref_slice %arg6[%scatter3A_1584, %scatter3A_1585, %scatter3A_1586] : memref<2x128x128xf32, #tpu.memory_space<vmem>> -> memref<1x128x128xf32, #tpu.memory_space<vmem>>
      %scatter3A_1588 = tpu.memref_squeeze %scatter3A_1587 : memref<1x128x128xf32, #tpu.memory_space<vmem>> -> memref<128x128xf32, #tpu.memory_space<vmem>>
      tpu.vector_store_idx %scatter3A_1588[%and3A_269, %add3A_1580], %broadcast_in_dim3A_1 masked %eq3A_1583 : memref<128x128xf32, #tpu.memory_space<vmem>>[vector<16xi32>, vector<16xi32>], vector<16xf32>, vector<16xi1>
      %iota3A_1589 = tpu.iota {dimensions = array<i32: 0>} : vector<16xi32>
      %add3A_1590 = arith.constant 112 : i32
      %add3A_1591 = vector.broadcast %add3A_1590 : i32 to vector<16xi32>
      %add3A_1592 = arith.addi %iota3A_1589, %add3A_1591 : vector<16xi32>
      %eq3A_1593 = arith.constant 4 : i32
      %eq3A_1594 = vector.broadcast %eq3A_1593 : i32 to vector<16xi32>
      %eq3A_1595 = arith.cmpi eq, %shift_right_logical3A_282, %eq3A_1594 : vector<16xi32>
      %scatter3A_1596 = arith.constant 0 : i32
      %scatter3A_1597 = arith.constant 0 : i32
      %scatter3A_1598 = arith.constant 0 : i32
      %scatter3A_1599 = tpu.memref_slice %arg6[%scatter3A_1596, %scatter3A_1597, %scatter3A_1598] : memref<2x128x128xf32, #tpu.memory_space<vmem>> -> memref<1x128x128xf32, #tpu.memory_space<vmem>>
      %scatter3A_1600 = tpu.memref_squeeze %scatter3A_1599 : memref<1x128x128xf32, #tpu.memory_space<vmem>> -> memref<128x128xf32, #tpu.memory_space<vmem>>
      tpu.vector_store_idx %scatter3A_1600[%and3A_285, %add3A_1592], %broadcast_in_dim3A_1 masked %eq3A_1595 : memref<128x128xf32, #tpu.memory_space<vmem>>[vector<16xi32>, vector<16xi32>], vector<16xf32>, vector<16xi1>
      %iota3A_1601 = tpu.iota {dimensions = array<i32: 0>} : vector<16xi32>
      %add3A_1602 = arith.constant 0 : i32
      %add3A_1603 = vector.broadcast %add3A_1602 : i32 to vector<16xi32>
      %add3A_1604 = arith.addi %iota3A_1601, %add3A_1603 : vector<16xi32>
      %eq3A_1605 = arith.constant 6 : i32
      %eq3A_1606 = vector.broadcast %eq3A_1605 : i32 to vector<16xi32>
      %eq3A_1607 = arith.cmpi eq, %shift_right_logical3A_171, %eq3A_1606 : vector<16xi32>
      %scatter3A_1608 = arith.constant 0 : i32
      %scatter3A_1609 = arith.constant 0 : i32
      %scatter3A_1610 = arith.constant 0 : i32
      %scatter3A_1611 = tpu.memref_slice %arg6[%scatter3A_1608, %scatter3A_1609, %scatter3A_1610] : memref<2x128x128xf32, #tpu.memory_space<vmem>> -> memref<1x128x128xf32, #tpu.memory_space<vmem>>
      %scatter3A_1612 = tpu.memref_squeeze %scatter3A_1611 : memref<1x128x128xf32, #tpu.memory_space<vmem>> -> memref<128x128xf32, #tpu.memory_space<vmem>>
      tpu.vector_store_idx %scatter3A_1612[%and3A_173, %add3A_1604], %broadcast_in_dim3A_3 masked %eq3A_1607 : memref<128x128xf32, #tpu.memory_space<vmem>>[vector<16xi32>, vector<16xi32>], vector<16xf32>, vector<16xi1>
      %iota3A_1613 = tpu.iota {dimensions = array<i32: 0>} : vector<16xi32>
      %add3A_1614 = arith.constant 16 : i32
      %add3A_1615 = vector.broadcast %add3A_1614 : i32 to vector<16xi32>
      %add3A_1616 = arith.addi %iota3A_1613, %add3A_1615 : vector<16xi32>
      %eq3A_1617 = arith.constant 6 : i32
      %eq3A_1618 = vector.broadcast %eq3A_1617 : i32 to vector<16xi32>
      %eq3A_1619 = arith.cmpi eq, %shift_right_logical3A_186, %eq3A_1618 : vector<16xi32>
      %scatter3A_1620 = arith.constant 0 : i32
      %scatter3A_1621 = arith.constant 0 : i32
      %scatter3A_1622 = arith.constant 0 : i32
      %scatter3A_1623 = tpu.memref_slice %arg6[%scatter3A_1620, %scatter3A_1621, %scatter3A_1622] : memref<2x128x128xf32, #tpu.memory_space<vmem>> -> memref<1x128x128xf32, #tpu.memory_space<vmem>>
      %scatter3A_1624 = tpu.memref_squeeze %scatter3A_1623 : memref<1x128x128xf32, #tpu.memory_space<vmem>> -> memref<128x128xf32, #tpu.memory_space<vmem>>
      tpu.vector_store_idx %scatter3A_1624[%and3A_189, %add3A_1616], %broadcast_in_dim3A_3 masked %eq3A_1619 : memref<128x128xf32, #tpu.memory_space<vmem>>[vector<16xi32>, vector<16xi32>], vector<16xf32>, vector<16xi1>
      %iota3A_1625 = tpu.iota {dimensions = array<i32: 0>} : vector<16xi32>
      %add3A_1626 = arith.constant 32 : i32
      %add3A_1627 = vector.broadcast %add3A_1626 : i32 to vector<16xi32>
      %add3A_1628 = arith.addi %iota3A_1625, %add3A_1627 : vector<16xi32>
      %eq3A_1629 = arith.constant 6 : i32
      %eq3A_1630 = vector.broadcast %eq3A_1629 : i32 to vector<16xi32>
      %eq3A_1631 = arith.cmpi eq, %shift_right_logical3A_202, %eq3A_1630 : vector<16xi32>
      %scatter3A_1632 = arith.constant 0 : i32
      %scatter3A_1633 = arith.constant 0 : i32
      %scatter3A_1634 = arith.constant 0 : i32
      %scatter3A_1635 = tpu.memref_slice %arg6[%scatter3A_1632, %scatter3A_1633, %scatter3A_1634] : memref<2x128x128xf32, #tpu.memory_space<vmem>> -> memref<1x128x128xf32, #tpu.memory_space<vmem>>
      %scatter3A_1636 = tpu.memref_squeeze %scatter3A_1635 : memref<1x128x128xf32, #tpu.memory_space<vmem>> -> memref<128x128xf32, #tpu.memory_space<vmem>>
      tpu.vector_store_idx %scatter3A_1636[%and3A_205, %add3A_1628], %broadcast_in_dim3A_3 masked %eq3A_1631 : memref<128x128xf32, #tpu.memory_space<vmem>>[vector<16xi32>, vector<16xi32>], vector<16xf32>, vector<16xi1>
      %iota3A_1637 = tpu.iota {dimensions = array<i32: 0>} : vector<16xi32>
      %add3A_1638 = arith.constant 48 : i32
      %add3A_1639 = vector.broadcast %add3A_1638 : i32 to vector<16xi32>
      %add3A_1640 = arith.addi %iota3A_1637, %add3A_1639 : vector<16xi32>
      %eq3A_1641 = arith.constant 6 : i32
      %eq3A_1642 = vector.broadcast %eq3A_1641 : i32 to vector<16xi32>
      %eq3A_1643 = arith.cmpi eq, %shift_right_logical3A_218, %eq3A_1642 : vector<16xi32>
      %scatter3A_1644 = arith.constant 0 : i32
      %scatter3A_1645 = arith.constant 0 : i32
      %scatter3A_1646 = arith.constant 0 : i32
      %scatter3A_1647 = tpu.memref_slice %arg6[%scatter3A_1644, %scatter3A_1645, %scatter3A_1646] : memref<2x128x128xf32, #tpu.memory_space<vmem>> -> memref<1x128x128xf32, #tpu.memory_space<vmem>>
      %scatter3A_1648 = tpu.memref_squeeze %scatter3A_1647 : memref<1x128x128xf32, #tpu.memory_space<vmem>> -> memref<128x128xf32, #tpu.memory_space<vmem>>
      tpu.vector_store_idx %scatter3A_1648[%and3A_221, %add3A_1640], %broadcast_in_dim3A_3 masked %eq3A_1643 : memref<128x128xf32, #tpu.memory_space<vmem>>[vector<16xi32>, vector<16xi32>], vector<16xf32>, vector<16xi1>
      %iota3A_1649 = tpu.iota {dimensions = array<i32: 0>} : vector<16xi32>
      %add3A_1650 = arith.constant 64 : i32
      %add3A_1651 = vector.broadcast %add3A_1650 : i32 to vector<16xi32>
      %add3A_1652 = arith.addi %iota3A_1649, %add3A_1651 : vector<16xi32>
      %eq3A_1653 = arith.constant 6 : i32
      %eq3A_1654 = vector.broadcast %eq3A_1653 : i32 to vector<16xi32>
      %eq3A_1655 = arith.cmpi eq, %shift_right_logical3A_234, %eq3A_1654 : vector<16xi32>
      %scatter3A_1656 = arith.constant 0 : i32
      %scatter3A_1657 = arith.constant 0 : i32
      %scatter3A_1658 = arith.constant 0 : i32
      %scatter3A_1659 = tpu.memref_slice %arg6[%scatter3A_1656, %scatter3A_1657, %scatter3A_1658] : memref<2x128x128xf32, #tpu.memory_space<vmem>> -> memref<1x128x128xf32, #tpu.memory_space<vmem>>
      %scatter3A_1660 = tpu.memref_squeeze %scatter3A_1659 : memref<1x128x128xf32, #tpu.memory_space<vmem>> -> memref<128x128xf32, #tpu.memory_space<vmem>>
      tpu.vector_store_idx %scatter3A_1660[%and3A_237, %add3A_1652], %broadcast_in_dim3A_3 masked %eq3A_1655 : memref<128x128xf32, #tpu.memory_space<vmem>>[vector<16xi32>, vector<16xi32>], vector<16xf32>, vector<16xi1>
      %iota3A_1661 = tpu.iota {dimensions = array<i32: 0>} : vector<16xi32>
      %add3A_1662 = arith.constant 80 : i32
      %add3A_1663 = vector.broadcast %add3A_1662 : i32 to vector<16xi32>
      %add3A_1664 = arith.addi %iota3A_1661, %add3A_1663 : vector<16xi32>
      %eq3A_1665 = arith.constant 6 : i32
      %eq3A_1666 = vector.broadcast %eq3A_1665 : i32 to vector<16xi32>
      %eq3A_1667 = arith.cmpi eq, %shift_right_logical3A_250, %eq3A_1666 : vector<16xi32>
      %scatter3A_1668 = arith.constant 0 : i32
      %scatter3A_1669 = arith.constant 0 : i32
      %scatter3A_1670 = arith.constant 0 : i32
      %scatter3A_1671 = tpu.memref_slice %arg6[%scatter3A_1668, %scatter3A_1669, %scatter3A_1670] : memref<2x128x128xf32, #tpu.memory_space<vmem>> -> memref<1x128x128xf32, #tpu.memory_space<vmem>>
      %scatter3A_1672 = tpu.memref_squeeze %scatter3A_1671 : memref<1x128x128xf32, #tpu.memory_space<vmem>> -> memref<128x128xf32, #tpu.memory_space<vmem>>
      tpu.vector_store_idx %scatter3A_1672[%and3A_253, %add3A_1664], %broadcast_in_dim3A_3 masked %eq3A_1667 : memref<128x128xf32, #tpu.memory_space<vmem>>[vector<16xi32>, vector<16xi32>], vector<16xf32>, vector<16xi1>
      %iota3A_1673 = tpu.iota {dimensions = array<i32: 0>} : vector<16xi32>
      %add3A_1674 = arith.constant 96 : i32
      %add3A_1675 = vector.broadcast %add3A_1674 : i32 to vector<16xi32>
      %add3A_1676 = arith.addi %iota3A_1673, %add3A_1675 : vector<16xi32>
      %eq3A_1677 = arith.constant 6 : i32
      %eq3A_1678 = vector.broadcast %eq3A_1677 : i32 to vector<16xi32>
      %eq3A_1679 = arith.cmpi eq, %shift_right_logical3A_266, %eq3A_1678 : vector<16xi32>
      %scatter3A_1680 = arith.constant 0 : i32
      %scatter3A_1681 = arith.constant 0 : i32
      %scatter3A_1682 = arith.constant 0 : i32
      %scatter3A_1683 = tpu.memref_slice %arg6[%scatter3A_1680, %scatter3A_1681, %scatter3A_1682] : memref<2x128x128xf32, #tpu.memory_space<vmem>> -> memref<1x128x128xf32, #tpu.memory_space<vmem>>
      %scatter3A_1684 = tpu.memref_squeeze %scatter3A_1683 : memref<1x128x128xf32, #tpu.memory_space<vmem>> -> memref<128x128xf32, #tpu.memory_space<vmem>>
      tpu.vector_store_idx %scatter3A_1684[%and3A_269, %add3A_1676], %broadcast_in_dim3A_3 masked %eq3A_1679 : memref<128x128xf32, #tpu.memory_space<vmem>>[vector<16xi32>, vector<16xi32>], vector<16xf32>, vector<16xi1>
      %iota3A_1685 = tpu.iota {dimensions = array<i32: 0>} : vector<16xi32>
      %add3A_1686 = arith.constant 112 : i32
      %add3A_1687 = vector.broadcast %add3A_1686 : i32 to vector<16xi32>
      %add3A_1688 = arith.addi %iota3A_1685, %add3A_1687 : vector<16xi32>
      %eq3A_1689 = arith.constant 6 : i32
      %eq3A_1690 = vector.broadcast %eq3A_1689 : i32 to vector<16xi32>
      %eq3A_1691 = arith.cmpi eq, %shift_right_logical3A_282, %eq3A_1690 : vector<16xi32>
      %scatter3A_1692 = arith.constant 0 : i32
      %scatter3A_1693 = arith.constant 0 : i32
      %scatter3A_1694 = arith.constant 0 : i32
      %scatter3A_1695 = tpu.memref_slice %arg6[%scatter3A_1692, %scatter3A_1693, %scatter3A_1694] : memref<2x128x128xf32, #tpu.memory_space<vmem>> -> memref<1x128x128xf32, #tpu.memory_space<vmem>>
      %scatter3A_1696 = tpu.memref_squeeze %scatter3A_1695 : memref<1x128x128xf32, #tpu.memory_space<vmem>> -> memref<128x128xf32, #tpu.memory_space<vmem>>
      tpu.vector_store_idx %scatter3A_1696[%and3A_285, %add3A_1688], %broadcast_in_dim3A_3 masked %eq3A_1691 : memref<128x128xf32, #tpu.memory_space<vmem>>[vector<16xi32>, vector<16xi32>], vector<16xf32>, vector<16xi1>
      %dma_start3A_1697 = arith.constant 0 : i32
      %dma_start3A_1698 = arith.constant 0 : i32
      %dma_start3A_1699 = arith.constant 0 : i32
      %dma_start3A_1700 = tpu.memref_slice %arg6[%dma_start3A_1697, %dma_start3A_1698, %dma_start3A_1699] : memref<2x128x128xf32, #tpu.memory_space<vmem>> -> memref<1x128x128xf32, #tpu.memory_space<vmem>>
      %dma_start3A_1701 = tpu.memref_squeeze %dma_start3A_1700 : memref<1x128x128xf32, #tpu.memory_space<vmem>> -> memref<128x128xf32, #tpu.memory_space<vmem>>
      %dma_start3A_1702 = arith.constant 768 : i32
      %dma_start3A_1703 = tpu.memref_slice %arg3[%dma_start3A_1702, %add3A_132] : memref<1128x16384xf32, #tpu.memory_space<hbm>> -> memref<128x128xf32, #tpu.memory_space<hbm>>
      %dma_start3A_1704 = arith.constant 768 : i32
      %dma_start3A_1705 = tpu.memref_slice %arg3[%dma_start3A_1704, %add3A_132] : memref<1128x16384xf32, #tpu.memory_space<hbm>> -> memref<128x128xf32, #tpu.memory_space<hbm>>
      %dma_start3A_1706 = arith.constant 0 : i32
      %dma_start3A_1707 = arith.constant 0 : i32
      %dma_start3A_1708 = tpu.memref_slice %arg6[%dma_start3A_1697, %dma_start3A_1706, %dma_start3A_1707] : memref<2x128x128xf32, #tpu.memory_space<vmem>> -> memref<1x128x128xf32, #tpu.memory_space<vmem>>
      %dma_start3A_1709 = tpu.memref_squeeze %dma_start3A_1708 : memref<1x128x128xf32, #tpu.memory_space<vmem>> -> memref<128x128xf32, #tpu.memory_space<vmem>>
      tpu.enqueue_dma source(%dma_start3A_1709 : memref<128x128xf32, #tpu.memory_space<vmem>>) target(%dma_start3A_1705 : memref<128x128xf32, #tpu.memory_space<hbm>>) target_semaphore(%arg8 : memref<!tpu.dma_semaphore, #tpu.memory_space<semaphore_mem>>)
      %iota3A_1710 = tpu.iota {dimensions = array<i32: 0>} : vector<16xi32>
      %add3A_1711 = arith.constant 0 : i32
      %add3A_1712 = vector.broadcast %add3A_1711 : i32 to vector<16xi32>
      %add3A_1713 = arith.addi %iota3A_1710, %add3A_1712 : vector<16xi32>
      %eq3A_1714 = arith.constant 7 : i32
      %eq3A_1715 = vector.broadcast %eq3A_1714 : i32 to vector<16xi32>
      %eq3A_1716 = arith.cmpi eq, %shift_right_logical3A_171, %eq3A_1715 : vector<16xi32>
      %scatter3A_1717 = arith.constant 0 : i32
      %scatter3A_1718 = arith.constant 0 : i32
      %scatter3A_1719 = tpu.memref_slice %arg7[%scatter3A_1717, %scatter3A_1718] : memref<232x128xf32, #tpu.memory_space<vmem>> -> memref<104x128xf32, #tpu.memory_space<vmem>>
      tpu.vector_store_idx %scatter3A_1719[%and3A_173, %add3A_1713], %broadcast_in_dim3A_3 masked %eq3A_1716 : memref<104x128xf32, #tpu.memory_space<vmem>>[vector<16xi32>, vector<16xi32>], vector<16xf32>, vector<16xi1>
      %iota3A_1720 = tpu.iota {dimensions = array<i32: 0>} : vector<16xi32>
      %add3A_1721 = arith.constant 16 : i32
      %add3A_1722 = vector.broadcast %add3A_1721 : i32 to vector<16xi32>
      %add3A_1723 = arith.addi %iota3A_1720, %add3A_1722 : vector<16xi32>
      %eq3A_1724 = arith.constant 7 : i32
      %eq3A_1725 = vector.broadcast %eq3A_1724 : i32 to vector<16xi32>
      %eq3A_1726 = arith.cmpi eq, %shift_right_logical3A_186, %eq3A_1725 : vector<16xi32>
      %scatter3A_1727 = arith.constant 0 : i32
      %scatter3A_1728 = arith.constant 0 : i32
      %scatter3A_1729 = tpu.memref_slice %arg7[%scatter3A_1727, %scatter3A_1728] : memref<232x128xf32, #tpu.memory_space<vmem>> -> memref<104x128xf32, #tpu.memory_space<vmem>>
      tpu.vector_store_idx %scatter3A_1729[%and3A_189, %add3A_1723], %broadcast_in_dim3A_3 masked %eq3A_1726 : memref<104x128xf32, #tpu.memory_space<vmem>>[vector<16xi32>, vector<16xi32>], vector<16xf32>, vector<16xi1>
      %iota3A_1730 = tpu.iota {dimensions = array<i32: 0>} : vector<16xi32>
      %add3A_1731 = arith.constant 32 : i32
      %add3A_1732 = vector.broadcast %add3A_1731 : i32 to vector<16xi32>
      %add3A_1733 = arith.addi %iota3A_1730, %add3A_1732 : vector<16xi32>
      %eq3A_1734 = arith.constant 7 : i32
      %eq3A_1735 = vector.broadcast %eq3A_1734 : i32 to vector<16xi32>
      %eq3A_1736 = arith.cmpi eq, %shift_right_logical3A_202, %eq3A_1735 : vector<16xi32>
      %scatter3A_1737 = arith.constant 0 : i32
      %scatter3A_1738 = arith.constant 0 : i32
      %scatter3A_1739 = tpu.memref_slice %arg7[%scatter3A_1737, %scatter3A_1738] : memref<232x128xf32, #tpu.memory_space<vmem>> -> memref<104x128xf32, #tpu.memory_space<vmem>>
      tpu.vector_store_idx %scatter3A_1739[%and3A_205, %add3A_1733], %broadcast_in_dim3A_3 masked %eq3A_1736 : memref<104x128xf32, #tpu.memory_space<vmem>>[vector<16xi32>, vector<16xi32>], vector<16xf32>, vector<16xi1>
      %iota3A_1740 = tpu.iota {dimensions = array<i32: 0>} : vector<16xi32>
      %add3A_1741 = arith.constant 48 : i32
      %add3A_1742 = vector.broadcast %add3A_1741 : i32 to vector<16xi32>
      %add3A_1743 = arith.addi %iota3A_1740, %add3A_1742 : vector<16xi32>
      %eq3A_1744 = arith.constant 7 : i32
      %eq3A_1745 = vector.broadcast %eq3A_1744 : i32 to vector<16xi32>
      %eq3A_1746 = arith.cmpi eq, %shift_right_logical3A_218, %eq3A_1745 : vector<16xi32>
      %scatter3A_1747 = arith.constant 0 : i32
      %scatter3A_1748 = arith.constant 0 : i32
      %scatter3A_1749 = tpu.memref_slice %arg7[%scatter3A_1747, %scatter3A_1748] : memref<232x128xf32, #tpu.memory_space<vmem>> -> memref<104x128xf32, #tpu.memory_space<vmem>>
      tpu.vector_store_idx %scatter3A_1749[%and3A_221, %add3A_1743], %broadcast_in_dim3A_3 masked %eq3A_1746 : memref<104x128xf32, #tpu.memory_space<vmem>>[vector<16xi32>, vector<16xi32>], vector<16xf32>, vector<16xi1>
      %iota3A_1750 = tpu.iota {dimensions = array<i32: 0>} : vector<16xi32>
      %add3A_1751 = arith.constant 64 : i32
      %add3A_1752 = vector.broadcast %add3A_1751 : i32 to vector<16xi32>
      %add3A_1753 = arith.addi %iota3A_1750, %add3A_1752 : vector<16xi32>
      %eq3A_1754 = arith.constant 7 : i32
      %eq3A_1755 = vector.broadcast %eq3A_1754 : i32 to vector<16xi32>
      %eq3A_1756 = arith.cmpi eq, %shift_right_logical3A_234, %eq3A_1755 : vector<16xi32>
      %scatter3A_1757 = arith.constant 0 : i32
      %scatter3A_1758 = arith.constant 0 : i32
      %scatter3A_1759 = tpu.memref_slice %arg7[%scatter3A_1757, %scatter3A_1758] : memref<232x128xf32, #tpu.memory_space<vmem>> -> memref<104x128xf32, #tpu.memory_space<vmem>>
      tpu.vector_store_idx %scatter3A_1759[%and3A_237, %add3A_1753], %broadcast_in_dim3A_3 masked %eq3A_1756 : memref<104x128xf32, #tpu.memory_space<vmem>>[vector<16xi32>, vector<16xi32>], vector<16xf32>, vector<16xi1>
      %iota3A_1760 = tpu.iota {dimensions = array<i32: 0>} : vector<16xi32>
      %add3A_1761 = arith.constant 80 : i32
      %add3A_1762 = vector.broadcast %add3A_1761 : i32 to vector<16xi32>
      %add3A_1763 = arith.addi %iota3A_1760, %add3A_1762 : vector<16xi32>
      %eq3A_1764 = arith.constant 7 : i32
      %eq3A_1765 = vector.broadcast %eq3A_1764 : i32 to vector<16xi32>
      %eq3A_1766 = arith.cmpi eq, %shift_right_logical3A_250, %eq3A_1765 : vector<16xi32>
      %scatter3A_1767 = arith.constant 0 : i32
      %scatter3A_1768 = arith.constant 0 : i32
      %scatter3A_1769 = tpu.memref_slice %arg7[%scatter3A_1767, %scatter3A_1768] : memref<232x128xf32, #tpu.memory_space<vmem>> -> memref<104x128xf32, #tpu.memory_space<vmem>>
      tpu.vector_store_idx %scatter3A_1769[%and3A_253, %add3A_1763], %broadcast_in_dim3A_3 masked %eq3A_1766 : memref<104x128xf32, #tpu.memory_space<vmem>>[vector<16xi32>, vector<16xi32>], vector<16xf32>, vector<16xi1>
      %iota3A_1770 = tpu.iota {dimensions = array<i32: 0>} : vector<16xi32>
      %add3A_1771 = arith.constant 96 : i32
      %add3A_1772 = vector.broadcast %add3A_1771 : i32 to vector<16xi32>
      %add3A_1773 = arith.addi %iota3A_1770, %add3A_1772 : vector<16xi32>
      %eq3A_1774 = arith.constant 7 : i32
      %eq3A_1775 = vector.broadcast %eq3A_1774 : i32 to vector<16xi32>
      %eq3A_1776 = arith.cmpi eq, %shift_right_logical3A_266, %eq3A_1775 : vector<16xi32>
      %scatter3A_1777 = arith.constant 0 : i32
      %scatter3A_1778 = arith.constant 0 : i32
      %scatter3A_1779 = tpu.memref_slice %arg7[%scatter3A_1777, %scatter3A_1778] : memref<232x128xf32, #tpu.memory_space<vmem>> -> memref<104x128xf32, #tpu.memory_space<vmem>>
      tpu.vector_store_idx %scatter3A_1779[%and3A_269, %add3A_1773], %broadcast_in_dim3A_3 masked %eq3A_1776 : memref<104x128xf32, #tpu.memory_space<vmem>>[vector<16xi32>, vector<16xi32>], vector<16xf32>, vector<16xi1>
      %iota3A_1780 = tpu.iota {dimensions = array<i32: 0>} : vector<16xi32>
      %add3A_1781 = arith.constant 112 : i32
      %add3A_1782 = vector.broadcast %add3A_1781 : i32 to vector<16xi32>
      %add3A_1783 = arith.addi %iota3A_1780, %add3A_1782 : vector<16xi32>
      %eq3A_1784 = arith.constant 7 : i32
      %eq3A_1785 = vector.broadcast %eq3A_1784 : i32 to vector<16xi32>
      %eq3A_1786 = arith.cmpi eq, %shift_right_logical3A_282, %eq3A_1785 : vector<16xi32>
      %scatter3A_1787 = arith.constant 0 : i32
      %scatter3A_1788 = arith.constant 0 : i32
      %scatter3A_1789 = tpu.memref_slice %arg7[%scatter3A_1787, %scatter3A_1788] : memref<232x128xf32, #tpu.memory_space<vmem>> -> memref<104x128xf32, #tpu.memory_space<vmem>>
      tpu.vector_store_idx %scatter3A_1789[%and3A_285, %add3A_1783], %broadcast_in_dim3A_3 masked %eq3A_1786 : memref<104x128xf32, #tpu.memory_space<vmem>>[vector<16xi32>, vector<16xi32>], vector<16xf32>, vector<16xi1>
      %dma_start3A_1790 = arith.constant 896 : i32
      %dma_start3A_1791 = tpu.memref_slice %arg3[%dma_start3A_1790, %add3A_132] : memref<1128x16384xf32, #tpu.memory_space<hbm>> -> memref<232x128xf32, #tpu.memory_space<hbm>>
      %dma_start3A_1792 = arith.constant 896 : i32
      %dma_start3A_1793 = tpu.memref_slice %arg3[%dma_start3A_1792, %add3A_132] : memref<1128x16384xf32, #tpu.memory_space<hbm>> -> memref<232x128xf32, #tpu.memory_space<hbm>>
      tpu.enqueue_dma source(%arg7 : memref<232x128xf32, #tpu.memory_space<vmem>>) target(%dma_start3A_1793 : memref<232x128xf32, #tpu.memory_space<hbm>>) target_semaphore(%arg10 : memref<!tpu.dma_semaphore, #tpu.memory_space<semaphore_mem>>)
      %mul3A_1794 = arith.constant 2 : i32
      %mul3A_1795 = arith.muli %mul3A_1794, %scan3A_111 : i32
      %add3A_1796 = arith.constant 1 : i32
      %add3A_1797 = arith.addi %mul3A_1795, %add3A_1796 : i32
      %mul3A_1798 = arith.constant 128 : i32
      %mul3A_1799 = arith.muli %add3A_1797, %mul3A_1798 : i32
      %add3A_1800 = arith.addi %mul3A_7, %mul3A_1799 : i32
      %mul3A_1801 = arith.constant 128 : i32
      %mul3A_1802 = arith.muli %add3A_1797, %mul3A_1801 : i32
      %add3A_1803 = arith.addi %mul3A_7, %mul3A_1802 : i32
      %dma_wait3A_1804 = arith.constant 1 : i32
      %dma_wait3A_1805 = arith.constant 0 : i32
      %dma_wait3A_1806 = arith.constant 0 : i32
      %dma_wait3A_1807 = tpu.memref_slice %arg4[%dma_wait3A_1804, %dma_wait3A_1805, %dma_wait3A_1806] : memref<2x128x128xf32, #tpu.memory_space<vmem>> -> memref<1x128x128xf32, #tpu.memory_space<vmem>>
      %dma_wait3A_1808 = tpu.memref_squeeze %dma_wait3A_1807 : memref<1x128x128xf32, #tpu.memory_space<vmem>> -> memref<128x128xf32, #tpu.memory_space<vmem>>
      %dma_wait3A_1809 = arith.constant 0 : i32
      %dma_wait3A_1810 = tpu.memref_slice %arg2[%dma_wait3A_1809, %add3A_1803] : memref<129x16384xf32, #tpu.memory_space<hbm>> -> memref<128x128xf32, #tpu.memory_space<hbm>>
      %dma_wait3A_1811 = arith.constant 0 : i32
      %dma_wait3A_1812 = arith.constant 0 : i32
      %dma_wait3A_1813 = tpu.memref_slice %arg4[%dma_wait3A_1804, %dma_wait3A_1811, %dma_wait3A_1812] : memref<2x128x128xf32, #tpu.memory_space<vmem>> -> memref<1x128x128xf32, #tpu.memory_space<vmem>>
      %dma_wait3A_1814 = tpu.memref_squeeze %dma_wait3A_1813 : memref<1x128x128xf32, #tpu.memory_space<vmem>> -> memref<128x128xf32, #tpu.memory_space<vmem>>
      %dma_wait3A_1815 = arith.constant 0 : i32
      %dma_wait3A_1816 = tpu.memref_slice %arg2[%dma_wait3A_1815, %add3A_1803] : memref<129x16384xf32, #tpu.memory_space<hbm>> -> memref<128x128xf32, #tpu.memory_space<hbm>>
      tpu.wait_dma2 semaphore(%arg12 : memref<!tpu.dma_semaphore, #tpu.memory_space<semaphore_mem>>) src(%dma_wait3A_1816 : memref<128x128xf32, #tpu.memory_space<hbm>>) dst(%dma_wait3A_1814 : memref<128x128xf32, #tpu.memory_space<vmem>>)
      %dma_wait3A_1817 = arith.constant 1 : i32
      %dma_wait3A_1818 = arith.constant 0 : i32
      %dma_wait3A_1819 = arith.constant 0 : i32
      %dma_wait3A_1820 = tpu.memref_slice %arg5[%dma_wait3A_1817, %dma_wait3A_1818, %dma_wait3A_1819] : memref<2x1x128xf32, #tpu.memory_space<vmem>> -> memref<1x1x128xf32, #tpu.memory_space<vmem>>
      %dma_wait3A_1821 = tpu.memref_squeeze %dma_wait3A_1820 : memref<1x1x128xf32, #tpu.memory_space<vmem>> -> memref<1x128xf32, #tpu.memory_space<vmem>>
      %dma_wait3A_1822 = arith.constant 128 : i32
      %dma_wait3A_1823 = tpu.memref_slice %arg2[%dma_wait3A_1822, %add3A_1803] : memref<129x16384xf32, #tpu.memory_space<hbm>> -> memref<1x128xf32, #tpu.memory_space<hbm>>
      %dma_wait3A_1824 = arith.constant 0 : i32
      %dma_wait3A_1825 = arith.constant 0 : i32
      %dma_wait3A_1826 = tpu.memref_slice %arg5[%dma_wait3A_1817, %dma_wait3A_1824, %dma_wait3A_1825] : memref<2x1x128xf32, #tpu.memory_space<vmem>> -> memref<1x1x128xf32, #tpu.memory_space<vmem>>
      %dma_wait3A_1827 = tpu.memref_squeeze %dma_wait3A_1826 : memref<1x1x128xf32, #tpu.memory_space<vmem>> -> memref<1x128xf32, #tpu.memory_space<vmem>>
      %dma_wait3A_1828 = arith.constant 128 : i32
      %dma_wait3A_1829 = tpu.memref_slice %arg2[%dma_wait3A_1828, %add3A_1803] : memref<129x16384xf32, #tpu.memory_space<hbm>> -> memref<1x128xf32, #tpu.memory_space<hbm>>
      tpu.wait_dma2 semaphore(%arg12 : memref<!tpu.dma_semaphore, #tpu.memory_space<semaphore_mem>>) src(%dma_wait3A_1829 : memref<1x128xf32, #tpu.memory_space<hbm>>) dst(%dma_wait3A_1827 : memref<1x128xf32, #tpu.memory_space<vmem>>)
      %get3A_1830 = arith.constant 1 : i32
      %get3A_1831 = arith.constant 0 : i32
      %get3A_1832 = arith.constant 0 : i32
      %get3A_1833 = arith.constant 0 : i32
      %get3A_1834 = tpu.memref_slice %arg4[%get3A_1830, %get3A_1832, %get3A_1833] : memref<2x128x128xf32, #tpu.memory_space<vmem>> -> memref<1x128x128xf32, #tpu.memory_space<vmem>>
      %get3A_1835 = tpu.memref_squeeze %get3A_1834 : memref<1x128x128xf32, #tpu.memory_space<vmem>> -> memref<128x128xf32, #tpu.memory_space<vmem>>
      %get3A_1836 = arith.index_cast %get3A_1831 : i32 to index
      %get3A_1837 = arith.constant 0 : index
      %get3A_1838 = tpu.vector_load %get3A_1835[%get3A_1836, %get3A_1837] {strides = array<i32>} : memref<128x128xf32, #tpu.memory_space<vmem>>, vector<16xf32>,
      %convert_element_type3A_1839 = arith.fptosi %get3A_1838 : vector<16xf32> to vector<16xi32>
      %shift_right_logical3A_1840 = arith.constant 7 : i32
      %shift_right_logical3A_1841 = vector.broadcast %shift_right_logical3A_1840 : i32 to vector<16xi32>
      %shift_right_logical3A_1842 = arith.shrui %convert_element_type3A_1839, %shift_right_logical3A_1841 : vector<16xi32>
      %and3A_1843 = arith.constant 127 : i32
      %and3A_1844 = vector.broadcast %and3A_1843 : i32 to vector<16xi32>
      %and3A_1845 = arith.andi %convert_element_type3A_1839, %and3A_1844 : vector<16xi32>
      %get3A_1846 = arith.constant 1 : i32
      %get3A_1847 = arith.constant 0 : i32
      %get3A_1848 = arith.constant 0 : i32
      %get3A_1849 = arith.constant 0 : i32
      %get3A_1850 = tpu.memref_slice %arg4[%get3A_1846, %get3A_1848, %get3A_1849] : memref<2x128x128xf32, #tpu.memory_space<vmem>> -> memref<1x128x128xf32, #tpu.memory_space<vmem>>
      %get3A_1851 = tpu.memref_squeeze %get3A_1850 : memref<1x128x128xf32, #tpu.memory_space<vmem>> -> memref<128x128xf32, #tpu.memory_space<vmem>>
      %get3A_1852 = arith.index_cast %get3A_1847 : i32 to index
      %get3A_1853 = arith.constant 16 : index
      %get3A_1854 = tpu.vector_load %get3A_1851[%get3A_1852, %get3A_1853] {strides = array<i32>} : memref<128x128xf32, #tpu.memory_space<vmem>>, vector<16xf32>,
      %convert_element_type3A_1855 = arith.fptosi %get3A_1854 : vector<16xf32> to vector<16xi32>
      %shift_right_logical3A_1856 = arith.constant 7 : i32
      %shift_right_logical3A_1857 = vector.broadcast %shift_right_logical3A_1856 : i32 to vector<16xi32>
      %shift_right_logical3A_1858 = arith.shrui %convert_element_type3A_1855, %shift_right_logical3A_1857 : vector<16xi32>
      %and3A_1859 = arith.constant 127 : i32
      %and3A_1860 = vector.broadcast %and3A_1859 : i32 to vector<16xi32>
      %and3A_1861 = arith.andi %convert_element_type3A_1855, %and3A_1860 : vector<16xi32>
      %get3A_1862 = arith.constant 1 : i32
      %get3A_1863 = arith.constant 0 : i32
      %get3A_1864 = arith.constant 0 : i32
      %get3A_1865 = arith.constant 0 : i32
      %get3A_1866 = tpu.memref_slice %arg4[%get3A_1862, %get3A_1864, %get3A_1865] : memref<2x128x128xf32, #tpu.memory_space<vmem>> -> memref<1x128x128xf32, #tpu.memory_space<vmem>>
      %get3A_1867 = tpu.memref_squeeze %get3A_1866 : memref<1x128x128xf32, #tpu.memory_space<vmem>> -> memref<128x128xf32, #tpu.memory_space<vmem>>
      %get3A_1868 = arith.index_cast %get3A_1863 : i32 to index
      %get3A_1869 = arith.constant 32 : index
      %get3A_1870 = tpu.vector_load %get3A_1867[%get3A_1868, %get3A_1869] {strides = array<i32>} : memref<128x128xf32, #tpu.memory_space<vmem>>, vector<16xf32>,
      %convert_element_type3A_1871 = arith.fptosi %get3A_1870 : vector<16xf32> to vector<16xi32>
      %shift_right_logical3A_1872 = arith.constant 7 : i32
      %shift_right_logical3A_1873 = vector.broadcast %shift_right_logical3A_1872 : i32 to vector<16xi32>
      %shift_right_logical3A_1874 = arith.shrui %convert_element_type3A_1871, %shift_right_logical3A_1873 : vector<16xi32>
      %and3A_1875 = arith.constant 127 : i32
      %and3A_1876 = vector.broadcast %and3A_1875 : i32 to vector<16xi32>
      %and3A_1877 = arith.andi %convert_element_type3A_1871, %and3A_1876 : vector<16xi32>
      %get3A_1878 = arith.constant 1 : i32
      %get3A_1879 = arith.constant 0 : i32
      %get3A_1880 = arith.constant 0 : i32
      %get3A_1881 = arith.constant 0 : i32
      %get3A_1882 = tpu.memref_slice %arg4[%get3A_1878, %get3A_1880, %get3A_1881] : memref<2x128x128xf32, #tpu.memory_space<vmem>> -> memref<1x128x128xf32, #tpu.memory_space<vmem>>
      %get3A_1883 = tpu.memref_squeeze %get3A_1882 : memref<1x128x128xf32, #tpu.memory_space<vmem>> -> memref<128x128xf32, #tpu.memory_space<vmem>>
      %get3A_1884 = arith.index_cast %get3A_1879 : i32 to index
      %get3A_1885 = arith.constant 48 : index
      %get3A_1886 = tpu.vector_load %get3A_1883[%get3A_1884, %get3A_1885] {strides = array<i32>} : memref<128x128xf32, #tpu.memory_space<vmem>>, vector<16xf32>,
      %convert_element_type3A_1887 = arith.fptosi %get3A_1886 : vector<16xf32> to vector<16xi32>
      %shift_right_logical3A_1888 = arith.constant 7 : i32
      %shift_right_logical3A_1889 = vector.broadcast %shift_right_logical3A_1888 : i32 to vector<16xi32>
      %shift_right_logical3A_1890 = arith.shrui %convert_element_type3A_1887, %shift_right_logical3A_1889 : vector<16xi32>
      %and3A_1891 = arith.constant 127 : i32
      %and3A_1892 = vector.broadcast %and3A_1891 : i32 to vector<16xi32>
      %and3A_1893 = arith.andi %convert_element_type3A_1887, %and3A_1892 : vector<16xi32>
      %get3A_1894 = arith.constant 1 : i32
      %get3A_1895 = arith.constant 0 : i32
      %get3A_1896 = arith.constant 0 : i32
      %get3A_1897 = arith.constant 0 : i32
      %get3A_1898 = tpu.memref_slice %arg4[%get3A_1894, %get3A_1896, %get3A_1897] : memref<2x128x128xf32, #tpu.memory_space<vmem>> -> memref<1x128x128xf32, #tpu.memory_space<vmem>>
      %get3A_1899 = tpu.memref_squeeze %get3A_1898 : memref<1x128x128xf32, #tpu.memory_space<vmem>> -> memref<128x128xf32, #tpu.memory_space<vmem>>
      %get3A_1900 = arith.index_cast %get3A_1895 : i32 to index
      %get3A_1901 = arith.constant 64 : index
      %get3A_1902 = tpu.vector_load %get3A_1899[%get3A_1900, %get3A_1901] {strides = array<i32>} : memref<128x128xf32, #tpu.memory_space<vmem>>, vector<16xf32>,
      %convert_element_type3A_1903 = arith.fptosi %get3A_1902 : vector<16xf32> to vector<16xi32>
      %shift_right_logical3A_1904 = arith.constant 7 : i32
      %shift_right_logical3A_1905 = vector.broadcast %shift_right_logical3A_1904 : i32 to vector<16xi32>
      %shift_right_logical3A_1906 = arith.shrui %convert_element_type3A_1903, %shift_right_logical3A_1905 : vector<16xi32>
      %and3A_1907 = arith.constant 127 : i32
      %and3A_1908 = vector.broadcast %and3A_1907 : i32 to vector<16xi32>
      %and3A_1909 = arith.andi %convert_element_type3A_1903, %and3A_1908 : vector<16xi32>
      %get3A_1910 = arith.constant 1 : i32
      %get3A_1911 = arith.constant 0 : i32
      %get3A_1912 = arith.constant 0 : i32
      %get3A_1913 = arith.constant 0 : i32
      %get3A_1914 = tpu.memref_slice %arg4[%get3A_1910, %get3A_1912, %get3A_1913] : memref<2x128x128xf32, #tpu.memory_space<vmem>> -> memref<1x128x128xf32, #tpu.memory_space<vmem>>
      %get3A_1915 = tpu.memref_squeeze %get3A_1914 : memref<1x128x128xf32, #tpu.memory_space<vmem>> -> memref<128x128xf32, #tpu.memory_space<vmem>>
      %get3A_1916 = arith.index_cast %get3A_1911 : i32 to index
      %get3A_1917 = arith.constant 80 : index
      %get3A_1918 = tpu.vector_load %get3A_1915[%get3A_1916, %get3A_1917] {strides = array<i32>} : memref<128x128xf32, #tpu.memory_space<vmem>>, vector<16xf32>,
      %convert_element_type3A_1919 = arith.fptosi %get3A_1918 : vector<16xf32> to vector<16xi32>
      %shift_right_logical3A_1920 = arith.constant 7 : i32
      %shift_right_logical3A_1921 = vector.broadcast %shift_right_logical3A_1920 : i32 to vector<16xi32>
      %shift_right_logical3A_1922 = arith.shrui %convert_element_type3A_1919, %shift_right_logical3A_1921 : vector<16xi32>
      %and3A_1923 = arith.constant 127 : i32
      %and3A_1924 = vector.broadcast %and3A_1923 : i32 to vector<16xi32>
      %and3A_1925 = arith.andi %convert_element_type3A_1919, %and3A_1924 : vector<16xi32>
      %get3A_1926 = arith.constant 1 : i32
      %get3A_1927 = arith.constant 0 : i32
      %get3A_1928 = arith.constant 0 : i32
      %get3A_1929 = arith.constant 0 : i32
      %get3A_1930 = tpu.memref_slice %arg4[%get3A_1926, %get3A_1928, %get3A_1929] : memref<2x128x128xf32, #tpu.memory_space<vmem>> -> memref<1x128x128xf32, #tpu.memory_space<vmem>>
      %get3A_1931 = tpu.memref_squeeze %get3A_1930 : memref<1x128x128xf32, #tpu.memory_space<vmem>> -> memref<128x128xf32, #tpu.memory_space<vmem>>
      %get3A_1932 = arith.index_cast %get3A_1927 : i32 to index
      %get3A_1933 = arith.constant 96 : index
      %get3A_1934 = tpu.vector_load %get3A_1931[%get3A_1932, %get3A_1933] {strides = array<i32>} : memref<128x128xf32, #tpu.memory_space<vmem>>, vector<16xf32>,
      %convert_element_type3A_1935 = arith.fptosi %get3A_1934 : vector<16xf32> to vector<16xi32>
      %shift_right_logical3A_1936 = arith.constant 7 : i32
      %shift_right_logical3A_1937 = vector.broadcast %shift_right_logical3A_1936 : i32 to vector<16xi32>
      %shift_right_logical3A_1938 = arith.shrui %convert_element_type3A_1935, %shift_right_logical3A_1937 : vector<16xi32>
      %and3A_1939 = arith.constant 127 : i32
      %and3A_1940 = vector.broadcast %and3A_1939 : i32 to vector<16xi32>
      %and3A_1941 = arith.andi %convert_element_type3A_1935, %and3A_1940 : vector<16xi32>
      %get3A_1942 = arith.constant 1 : i32
      %get3A_1943 = arith.constant 0 : i32
      %get3A_1944 = arith.constant 0 : i32
      %get3A_1945 = arith.constant 0 : i32
      %get3A_1946 = tpu.memref_slice %arg4[%get3A_1942, %get3A_1944, %get3A_1945] : memref<2x128x128xf32, #tpu.memory_space<vmem>> -> memref<1x128x128xf32, #tpu.memory_space<vmem>>
      %get3A_1947 = tpu.memref_squeeze %get3A_1946 : memref<1x128x128xf32, #tpu.memory_space<vmem>> -> memref<128x128xf32, #tpu.memory_space<vmem>>
      %get3A_1948 = arith.index_cast %get3A_1943 : i32 to index
      %get3A_1949 = arith.constant 112 : index
      %get3A_1950 = tpu.vector_load %get3A_1947[%get3A_1948, %get3A_1949] {strides = array<i32>} : memref<128x128xf32, #tpu.memory_space<vmem>>, vector<16xf32>,
      %convert_element_type3A_1951 = arith.fptosi %get3A_1950 : vector<16xf32> to vector<16xi32>
      %shift_right_logical3A_1952 = arith.constant 7 : i32
      %shift_right_logical3A_1953 = vector.broadcast %shift_right_logical3A_1952 : i32 to vector<16xi32>
      %shift_right_logical3A_1954 = arith.shrui %convert_element_type3A_1951, %shift_right_logical3A_1953 : vector<16xi32>
      %and3A_1955 = arith.constant 127 : i32
      %and3A_1956 = vector.broadcast %and3A_1955 : i32 to vector<16xi32>
      %and3A_1957 = arith.andi %convert_element_type3A_1951, %and3A_1956 : vector<16xi32>
      %sub3A = arith.constant 128 : i32
      %sub3A_1958 = arith.subi %add3A_1800, %sub3A : i32
      %dma_wait3A_1959 = arith.constant 0 : i32
      %dma_wait3A_1960 = arith.constant 0 : i32
      %dma_wait3A_1961 = arith.constant 0 : i32
      %dma_wait3A_1962 = tpu.memref_slice %arg6[%dma_wait3A_1959, %dma_wait3A_1960, %dma_wait3A_1961] : memref<2x128x128xf32, #tpu.memory_space<vmem>> -> memref<1x128x128xf32, #tpu.memory_space<vmem>>
      %dma_wait3A_1963 = tpu.memref_squeeze %dma_wait3A_1962 : memref<1x128x128xf32, #tpu.memory_space<vmem>> -> memref<128x128xf32, #tpu.memory_space<vmem>>
      %dma_wait3A_1964 = arith.constant 768 : i32
      %dma_wait3A_1965 = tpu.memref_slice %arg3[%dma_wait3A_1964, %sub3A_1958] : memref<1128x16384xf32, #tpu.memory_space<hbm>> -> memref<128x128xf32, #tpu.memory_space<hbm>>
      %dma_wait3A_1966 = arith.constant 768 : i32
      %dma_wait3A_1967 = tpu.memref_slice %arg3[%dma_wait3A_1966, %sub3A_1958] : memref<1128x16384xf32, #tpu.memory_space<hbm>> -> memref<128x128xf32, #tpu.memory_space<hbm>>
      %dma_wait3A_1968 = arith.constant 0 : i32
      %dma_wait3A_1969 = arith.constant 0 : i32
      %dma_wait3A_1970 = tpu.memref_slice %arg6[%dma_wait3A_1959, %dma_wait3A_1968, %dma_wait3A_1969] : memref<2x128x128xf32, #tpu.memory_space<vmem>> -> memref<1x128x128xf32, #tpu.memory_space<vmem>>
      %dma_wait3A_1971 = tpu.memref_squeeze %dma_wait3A_1970 : memref<1x128x128xf32, #tpu.memory_space<vmem>> -> memref<128x128xf32, #tpu.memory_space<vmem>>
      tpu.wait_dma2 semaphore(%arg8 : memref<!tpu.dma_semaphore, #tpu.memory_space<semaphore_mem>>) src(%dma_wait3A_1971 : memref<128x128xf32, #tpu.memory_space<vmem>>) dst(%dma_wait3A_1967 : memref<128x128xf32, #tpu.memory_space<hbm>>)
      %iota3A_1972 = tpu.iota {dimensions = array<i32: 0>} : vector<16xi32>
      %add3A_1973 = arith.constant 0 : i32
      %add3A_1974 = vector.broadcast %add3A_1973 : i32 to vector<16xi32>
      %add3A_1975 = arith.addi %iota3A_1972, %add3A_1974 : vector<16xi32>
      %eq3A_1976 = arith.constant 6 : i32
      %eq3A_1977 = vector.broadcast %eq3A_1976 : i32 to vector<16xi32>
      %eq3A_1978 = arith.cmpi eq, %shift_right_logical3A_171, %eq3A_1977 : vector<16xi32>
      %scatter3A_1979 = arith.constant 0 : i32
      %scatter3A_1980 = arith.constant 0 : i32
      %scatter3A_1981 = arith.constant 0 : i32
      %scatter3A_1982 = tpu.memref_slice %arg6[%scatter3A_1979, %scatter3A_1980, %scatter3A_1981] : memref<2x128x128xf32, #tpu.memory_space<vmem>> -> memref<1x128x128xf32, #tpu.memory_space<vmem>>
      %scatter3A_1983 = tpu.memref_squeeze %scatter3A_1982 : memref<1x128x128xf32, #tpu.memory_space<vmem>> -> memref<128x128xf32, #tpu.memory_space<vmem>>
      tpu.vector_store_idx %scatter3A_1983[%and3A_173, %add3A_1975], %broadcast_in_dim3A_1 masked %eq3A_1978 : memref<128x128xf32, #tpu.memory_space<vmem>>[vector<16xi32>, vector<16xi32>], vector<16xf32>, vector<16xi1>
      %iota3A_1984 = tpu.iota {dimensions = array<i32: 0>} : vector<16xi32>
      %add3A_1985 = arith.constant 16 : i32
      %add3A_1986 = vector.broadcast %add3A_1985 : i32 to vector<16xi32>
      %add3A_1987 = arith.addi %iota3A_1984, %add3A_1986 : vector<16xi32>
      %eq3A_1988 = arith.constant 6 : i32
      %eq3A_1989 = vector.broadcast %eq3A_1988 : i32 to vector<16xi32>
      %eq3A_1990 = arith.cmpi eq, %shift_right_logical3A_186, %eq3A_1989 : vector<16xi32>
      %scatter3A_1991 = arith.constant 0 : i32
      %scatter3A_1992 = arith.constant 0 : i32
      %scatter3A_1993 = arith.constant 0 : i32
      %scatter3A_1994 = tpu.memref_slice %arg6[%scatter3A_1991, %scatter3A_1992, %scatter3A_1993] : memref<2x128x128xf32, #tpu.memory_space<vmem>> -> memref<1x128x128xf32, #tpu.memory_space<vmem>>
      %scatter3A_1995 = tpu.memref_squeeze %scatter3A_1994 : memref<1x128x128xf32, #tpu.memory_space<vmem>> -> memref<128x128xf32, #tpu.memory_space<vmem>>
      tpu.vector_store_idx %scatter3A_1995[%and3A_189, %add3A_1987], %broadcast_in_dim3A_1 masked %eq3A_1990 : memref<128x128xf32, #tpu.memory_space<vmem>>[vector<16xi32>, vector<16xi32>], vector<16xf32>, vector<16xi1>
      %iota3A_1996 = tpu.iota {dimensions = array<i32: 0>} : vector<16xi32>
      %add3A_1997 = arith.constant 32 : i32
      %add3A_1998 = vector.broadcast %add3A_1997 : i32 to vector<16xi32>
      %add3A_1999 = arith.addi %iota3A_1996, %add3A_1998 : vector<16xi32>
      %eq3A_2000 = arith.constant 6 : i32
      %eq3A_2001 = vector.broadcast %eq3A_2000 : i32 to vector<16xi32>
      %eq3A_2002 = arith.cmpi eq, %shift_right_logical3A_202, %eq3A_2001 : vector<16xi32>
      %scatter3A_2003 = arith.constant 0 : i32
      %scatter3A_2004 = arith.constant 0 : i32
      %scatter3A_2005 = arith.constant 0 : i32
      %scatter3A_2006 = tpu.memref_slice %arg6[%scatter3A_2003, %scatter3A_2004, %scatter3A_2005] : memref<2x128x128xf32, #tpu.memory_space<vmem>> -> memref<1x128x128xf32, #tpu.memory_space<vmem>>
      %scatter3A_2007 = tpu.memref_squeeze %scatter3A_2006 : memref<1x128x128xf32, #tpu.memory_space<vmem>> -> memref<128x128xf32, #tpu.memory_space<vmem>>
      tpu.vector_store_idx %scatter3A_2007[%and3A_205, %add3A_1999], %broadcast_in_dim3A_1 masked %eq3A_2002 : memref<128x128xf32, #tpu.memory_space<vmem>>[vector<16xi32>, vector<16xi32>], vector<16xf32>, vector<16xi1>
      %iota3A_2008 = tpu.iota {dimensions = array<i32: 0>} : vector<16xi32>
      %add3A_2009 = arith.constant 48 : i32
      %add3A_2010 = vector.broadcast %add3A_2009 : i32 to vector<16xi32>
      %add3A_2011 = arith.addi %iota3A_2008, %add3A_2010 : vector<16xi32>
      %eq3A_2012 = arith.constant 6 : i32
      %eq3A_2013 = vector.broadcast %eq3A_2012 : i32 to vector<16xi32>
      %eq3A_2014 = arith.cmpi eq, %shift_right_logical3A_218, %eq3A_2013 : vector<16xi32>
      %scatter3A_2015 = arith.constant 0 : i32
      %scatter3A_2016 = arith.constant 0 : i32
      %scatter3A_2017 = arith.constant 0 : i32
      %scatter3A_2018 = tpu.memref_slice %arg6[%scatter3A_2015, %scatter3A_2016, %scatter3A_2017] : memref<2x128x128xf32, #tpu.memory_space<vmem>> -> memref<1x128x128xf32, #tpu.memory_space<vmem>>
      %scatter3A_2019 = tpu.memref_squeeze %scatter3A_2018 : memref<1x128x128xf32, #tpu.memory_space<vmem>> -> memref<128x128xf32, #tpu.memory_space<vmem>>
      tpu.vector_store_idx %scatter3A_2019[%and3A_221, %add3A_2011], %broadcast_in_dim3A_1 masked %eq3A_2014 : memref<128x128xf32, #tpu.memory_space<vmem>>[vector<16xi32>, vector<16xi32>], vector<16xf32>, vector<16xi1>
      %iota3A_2020 = tpu.iota {dimensions = array<i32: 0>} : vector<16xi32>
      %add3A_2021 = arith.constant 64 : i32
      %add3A_2022 = vector.broadcast %add3A_2021 : i32 to vector<16xi32>
      %add3A_2023 = arith.addi %iota3A_2020, %add3A_2022 : vector<16xi32>
      %eq3A_2024 = arith.constant 6 : i32
      %eq3A_2025 = vector.broadcast %eq3A_2024 : i32 to vector<16xi32>
      %eq3A_2026 = arith.cmpi eq, %shift_right_logical3A_234, %eq3A_2025 : vector<16xi32>
      %scatter3A_2027 = arith.constant 0 : i32
      %scatter3A_2028 = arith.constant 0 : i32
      %scatter3A_2029 = arith.constant 0 : i32
      %scatter3A_2030 = tpu.memref_slice %arg6[%scatter3A_2027, %scatter3A_2028, %scatter3A_2029] : memref<2x128x128xf32, #tpu.memory_space<vmem>> -> memref<1x128x128xf32, #tpu.memory_space<vmem>>
      %scatter3A_2031 = tpu.memref_squeeze %scatter3A_2030 : memref<1x128x128xf32, #tpu.memory_space<vmem>> -> memref<128x128xf32, #tpu.memory_space<vmem>>
      tpu.vector_store_idx %scatter3A_2031[%and3A_237, %add3A_2023], %broadcast_in_dim3A_1 masked %eq3A_2026 : memref<128x128xf32, #tpu.memory_space<vmem>>[vector<16xi32>, vector<16xi32>], vector<16xf32>, vector<16xi1>
      %iota3A_2032 = tpu.iota {dimensions = array<i32: 0>} : vector<16xi32>
      %add3A_2033 = arith.constant 80 : i32
      %add3A_2034 = vector.broadcast %add3A_2033 : i32 to vector<16xi32>
      %add3A_2035 = arith.addi %iota3A_2032, %add3A_2034 : vector<16xi32>
      %eq3A_2036 = arith.constant 6 : i32
      %eq3A_2037 = vector.broadcast %eq3A_2036 : i32 to vector<16xi32>
      %eq3A_2038 = arith.cmpi eq, %shift_right_logical3A_250, %eq3A_2037 : vector<16xi32>
      %scatter3A_2039 = arith.constant 0 : i32
      %scatter3A_2040 = arith.constant 0 : i32
      %scatter3A_2041 = arith.constant 0 : i32
      %scatter3A_2042 = tpu.memref_slice %arg6[%scatter3A_2039, %scatter3A_2040, %scatter3A_2041] : memref<2x128x128xf32, #tpu.memory_space<vmem>> -> memref<1x128x128xf32, #tpu.memory_space<vmem>>
      %scatter3A_2043 = tpu.memref_squeeze %scatter3A_2042 : memref<1x128x128xf32, #tpu.memory_space<vmem>> -> memref<128x128xf32, #tpu.memory_space<vmem>>
      tpu.vector_store_idx %scatter3A_2043[%and3A_253, %add3A_2035], %broadcast_in_dim3A_1 masked %eq3A_2038 : memref<128x128xf32, #tpu.memory_space<vmem>>[vector<16xi32>, vector<16xi32>], vector<16xf32>, vector<16xi1>
      %iota3A_2044 = tpu.iota {dimensions = array<i32: 0>} : vector<16xi32>
      %add3A_2045 = arith.constant 96 : i32
      %add3A_2046 = vector.broadcast %add3A_2045 : i32 to vector<16xi32>
      %add3A_2047 = arith.addi %iota3A_2044, %add3A_2046 : vector<16xi32>
      %eq3A_2048 = arith.constant 6 : i32
      %eq3A_2049 = vector.broadcast %eq3A_2048 : i32 to vector<16xi32>
      %eq3A_2050 = arith.cmpi eq, %shift_right_logical3A_266, %eq3A_2049 : vector<16xi32>
      %scatter3A_2051 = arith.constant 0 : i32
      %scatter3A_2052 = arith.constant 0 : i32
      %scatter3A_2053 = arith.constant 0 : i32
      %scatter3A_2054 = tpu.memref_slice %arg6[%scatter3A_2051, %scatter3A_2052, %scatter3A_2053] : memref<2x128x128xf32, #tpu.memory_space<vmem>> -> memref<1x128x128xf32, #tpu.memory_space<vmem>>
      %scatter3A_2055 = tpu.memref_squeeze %scatter3A_2054 : memref<1x128x128xf32, #tpu.memory_space<vmem>> -> memref<128x128xf32, #tpu.memory_space<vmem>>
      tpu.vector_store_idx %scatter3A_2055[%and3A_269, %add3A_2047], %broadcast_in_dim3A_1 masked %eq3A_2050 : memref<128x128xf32, #tpu.memory_space<vmem>>[vector<16xi32>, vector<16xi32>], vector<16xf32>, vector<16xi1>
      %iota3A_2056 = tpu.iota {dimensions = array<i32: 0>} : vector<16xi32>
      %add3A_2057 = arith.constant 112 : i32
      %add3A_2058 = vector.broadcast %add3A_2057 : i32 to vector<16xi32>
      %add3A_2059 = arith.addi %iota3A_2056, %add3A_2058 : vector<16xi32>
      %eq3A_2060 = arith.constant 6 : i32
      %eq3A_2061 = vector.broadcast %eq3A_2060 : i32 to vector<16xi32>
      %eq3A_2062 = arith.cmpi eq, %shift_right_logical3A_282, %eq3A_2061 : vector<16xi32>
      %scatter3A_2063 = arith.constant 0 : i32
      %scatter3A_2064 = arith.constant 0 : i32
      %scatter3A_2065 = arith.constant 0 : i32
      %scatter3A_2066 = tpu.memref_slice %arg6[%scatter3A_2063, %scatter3A_2064, %scatter3A_2065] : memref<2x128x128xf32, #tpu.memory_space<vmem>> -> memref<1x128x128xf32, #tpu.memory_space<vmem>>
      %scatter3A_2067 = tpu.memref_squeeze %scatter3A_2066 : memref<1x128x128xf32, #tpu.memory_space<vmem>> -> memref<128x128xf32, #tpu.memory_space<vmem>>
      tpu.vector_store_idx %scatter3A_2067[%and3A_285, %add3A_2059], %broadcast_in_dim3A_1 masked %eq3A_2062 : memref<128x128xf32, #tpu.memory_space<vmem>>[vector<16xi32>, vector<16xi32>], vector<16xf32>, vector<16xi1>
      %sub3A_2068 = arith.constant 128 : i32
      %sub3A_2069 = arith.subi %add3A_1800, %sub3A_2068 : i32
      %dma_wait3A_2070 = arith.constant 1 : i32
      %dma_wait3A_2071 = arith.constant 0 : i32
      %dma_wait3A_2072 = arith.constant 0 : i32
      %dma_wait3A_2073 = tpu.memref_slice %arg6[%dma_wait3A_2070, %dma_wait3A_2071, %dma_wait3A_2072] : memref<2x128x128xf32, #tpu.memory_space<vmem>> -> memref<1x128x128xf32, #tpu.memory_space<vmem>>
      %dma_wait3A_2074 = tpu.memref_squeeze %dma_wait3A_2073 : memref<1x128x128xf32, #tpu.memory_space<vmem>> -> memref<128x128xf32, #tpu.memory_space<vmem>>
      %dma_wait3A_2075 = arith.constant 640 : i32
      %dma_wait3A_2076 = tpu.memref_slice %arg3[%dma_wait3A_2075, %sub3A_2069] : memref<1128x16384xf32, #tpu.memory_space<hbm>> -> memref<128x128xf32, #tpu.memory_space<hbm>>
      %dma_wait3A_2077 = arith.constant 640 : i32
      %dma_wait3A_2078 = tpu.memref_slice %arg3[%dma_wait3A_2077, %sub3A_2069] : memref<1128x16384xf32, #tpu.memory_space<hbm>> -> memref<128x128xf32, #tpu.memory_space<hbm>>
      %dma_wait3A_2079 = arith.constant 0 : i32
      %dma_wait3A_2080 = arith.constant 0 : i32
      %dma_wait3A_2081 = tpu.memref_slice %arg6[%dma_wait3A_2070, %dma_wait3A_2079, %dma_wait3A_2080] : memref<2x128x128xf32, #tpu.memory_space<vmem>> -> memref<1x128x128xf32, #tpu.memory_space<vmem>>
      %dma_wait3A_2082 = tpu.memref_squeeze %dma_wait3A_2081 : memref<1x128x128xf32, #tpu.memory_space<vmem>> -> memref<128x128xf32, #tpu.memory_space<vmem>>
      tpu.wait_dma2 semaphore(%arg9 : memref<!tpu.dma_semaphore, #tpu.memory_space<semaphore_mem>>) src(%dma_wait3A_2082 : memref<128x128xf32, #tpu.memory_space<vmem>>) dst(%dma_wait3A_2078 : memref<128x128xf32, #tpu.memory_space<hbm>>)
      %iota3A_2083 = tpu.iota {dimensions = array<i32: 0>} : vector<16xi32>
      %add3A_2084 = arith.constant 0 : i32
      %add3A_2085 = vector.broadcast %add3A_2084 : i32 to vector<16xi32>
      %add3A_2086 = arith.addi %iota3A_2083, %add3A_2085 : vector<16xi32>
      %eq3A_2087 = arith.constant 5 : i32
      %eq3A_2088 = vector.broadcast %eq3A_2087 : i32 to vector<16xi32>
      %eq3A_2089 = arith.cmpi eq, %shift_right_logical3A_171, %eq3A_2088 : vector<16xi32>
      %scatter3A_2090 = arith.constant 1 : i32
      %scatter3A_2091 = arith.constant 0 : i32
      %scatter3A_2092 = arith.constant 0 : i32
      %scatter3A_2093 = tpu.memref_slice %arg6[%scatter3A_2090, %scatter3A_2091, %scatter3A_2092] : memref<2x128x128xf32, #tpu.memory_space<vmem>> -> memref<1x128x128xf32, #tpu.memory_space<vmem>>
      %scatter3A_2094 = tpu.memref_squeeze %scatter3A_2093 : memref<1x128x128xf32, #tpu.memory_space<vmem>> -> memref<128x128xf32, #tpu.memory_space<vmem>>
      tpu.vector_store_idx %scatter3A_2094[%and3A_173, %add3A_2086], %broadcast_in_dim3A_1 masked %eq3A_2089 : memref<128x128xf32, #tpu.memory_space<vmem>>[vector<16xi32>, vector<16xi32>], vector<16xf32>, vector<16xi1>
      %iota3A_2095 = tpu.iota {dimensions = array<i32: 0>} : vector<16xi32>
      %add3A_2096 = arith.constant 16 : i32
      %add3A_2097 = vector.broadcast %add3A_2096 : i32 to vector<16xi32>
      %add3A_2098 = arith.addi %iota3A_2095, %add3A_2097 : vector<16xi32>
      %eq3A_2099 = arith.constant 5 : i32
      %eq3A_2100 = vector.broadcast %eq3A_2099 : i32 to vector<16xi32>
      %eq3A_2101 = arith.cmpi eq, %shift_right_logical3A_186, %eq3A_2100 : vector<16xi32>
      %scatter3A_2102 = arith.constant 1 : i32
      %scatter3A_2103 = arith.constant 0 : i32
      %scatter3A_2104 = arith.constant 0 : i32
      %scatter3A_2105 = tpu.memref_slice %arg6[%scatter3A_2102, %scatter3A_2103, %scatter3A_2104] : memref<2x128x128xf32, #tpu.memory_space<vmem>> -> memref<1x128x128xf32, #tpu.memory_space<vmem>>
      %scatter3A_2106 = tpu.memref_squeeze %scatter3A_2105 : memref<1x128x128xf32, #tpu.memory_space<vmem>> -> memref<128x128xf32, #tpu.memory_space<vmem>>
      tpu.vector_store_idx %scatter3A_2106[%and3A_189, %add3A_2098], %broadcast_in_dim3A_1 masked %eq3A_2101 : memref<128x128xf32, #tpu.memory_space<vmem>>[vector<16xi32>, vector<16xi32>], vector<16xf32>, vector<16xi1>
      %iota3A_2107 = tpu.iota {dimensions = array<i32: 0>} : vector<16xi32>
      %add3A_2108 = arith.constant 32 : i32
      %add3A_2109 = vector.broadcast %add3A_2108 : i32 to vector<16xi32>
      %add3A_2110 = arith.addi %iota3A_2107, %add3A_2109 : vector<16xi32>
      %eq3A_2111 = arith.constant 5 : i32
      %eq3A_2112 = vector.broadcast %eq3A_2111 : i32 to vector<16xi32>
      %eq3A_2113 = arith.cmpi eq, %shift_right_logical3A_202, %eq3A_2112 : vector<16xi32>
      %scatter3A_2114 = arith.constant 1 : i32
      %scatter3A_2115 = arith.constant 0 : i32
      %scatter3A_2116 = arith.constant 0 : i32
      %scatter3A_2117 = tpu.memref_slice %arg6[%scatter3A_2114, %scatter3A_2115, %scatter3A_2116] : memref<2x128x128xf32, #tpu.memory_space<vmem>> -> memref<1x128x128xf32, #tpu.memory_space<vmem>>
      %scatter3A_2118 = tpu.memref_squeeze %scatter3A_2117 : memref<1x128x128xf32, #tpu.memory_space<vmem>> -> memref<128x128xf32, #tpu.memory_space<vmem>>
      tpu.vector_store_idx %scatter3A_2118[%and3A_205, %add3A_2110], %broadcast_in_dim3A_1 masked %eq3A_2113 : memref<128x128xf32, #tpu.memory_space<vmem>>[vector<16xi32>, vector<16xi32>], vector<16xf32>, vector<16xi1>
      %iota3A_2119 = tpu.iota {dimensions = array<i32: 0>} : vector<16xi32>
      %add3A_2120 = arith.constant 48 : i32
      %add3A_2121 = vector.broadcast %add3A_2120 : i32 to vector<16xi32>
      %add3A_2122 = arith.addi %iota3A_2119, %add3A_2121 : vector<16xi32>
      %eq3A_2123 = arith.constant 5 : i32
      %eq3A_2124 = vector.broadcast %eq3A_2123 : i32 to vector<16xi32>
      %eq3A_2125 = arith.cmpi eq, %shift_right_logical3A_218, %eq3A_2124 : vector<16xi32>
      %scatter3A_2126 = arith.constant 1 : i32
      %scatter3A_2127 = arith.constant 0 : i32
      %scatter3A_2128 = arith.constant 0 : i32
      %scatter3A_2129 = tpu.memref_slice %arg6[%scatter3A_2126, %scatter3A_2127, %scatter3A_2128] : memref<2x128x128xf32, #tpu.memory_space<vmem>> -> memref<1x128x128xf32, #tpu.memory_space<vmem>>
      %scatter3A_2130 = tpu.memref_squeeze %scatter3A_2129 : memref<1x128x128xf32, #tpu.memory_space<vmem>> -> memref<128x128xf32, #tpu.memory_space<vmem>>
      tpu.vector_store_idx %scatter3A_2130[%and3A_221, %add3A_2122], %broadcast_in_dim3A_1 masked %eq3A_2125 : memref<128x128xf32, #tpu.memory_space<vmem>>[vector<16xi32>, vector<16xi32>], vector<16xf32>, vector<16xi1>
      %iota3A_2131 = tpu.iota {dimensions = array<i32: 0>} : vector<16xi32>
      %add3A_2132 = arith.constant 64 : i32
      %add3A_2133 = vector.broadcast %add3A_2132 : i32 to vector<16xi32>
      %add3A_2134 = arith.addi %iota3A_2131, %add3A_2133 : vector<16xi32>
      %eq3A_2135 = arith.constant 5 : i32
      %eq3A_2136 = vector.broadcast %eq3A_2135 : i32 to vector<16xi32>
      %eq3A_2137 = arith.cmpi eq, %shift_right_logical3A_234, %eq3A_2136 : vector<16xi32>
      %scatter3A_2138 = arith.constant 1 : i32
      %scatter3A_2139 = arith.constant 0 : i32
      %scatter3A_2140 = arith.constant 0 : i32
      %scatter3A_2141 = tpu.memref_slice %arg6[%scatter3A_2138, %scatter3A_2139, %scatter3A_2140] : memref<2x128x128xf32, #tpu.memory_space<vmem>> -> memref<1x128x128xf32, #tpu.memory_space<vmem>>
      %scatter3A_2142 = tpu.memref_squeeze %scatter3A_2141 : memref<1x128x128xf32, #tpu.memory_space<vmem>> -> memref<128x128xf32, #tpu.memory_space<vmem>>
      tpu.vector_store_idx %scatter3A_2142[%and3A_237, %add3A_2134], %broadcast_in_dim3A_1 masked %eq3A_2137 : memref<128x128xf32, #tpu.memory_space<vmem>>[vector<16xi32>, vector<16xi32>], vector<16xf32>, vector<16xi1>
      %iota3A_2143 = tpu.iota {dimensions = array<i32: 0>} : vector<16xi32>
      %add3A_2144 = arith.constant 80 : i32
      %add3A_2145 = vector.broadcast %add3A_2144 : i32 to vector<16xi32>
      %add3A_2146 = arith.addi %iota3A_2143, %add3A_2145 : vector<16xi32>
      %eq3A_2147 = arith.constant 5 : i32
      %eq3A_2148 = vector.broadcast %eq3A_2147 : i32 to vector<16xi32>
      %eq3A_2149 = arith.cmpi eq, %shift_right_logical3A_250, %eq3A_2148 : vector<16xi32>
      %scatter3A_2150 = arith.constant 1 : i32
      %scatter3A_2151 = arith.constant 0 : i32
      %scatter3A_2152 = arith.constant 0 : i32
      %scatter3A_2153 = tpu.memref_slice %arg6[%scatter3A_2150, %scatter3A_2151, %scatter3A_2152] : memref<2x128x128xf32, #tpu.memory_space<vmem>> -> memref<1x128x128xf32, #tpu.memory_space<vmem>>
      %scatter3A_2154 = tpu.memref_squeeze %scatter3A_2153 : memref<1x128x128xf32, #tpu.memory_space<vmem>> -> memref<128x128xf32, #tpu.memory_space<vmem>>
      tpu.vector_store_idx %scatter3A_2154[%and3A_253, %add3A_2146], %broadcast_in_dim3A_1 masked %eq3A_2149 : memref<128x128xf32, #tpu.memory_space<vmem>>[vector<16xi32>, vector<16xi32>], vector<16xf32>, vector<16xi1>
      %iota3A_2155 = tpu.iota {dimensions = array<i32: 0>} : vector<16xi32>
      %add3A_2156 = arith.constant 96 : i32
      %add3A_2157 = vector.broadcast %add3A_2156 : i32 to vector<16xi32>
      %add3A_2158 = arith.addi %iota3A_2155, %add3A_2157 : vector<16xi32>
      %eq3A_2159 = arith.constant 5 : i32
      %eq3A_2160 = vector.broadcast %eq3A_2159 : i32 to vector<16xi32>
      %eq3A_2161 = arith.cmpi eq, %shift_right_logical3A_266, %eq3A_2160 : vector<16xi32>
      %scatter3A_2162 = arith.constant 1 : i32
      %scatter3A_2163 = arith.constant 0 : i32
      %scatter3A_2164 = arith.constant 0 : i32
      %scatter3A_2165 = tpu.memref_slice %arg6[%scatter3A_2162, %scatter3A_2163, %scatter3A_2164] : memref<2x128x128xf32, #tpu.memory_space<vmem>> -> memref<1x128x128xf32, #tpu.memory_space<vmem>>
      %scatter3A_2166 = tpu.memref_squeeze %scatter3A_2165 : memref<1x128x128xf32, #tpu.memory_space<vmem>> -> memref<128x128xf32, #tpu.memory_space<vmem>>
      tpu.vector_store_idx %scatter3A_2166[%and3A_269, %add3A_2158], %broadcast_in_dim3A_1 masked %eq3A_2161 : memref<128x128xf32, #tpu.memory_space<vmem>>[vector<16xi32>, vector<16xi32>], vector<16xf32>, vector<16xi1>
      %iota3A_2167 = tpu.iota {dimensions = array<i32: 0>} : vector<16xi32>
      %add3A_2168 = arith.constant 112 : i32
      %add3A_2169 = vector.broadcast %add3A_2168 : i32 to vector<16xi32>
      %add3A_2170 = arith.addi %iota3A_2167, %add3A_2169 : vector<16xi32>
      %eq3A_2171 = arith.constant 5 : i32
      %eq3A_2172 = vector.broadcast %eq3A_2171 : i32 to vector<16xi32>
      %eq3A_2173 = arith.cmpi eq, %shift_right_logical3A_282, %eq3A_2172 : vector<16xi32>
      %scatter3A_2174 = arith.constant 1 : i32
      %scatter3A_2175 = arith.constant 0 : i32
      %scatter3A_2176 = arith.constant 0 : i32
      %scatter3A_2177 = tpu.memref_slice %arg6[%scatter3A_2174, %scatter3A_2175, %scatter3A_2176] : memref<2x128x128xf32, #tpu.memory_space<vmem>> -> memref<1x128x128xf32, #tpu.memory_space<vmem>>
      %scatter3A_2178 = tpu.memref_squeeze %scatter3A_2177 : memref<1x128x128xf32, #tpu.memory_space<vmem>> -> memref<128x128xf32, #tpu.memory_space<vmem>>
      tpu.vector_store_idx %scatter3A_2178[%and3A_285, %add3A_2170], %broadcast_in_dim3A_1 masked %eq3A_2173 : memref<128x128xf32, #tpu.memory_space<vmem>>[vector<16xi32>, vector<16xi32>], vector<16xf32>, vector<16xi1>
      %sub3A_2179 = arith.constant 128 : i32
      %sub3A_2180 = arith.subi %add3A_1800, %sub3A_2179 : i32
      %dma_wait3A_2181 = arith.constant 896 : i32
      %dma_wait3A_2182 = tpu.memref_slice %arg3[%dma_wait3A_2181, %sub3A_2180] : memref<1128x16384xf32, #tpu.memory_space<hbm>> -> memref<232x128xf32, #tpu.memory_space<hbm>>
      %dma_wait3A_2183 = arith.constant 896 : i32
      %dma_wait3A_2184 = tpu.memref_slice %arg3[%dma_wait3A_2183, %sub3A_2180] : memref<1128x16384xf32, #tpu.memory_space<hbm>> -> memref<232x128xf32, #tpu.memory_space<hbm>>
      tpu.wait_dma2 semaphore(%arg10 : memref<!tpu.dma_semaphore, #tpu.memory_space<semaphore_mem>>) src(%arg7 : memref<232x128xf32, #tpu.memory_space<vmem>>) dst(%dma_wait3A_2184 : memref<232x128xf32, #tpu.memory_space<hbm>>)
      %iota3A_2185 = tpu.iota {dimensions = array<i32: 0>} : vector<16xi32>
      %add3A_2186 = arith.constant 0 : i32
      %add3A_2187 = vector.broadcast %add3A_2186 : i32 to vector<16xi32>
      %add3A_2188 = arith.addi %iota3A_2185, %add3A_2187 : vector<16xi32>
      %eq3A_2189 = arith.constant 7 : i32
      %eq3A_2190 = vector.broadcast %eq3A_2189 : i32 to vector<16xi32>
      %eq3A_2191 = arith.cmpi eq, %shift_right_logical3A_171, %eq3A_2190 : vector<16xi32>
      %scatter3A_2192 = arith.constant 0 : i32
      %scatter3A_2193 = arith.constant 0 : i32
      %scatter3A_2194 = tpu.memref_slice %arg7[%scatter3A_2192, %scatter3A_2193] : memref<232x128xf32, #tpu.memory_space<vmem>> -> memref<104x128xf32, #tpu.memory_space<vmem>>
      tpu.vector_store_idx %scatter3A_2194[%and3A_173, %add3A_2188], %broadcast_in_dim3A_1 masked %eq3A_2191 : memref<104x128xf32, #tpu.memory_space<vmem>>[vector<16xi32>, vector<16xi32>], vector<16xf32>, vector<16xi1>
      %iota3A_2195 = tpu.iota {dimensions = array<i32: 0>} : vector<16xi32>
      %add3A_2196 = arith.constant 16 : i32
      %add3A_2197 = vector.broadcast %add3A_2196 : i32 to vector<16xi32>
      %add3A_2198 = arith.addi %iota3A_2195, %add3A_2197 : vector<16xi32>
      %eq3A_2199 = arith.constant 7 : i32
      %eq3A_2200 = vector.broadcast %eq3A_2199 : i32 to vector<16xi32>
      %eq3A_2201 = arith.cmpi eq, %shift_right_logical3A_186, %eq3A_2200 : vector<16xi32>
      %scatter3A_2202 = arith.constant 0 : i32
      %scatter3A_2203 = arith.constant 0 : i32
      %scatter3A_2204 = tpu.memref_slice %arg7[%scatter3A_2202, %scatter3A_2203] : memref<232x128xf32, #tpu.memory_space<vmem>> -> memref<104x128xf32, #tpu.memory_space<vmem>>
      tpu.vector_store_idx %scatter3A_2204[%and3A_189, %add3A_2198], %broadcast_in_dim3A_1 masked %eq3A_2201 : memref<104x128xf32, #tpu.memory_space<vmem>>[vector<16xi32>, vector<16xi32>], vector<16xf32>, vector<16xi1>
      %iota3A_2205 = tpu.iota {dimensions = array<i32: 0>} : vector<16xi32>
      %add3A_2206 = arith.constant 32 : i32
      %add3A_2207 = vector.broadcast %add3A_2206 : i32 to vector<16xi32>
      %add3A_2208 = arith.addi %iota3A_2205, %add3A_2207 : vector<16xi32>
      %eq3A_2209 = arith.constant 7 : i32
      %eq3A_2210 = vector.broadcast %eq3A_2209 : i32 to vector<16xi32>
      %eq3A_2211 = arith.cmpi eq, %shift_right_logical3A_202, %eq3A_2210 : vector<16xi32>
      %scatter3A_2212 = arith.constant 0 : i32
      %scatter3A_2213 = arith.constant 0 : i32
      %scatter3A_2214 = tpu.memref_slice %arg7[%scatter3A_2212, %scatter3A_2213] : memref<232x128xf32, #tpu.memory_space<vmem>> -> memref<104x128xf32, #tpu.memory_space<vmem>>
      tpu.vector_store_idx %scatter3A_2214[%and3A_205, %add3A_2208], %broadcast_in_dim3A_1 masked %eq3A_2211 : memref<104x128xf32, #tpu.memory_space<vmem>>[vector<16xi32>, vector<16xi32>], vector<16xf32>, vector<16xi1>
      %iota3A_2215 = tpu.iota {dimensions = array<i32: 0>} : vector<16xi32>
      %add3A_2216 = arith.constant 48 : i32
      %add3A_2217 = vector.broadcast %add3A_2216 : i32 to vector<16xi32>
      %add3A_2218 = arith.addi %iota3A_2215, %add3A_2217 : vector<16xi32>
      %eq3A_2219 = arith.constant 7 : i32
      %eq3A_2220 = vector.broadcast %eq3A_2219 : i32 to vector<16xi32>
      %eq3A_2221 = arith.cmpi eq, %shift_right_logical3A_218, %eq3A_2220 : vector<16xi32>
      %scatter3A_2222 = arith.constant 0 : i32
      %scatter3A_2223 = arith.constant 0 : i32
      %scatter3A_2224 = tpu.memref_slice %arg7[%scatter3A_2222, %scatter3A_2223] : memref<232x128xf32, #tpu.memory_space<vmem>> -> memref<104x128xf32, #tpu.memory_space<vmem>>
      tpu.vector_store_idx %scatter3A_2224[%and3A_221, %add3A_2218], %broadcast_in_dim3A_1 masked %eq3A_2221 : memref<104x128xf32, #tpu.memory_space<vmem>>[vector<16xi32>, vector<16xi32>], vector<16xf32>, vector<16xi1>
      %iota3A_2225 = tpu.iota {dimensions = array<i32: 0>} : vector<16xi32>
      %add3A_2226 = arith.constant 64 : i32
      %add3A_2227 = vector.broadcast %add3A_2226 : i32 to vector<16xi32>
      %add3A_2228 = arith.addi %iota3A_2225, %add3A_2227 : vector<16xi32>
      %eq3A_2229 = arith.constant 7 : i32
      %eq3A_2230 = vector.broadcast %eq3A_2229 : i32 to vector<16xi32>
      %eq3A_2231 = arith.cmpi eq, %shift_right_logical3A_234, %eq3A_2230 : vector<16xi32>
      %scatter3A_2232 = arith.constant 0 : i32
      %scatter3A_2233 = arith.constant 0 : i32
      %scatter3A_2234 = tpu.memref_slice %arg7[%scatter3A_2232, %scatter3A_2233] : memref<232x128xf32, #tpu.memory_space<vmem>> -> memref<104x128xf32, #tpu.memory_space<vmem>>
      tpu.vector_store_idx %scatter3A_2234[%and3A_237, %add3A_2228], %broadcast_in_dim3A_1 masked %eq3A_2231 : memref<104x128xf32, #tpu.memory_space<vmem>>[vector<16xi32>, vector<16xi32>], vector<16xf32>, vector<16xi1>
      %iota3A_2235 = tpu.iota {dimensions = array<i32: 0>} : vector<16xi32>
      %add3A_2236 = arith.constant 80 : i32
      %add3A_2237 = vector.broadcast %add3A_2236 : i32 to vector<16xi32>
      %add3A_2238 = arith.addi %iota3A_2235, %add3A_2237 : vector<16xi32>
      %eq3A_2239 = arith.constant 7 : i32
      %eq3A_2240 = vector.broadcast %eq3A_2239 : i32 to vector<16xi32>
      %eq3A_2241 = arith.cmpi eq, %shift_right_logical3A_250, %eq3A_2240 : vector<16xi32>
      %scatter3A_2242 = arith.constant 0 : i32
      %scatter3A_2243 = arith.constant 0 : i32
      %scatter3A_2244 = tpu.memref_slice %arg7[%scatter3A_2242, %scatter3A_2243] : memref<232x128xf32, #tpu.memory_space<vmem>> -> memref<104x128xf32, #tpu.memory_space<vmem>>
      tpu.vector_store_idx %scatter3A_2244[%and3A_253, %add3A_2238], %broadcast_in_dim3A_1 masked %eq3A_2241 : memref<104x128xf32, #tpu.memory_space<vmem>>[vector<16xi32>, vector<16xi32>], vector<16xf32>, vector<16xi1>
      %iota3A_2245 = tpu.iota {dimensions = array<i32: 0>} : vector<16xi32>
      %add3A_2246 = arith.constant 96 : i32
      %add3A_2247 = vector.broadcast %add3A_2246 : i32 to vector<16xi32>
      %add3A_2248 = arith.addi %iota3A_2245, %add3A_2247 : vector<16xi32>
      %eq3A_2249 = arith.constant 7 : i32
      %eq3A_2250 = vector.broadcast %eq3A_2249 : i32 to vector<16xi32>
      %eq3A_2251 = arith.cmpi eq, %shift_right_logical3A_266, %eq3A_2250 : vector<16xi32>
      %scatter3A_2252 = arith.constant 0 : i32
      %scatter3A_2253 = arith.constant 0 : i32
      %scatter3A_2254 = tpu.memref_slice %arg7[%scatter3A_2252, %scatter3A_2253] : memref<232x128xf32, #tpu.memory_space<vmem>> -> memref<104x128xf32, #tpu.memory_space<vmem>>
      tpu.vector_store_idx %scatter3A_2254[%and3A_269, %add3A_2248], %broadcast_in_dim3A_1 masked %eq3A_2251 : memref<104x128xf32, #tpu.memory_space<vmem>>[vector<16xi32>, vector<16xi32>], vector<16xf32>, vector<16xi1>
      %iota3A_2255 = tpu.iota {dimensions = array<i32: 0>} : vector<16xi32>
      %add3A_2256 = arith.constant 112 : i32
      %add3A_2257 = vector.broadcast %add3A_2256 : i32 to vector<16xi32>
      %add3A_2258 = arith.addi %iota3A_2255, %add3A_2257 : vector<16xi32>
      %eq3A_2259 = arith.constant 7 : i32
      %eq3A_2260 = vector.broadcast %eq3A_2259 : i32 to vector<16xi32>
      %eq3A_2261 = arith.cmpi eq, %shift_right_logical3A_282, %eq3A_2260 : vector<16xi32>
      %scatter3A_2262 = arith.constant 0 : i32
      %scatter3A_2263 = arith.constant 0 : i32
      %scatter3A_2264 = tpu.memref_slice %arg7[%scatter3A_2262, %scatter3A_2263] : memref<232x128xf32, #tpu.memory_space<vmem>> -> memref<104x128xf32, #tpu.memory_space<vmem>>
      tpu.vector_store_idx %scatter3A_2264[%and3A_285, %add3A_2258], %broadcast_in_dim3A_1 masked %eq3A_2261 : memref<104x128xf32, #tpu.memory_space<vmem>>[vector<16xi32>, vector<16xi32>], vector<16xf32>, vector<16xi1>
      %iota3A_2265 = tpu.iota {dimensions = array<i32: 0>} : vector<16xi32>
      %add3A_2266 = arith.constant 0 : i32
      %add3A_2267 = vector.broadcast %add3A_2266 : i32 to vector<16xi32>
      %add3A_2268 = arith.addi %iota3A_2265, %add3A_2267 : vector<16xi32>
      %eq3A_2269 = arith.constant 0 : i32
      %eq3A_2270 = vector.broadcast %eq3A_2269 : i32 to vector<16xi32>
      %eq3A_2271 = arith.cmpi eq, %shift_right_logical3A_1842, %eq3A_2270 : vector<16xi32>
      %scatter3A_2272 = arith.constant 0 : i32
      %scatter3A_2273 = arith.constant 0 : i32
      %scatter3A_2274 = arith.constant 0 : i32
      %scatter3A_2275 = tpu.memref_slice %arg6[%scatter3A_2272, %scatter3A_2273, %scatter3A_2274] : memref<2x128x128xf32, #tpu.memory_space<vmem>> -> memref<1x128x128xf32, #tpu.memory_space<vmem>>
      %scatter3A_2276 = tpu.memref_squeeze %scatter3A_2275 : memref<1x128x128xf32, #tpu.memory_space<vmem>> -> memref<128x128xf32, #tpu.memory_space<vmem>>
      tpu.vector_store_idx %scatter3A_2276[%and3A_1845, %add3A_2268], %broadcast_in_dim3A_3 masked %eq3A_2271 : memref<128x128xf32, #tpu.memory_space<vmem>>[vector<16xi32>, vector<16xi32>], vector<16xf32>, vector<16xi1>
      %iota3A_2277 = tpu.iota {dimensions = array<i32: 0>} : vector<16xi32>
      %add3A_2278 = arith.constant 16 : i32
      %add3A_2279 = vector.broadcast %add3A_2278 : i32 to vector<16xi32>
      %add3A_2280 = arith.addi %iota3A_2277, %add3A_2279 : vector<16xi32>
      %eq3A_2281 = arith.constant 0 : i32
      %eq3A_2282 = vector.broadcast %eq3A_2281 : i32 to vector<16xi32>
      %eq3A_2283 = arith.cmpi eq, %shift_right_logical3A_1858, %eq3A_2282 : vector<16xi32>
      %scatter3A_2284 = arith.constant 0 : i32
      %scatter3A_2285 = arith.constant 0 : i32
      %scatter3A_2286 = arith.constant 0 : i32
      %scatter3A_2287 = tpu.memref_slice %arg6[%scatter3A_2284, %scatter3A_2285, %scatter3A_2286] : memref<2x128x128xf32, #tpu.memory_space<vmem>> -> memref<1x128x128xf32, #tpu.memory_space<vmem>>
      %scatter3A_2288 = tpu.memref_squeeze %scatter3A_2287 : memref<1x128x128xf32, #tpu.memory_space<vmem>> -> memref<128x128xf32, #tpu.memory_space<vmem>>
      tpu.vector_store_idx %scatter3A_2288[%and3A_1861, %add3A_2280], %broadcast_in_dim3A_3 masked %eq3A_2283 : memref<128x128xf32, #tpu.memory_space<vmem>>[vector<16xi32>, vector<16xi32>], vector<16xf32>, vector<16xi1>
      %iota3A_2289 = tpu.iota {dimensions = array<i32: 0>} : vector<16xi32>
      %add3A_2290 = arith.constant 32 : i32
      %add3A_2291 = vector.broadcast %add3A_2290 : i32 to vector<16xi32>
      %add3A_2292 = arith.addi %iota3A_2289, %add3A_2291 : vector<16xi32>
      %eq3A_2293 = arith.constant 0 : i32
      %eq3A_2294 = vector.broadcast %eq3A_2293 : i32 to vector<16xi32>
      %eq3A_2295 = arith.cmpi eq, %shift_right_logical3A_1874, %eq3A_2294 : vector<16xi32>
      %scatter3A_2296 = arith.constant 0 : i32
      %scatter3A_2297 = arith.constant 0 : i32
      %scatter3A_2298 = arith.constant 0 : i32
      %scatter3A_2299 = tpu.memref_slice %arg6[%scatter3A_2296, %scatter3A_2297, %scatter3A_2298] : memref<2x128x128xf32, #tpu.memory_space<vmem>> -> memref<1x128x128xf32, #tpu.memory_space<vmem>>
      %scatter3A_2300 = tpu.memref_squeeze %scatter3A_2299 : memref<1x128x128xf32, #tpu.memory_space<vmem>> -> memref<128x128xf32, #tpu.memory_space<vmem>>
      tpu.vector_store_idx %scatter3A_2300[%and3A_1877, %add3A_2292], %broadcast_in_dim3A_3 masked %eq3A_2295 : memref<128x128xf32, #tpu.memory_space<vmem>>[vector<16xi32>, vector<16xi32>], vector<16xf32>, vector<16xi1>
      %iota3A_2301 = tpu.iota {dimensions = array<i32: 0>} : vector<16xi32>
      %add3A_2302 = arith.constant 48 : i32
      %add3A_2303 = vector.broadcast %add3A_2302 : i32 to vector<16xi32>
      %add3A_2304 = arith.addi %iota3A_2301, %add3A_2303 : vector<16xi32>
      %eq3A_2305 = arith.constant 0 : i32
      %eq3A_2306 = vector.broadcast %eq3A_2305 : i32 to vector<16xi32>
      %eq3A_2307 = arith.cmpi eq, %shift_right_logical3A_1890, %eq3A_2306 : vector<16xi32>
      %scatter3A_2308 = arith.constant 0 : i32
      %scatter3A_2309 = arith.constant 0 : i32
      %scatter3A_2310 = arith.constant 0 : i32
      %scatter3A_2311 = tpu.memref_slice %arg6[%scatter3A_2308, %scatter3A_2309, %scatter3A_2310] : memref<2x128x128xf32, #tpu.memory_space<vmem>> -> memref<1x128x128xf32, #tpu.memory_space<vmem>>
      %scatter3A_2312 = tpu.memref_squeeze %scatter3A_2311 : memref<1x128x128xf32, #tpu.memory_space<vmem>> -> memref<128x128xf32, #tpu.memory_space<vmem>>
      tpu.vector_store_idx %scatter3A_2312[%and3A_1893, %add3A_2304], %broadcast_in_dim3A_3 masked %eq3A_2307 : memref<128x128xf32, #tpu.memory_space<vmem>>[vector<16xi32>, vector<16xi32>], vector<16xf32>, vector<16xi1>
      %iota3A_2313 = tpu.iota {dimensions = array<i32: 0>} : vector<16xi32>
      %add3A_2314 = arith.constant 64 : i32
      %add3A_2315 = vector.broadcast %add3A_2314 : i32 to vector<16xi32>
      %add3A_2316 = arith.addi %iota3A_2313, %add3A_2315 : vector<16xi32>
      %eq3A_2317 = arith.constant 0 : i32
      %eq3A_2318 = vector.broadcast %eq3A_2317 : i32 to vector<16xi32>
      %eq3A_2319 = arith.cmpi eq, %shift_right_logical3A_1906, %eq3A_2318 : vector<16xi32>
      %scatter3A_2320 = arith.constant 0 : i32
      %scatter3A_2321 = arith.constant 0 : i32
      %scatter3A_2322 = arith.constant 0 : i32
      %scatter3A_2323 = tpu.memref_slice %arg6[%scatter3A_2320, %scatter3A_2321, %scatter3A_2322] : memref<2x128x128xf32, #tpu.memory_space<vmem>> -> memref<1x128x128xf32, #tpu.memory_space<vmem>>
      %scatter3A_2324 = tpu.memref_squeeze %scatter3A_2323 : memref<1x128x128xf32, #tpu.memory_space<vmem>> -> memref<128x128xf32, #tpu.memory_space<vmem>>
      tpu.vector_store_idx %scatter3A_2324[%and3A_1909, %add3A_2316], %broadcast_in_dim3A_3 masked %eq3A_2319 : memref<128x128xf32, #tpu.memory_space<vmem>>[vector<16xi32>, vector<16xi32>], vector<16xf32>, vector<16xi1>
      %iota3A_2325 = tpu.iota {dimensions = array<i32: 0>} : vector<16xi32>
      %add3A_2326 = arith.constant 80 : i32
      %add3A_2327 = vector.broadcast %add3A_2326 : i32 to vector<16xi32>
      %add3A_2328 = arith.addi %iota3A_2325, %add3A_2327 : vector<16xi32>
      %eq3A_2329 = arith.constant 0 : i32
      %eq3A_2330 = vector.broadcast %eq3A_2329 : i32 to vector<16xi32>
      %eq3A_2331 = arith.cmpi eq, %shift_right_logical3A_1922, %eq3A_2330 : vector<16xi32>
      %scatter3A_2332 = arith.constant 0 : i32
      %scatter3A_2333 = arith.constant 0 : i32
      %scatter3A_2334 = arith.constant 0 : i32
      %scatter3A_2335 = tpu.memref_slice %arg6[%scatter3A_2332, %scatter3A_2333, %scatter3A_2334] : memref<2x128x128xf32, #tpu.memory_space<vmem>> -> memref<1x128x128xf32, #tpu.memory_space<vmem>>
      %scatter3A_2336 = tpu.memref_squeeze %scatter3A_2335 : memref<1x128x128xf32, #tpu.memory_space<vmem>> -> memref<128x128xf32, #tpu.memory_space<vmem>>
      tpu.vector_store_idx %scatter3A_2336[%and3A_1925, %add3A_2328], %broadcast_in_dim3A_3 masked %eq3A_2331 : memref<128x128xf32, #tpu.memory_space<vmem>>[vector<16xi32>, vector<16xi32>], vector<16xf32>, vector<16xi1>
      %iota3A_2337 = tpu.iota {dimensions = array<i32: 0>} : vector<16xi32>
      %add3A_2338 = arith.constant 96 : i32
      %add3A_2339 = vector.broadcast %add3A_2338 : i32 to vector<16xi32>
      %add3A_2340 = arith.addi %iota3A_2337, %add3A_2339 : vector<16xi32>
      %eq3A_2341 = arith.constant 0 : i32
      %eq3A_2342 = vector.broadcast %eq3A_2341 : i32 to vector<16xi32>
      %eq3A_2343 = arith.cmpi eq, %shift_right_logical3A_1938, %eq3A_2342 : vector<16xi32>
      %scatter3A_2344 = arith.constant 0 : i32
      %scatter3A_2345 = arith.constant 0 : i32
      %scatter3A_2346 = arith.constant 0 : i32
      %scatter3A_2347 = tpu.memref_slice %arg6[%scatter3A_2344, %scatter3A_2345, %scatter3A_2346] : memref<2x128x128xf32, #tpu.memory_space<vmem>> -> memref<1x128x128xf32, #tpu.memory_space<vmem>>
      %scatter3A_2348 = tpu.memref_squeeze %scatter3A_2347 : memref<1x128x128xf32, #tpu.memory_space<vmem>> -> memref<128x128xf32, #tpu.memory_space<vmem>>
      tpu.vector_store_idx %scatter3A_2348[%and3A_1941, %add3A_2340], %broadcast_in_dim3A_3 masked %eq3A_2343 : memref<128x128xf32, #tpu.memory_space<vmem>>[vector<16xi32>, vector<16xi32>], vector<16xf32>, vector<16xi1>
      %iota3A_2349 = tpu.iota {dimensions = array<i32: 0>} : vector<16xi32>
      %add3A_2350 = arith.constant 112 : i32
      %add3A_2351 = vector.broadcast %add3A_2350 : i32 to vector<16xi32>
      %add3A_2352 = arith.addi %iota3A_2349, %add3A_2351 : vector<16xi32>
      %eq3A_2353 = arith.constant 0 : i32
      %eq3A_2354 = vector.broadcast %eq3A_2353 : i32 to vector<16xi32>
      %eq3A_2355 = arith.cmpi eq, %shift_right_logical3A_1954, %eq3A_2354 : vector<16xi32>
      %scatter3A_2356 = arith.constant 0 : i32
      %scatter3A_2357 = arith.constant 0 : i32
      %scatter3A_2358 = arith.constant 0 : i32
      %scatter3A_2359 = tpu.memref_slice %arg6[%scatter3A_2356, %scatter3A_2357, %scatter3A_2358] : memref<2x128x128xf32, #tpu.memory_space<vmem>> -> memref<1x128x128xf32, #tpu.memory_space<vmem>>
      %scatter3A_2360 = tpu.memref_squeeze %scatter3A_2359 : memref<1x128x128xf32, #tpu.memory_space<vmem>> -> memref<128x128xf32, #tpu.memory_space<vmem>>
      tpu.vector_store_idx %scatter3A_2360[%and3A_1957, %add3A_2352], %broadcast_in_dim3A_3 masked %eq3A_2355 : memref<128x128xf32, #tpu.memory_space<vmem>>[vector<16xi32>, vector<16xi32>], vector<16xf32>, vector<16xi1>
      %dma_start3A_2361 = arith.constant 0 : i32
      %dma_start3A_2362 = arith.constant 0 : i32
      %dma_start3A_2363 = arith.constant 0 : i32
      %dma_start3A_2364 = tpu.memref_slice %arg6[%dma_start3A_2361, %dma_start3A_2362, %dma_start3A_2363] : memref<2x128x128xf32, #tpu.memory_space<vmem>> -> memref<1x128x128xf32, #tpu.memory_space<vmem>>
      %dma_start3A_2365 = tpu.memref_squeeze %dma_start3A_2364 : memref<1x128x128xf32, #tpu.memory_space<vmem>> -> memref<128x128xf32, #tpu.memory_space<vmem>>
      %dma_start3A_2366 = arith.constant 0 : i32
      %dma_start3A_2367 = tpu.memref_slice %arg3[%dma_start3A_2366, %add3A_1800] : memref<1128x16384xf32, #tpu.memory_space<hbm>> -> memref<128x128xf32, #tpu.memory_space<hbm>>
      %dma_start3A_2368 = arith.constant 0 : i32
      %dma_start3A_2369 = tpu.memref_slice %arg3[%dma_start3A_2368, %add3A_1800] : memref<1128x16384xf32, #tpu.memory_space<hbm>> -> memref<128x128xf32, #tpu.memory_space<hbm>>
      %dma_start3A_2370 = arith.constant 0 : i32
      %dma_start3A_2371 = arith.constant 0 : i32
      %dma_start3A_2372 = tpu.memref_slice %arg6[%dma_start3A_2361, %dma_start3A_2370, %dma_start3A_2371] : memref<2x128x128xf32, #tpu.memory_space<vmem>> -> memref<1x128x128xf32, #tpu.memory_space<vmem>>
      %dma_start3A_2373 = tpu.memref_squeeze %dma_start3A_2372 : memref<1x128x128xf32, #tpu.memory_space<vmem>> -> memref<128x128xf32, #tpu.memory_space<vmem>>
      tpu.enqueue_dma source(%dma_start3A_2373 : memref<128x128xf32, #tpu.memory_space<vmem>>) target(%dma_start3A_2369 : memref<128x128xf32, #tpu.memory_space<hbm>>) target_semaphore(%arg8 : memref<!tpu.dma_semaphore, #tpu.memory_space<semaphore_mem>>)
      %iota3A_2374 = tpu.iota {dimensions = array<i32: 0>} : vector<16xi32>
      %add3A_2375 = arith.constant 0 : i32
      %add3A_2376 = vector.broadcast %add3A_2375 : i32 to vector<16xi32>
      %add3A_2377 = arith.addi %iota3A_2374, %add3A_2376 : vector<16xi32>
      %eq3A_2378 = arith.constant 1 : i32
      %eq3A_2379 = vector.broadcast %eq3A_2378 : i32 to vector<16xi32>
      %eq3A_2380 = arith.cmpi eq, %shift_right_logical3A_1842, %eq3A_2379 : vector<16xi32>
      %scatter3A_2381 = arith.constant 1 : i32
      %scatter3A_2382 = arith.constant 0 : i32
      %scatter3A_2383 = arith.constant 0 : i32
      %scatter3A_2384 = tpu.memref_slice %arg6[%scatter3A_2381, %scatter3A_2382, %scatter3A_2383] : memref<2x128x128xf32, #tpu.memory_space<vmem>> -> memref<1x128x128xf32, #tpu.memory_space<vmem>>
      %scatter3A_2385 = tpu.memref_squeeze %scatter3A_2384 : memref<1x128x128xf32, #tpu.memory_space<vmem>> -> memref<128x128xf32, #tpu.memory_space<vmem>>
      tpu.vector_store_idx %scatter3A_2385[%and3A_1845, %add3A_2377], %broadcast_in_dim3A_3 masked %eq3A_2380 : memref<128x128xf32, #tpu.memory_space<vmem>>[vector<16xi32>, vector<16xi32>], vector<16xf32>, vector<16xi1>
      %iota3A_2386 = tpu.iota {dimensions = array<i32: 0>} : vector<16xi32>
      %add3A_2387 = arith.constant 16 : i32
      %add3A_2388 = vector.broadcast %add3A_2387 : i32 to vector<16xi32>
      %add3A_2389 = arith.addi %iota3A_2386, %add3A_2388 : vector<16xi32>
      %eq3A_2390 = arith.constant 1 : i32
      %eq3A_2391 = vector.broadcast %eq3A_2390 : i32 to vector<16xi32>
      %eq3A_2392 = arith.cmpi eq, %shift_right_logical3A_1858, %eq3A_2391 : vector<16xi32>
      %scatter3A_2393 = arith.constant 1 : i32
      %scatter3A_2394 = arith.constant 0 : i32
      %scatter3A_2395 = arith.constant 0 : i32
      %scatter3A_2396 = tpu.memref_slice %arg6[%scatter3A_2393, %scatter3A_2394, %scatter3A_2395] : memref<2x128x128xf32, #tpu.memory_space<vmem>> -> memref<1x128x128xf32, #tpu.memory_space<vmem>>
      %scatter3A_2397 = tpu.memref_squeeze %scatter3A_2396 : memref<1x128x128xf32, #tpu.memory_space<vmem>> -> memref<128x128xf32, #tpu.memory_space<vmem>>
      tpu.vector_store_idx %scatter3A_2397[%and3A_1861, %add3A_2389], %broadcast_in_dim3A_3 masked %eq3A_2392 : memref<128x128xf32, #tpu.memory_space<vmem>>[vector<16xi32>, vector<16xi32>], vector<16xf32>, vector<16xi1>
      %iota3A_2398 = tpu.iota {dimensions = array<i32: 0>} : vector<16xi32>
      %add3A_2399 = arith.constant 32 : i32
      %add3A_2400 = vector.broadcast %add3A_2399 : i32 to vector<16xi32>
      %add3A_2401 = arith.addi %iota3A_2398, %add3A_2400 : vector<16xi32>
      %eq3A_2402 = arith.constant 1 : i32
      %eq3A_2403 = vector.broadcast %eq3A_2402 : i32 to vector<16xi32>
      %eq3A_2404 = arith.cmpi eq, %shift_right_logical3A_1874, %eq3A_2403 : vector<16xi32>
      %scatter3A_2405 = arith.constant 1 : i32
      %scatter3A_2406 = arith.constant 0 : i32
      %scatter3A_2407 = arith.constant 0 : i32
      %scatter3A_2408 = tpu.memref_slice %arg6[%scatter3A_2405, %scatter3A_2406, %scatter3A_2407] : memref<2x128x128xf32, #tpu.memory_space<vmem>> -> memref<1x128x128xf32, #tpu.memory_space<vmem>>
      %scatter3A_2409 = tpu.memref_squeeze %scatter3A_2408 : memref<1x128x128xf32, #tpu.memory_space<vmem>> -> memref<128x128xf32, #tpu.memory_space<vmem>>
      tpu.vector_store_idx %scatter3A_2409[%and3A_1877, %add3A_2401], %broadcast_in_dim3A_3 masked %eq3A_2404 : memref<128x128xf32, #tpu.memory_space<vmem>>[vector<16xi32>, vector<16xi32>], vector<16xf32>, vector<16xi1>
      %iota3A_2410 = tpu.iota {dimensions = array<i32: 0>} : vector<16xi32>
      %add3A_2411 = arith.constant 48 : i32
      %add3A_2412 = vector.broadcast %add3A_2411 : i32 to vector<16xi32>
      %add3A_2413 = arith.addi %iota3A_2410, %add3A_2412 : vector<16xi32>
      %eq3A_2414 = arith.constant 1 : i32
      %eq3A_2415 = vector.broadcast %eq3A_2414 : i32 to vector<16xi32>
      %eq3A_2416 = arith.cmpi eq, %shift_right_logical3A_1890, %eq3A_2415 : vector<16xi32>
      %scatter3A_2417 = arith.constant 1 : i32
      %scatter3A_2418 = arith.constant 0 : i32
      %scatter3A_2419 = arith.constant 0 : i32
      %scatter3A_2420 = tpu.memref_slice %arg6[%scatter3A_2417, %scatter3A_2418, %scatter3A_2419] : memref<2x128x128xf32, #tpu.memory_space<vmem>> -> memref<1x128x128xf32, #tpu.memory_space<vmem>>
      %scatter3A_2421 = tpu.memref_squeeze %scatter3A_2420 : memref<1x128x128xf32, #tpu.memory_space<vmem>> -> memref<128x128xf32, #tpu.memory_space<vmem>>
      tpu.vector_store_idx %scatter3A_2421[%and3A_1893, %add3A_2413], %broadcast_in_dim3A_3 masked %eq3A_2416 : memref<128x128xf32, #tpu.memory_space<vmem>>[vector<16xi32>, vector<16xi32>], vector<16xf32>, vector<16xi1>
      %iota3A_2422 = tpu.iota {dimensions = array<i32: 0>} : vector<16xi32>
      %add3A_2423 = arith.constant 64 : i32
      %add3A_2424 = vector.broadcast %add3A_2423 : i32 to vector<16xi32>
      %add3A_2425 = arith.addi %iota3A_2422, %add3A_2424 : vector<16xi32>
      %eq3A_2426 = arith.constant 1 : i32
      %eq3A_2427 = vector.broadcast %eq3A_2426 : i32 to vector<16xi32>
      %eq3A_2428 = arith.cmpi eq, %shift_right_logical3A_1906, %eq3A_2427 : vector<16xi32>
      %scatter3A_2429 = arith.constant 1 : i32
      %scatter3A_2430 = arith.constant 0 : i32
      %scatter3A_2431 = arith.constant 0 : i32
      %scatter3A_2432 = tpu.memref_slice %arg6[%scatter3A_2429, %scatter3A_2430, %scatter3A_2431] : memref<2x128x128xf32, #tpu.memory_space<vmem>> -> memref<1x128x128xf32, #tpu.memory_space<vmem>>
      %scatter3A_2433 = tpu.memref_squeeze %scatter3A_2432 : memref<1x128x128xf32, #tpu.memory_space<vmem>> -> memref<128x128xf32, #tpu.memory_space<vmem>>
      tpu.vector_store_idx %scatter3A_2433[%and3A_1909, %add3A_2425], %broadcast_in_dim3A_3 masked %eq3A_2428 : memref<128x128xf32, #tpu.memory_space<vmem>>[vector<16xi32>, vector<16xi32>], vector<16xf32>, vector<16xi1>
      %iota3A_2434 = tpu.iota {dimensions = array<i32: 0>} : vector<16xi32>
      %add3A_2435 = arith.constant 80 : i32
      %add3A_2436 = vector.broadcast %add3A_2435 : i32 to vector<16xi32>
      %add3A_2437 = arith.addi %iota3A_2434, %add3A_2436 : vector<16xi32>
      %eq3A_2438 = arith.constant 1 : i32
      %eq3A_2439 = vector.broadcast %eq3A_2438 : i32 to vector<16xi32>
      %eq3A_2440 = arith.cmpi eq, %shift_right_logical3A_1922, %eq3A_2439 : vector<16xi32>
      %scatter3A_2441 = arith.constant 1 : i32
      %scatter3A_2442 = arith.constant 0 : i32
      %scatter3A_2443 = arith.constant 0 : i32
      %scatter3A_2444 = tpu.memref_slice %arg6[%scatter3A_2441, %scatter3A_2442, %scatter3A_2443] : memref<2x128x128xf32, #tpu.memory_space<vmem>> -> memref<1x128x128xf32, #tpu.memory_space<vmem>>
      %scatter3A_2445 = tpu.memref_squeeze %scatter3A_2444 : memref<1x128x128xf32, #tpu.memory_space<vmem>> -> memref<128x128xf32, #tpu.memory_space<vmem>>
      tpu.vector_store_idx %scatter3A_2445[%and3A_1925, %add3A_2437], %broadcast_in_dim3A_3 masked %eq3A_2440 : memref<128x128xf32, #tpu.memory_space<vmem>>[vector<16xi32>, vector<16xi32>], vector<16xf32>, vector<16xi1>
      %iota3A_2446 = tpu.iota {dimensions = array<i32: 0>} : vector<16xi32>
      %add3A_2447 = arith.constant 96 : i32
      %add3A_2448 = vector.broadcast %add3A_2447 : i32 to vector<16xi32>
      %add3A_2449 = arith.addi %iota3A_2446, %add3A_2448 : vector<16xi32>
      %eq3A_2450 = arith.constant 1 : i32
      %eq3A_2451 = vector.broadcast %eq3A_2450 : i32 to vector<16xi32>
      %eq3A_2452 = arith.cmpi eq, %shift_right_logical3A_1938, %eq3A_2451 : vector<16xi32>
      %scatter3A_2453 = arith.constant 1 : i32
      %scatter3A_2454 = arith.constant 0 : i32
      %scatter3A_2455 = arith.constant 0 : i32
      %scatter3A_2456 = tpu.memref_slice %arg6[%scatter3A_2453, %scatter3A_2454, %scatter3A_2455] : memref<2x128x128xf32, #tpu.memory_space<vmem>> -> memref<1x128x128xf32, #tpu.memory_space<vmem>>
      %scatter3A_2457 = tpu.memref_squeeze %scatter3A_2456 : memref<1x128x128xf32, #tpu.memory_space<vmem>> -> memref<128x128xf32, #tpu.memory_space<vmem>>
      tpu.vector_store_idx %scatter3A_2457[%and3A_1941, %add3A_2449], %broadcast_in_dim3A_3 masked %eq3A_2452 : memref<128x128xf32, #tpu.memory_space<vmem>>[vector<16xi32>, vector<16xi32>], vector<16xf32>, vector<16xi1>
      %iota3A_2458 = tpu.iota {dimensions = array<i32: 0>} : vector<16xi32>
      %add3A_2459 = arith.constant 112 : i32
      %add3A_2460 = vector.broadcast %add3A_2459 : i32 to vector<16xi32>
      %add3A_2461 = arith.addi %iota3A_2458, %add3A_2460 : vector<16xi32>
      %eq3A_2462 = arith.constant 1 : i32
      %eq3A_2463 = vector.broadcast %eq3A_2462 : i32 to vector<16xi32>
      %eq3A_2464 = arith.cmpi eq, %shift_right_logical3A_1954, %eq3A_2463 : vector<16xi32>
      %scatter3A_2465 = arith.constant 1 : i32
      %scatter3A_2466 = arith.constant 0 : i32
      %scatter3A_2467 = arith.constant 0 : i32
      %scatter3A_2468 = tpu.memref_slice %arg6[%scatter3A_2465, %scatter3A_2466, %scatter3A_2467] : memref<2x128x128xf32, #tpu.memory_space<vmem>> -> memref<1x128x128xf32, #tpu.memory_space<vmem>>
      %scatter3A_2469 = tpu.memref_squeeze %scatter3A_2468 : memref<1x128x128xf32, #tpu.memory_space<vmem>> -> memref<128x128xf32, #tpu.memory_space<vmem>>
      tpu.vector_store_idx %scatter3A_2469[%and3A_1957, %add3A_2461], %broadcast_in_dim3A_3 masked %eq3A_2464 : memref<128x128xf32, #tpu.memory_space<vmem>>[vector<16xi32>, vector<16xi32>], vector<16xf32>, vector<16xi1>
      %dma_start3A_2470 = arith.constant 1 : i32
      %dma_start3A_2471 = arith.constant 0 : i32
      %dma_start3A_2472 = arith.constant 0 : i32
      %dma_start3A_2473 = tpu.memref_slice %arg6[%dma_start3A_2470, %dma_start3A_2471, %dma_start3A_2472] : memref<2x128x128xf32, #tpu.memory_space<vmem>> -> memref<1x128x128xf32, #tpu.memory_space<vmem>>
      %dma_start3A_2474 = tpu.memref_squeeze %dma_start3A_2473 : memref<1x128x128xf32, #tpu.memory_space<vmem>> -> memref<128x128xf32, #tpu.memory_space<vmem>>
      %dma_start3A_2475 = arith.constant 128 : i32
      %dma_start3A_2476 = tpu.memref_slice %arg3[%dma_start3A_2475, %add3A_1800] : memref<1128x16384xf32, #tpu.memory_space<hbm>> -> memref<128x128xf32, #tpu.memory_space<hbm>>
      %dma_start3A_2477 = arith.constant 128 : i32
      %dma_start3A_2478 = tpu.memref_slice %arg3[%dma_start3A_2477, %add3A_1800] : memref<1128x16384xf32, #tpu.memory_space<hbm>> -> memref<128x128xf32, #tpu.memory_space<hbm>>
      %dma_start3A_2479 = arith.constant 0 : i32
      %dma_start3A_2480 = arith.constant 0 : i32
      %dma_start3A_2481 = tpu.memref_slice %arg6[%dma_start3A_2470, %dma_start3A_2479, %dma_start3A_2480] : memref<2x128x128xf32, #tpu.memory_space<vmem>> -> memref<1x128x128xf32, #tpu.memory_space<vmem>>
      %dma_start3A_2482 = tpu.memref_squeeze %dma_start3A_2481 : memref<1x128x128xf32, #tpu.memory_space<vmem>> -> memref<128x128xf32, #tpu.memory_space<vmem>>
      tpu.enqueue_dma source(%dma_start3A_2482 : memref<128x128xf32, #tpu.memory_space<vmem>>) target(%dma_start3A_2478 : memref<128x128xf32, #tpu.memory_space<hbm>>) target_semaphore(%arg9 : memref<!tpu.dma_semaphore, #tpu.memory_space<semaphore_mem>>)
      %scan3A_2483 = arith.constant 0 : i32
      %scan3A_2484 = arith.constant 1 : i32
      %scan3A_2485 = arith.constant 0 : i32
      %scan3A_2486 = arith.constant 127 : i32
      %scan3A_2487 = arith.addi %scan3A_2485, %scan3A_2486 : i32
      %scan3A_2488 = arith.constant 1 : i32
      scf.for %scan3A_3775 = %scan3A_2485 to %scan3A_2487 step %scan3A_2488  : i32 {
        %add3A_3776 = arith.constant 1 : i32
        %add3A_3777 = arith.addi %scan3A_3775, %add3A_3776 : i32
        %get3A_3778 = arith.constant 0 : i32
        %get3A_3779 = arith.constant 0 : i32
        %get3A_3780 = tpu.memref_slice %arg4[%scan3A_2484, %get3A_3778, %get3A_3779] : memref<2x128x128xf32, #tpu.memory_space<vmem>> -> memref<1x128x128xf32, #tpu.memory_space<vmem>>
        %get3A_3781 = tpu.memref_squeeze %get3A_3780 : memref<1x128x128xf32, #tpu.memory_space<vmem>> -> memref<128x128xf32, #tpu.memory_space<vmem>>
        %get3A_3782 = arith.index_cast %add3A_3777 : i32 to index
        %get3A_3783 = arith.constant 0 : index
        %get3A_3784 = tpu.vector_load %get3A_3781[%get3A_3782, %get3A_3783] {strides = array<i32>} : memref<128x128xf32, #tpu.memory_space<vmem>>, vector<16xf32>,
        %add3A_3785 = arith.constant 104 : i32
        %add3A_3786 = arith.addi %add3A_3785, %scan3A_3775 : i32
        %swap3A_3787 = arith.index_cast %add3A_3786 : i32 to index
        %swap3A_3788 = arith.constant 0 : index
        %swap3A_3789 = tpu.vector_load %arg7[%swap3A_3787, %swap3A_3788] {strides = array<i32>} : memref<232x128xf32, #tpu.memory_space<vmem>>, vector<16xf32>,
        tpu.vector_store %arg7[%swap3A_3787, %swap3A_3788], %get3A_3784 {strides = array<i32>} : memref<232x128xf32, #tpu.memory_space<vmem>>, vector<16xf32>,
        %add3A_3790 = arith.constant 1 : i32
        %add3A_3791 = arith.addi %scan3A_3775, %add3A_3790 : i32
        %get3A_3792 = arith.constant 0 : i32
        %get3A_3793 = arith.constant 0 : i32
        %get3A_3794 = tpu.memref_slice %arg4[%scan3A_2484, %get3A_3792, %get3A_3793] : memref<2x128x128xf32, #tpu.memory_space<vmem>> -> memref<1x128x128xf32, #tpu.memory_space<vmem>>
        %get3A_3795 = tpu.memref_squeeze %get3A_3794 : memref<1x128x128xf32, #tpu.memory_space<vmem>> -> memref<128x128xf32, #tpu.memory_space<vmem>>
        %get3A_3796 = arith.index_cast %add3A_3791 : i32 to index
        %get3A_3797 = arith.constant 16 : index
        %get3A_3798 = tpu.vector_load %get3A_3795[%get3A_3796, %get3A_3797] {strides = array<i32>} : memref<128x128xf32, #tpu.memory_space<vmem>>, vector<16xf32>,
        %add3A_3799 = arith.constant 104 : i32
        %add3A_3800 = arith.addi %add3A_3799, %scan3A_3775 : i32
        %swap3A_3801 = arith.index_cast %add3A_3800 : i32 to index
        %swap3A_3802 = arith.constant 16 : index
        %swap3A_3803 = tpu.vector_load %arg7[%swap3A_3801, %swap3A_3802] {strides = array<i32>} : memref<232x128xf32, #tpu.memory_space<vmem>>, vector<16xf32>,
        tpu.vector_store %arg7[%swap3A_3801, %swap3A_3802], %get3A_3798 {strides = array<i32>} : memref<232x128xf32, #tpu.memory_space<vmem>>, vector<16xf32>,
        %add3A_3804 = arith.constant 1 : i32
        %add3A_3805 = arith.addi %scan3A_3775, %add3A_3804 : i32
        %get3A_3806 = arith.constant 0 : i32
        %get3A_3807 = arith.constant 0 : i32
        %get3A_3808 = tpu.memref_slice %arg4[%scan3A_2484, %get3A_3806, %get3A_3807] : memref<2x128x128xf32, #tpu.memory_space<vmem>> -> memref<1x128x128xf32, #tpu.memory_space<vmem>>
        %get3A_3809 = tpu.memref_squeeze %get3A_3808 : memref<1x128x128xf32, #tpu.memory_space<vmem>> -> memref<128x128xf32, #tpu.memory_space<vmem>>
        %get3A_3810 = arith.index_cast %add3A_3805 : i32 to index
        %get3A_3811 = arith.constant 32 : index
        %get3A_3812 = tpu.vector_load %get3A_3809[%get3A_3810, %get3A_3811] {strides = array<i32>} : memref<128x128xf32, #tpu.memory_space<vmem>>, vector<16xf32>,
        %add3A_3813 = arith.constant 104 : i32
        %add3A_3814 = arith.addi %add3A_3813, %scan3A_3775 : i32
        %swap3A_3815 = arith.index_cast %add3A_3814 : i32 to index
        %swap3A_3816 = arith.constant 32 : index
        %swap3A_3817 = tpu.vector_load %arg7[%swap3A_3815, %swap3A_3816] {strides = array<i32>} : memref<232x128xf32, #tpu.memory_space<vmem>>, vector<16xf32>,
        tpu.vector_store %arg7[%swap3A_3815, %swap3A_3816], %get3A_3812 {strides = array<i32>} : memref<232x128xf32, #tpu.memory_space<vmem>>, vector<16xf32>,
        %add3A_3818 = arith.constant 1 : i32
        %add3A_3819 = arith.addi %scan3A_3775, %add3A_3818 : i32
        %get3A_3820 = arith.constant 0 : i32
        %get3A_3821 = arith.constant 0 : i32
        %get3A_3822 = tpu.memref_slice %arg4[%scan3A_2484, %get3A_3820, %get3A_3821] : memref<2x128x128xf32, #tpu.memory_space<vmem>> -> memref<1x128x128xf32, #tpu.memory_space<vmem>>
        %get3A_3823 = tpu.memref_squeeze %get3A_3822 : memref<1x128x128xf32, #tpu.memory_space<vmem>> -> memref<128x128xf32, #tpu.memory_space<vmem>>
        %get3A_3824 = arith.index_cast %add3A_3819 : i32 to index
        %get3A_3825 = arith.constant 48 : index
        %get3A_3826 = tpu.vector_load %get3A_3823[%get3A_3824, %get3A_3825] {strides = array<i32>} : memref<128x128xf32, #tpu.memory_space<vmem>>, vector<16xf32>,
        %add3A_3827 = arith.constant 104 : i32
        %add3A_3828 = arith.addi %add3A_3827, %scan3A_3775 : i32
        %swap3A_3829 = arith.index_cast %add3A_3828 : i32 to index
        %swap3A_3830 = arith.constant 48 : index
        %swap3A_3831 = tpu.vector_load %arg7[%swap3A_3829, %swap3A_3830] {strides = array<i32>} : memref<232x128xf32, #tpu.memory_space<vmem>>, vector<16xf32>,
        tpu.vector_store %arg7[%swap3A_3829, %swap3A_3830], %get3A_3826 {strides = array<i32>} : memref<232x128xf32, #tpu.memory_space<vmem>>, vector<16xf32>,
        %add3A_3832 = arith.constant 1 : i32
        %add3A_3833 = arith.addi %scan3A_3775, %add3A_3832 : i32
        %get3A_3834 = arith.constant 0 : i32
        %get3A_3835 = arith.constant 0 : i32
        %get3A_3836 = tpu.memref_slice %arg4[%scan3A_2484, %get3A_3834, %get3A_3835] : memref<2x128x128xf32, #tpu.memory_space<vmem>> -> memref<1x128x128xf32, #tpu.memory_space<vmem>>
        %get3A_3837 = tpu.memref_squeeze %get3A_3836 : memref<1x128x128xf32, #tpu.memory_space<vmem>> -> memref<128x128xf32, #tpu.memory_space<vmem>>
        %get3A_3838 = arith.index_cast %add3A_3833 : i32 to index
        %get3A_3839 = arith.constant 64 : index
        %get3A_3840 = tpu.vector_load %get3A_3837[%get3A_3838, %get3A_3839] {strides = array<i32>} : memref<128x128xf32, #tpu.memory_space<vmem>>, vector<16xf32>,
        %add3A_3841 = arith.constant 104 : i32
        %add3A_3842 = arith.addi %add3A_3841, %scan3A_3775 : i32
        %swap3A_3843 = arith.index_cast %add3A_3842 : i32 to index
        %swap3A_3844 = arith.constant 64 : index
        %swap3A_3845 = tpu.vector_load %arg7[%swap3A_3843, %swap3A_3844] {strides = array<i32>} : memref<232x128xf32, #tpu.memory_space<vmem>>, vector<16xf32>,
        tpu.vector_store %arg7[%swap3A_3843, %swap3A_3844], %get3A_3840 {strides = array<i32>} : memref<232x128xf32, #tpu.memory_space<vmem>>, vector<16xf32>,
        %add3A_3846 = arith.constant 1 : i32
        %add3A_3847 = arith.addi %scan3A_3775, %add3A_3846 : i32
        %get3A_3848 = arith.constant 0 : i32
        %get3A_3849 = arith.constant 0 : i32
        %get3A_3850 = tpu.memref_slice %arg4[%scan3A_2484, %get3A_3848, %get3A_3849] : memref<2x128x128xf32, #tpu.memory_space<vmem>> -> memref<1x128x128xf32, #tpu.memory_space<vmem>>
        %get3A_3851 = tpu.memref_squeeze %get3A_3850 : memref<1x128x128xf32, #tpu.memory_space<vmem>> -> memref<128x128xf32, #tpu.memory_space<vmem>>
        %get3A_3852 = arith.index_cast %add3A_3847 : i32 to index
        %get3A_3853 = arith.constant 80 : index
        %get3A_3854 = tpu.vector_load %get3A_3851[%get3A_3852, %get3A_3853] {strides = array<i32>} : memref<128x128xf32, #tpu.memory_space<vmem>>, vector<16xf32>,
        %add3A_3855 = arith.constant 104 : i32
        %add3A_3856 = arith.addi %add3A_3855, %scan3A_3775 : i32
        %swap3A_3857 = arith.index_cast %add3A_3856 : i32 to index
        %swap3A_3858 = arith.constant 80 : index
        %swap3A_3859 = tpu.vector_load %arg7[%swap3A_3857, %swap3A_3858] {strides = array<i32>} : memref<232x128xf32, #tpu.memory_space<vmem>>, vector<16xf32>,
        tpu.vector_store %arg7[%swap3A_3857, %swap3A_3858], %get3A_3854 {strides = array<i32>} : memref<232x128xf32, #tpu.memory_space<vmem>>, vector<16xf32>,
        %add3A_3860 = arith.constant 1 : i32
        %add3A_3861 = arith.addi %scan3A_3775, %add3A_3860 : i32
        %get3A_3862 = arith.constant 0 : i32
        %get3A_3863 = arith.constant 0 : i32
        %get3A_3864 = tpu.memref_slice %arg4[%scan3A_2484, %get3A_3862, %get3A_3863] : memref<2x128x128xf32, #tpu.memory_space<vmem>> -> memref<1x128x128xf32, #tpu.memory_space<vmem>>
        %get3A_3865 = tpu.memref_squeeze %get3A_3864 : memref<1x128x128xf32, #tpu.memory_space<vmem>> -> memref<128x128xf32, #tpu.memory_space<vmem>>
        %get3A_3866 = arith.index_cast %add3A_3861 : i32 to index
        %get3A_3867 = arith.constant 96 : index
        %get3A_3868 = tpu.vector_load %get3A_3865[%get3A_3866, %get3A_3867] {strides = array<i32>} : memref<128x128xf32, #tpu.memory_space<vmem>>, vector<16xf32>,
        %add3A_3869 = arith.constant 104 : i32
        %add3A_3870 = arith.addi %add3A_3869, %scan3A_3775 : i32
        %swap3A_3871 = arith.index_cast %add3A_3870 : i32 to index
        %swap3A_3872 = arith.constant 96 : index
        %swap3A_3873 = tpu.vector_load %arg7[%swap3A_3871, %swap3A_3872] {strides = array<i32>} : memref<232x128xf32, #tpu.memory_space<vmem>>, vector<16xf32>,
        tpu.vector_store %arg7[%swap3A_3871, %swap3A_3872], %get3A_3868 {strides = array<i32>} : memref<232x128xf32, #tpu.memory_space<vmem>>, vector<16xf32>,
        %add3A_3874 = arith.constant 1 : i32
        %add3A_3875 = arith.addi %scan3A_3775, %add3A_3874 : i32
        %get3A_3876 = arith.constant 0 : i32
        %get3A_3877 = arith.constant 0 : i32
        %get3A_3878 = tpu.memref_slice %arg4[%scan3A_2484, %get3A_3876, %get3A_3877] : memref<2x128x128xf32, #tpu.memory_space<vmem>> -> memref<1x128x128xf32, #tpu.memory_space<vmem>>
        %get3A_3879 = tpu.memref_squeeze %get3A_3878 : memref<1x128x128xf32, #tpu.memory_space<vmem>> -> memref<128x128xf32, #tpu.memory_space<vmem>>
        %get3A_3880 = arith.index_cast %add3A_3875 : i32 to index
        %get3A_3881 = arith.constant 112 : index
        %get3A_3882 = tpu.vector_load %get3A_3879[%get3A_3880, %get3A_3881] {strides = array<i32>} : memref<128x128xf32, #tpu.memory_space<vmem>>, vector<16xf32>,
        %add3A_3883 = arith.constant 104 : i32
        %add3A_3884 = arith.addi %add3A_3883, %scan3A_3775 : i32
        %swap3A_3885 = arith.index_cast %add3A_3884 : i32 to index
        %swap3A_3886 = arith.constant 112 : index
        %swap3A_3887 = tpu.vector_load %arg7[%swap3A_3885, %swap3A_3886] {strides = array<i32>} : memref<232x128xf32, #tpu.memory_space<vmem>>, vector<16xf32>,
        tpu.vector_store %arg7[%swap3A_3885, %swap3A_3886], %get3A_3882 {strides = array<i32>} : memref<232x128xf32, #tpu.memory_space<vmem>>, vector<16xf32>,
      }
      %scan3A_2489 = arith.constant 127 : i32
      %get3A_2490 = arith.constant 1 : i32
      %get3A_2491 = arith.constant 0 : i32
      %get3A_2492 = arith.constant 0 : i32
      %get3A_2493 = arith.constant 0 : i32
      %get3A_2494 = tpu.memref_slice %arg5[%get3A_2490, %get3A_2492, %get3A_2493] : memref<2x1x128xf32, #tpu.memory_space<vmem>> -> memref<1x1x128xf32, #tpu.memory_space<vmem>>
      %get3A_2495 = tpu.memref_squeeze %get3A_2494 : memref<1x1x128xf32, #tpu.memory_space<vmem>> -> memref<1x128xf32, #tpu.memory_space<vmem>>
      %get3A_2496 = arith.index_cast %get3A_2491 : i32 to index
      %get3A_2497 = arith.constant 0 : index
      %get3A_2498 = tpu.vector_load %get3A_2495[%get3A_2496, %get3A_2497] {strides = array<i32>} : memref<1x128xf32, #tpu.memory_space<vmem>>, vector<16xf32>,
      %swap3A_2499 = arith.constant 231 : i32
      %swap3A_2500 = arith.index_cast %swap3A_2499 : i32 to index
      %swap3A_2501 = arith.constant 0 : index
      %swap3A_2502 = tpu.vector_load %arg7[%swap3A_2500, %swap3A_2501] {strides = array<i32>} : memref<232x128xf32, #tpu.memory_space<vmem>>, vector<16xf32>,
      tpu.vector_store %arg7[%swap3A_2500, %swap3A_2501], %get3A_2498 {strides = array<i32>} : memref<232x128xf32, #tpu.memory_space<vmem>>, vector<16xf32>,
      %get3A_2503 = arith.constant 1 : i32
      %get3A_2504 = arith.constant 0 : i32
      %get3A_2505 = arith.constant 0 : i32
      %get3A_2506 = arith.constant 0 : i32
      %get3A_2507 = tpu.memref_slice %arg5[%get3A_2503, %get3A_2505, %get3A_2506] : memref<2x1x128xf32, #tpu.memory_space<vmem>> -> memref<1x1x128xf32, #tpu.memory_space<vmem>>
      %get3A_2508 = tpu.memref_squeeze %get3A_2507 : memref<1x1x128xf32, #tpu.memory_space<vmem>> -> memref<1x128xf32, #tpu.memory_space<vmem>>
      %get3A_2509 = arith.index_cast %get3A_2504 : i32 to index
      %get3A_2510 = arith.constant 16 : index
      %get3A_2511 = tpu.vector_load %get3A_2508[%get3A_2509, %get3A_2510] {strides = array<i32>} : memref<1x128xf32, #tpu.memory_space<vmem>>, vector<16xf32>,
      %swap3A_2512 = arith.constant 231 : i32
      %swap3A_2513 = arith.index_cast %swap3A_2512 : i32 to index
      %swap3A_2514 = arith.constant 16 : index
      %swap3A_2515 = tpu.vector_load %arg7[%swap3A_2513, %swap3A_2514] {strides = array<i32>} : memref<232x128xf32, #tpu.memory_space<vmem>>, vector<16xf32>,
      tpu.vector_store %arg7[%swap3A_2513, %swap3A_2514], %get3A_2511 {strides = array<i32>} : memref<232x128xf32, #tpu.memory_space<vmem>>, vector<16xf32>,
      %get3A_2516 = arith.constant 1 : i32
      %get3A_2517 = arith.constant 0 : i32
      %get3A_2518 = arith.constant 0 : i32
      %get3A_2519 = arith.constant 0 : i32
      %get3A_2520 = tpu.memref_slice %arg5[%get3A_2516, %get3A_2518, %get3A_2519] : memref<2x1x128xf32, #tpu.memory_space<vmem>> -> memref<1x1x128xf32, #tpu.memory_space<vmem>>
      %get3A_2521 = tpu.memref_squeeze %get3A_2520 : memref<1x1x128xf32, #tpu.memory_space<vmem>> -> memref<1x128xf32, #tpu.memory_space<vmem>>
      %get3A_2522 = arith.index_cast %get3A_2517 : i32 to index
      %get3A_2523 = arith.constant 32 : index
      %get3A_2524 = tpu.vector_load %get3A_2521[%get3A_2522, %get3A_2523] {strides = array<i32>} : memref<1x128xf32, #tpu.memory_space<vmem>>, vector<16xf32>,
      %swap3A_2525 = arith.constant 231 : i32
      %swap3A_2526 = arith.index_cast %swap3A_2525 : i32 to index
      %swap3A_2527 = arith.constant 32 : index
      %swap3A_2528 = tpu.vector_load %arg7[%swap3A_2526, %swap3A_2527] {strides = array<i32>} : memref<232x128xf32, #tpu.memory_space<vmem>>, vector<16xf32>,
      tpu.vector_store %arg7[%swap3A_2526, %swap3A_2527], %get3A_2524 {strides = array<i32>} : memref<232x128xf32, #tpu.memory_space<vmem>>, vector<16xf32>,
      %get3A_2529 = arith.constant 1 : i32
      %get3A_2530 = arith.constant 0 : i32
      %get3A_2531 = arith.constant 0 : i32
      %get3A_2532 = arith.constant 0 : i32
      %get3A_2533 = tpu.memref_slice %arg5[%get3A_2529, %get3A_2531, %get3A_2532] : memref<2x1x128xf32, #tpu.memory_space<vmem>> -> memref<1x1x128xf32, #tpu.memory_space<vmem>>
      %get3A_2534 = tpu.memref_squeeze %get3A_2533 : memref<1x1x128xf32, #tpu.memory_space<vmem>> -> memref<1x128xf32, #tpu.memory_space<vmem>>
      %get3A_2535 = arith.index_cast %get3A_2530 : i32 to index
      %get3A_2536 = arith.constant 48 : index
      %get3A_2537 = tpu.vector_load %get3A_2534[%get3A_2535, %get3A_2536] {strides = array<i32>} : memref<1x128xf32, #tpu.memory_space<vmem>>, vector<16xf32>,
      %swap3A_2538 = arith.constant 231 : i32
      %swap3A_2539 = arith.index_cast %swap3A_2538 : i32 to index
      %swap3A_2540 = arith.constant 48 : index
      %swap3A_2541 = tpu.vector_load %arg7[%swap3A_2539, %swap3A_2540] {strides = array<i32>} : memref<232x128xf32, #tpu.memory_space<vmem>>, vector<16xf32>,
      tpu.vector_store %arg7[%swap3A_2539, %swap3A_2540], %get3A_2537 {strides = array<i32>} : memref<232x128xf32, #tpu.memory_space<vmem>>, vector<16xf32>,
      %get3A_2542 = arith.constant 1 : i32
      %get3A_2543 = arith.constant 0 : i32
      %get3A_2544 = arith.constant 0 : i32
      %get3A_2545 = arith.constant 0 : i32
      %get3A_2546 = tpu.memref_slice %arg5[%get3A_2542, %get3A_2544, %get3A_2545] : memref<2x1x128xf32, #tpu.memory_space<vmem>> -> memref<1x1x128xf32, #tpu.memory_space<vmem>>
      %get3A_2547 = tpu.memref_squeeze %get3A_2546 : memref<1x1x128xf32, #tpu.memory_space<vmem>> -> memref<1x128xf32, #tpu.memory_space<vmem>>
      %get3A_2548 = arith.index_cast %get3A_2543 : i32 to index
      %get3A_2549 = arith.constant 64 : index
      %get3A_2550 = tpu.vector_load %get3A_2547[%get3A_2548, %get3A_2549] {strides = array<i32>} : memref<1x128xf32, #tpu.memory_space<vmem>>, vector<16xf32>,
      %swap3A_2551 = arith.constant 231 : i32
      %swap3A_2552 = arith.index_cast %swap3A_2551 : i32 to index
      %swap3A_2553 = arith.constant 64 : index
      %swap3A_2554 = tpu.vector_load %arg7[%swap3A_2552, %swap3A_2553] {strides = array<i32>} : memref<232x128xf32, #tpu.memory_space<vmem>>, vector<16xf32>,
      tpu.vector_store %arg7[%swap3A_2552, %swap3A_2553], %get3A_2550 {strides = array<i32>} : memref<232x128xf32, #tpu.memory_space<vmem>>, vector<16xf32>,
      %get3A_2555 = arith.constant 1 : i32
      %get3A_2556 = arith.constant 0 : i32
      %get3A_2557 = arith.constant 0 : i32
      %get3A_2558 = arith.constant 0 : i32
      %get3A_2559 = tpu.memref_slice %arg5[%get3A_2555, %get3A_2557, %get3A_2558] : memref<2x1x128xf32, #tpu.memory_space<vmem>> -> memref<1x1x128xf32, #tpu.memory_space<vmem>>
      %get3A_2560 = tpu.memref_squeeze %get3A_2559 : memref<1x1x128xf32, #tpu.memory_space<vmem>> -> memref<1x128xf32, #tpu.memory_space<vmem>>
      %get3A_2561 = arith.index_cast %get3A_2556 : i32 to index
      %get3A_2562 = arith.constant 80 : index
      %get3A_2563 = tpu.vector_load %get3A_2560[%get3A_2561, %get3A_2562] {strides = array<i32>} : memref<1x128xf32, #tpu.memory_space<vmem>>, vector<16xf32>,
      %swap3A_2564 = arith.constant 231 : i32
      %swap3A_2565 = arith.index_cast %swap3A_2564 : i32 to index
      %swap3A_2566 = arith.constant 80 : index
      %swap3A_2567 = tpu.vector_load %arg7[%swap3A_2565, %swap3A_2566] {strides = array<i32>} : memref<232x128xf32, #tpu.memory_space<vmem>>, vector<16xf32>,
      tpu.vector_store %arg7[%swap3A_2565, %swap3A_2566], %get3A_2563 {strides = array<i32>} : memref<232x128xf32, #tpu.memory_space<vmem>>, vector<16xf32>,
      %get3A_2568 = arith.constant 1 : i32
      %get3A_2569 = arith.constant 0 : i32
      %get3A_2570 = arith.constant 0 : i32
      %get3A_2571 = arith.constant 0 : i32
      %get3A_2572 = tpu.memref_slice %arg5[%get3A_2568, %get3A_2570, %get3A_2571] : memref<2x1x128xf32, #tpu.memory_space<vmem>> -> memref<1x1x128xf32, #tpu.memory_space<vmem>>
      %get3A_2573 = tpu.memref_squeeze %get3A_2572 : memref<1x1x128xf32, #tpu.memory_space<vmem>> -> memref<1x128xf32, #tpu.memory_space<vmem>>
      %get3A_2574 = arith.index_cast %get3A_2569 : i32 to index
      %get3A_2575 = arith.constant 96 : index
      %get3A_2576 = tpu.vector_load %get3A_2573[%get3A_2574, %get3A_2575] {strides = array<i32>} : memref<1x128xf32, #tpu.memory_space<vmem>>, vector<16xf32>,
      %swap3A_2577 = arith.constant 231 : i32
      %swap3A_2578 = arith.index_cast %swap3A_2577 : i32 to index
      %swap3A_2579 = arith.constant 96 : index
      %swap3A_2580 = tpu.vector_load %arg7[%swap3A_2578, %swap3A_2579] {strides = array<i32>} : memref<232x128xf32, #tpu.memory_space<vmem>>, vector<16xf32>,
      tpu.vector_store %arg7[%swap3A_2578, %swap3A_2579], %get3A_2576 {strides = array<i32>} : memref<232x128xf32, #tpu.memory_space<vmem>>, vector<16xf32>,
      %get3A_2581 = arith.constant 1 : i32
      %get3A_2582 = arith.constant 0 : i32
      %get3A_2583 = arith.constant 0 : i32
      %get3A_2584 = arith.constant 0 : i32
      %get3A_2585 = tpu.memref_slice %arg5[%get3A_2581, %get3A_2583, %get3A_2584] : memref<2x1x128xf32, #tpu.memory_space<vmem>> -> memref<1x1x128xf32, #tpu.memory_space<vmem>>
      %get3A_2586 = tpu.memref_squeeze %get3A_2585 : memref<1x1x128xf32, #tpu.memory_space<vmem>> -> memref<1x128xf32, #tpu.memory_space<vmem>>
      %get3A_2587 = arith.index_cast %get3A_2582 : i32 to index
      %get3A_2588 = arith.constant 112 : index
      %get3A_2589 = tpu.vector_load %get3A_2586[%get3A_2587, %get3A_2588] {strides = array<i32>} : memref<1x128xf32, #tpu.memory_space<vmem>>, vector<16xf32>,
      %swap3A_2590 = arith.constant 231 : i32
      %swap3A_2591 = arith.index_cast %swap3A_2590 : i32 to index
      %swap3A_2592 = arith.constant 112 : index
      %swap3A_2593 = tpu.vector_load %arg7[%swap3A_2591, %swap3A_2592] {strides = array<i32>} : memref<232x128xf32, #tpu.memory_space<vmem>>, vector<16xf32>,
      tpu.vector_store %arg7[%swap3A_2591, %swap3A_2592], %get3A_2589 {strides = array<i32>} : memref<232x128xf32, #tpu.memory_space<vmem>>, vector<16xf32>,
      %add3A_2594 = arith.constant 2 : i32
      %add3A_2595 = arith.addi %add3A_1797, %add3A_2594 : i32
      %lt3A_2596 = arith.constant 4 : i32
      %lt3A_2597 = arith.cmpi slt, %add3A_2595, %lt3A_2596 : i32
      %convert_element_type3A_2598 = arith.extui %lt3A_2597 : i1 to i32
      %cond3A_2599 = arith.constant 0 : i32
      %cond3A_2600 = arith.cmpi ne, %convert_element_type3A_2598, %cond3A_2599 : i32
      scf.if %cond3A_2600 {
        %add3A_3775 = arith.constant 2 : i32
        %add3A_3776 = arith.addi %add3A_1797, %add3A_3775 : i32
        %mul3A_3777 = arith.constant 128 : i32
        %mul3A_3778 = arith.muli %add3A_3776, %mul3A_3777 : i32
        %add3A_3779 = arith.addi %mul3A_7, %mul3A_3778 : i32
        %dma_start3A_3780 = arith.constant 1 : i32
        %dma_start3A_3781 = arith.constant 0 : i32
        %dma_start3A_3782 = arith.constant 0 : i32
        %dma_start3A_3783 = tpu.memref_slice %arg4[%dma_start3A_3780, %dma_start3A_3781, %dma_start3A_3782] : memref<2x128x128xf32, #tpu.memory_space<vmem>> -> memref<1x128x128xf32, #tpu.memory_space<vmem>>
        %dma_start3A_3784 = tpu.memref_squeeze %dma_start3A_3783 : memref<1x128x128xf32, #tpu.memory_space<vmem>> -> memref<128x128xf32, #tpu.memory_space<vmem>>
        %dma_start3A_3785 = arith.constant 0 : i32
        %dma_start3A_3786 = tpu.memref_slice %arg2[%dma_start3A_3785, %add3A_3779] : memref<129x16384xf32, #tpu.memory_space<hbm>> -> memref<128x128xf32, #tpu.memory_space<hbm>>
        %dma_start3A_3787 = arith.constant 0 : i32
        %dma_start3A_3788 = arith.constant 0 : i32
        %dma_start3A_3789 = tpu.memref_slice %arg4[%dma_start3A_3780, %dma_start3A_3787, %dma_start3A_3788] : memref<2x128x128xf32, #tpu.memory_space<vmem>> -> memref<1x128x128xf32, #tpu.memory_space<vmem>>
        %dma_start3A_3790 = tpu.memref_squeeze %dma_start3A_3789 : memref<1x128x128xf32, #tpu.memory_space<vmem>> -> memref<128x128xf32, #tpu.memory_space<vmem>>
        %dma_start3A_3791 = arith.constant 0 : i32
        %dma_start3A_3792 = tpu.memref_slice %arg2[%dma_start3A_3791, %add3A_3779] : memref<129x16384xf32, #tpu.memory_space<hbm>> -> memref<128x128xf32, #tpu.memory_space<hbm>>
        tpu.enqueue_dma source(%dma_start3A_3792 : memref<128x128xf32, #tpu.memory_space<hbm>>) target(%dma_start3A_3790 : memref<128x128xf32, #tpu.memory_space<vmem>>) target_semaphore(%arg12 : memref<!tpu.dma_semaphore, #tpu.memory_space<semaphore_mem>>)
        %dma_start3A_3793 = arith.constant 1 : i32
        %dma_start3A_3794 = arith.constant 0 : i32
        %dma_start3A_3795 = arith.constant 0 : i32
        %dma_start3A_3796 = tpu.memref_slice %arg5[%dma_start3A_3793, %dma_start3A_3794, %dma_start3A_3795] : memref<2x1x128xf32, #tpu.memory_space<vmem>> -> memref<1x1x128xf32, #tpu.memory_space<vmem>>
        %dma_start3A_3797 = tpu.memref_squeeze %dma_start3A_3796 : memref<1x1x128xf32, #tpu.memory_space<vmem>> -> memref<1x128xf32, #tpu.memory_space<vmem>>
        %dma_start3A_3798 = arith.constant 128 : i32
        %dma_start3A_3799 = tpu.memref_slice %arg2[%dma_start3A_3798, %add3A_3779] : memref<129x16384xf32, #tpu.memory_space<hbm>> -> memref<1x128xf32, #tpu.memory_space<hbm>>
        %dma_start3A_3800 = arith.constant 0 : i32
        %dma_start3A_3801 = arith.constant 0 : i32
        %dma_start3A_3802 = tpu.memref_slice %arg5[%dma_start3A_3793, %dma_start3A_3800, %dma_start3A_3801] : memref<2x1x128xf32, #tpu.memory_space<vmem>> -> memref<1x1x128xf32, #tpu.memory_space<vmem>>
        %dma_start3A_3803 = tpu.memref_squeeze %dma_start3A_3802 : memref<1x1x128xf32, #tpu.memory_space<vmem>> -> memref<1x128xf32, #tpu.memory_space<vmem>>
        %dma_start3A_3804 = arith.constant 128 : i32
        %dma_start3A_3805 = tpu.memref_slice %arg2[%dma_start3A_3804, %add3A_3779] : memref<129x16384xf32, #tpu.memory_space<hbm>> -> memref<1x128xf32, #tpu.memory_space<hbm>>
        tpu.enqueue_dma source(%dma_start3A_3805 : memref<1x128xf32, #tpu.memory_space<hbm>>) target(%dma_start3A_3803 : memref<1x128xf32, #tpu.memory_space<vmem>>) target_semaphore(%arg12 : memref<!tpu.dma_semaphore, #tpu.memory_space<semaphore_mem>>)
      } else {
      }
      %dma_wait3A_2601 = arith.constant 0 : i32
      %dma_wait3A_2602 = arith.constant 0 : i32
      %dma_wait3A_2603 = arith.constant 0 : i32
      %dma_wait3A_2604 = tpu.memref_slice %arg6[%dma_wait3A_2601, %dma_wait3A_2602, %dma_wait3A_2603] : memref<2x128x128xf32, #tpu.memory_space<vmem>> -> memref<1x128x128xf32, #tpu.memory_space<vmem>>
      %dma_wait3A_2605 = tpu.memref_squeeze %dma_wait3A_2604 : memref<1x128x128xf32, #tpu.memory_space<vmem>> -> memref<128x128xf32, #tpu.memory_space<vmem>>
      %dma_wait3A_2606 = arith.constant 0 : i32
      %dma_wait3A_2607 = tpu.memref_slice %arg3[%dma_wait3A_2606, %add3A_1800] : memref<1128x16384xf32, #tpu.memory_space<hbm>> -> memref<128x128xf32, #tpu.memory_space<hbm>>
      %dma_wait3A_2608 = arith.constant 0 : i32
      %dma_wait3A_2609 = tpu.memref_slice %arg3[%dma_wait3A_2608, %add3A_1800] : memref<1128x16384xf32, #tpu.memory_space<hbm>> -> memref<128x128xf32, #tpu.memory_space<hbm>>
      %dma_wait3A_2610 = arith.constant 0 : i32
      %dma_wait3A_2611 = arith.constant 0 : i32
      %dma_wait3A_2612 = tpu.memref_slice %arg6[%dma_wait3A_2601, %dma_wait3A_2610, %dma_wait3A_2611] : memref<2x128x128xf32, #tpu.memory_space<vmem>> -> memref<1x128x128xf32, #tpu.memory_space<vmem>>
      %dma_wait3A_2613 = tpu.memref_squeeze %dma_wait3A_2612 : memref<1x128x128xf32, #tpu.memory_space<vmem>> -> memref<128x128xf32, #tpu.memory_space<vmem>>
      tpu.wait_dma2 semaphore(%arg8 : memref<!tpu.dma_semaphore, #tpu.memory_space<semaphore_mem>>) src(%dma_wait3A_2613 : memref<128x128xf32, #tpu.memory_space<vmem>>) dst(%dma_wait3A_2609 : memref<128x128xf32, #tpu.memory_space<hbm>>)
      %iota3A_2614 = tpu.iota {dimensions = array<i32: 0>} : vector<16xi32>
      %add3A_2615 = arith.constant 0 : i32
      %add3A_2616 = vector.broadcast %add3A_2615 : i32 to vector<16xi32>
      %add3A_2617 = arith.addi %iota3A_2614, %add3A_2616 : vector<16xi32>
      %eq3A_2618 = arith.constant 0 : i32
      %eq3A_2619 = vector.broadcast %eq3A_2618 : i32 to vector<16xi32>
      %eq3A_2620 = arith.cmpi eq, %shift_right_logical3A_1842, %eq3A_2619 : vector<16xi32>
      %scatter3A_2621 = arith.constant 0 : i32
      %scatter3A_2622 = arith.constant 0 : i32
      %scatter3A_2623 = arith.constant 0 : i32
      %scatter3A_2624 = tpu.memref_slice %arg6[%scatter3A_2621, %scatter3A_2622, %scatter3A_2623] : memref<2x128x128xf32, #tpu.memory_space<vmem>> -> memref<1x128x128xf32, #tpu.memory_space<vmem>>
      %scatter3A_2625 = tpu.memref_squeeze %scatter3A_2624 : memref<1x128x128xf32, #tpu.memory_space<vmem>> -> memref<128x128xf32, #tpu.memory_space<vmem>>
      tpu.vector_store_idx %scatter3A_2625[%and3A_1845, %add3A_2617], %broadcast_in_dim3A_1 masked %eq3A_2620 : memref<128x128xf32, #tpu.memory_space<vmem>>[vector<16xi32>, vector<16xi32>], vector<16xf32>, vector<16xi1>
      %iota3A_2626 = tpu.iota {dimensions = array<i32: 0>} : vector<16xi32>
      %add3A_2627 = arith.constant 16 : i32
      %add3A_2628 = vector.broadcast %add3A_2627 : i32 to vector<16xi32>
      %add3A_2629 = arith.addi %iota3A_2626, %add3A_2628 : vector<16xi32>
      %eq3A_2630 = arith.constant 0 : i32
      %eq3A_2631 = vector.broadcast %eq3A_2630 : i32 to vector<16xi32>
      %eq3A_2632 = arith.cmpi eq, %shift_right_logical3A_1858, %eq3A_2631 : vector<16xi32>
      %scatter3A_2633 = arith.constant 0 : i32
      %scatter3A_2634 = arith.constant 0 : i32
      %scatter3A_2635 = arith.constant 0 : i32
      %scatter3A_2636 = tpu.memref_slice %arg6[%scatter3A_2633, %scatter3A_2634, %scatter3A_2635] : memref<2x128x128xf32, #tpu.memory_space<vmem>> -> memref<1x128x128xf32, #tpu.memory_space<vmem>>
      %scatter3A_2637 = tpu.memref_squeeze %scatter3A_2636 : memref<1x128x128xf32, #tpu.memory_space<vmem>> -> memref<128x128xf32, #tpu.memory_space<vmem>>
      tpu.vector_store_idx %scatter3A_2637[%and3A_1861, %add3A_2629], %broadcast_in_dim3A_1 masked %eq3A_2632 : memref<128x128xf32, #tpu.memory_space<vmem>>[vector<16xi32>, vector<16xi32>], vector<16xf32>, vector<16xi1>
      %iota3A_2638 = tpu.iota {dimensions = array<i32: 0>} : vector<16xi32>
      %add3A_2639 = arith.constant 32 : i32
      %add3A_2640 = vector.broadcast %add3A_2639 : i32 to vector<16xi32>
      %add3A_2641 = arith.addi %iota3A_2638, %add3A_2640 : vector<16xi32>
      %eq3A_2642 = arith.constant 0 : i32
      %eq3A_2643 = vector.broadcast %eq3A_2642 : i32 to vector<16xi32>
      %eq3A_2644 = arith.cmpi eq, %shift_right_logical3A_1874, %eq3A_2643 : vector<16xi32>
      %scatter3A_2645 = arith.constant 0 : i32
      %scatter3A_2646 = arith.constant 0 : i32
      %scatter3A_2647 = arith.constant 0 : i32
      %scatter3A_2648 = tpu.memref_slice %arg6[%scatter3A_2645, %scatter3A_2646, %scatter3A_2647] : memref<2x128x128xf32, #tpu.memory_space<vmem>> -> memref<1x128x128xf32, #tpu.memory_space<vmem>>
      %scatter3A_2649 = tpu.memref_squeeze %scatter3A_2648 : memref<1x128x128xf32, #tpu.memory_space<vmem>> -> memref<128x128xf32, #tpu.memory_space<vmem>>
      tpu.vector_store_idx %scatter3A_2649[%and3A_1877, %add3A_2641], %broadcast_in_dim3A_1 masked %eq3A_2644 : memref<128x128xf32, #tpu.memory_space<vmem>>[vector<16xi32>, vector<16xi32>], vector<16xf32>, vector<16xi1>
      %iota3A_2650 = tpu.iota {dimensions = array<i32: 0>} : vector<16xi32>
      %add3A_2651 = arith.constant 48 : i32
      %add3A_2652 = vector.broadcast %add3A_2651 : i32 to vector<16xi32>
      %add3A_2653 = arith.addi %iota3A_2650, %add3A_2652 : vector<16xi32>
      %eq3A_2654 = arith.constant 0 : i32
      %eq3A_2655 = vector.broadcast %eq3A_2654 : i32 to vector<16xi32>
      %eq3A_2656 = arith.cmpi eq, %shift_right_logical3A_1890, %eq3A_2655 : vector<16xi32>
      %scatter3A_2657 = arith.constant 0 : i32
      %scatter3A_2658 = arith.constant 0 : i32
      %scatter3A_2659 = arith.constant 0 : i32
      %scatter3A_2660 = tpu.memref_slice %arg6[%scatter3A_2657, %scatter3A_2658, %scatter3A_2659] : memref<2x128x128xf32, #tpu.memory_space<vmem>> -> memref<1x128x128xf32, #tpu.memory_space<vmem>>
      %scatter3A_2661 = tpu.memref_squeeze %scatter3A_2660 : memref<1x128x128xf32, #tpu.memory_space<vmem>> -> memref<128x128xf32, #tpu.memory_space<vmem>>
      tpu.vector_store_idx %scatter3A_2661[%and3A_1893, %add3A_2653], %broadcast_in_dim3A_1 masked %eq3A_2656 : memref<128x128xf32, #tpu.memory_space<vmem>>[vector<16xi32>, vector<16xi32>], vector<16xf32>, vector<16xi1>
      %iota3A_2662 = tpu.iota {dimensions = array<i32: 0>} : vector<16xi32>
      %add3A_2663 = arith.constant 64 : i32
      %add3A_2664 = vector.broadcast %add3A_2663 : i32 to vector<16xi32>
      %add3A_2665 = arith.addi %iota3A_2662, %add3A_2664 : vector<16xi32>
      %eq3A_2666 = arith.constant 0 : i32
      %eq3A_2667 = vector.broadcast %eq3A_2666 : i32 to vector<16xi32>
      %eq3A_2668 = arith.cmpi eq, %shift_right_logical3A_1906, %eq3A_2667 : vector<16xi32>
      %scatter3A_2669 = arith.constant 0 : i32
      %scatter3A_2670 = arith.constant 0 : i32
      %scatter3A_2671 = arith.constant 0 : i32
      %scatter3A_2672 = tpu.memref_slice %arg6[%scatter3A_2669, %scatter3A_2670, %scatter3A_2671] : memref<2x128x128xf32, #tpu.memory_space<vmem>> -> memref<1x128x128xf32, #tpu.memory_space<vmem>>
      %scatter3A_2673 = tpu.memref_squeeze %scatter3A_2672 : memref<1x128x128xf32, #tpu.memory_space<vmem>> -> memref<128x128xf32, #tpu.memory_space<vmem>>
      tpu.vector_store_idx %scatter3A_2673[%and3A_1909, %add3A_2665], %broadcast_in_dim3A_1 masked %eq3A_2668 : memref<128x128xf32, #tpu.memory_space<vmem>>[vector<16xi32>, vector<16xi32>], vector<16xf32>, vector<16xi1>
      %iota3A_2674 = tpu.iota {dimensions = array<i32: 0>} : vector<16xi32>
      %add3A_2675 = arith.constant 80 : i32
      %add3A_2676 = vector.broadcast %add3A_2675 : i32 to vector<16xi32>
      %add3A_2677 = arith.addi %iota3A_2674, %add3A_2676 : vector<16xi32>
      %eq3A_2678 = arith.constant 0 : i32
      %eq3A_2679 = vector.broadcast %eq3A_2678 : i32 to vector<16xi32>
      %eq3A_2680 = arith.cmpi eq, %shift_right_logical3A_1922, %eq3A_2679 : vector<16xi32>
      %scatter3A_2681 = arith.constant 0 : i32
      %scatter3A_2682 = arith.constant 0 : i32
      %scatter3A_2683 = arith.constant 0 : i32
      %scatter3A_2684 = tpu.memref_slice %arg6[%scatter3A_2681, %scatter3A_2682, %scatter3A_2683] : memref<2x128x128xf32, #tpu.memory_space<vmem>> -> memref<1x128x128xf32, #tpu.memory_space<vmem>>
      %scatter3A_2685 = tpu.memref_squeeze %scatter3A_2684 : memref<1x128x128xf32, #tpu.memory_space<vmem>> -> memref<128x128xf32, #tpu.memory_space<vmem>>
      tpu.vector_store_idx %scatter3A_2685[%and3A_1925, %add3A_2677], %broadcast_in_dim3A_1 masked %eq3A_2680 : memref<128x128xf32, #tpu.memory_space<vmem>>[vector<16xi32>, vector<16xi32>], vector<16xf32>, vector<16xi1>
      %iota3A_2686 = tpu.iota {dimensions = array<i32: 0>} : vector<16xi32>
      %add3A_2687 = arith.constant 96 : i32
      %add3A_2688 = vector.broadcast %add3A_2687 : i32 to vector<16xi32>
      %add3A_2689 = arith.addi %iota3A_2686, %add3A_2688 : vector<16xi32>
      %eq3A_2690 = arith.constant 0 : i32
      %eq3A_2691 = vector.broadcast %eq3A_2690 : i32 to vector<16xi32>
      %eq3A_2692 = arith.cmpi eq, %shift_right_logical3A_1938, %eq3A_2691 : vector<16xi32>
      %scatter3A_2693 = arith.constant 0 : i32
      %scatter3A_2694 = arith.constant 0 : i32
      %scatter3A_2695 = arith.constant 0 : i32
      %scatter3A_2696 = tpu.memref_slice %arg6[%scatter3A_2693, %scatter3A_2694, %scatter3A_2695] : memref<2x128x128xf32, #tpu.memory_space<vmem>> -> memref<1x128x128xf32, #tpu.memory_space<vmem>>
      %scatter3A_2697 = tpu.memref_squeeze %scatter3A_2696 : memref<1x128x128xf32, #tpu.memory_space<vmem>> -> memref<128x128xf32, #tpu.memory_space<vmem>>
      tpu.vector_store_idx %scatter3A_2697[%and3A_1941, %add3A_2689], %broadcast_in_dim3A_1 masked %eq3A_2692 : memref<128x128xf32, #tpu.memory_space<vmem>>[vector<16xi32>, vector<16xi32>], vector<16xf32>, vector<16xi1>
      %iota3A_2698 = tpu.iota {dimensions = array<i32: 0>} : vector<16xi32>
      %add3A_2699 = arith.constant 112 : i32
      %add3A_2700 = vector.broadcast %add3A_2699 : i32 to vector<16xi32>
      %add3A_2701 = arith.addi %iota3A_2698, %add3A_2700 : vector<16xi32>
      %eq3A_2702 = arith.constant 0 : i32
      %eq3A_2703 = vector.broadcast %eq3A_2702 : i32 to vector<16xi32>
      %eq3A_2704 = arith.cmpi eq, %shift_right_logical3A_1954, %eq3A_2703 : vector<16xi32>
      %scatter3A_2705 = arith.constant 0 : i32
      %scatter3A_2706 = arith.constant 0 : i32
      %scatter3A_2707 = arith.constant 0 : i32
      %scatter3A_2708 = tpu.memref_slice %arg6[%scatter3A_2705, %scatter3A_2706, %scatter3A_2707] : memref<2x128x128xf32, #tpu.memory_space<vmem>> -> memref<1x128x128xf32, #tpu.memory_space<vmem>>
      %scatter3A_2709 = tpu.memref_squeeze %scatter3A_2708 : memref<1x128x128xf32, #tpu.memory_space<vmem>> -> memref<128x128xf32, #tpu.memory_space<vmem>>
      tpu.vector_store_idx %scatter3A_2709[%and3A_1957, %add3A_2701], %broadcast_in_dim3A_1 masked %eq3A_2704 : memref<128x128xf32, #tpu.memory_space<vmem>>[vector<16xi32>, vector<16xi32>], vector<16xf32>, vector<16xi1>
      %iota3A_2710 = tpu.iota {dimensions = array<i32: 0>} : vector<16xi32>
      %add3A_2711 = arith.constant 0 : i32
      %add3A_2712 = vector.broadcast %add3A_2711 : i32 to vector<16xi32>
      %add3A_2713 = arith.addi %iota3A_2710, %add3A_2712 : vector<16xi32>
      %eq3A_2714 = arith.constant 2 : i32
      %eq3A_2715 = vector.broadcast %eq3A_2714 : i32 to vector<16xi32>
      %eq3A_2716 = arith.cmpi eq, %shift_right_logical3A_1842, %eq3A_2715 : vector<16xi32>
      %scatter3A_2717 = arith.constant 0 : i32
      %scatter3A_2718 = arith.constant 0 : i32
      %scatter3A_2719 = arith.constant 0 : i32
      %scatter3A_2720 = tpu.memref_slice %arg6[%scatter3A_2717, %scatter3A_2718, %scatter3A_2719] : memref<2x128x128xf32, #tpu.memory_space<vmem>> -> memref<1x128x128xf32, #tpu.memory_space<vmem>>
      %scatter3A_2721 = tpu.memref_squeeze %scatter3A_2720 : memref<1x128x128xf32, #tpu.memory_space<vmem>> -> memref<128x128xf32, #tpu.memory_space<vmem>>
      tpu.vector_store_idx %scatter3A_2721[%and3A_1845, %add3A_2713], %broadcast_in_dim3A_3 masked %eq3A_2716 : memref<128x128xf32, #tpu.memory_space<vmem>>[vector<16xi32>, vector<16xi32>], vector<16xf32>, vector<16xi1>
      %iota3A_2722 = tpu.iota {dimensions = array<i32: 0>} : vector<16xi32>
      %add3A_2723 = arith.constant 16 : i32
      %add3A_2724 = vector.broadcast %add3A_2723 : i32 to vector<16xi32>
      %add3A_2725 = arith.addi %iota3A_2722, %add3A_2724 : vector<16xi32>
      %eq3A_2726 = arith.constant 2 : i32
      %eq3A_2727 = vector.broadcast %eq3A_2726 : i32 to vector<16xi32>
      %eq3A_2728 = arith.cmpi eq, %shift_right_logical3A_1858, %eq3A_2727 : vector<16xi32>
      %scatter3A_2729 = arith.constant 0 : i32
      %scatter3A_2730 = arith.constant 0 : i32
      %scatter3A_2731 = arith.constant 0 : i32
      %scatter3A_2732 = tpu.memref_slice %arg6[%scatter3A_2729, %scatter3A_2730, %scatter3A_2731] : memref<2x128x128xf32, #tpu.memory_space<vmem>> -> memref<1x128x128xf32, #tpu.memory_space<vmem>>
      %scatter3A_2733 = tpu.memref_squeeze %scatter3A_2732 : memref<1x128x128xf32, #tpu.memory_space<vmem>> -> memref<128x128xf32, #tpu.memory_space<vmem>>
      tpu.vector_store_idx %scatter3A_2733[%and3A_1861, %add3A_2725], %broadcast_in_dim3A_3 masked %eq3A_2728 : memref<128x128xf32, #tpu.memory_space<vmem>>[vector<16xi32>, vector<16xi32>], vector<16xf32>, vector<16xi1>
      %iota3A_2734 = tpu.iota {dimensions = array<i32: 0>} : vector<16xi32>
      %add3A_2735 = arith.constant 32 : i32
      %add3A_2736 = vector.broadcast %add3A_2735 : i32 to vector<16xi32>
      %add3A_2737 = arith.addi %iota3A_2734, %add3A_2736 : vector<16xi32>
      %eq3A_2738 = arith.constant 2 : i32
      %eq3A_2739 = vector.broadcast %eq3A_2738 : i32 to vector<16xi32>
      %eq3A_2740 = arith.cmpi eq, %shift_right_logical3A_1874, %eq3A_2739 : vector<16xi32>
      %scatter3A_2741 = arith.constant 0 : i32
      %scatter3A_2742 = arith.constant 0 : i32
      %scatter3A_2743 = arith.constant 0 : i32
      %scatter3A_2744 = tpu.memref_slice %arg6[%scatter3A_2741, %scatter3A_2742, %scatter3A_2743] : memref<2x128x128xf32, #tpu.memory_space<vmem>> -> memref<1x128x128xf32, #tpu.memory_space<vmem>>
      %scatter3A_2745 = tpu.memref_squeeze %scatter3A_2744 : memref<1x128x128xf32, #tpu.memory_space<vmem>> -> memref<128x128xf32, #tpu.memory_space<vmem>>
      tpu.vector_store_idx %scatter3A_2745[%and3A_1877, %add3A_2737], %broadcast_in_dim3A_3 masked %eq3A_2740 : memref<128x128xf32, #tpu.memory_space<vmem>>[vector<16xi32>, vector<16xi32>], vector<16xf32>, vector<16xi1>
      %iota3A_2746 = tpu.iota {dimensions = array<i32: 0>} : vector<16xi32>
      %add3A_2747 = arith.constant 48 : i32
      %add3A_2748 = vector.broadcast %add3A_2747 : i32 to vector<16xi32>
      %add3A_2749 = arith.addi %iota3A_2746, %add3A_2748 : vector<16xi32>
      %eq3A_2750 = arith.constant 2 : i32
      %eq3A_2751 = vector.broadcast %eq3A_2750 : i32 to vector<16xi32>
      %eq3A_2752 = arith.cmpi eq, %shift_right_logical3A_1890, %eq3A_2751 : vector<16xi32>
      %scatter3A_2753 = arith.constant 0 : i32
      %scatter3A_2754 = arith.constant 0 : i32
      %scatter3A_2755 = arith.constant 0 : i32
      %scatter3A_2756 = tpu.memref_slice %arg6[%scatter3A_2753, %scatter3A_2754, %scatter3A_2755] : memref<2x128x128xf32, #tpu.memory_space<vmem>> -> memref<1x128x128xf32, #tpu.memory_space<vmem>>
      %scatter3A_2757 = tpu.memref_squeeze %scatter3A_2756 : memref<1x128x128xf32, #tpu.memory_space<vmem>> -> memref<128x128xf32, #tpu.memory_space<vmem>>
      tpu.vector_store_idx %scatter3A_2757[%and3A_1893, %add3A_2749], %broadcast_in_dim3A_3 masked %eq3A_2752 : memref<128x128xf32, #tpu.memory_space<vmem>>[vector<16xi32>, vector<16xi32>], vector<16xf32>, vector<16xi1>
      %iota3A_2758 = tpu.iota {dimensions = array<i32: 0>} : vector<16xi32>
      %add3A_2759 = arith.constant 64 : i32
      %add3A_2760 = vector.broadcast %add3A_2759 : i32 to vector<16xi32>
      %add3A_2761 = arith.addi %iota3A_2758, %add3A_2760 : vector<16xi32>
      %eq3A_2762 = arith.constant 2 : i32
      %eq3A_2763 = vector.broadcast %eq3A_2762 : i32 to vector<16xi32>
      %eq3A_2764 = arith.cmpi eq, %shift_right_logical3A_1906, %eq3A_2763 : vector<16xi32>
      %scatter3A_2765 = arith.constant 0 : i32
      %scatter3A_2766 = arith.constant 0 : i32
      %scatter3A_2767 = arith.constant 0 : i32
      %scatter3A_2768 = tpu.memref_slice %arg6[%scatter3A_2765, %scatter3A_2766, %scatter3A_2767] : memref<2x128x128xf32, #tpu.memory_space<vmem>> -> memref<1x128x128xf32, #tpu.memory_space<vmem>>
      %scatter3A_2769 = tpu.memref_squeeze %scatter3A_2768 : memref<1x128x128xf32, #tpu.memory_space<vmem>> -> memref<128x128xf32, #tpu.memory_space<vmem>>
      tpu.vector_store_idx %scatter3A_2769[%and3A_1909, %add3A_2761], %broadcast_in_dim3A_3 masked %eq3A_2764 : memref<128x128xf32, #tpu.memory_space<vmem>>[vector<16xi32>, vector<16xi32>], vector<16xf32>, vector<16xi1>
      %iota3A_2770 = tpu.iota {dimensions = array<i32: 0>} : vector<16xi32>
      %add3A_2771 = arith.constant 80 : i32
      %add3A_2772 = vector.broadcast %add3A_2771 : i32 to vector<16xi32>
      %add3A_2773 = arith.addi %iota3A_2770, %add3A_2772 : vector<16xi32>
      %eq3A_2774 = arith.constant 2 : i32
      %eq3A_2775 = vector.broadcast %eq3A_2774 : i32 to vector<16xi32>
      %eq3A_2776 = arith.cmpi eq, %shift_right_logical3A_1922, %eq3A_2775 : vector<16xi32>
      %scatter3A_2777 = arith.constant 0 : i32
      %scatter3A_2778 = arith.constant 0 : i32
      %scatter3A_2779 = arith.constant 0 : i32
      %scatter3A_2780 = tpu.memref_slice %arg6[%scatter3A_2777, %scatter3A_2778, %scatter3A_2779] : memref<2x128x128xf32, #tpu.memory_space<vmem>> -> memref<1x128x128xf32, #tpu.memory_space<vmem>>
      %scatter3A_2781 = tpu.memref_squeeze %scatter3A_2780 : memref<1x128x128xf32, #tpu.memory_space<vmem>> -> memref<128x128xf32, #tpu.memory_space<vmem>>
      tpu.vector_store_idx %scatter3A_2781[%and3A_1925, %add3A_2773], %broadcast_in_dim3A_3 masked %eq3A_2776 : memref<128x128xf32, #tpu.memory_space<vmem>>[vector<16xi32>, vector<16xi32>], vector<16xf32>, vector<16xi1>
      %iota3A_2782 = tpu.iota {dimensions = array<i32: 0>} : vector<16xi32>
      %add3A_2783 = arith.constant 96 : i32
      %add3A_2784 = vector.broadcast %add3A_2783 : i32 to vector<16xi32>
      %add3A_2785 = arith.addi %iota3A_2782, %add3A_2784 : vector<16xi32>
      %eq3A_2786 = arith.constant 2 : i32
      %eq3A_2787 = vector.broadcast %eq3A_2786 : i32 to vector<16xi32>
      %eq3A_2788 = arith.cmpi eq, %shift_right_logical3A_1938, %eq3A_2787 : vector<16xi32>
      %scatter3A_2789 = arith.constant 0 : i32
      %scatter3A_2790 = arith.constant 0 : i32
      %scatter3A_2791 = arith.constant 0 : i32
      %scatter3A_2792 = tpu.memref_slice %arg6[%scatter3A_2789, %scatter3A_2790, %scatter3A_2791] : memref<2x128x128xf32, #tpu.memory_space<vmem>> -> memref<1x128x128xf32, #tpu.memory_space<vmem>>
      %scatter3A_2793 = tpu.memref_squeeze %scatter3A_2792 : memref<1x128x128xf32, #tpu.memory_space<vmem>> -> memref<128x128xf32, #tpu.memory_space<vmem>>
      tpu.vector_store_idx %scatter3A_2793[%and3A_1941, %add3A_2785], %broadcast_in_dim3A_3 masked %eq3A_2788 : memref<128x128xf32, #tpu.memory_space<vmem>>[vector<16xi32>, vector<16xi32>], vector<16xf32>, vector<16xi1>
      %iota3A_2794 = tpu.iota {dimensions = array<i32: 0>} : vector<16xi32>
      %add3A_2795 = arith.constant 112 : i32
      %add3A_2796 = vector.broadcast %add3A_2795 : i32 to vector<16xi32>
      %add3A_2797 = arith.addi %iota3A_2794, %add3A_2796 : vector<16xi32>
      %eq3A_2798 = arith.constant 2 : i32
      %eq3A_2799 = vector.broadcast %eq3A_2798 : i32 to vector<16xi32>
      %eq3A_2800 = arith.cmpi eq, %shift_right_logical3A_1954, %eq3A_2799 : vector<16xi32>
      %scatter3A_2801 = arith.constant 0 : i32
      %scatter3A_2802 = arith.constant 0 : i32
      %scatter3A_2803 = arith.constant 0 : i32
      %scatter3A_2804 = tpu.memref_slice %arg6[%scatter3A_2801, %scatter3A_2802, %scatter3A_2803] : memref<2x128x128xf32, #tpu.memory_space<vmem>> -> memref<1x128x128xf32, #tpu.memory_space<vmem>>
      %scatter3A_2805 = tpu.memref_squeeze %scatter3A_2804 : memref<1x128x128xf32, #tpu.memory_space<vmem>> -> memref<128x128xf32, #tpu.memory_space<vmem>>
      tpu.vector_store_idx %scatter3A_2805[%and3A_1957, %add3A_2797], %broadcast_in_dim3A_3 masked %eq3A_2800 : memref<128x128xf32, #tpu.memory_space<vmem>>[vector<16xi32>, vector<16xi32>], vector<16xf32>, vector<16xi1>
      %dma_start3A_2806 = arith.constant 0 : i32
      %dma_start3A_2807 = arith.constant 0 : i32
      %dma_start3A_2808 = arith.constant 0 : i32
      %dma_start3A_2809 = tpu.memref_slice %arg6[%dma_start3A_2806, %dma_start3A_2807, %dma_start3A_2808] : memref<2x128x128xf32, #tpu.memory_space<vmem>> -> memref<1x128x128xf32, #tpu.memory_space<vmem>>
      %dma_start3A_2810 = tpu.memref_squeeze %dma_start3A_2809 : memref<1x128x128xf32, #tpu.memory_space<vmem>> -> memref<128x128xf32, #tpu.memory_space<vmem>>
      %dma_start3A_2811 = arith.constant 256 : i32
      %dma_start3A_2812 = tpu.memref_slice %arg3[%dma_start3A_2811, %add3A_1800] : memref<1128x16384xf32, #tpu.memory_space<hbm>> -> memref<128x128xf32, #tpu.memory_space<hbm>>
      %dma_start3A_2813 = arith.constant 256 : i32
      %dma_start3A_2814 = tpu.memref_slice %arg3[%dma_start3A_2813, %add3A_1800] : memref<1128x16384xf32, #tpu.memory_space<hbm>> -> memref<128x128xf32, #tpu.memory_space<hbm>>
      %dma_start3A_2815 = arith.constant 0 : i32
      %dma_start3A_2816 = arith.constant 0 : i32
      %dma_start3A_2817 = tpu.memref_slice %arg6[%dma_start3A_2806, %dma_start3A_2815, %dma_start3A_2816] : memref<2x128x128xf32, #tpu.memory_space<vmem>> -> memref<1x128x128xf32, #tpu.memory_space<vmem>>
      %dma_start3A_2818 = tpu.memref_squeeze %dma_start3A_2817 : memref<1x128x128xf32, #tpu.memory_space<vmem>> -> memref<128x128xf32, #tpu.memory_space<vmem>>
      tpu.enqueue_dma source(%dma_start3A_2818 : memref<128x128xf32, #tpu.memory_space<vmem>>) target(%dma_start3A_2814 : memref<128x128xf32, #tpu.memory_space<hbm>>) target_semaphore(%arg8 : memref<!tpu.dma_semaphore, #tpu.memory_space<semaphore_mem>>)
      %dma_wait3A_2819 = arith.constant 1 : i32
      %dma_wait3A_2820 = arith.constant 0 : i32
      %dma_wait3A_2821 = arith.constant 0 : i32
      %dma_wait3A_2822 = tpu.memref_slice %arg6[%dma_wait3A_2819, %dma_wait3A_2820, %dma_wait3A_2821] : memref<2x128x128xf32, #tpu.memory_space<vmem>> -> memref<1x128x128xf32, #tpu.memory_space<vmem>>
      %dma_wait3A_2823 = tpu.memref_squeeze %dma_wait3A_2822 : memref<1x128x128xf32, #tpu.memory_space<vmem>> -> memref<128x128xf32, #tpu.memory_space<vmem>>
      %dma_wait3A_2824 = arith.constant 128 : i32
      %dma_wait3A_2825 = tpu.memref_slice %arg3[%dma_wait3A_2824, %add3A_1800] : memref<1128x16384xf32, #tpu.memory_space<hbm>> -> memref<128x128xf32, #tpu.memory_space<hbm>>
      %dma_wait3A_2826 = arith.constant 128 : i32
      %dma_wait3A_2827 = tpu.memref_slice %arg3[%dma_wait3A_2826, %add3A_1800] : memref<1128x16384xf32, #tpu.memory_space<hbm>> -> memref<128x128xf32, #tpu.memory_space<hbm>>
      %dma_wait3A_2828 = arith.constant 0 : i32
      %dma_wait3A_2829 = arith.constant 0 : i32
      %dma_wait3A_2830 = tpu.memref_slice %arg6[%dma_wait3A_2819, %dma_wait3A_2828, %dma_wait3A_2829] : memref<2x128x128xf32, #tpu.memory_space<vmem>> -> memref<1x128x128xf32, #tpu.memory_space<vmem>>
      %dma_wait3A_2831 = tpu.memref_squeeze %dma_wait3A_2830 : memref<1x128x128xf32, #tpu.memory_space<vmem>> -> memref<128x128xf32, #tpu.memory_space<vmem>>
      tpu.wait_dma2 semaphore(%arg9 : memref<!tpu.dma_semaphore, #tpu.memory_space<semaphore_mem>>) src(%dma_wait3A_2831 : memref<128x128xf32, #tpu.memory_space<vmem>>) dst(%dma_wait3A_2827 : memref<128x128xf32, #tpu.memory_space<hbm>>)
      %iota3A_2832 = tpu.iota {dimensions = array<i32: 0>} : vector<16xi32>
      %add3A_2833 = arith.constant 0 : i32
      %add3A_2834 = vector.broadcast %add3A_2833 : i32 to vector<16xi32>
      %add3A_2835 = arith.addi %iota3A_2832, %add3A_2834 : vector<16xi32>
      %eq3A_2836 = arith.constant 1 : i32
      %eq3A_2837 = vector.broadcast %eq3A_2836 : i32 to vector<16xi32>
      %eq3A_2838 = arith.cmpi eq, %shift_right_logical3A_1842, %eq3A_2837 : vector<16xi32>
      %scatter3A_2839 = arith.constant 1 : i32
      %scatter3A_2840 = arith.constant 0 : i32
      %scatter3A_2841 = arith.constant 0 : i32
      %scatter3A_2842 = tpu.memref_slice %arg6[%scatter3A_2839, %scatter3A_2840, %scatter3A_2841] : memref<2x128x128xf32, #tpu.memory_space<vmem>> -> memref<1x128x128xf32, #tpu.memory_space<vmem>>
      %scatter3A_2843 = tpu.memref_squeeze %scatter3A_2842 : memref<1x128x128xf32, #tpu.memory_space<vmem>> -> memref<128x128xf32, #tpu.memory_space<vmem>>
      tpu.vector_store_idx %scatter3A_2843[%and3A_1845, %add3A_2835], %broadcast_in_dim3A_1 masked %eq3A_2838 : memref<128x128xf32, #tpu.memory_space<vmem>>[vector<16xi32>, vector<16xi32>], vector<16xf32>, vector<16xi1>
      %iota3A_2844 = tpu.iota {dimensions = array<i32: 0>} : vector<16xi32>
      %add3A_2845 = arith.constant 16 : i32
      %add3A_2846 = vector.broadcast %add3A_2845 : i32 to vector<16xi32>
      %add3A_2847 = arith.addi %iota3A_2844, %add3A_2846 : vector<16xi32>
      %eq3A_2848 = arith.constant 1 : i32
      %eq3A_2849 = vector.broadcast %eq3A_2848 : i32 to vector<16xi32>
      %eq3A_2850 = arith.cmpi eq, %shift_right_logical3A_1858, %eq3A_2849 : vector<16xi32>
      %scatter3A_2851 = arith.constant 1 : i32
      %scatter3A_2852 = arith.constant 0 : i32
      %scatter3A_2853 = arith.constant 0 : i32
      %scatter3A_2854 = tpu.memref_slice %arg6[%scatter3A_2851, %scatter3A_2852, %scatter3A_2853] : memref<2x128x128xf32, #tpu.memory_space<vmem>> -> memref<1x128x128xf32, #tpu.memory_space<vmem>>
      %scatter3A_2855 = tpu.memref_squeeze %scatter3A_2854 : memref<1x128x128xf32, #tpu.memory_space<vmem>> -> memref<128x128xf32, #tpu.memory_space<vmem>>
      tpu.vector_store_idx %scatter3A_2855[%and3A_1861, %add3A_2847], %broadcast_in_dim3A_1 masked %eq3A_2850 : memref<128x128xf32, #tpu.memory_space<vmem>>[vector<16xi32>, vector<16xi32>], vector<16xf32>, vector<16xi1>
      %iota3A_2856 = tpu.iota {dimensions = array<i32: 0>} : vector<16xi32>
      %add3A_2857 = arith.constant 32 : i32
      %add3A_2858 = vector.broadcast %add3A_2857 : i32 to vector<16xi32>
      %add3A_2859 = arith.addi %iota3A_2856, %add3A_2858 : vector<16xi32>
      %eq3A_2860 = arith.constant 1 : i32
      %eq3A_2861 = vector.broadcast %eq3A_2860 : i32 to vector<16xi32>
      %eq3A_2862 = arith.cmpi eq, %shift_right_logical3A_1874, %eq3A_2861 : vector<16xi32>
      %scatter3A_2863 = arith.constant 1 : i32
      %scatter3A_2864 = arith.constant 0 : i32
      %scatter3A_2865 = arith.constant 0 : i32
      %scatter3A_2866 = tpu.memref_slice %arg6[%scatter3A_2863, %scatter3A_2864, %scatter3A_2865] : memref<2x128x128xf32, #tpu.memory_space<vmem>> -> memref<1x128x128xf32, #tpu.memory_space<vmem>>
      %scatter3A_2867 = tpu.memref_squeeze %scatter3A_2866 : memref<1x128x128xf32, #tpu.memory_space<vmem>> -> memref<128x128xf32, #tpu.memory_space<vmem>>
      tpu.vector_store_idx %scatter3A_2867[%and3A_1877, %add3A_2859], %broadcast_in_dim3A_1 masked %eq3A_2862 : memref<128x128xf32, #tpu.memory_space<vmem>>[vector<16xi32>, vector<16xi32>], vector<16xf32>, vector<16xi1>
      %iota3A_2868 = tpu.iota {dimensions = array<i32: 0>} : vector<16xi32>
      %add3A_2869 = arith.constant 48 : i32
      %add3A_2870 = vector.broadcast %add3A_2869 : i32 to vector<16xi32>
      %add3A_2871 = arith.addi %iota3A_2868, %add3A_2870 : vector<16xi32>
      %eq3A_2872 = arith.constant 1 : i32
      %eq3A_2873 = vector.broadcast %eq3A_2872 : i32 to vector<16xi32>
      %eq3A_2874 = arith.cmpi eq, %shift_right_logical3A_1890, %eq3A_2873 : vector<16xi32>
      %scatter3A_2875 = arith.constant 1 : i32
      %scatter3A_2876 = arith.constant 0 : i32
      %scatter3A_2877 = arith.constant 0 : i32
      %scatter3A_2878 = tpu.memref_slice %arg6[%scatter3A_2875, %scatter3A_2876, %scatter3A_2877] : memref<2x128x128xf32, #tpu.memory_space<vmem>> -> memref<1x128x128xf32, #tpu.memory_space<vmem>>
      %scatter3A_2879 = tpu.memref_squeeze %scatter3A_2878 : memref<1x128x128xf32, #tpu.memory_space<vmem>> -> memref<128x128xf32, #tpu.memory_space<vmem>>
      tpu.vector_store_idx %scatter3A_2879[%and3A_1893, %add3A_2871], %broadcast_in_dim3A_1 masked %eq3A_2874 : memref<128x128xf32, #tpu.memory_space<vmem>>[vector<16xi32>, vector<16xi32>], vector<16xf32>, vector<16xi1>
      %iota3A_2880 = tpu.iota {dimensions = array<i32: 0>} : vector<16xi32>
      %add3A_2881 = arith.constant 64 : i32
      %add3A_2882 = vector.broadcast %add3A_2881 : i32 to vector<16xi32>
      %add3A_2883 = arith.addi %iota3A_2880, %add3A_2882 : vector<16xi32>
      %eq3A_2884 = arith.constant 1 : i32
      %eq3A_2885 = vector.broadcast %eq3A_2884 : i32 to vector<16xi32>
      %eq3A_2886 = arith.cmpi eq, %shift_right_logical3A_1906, %eq3A_2885 : vector<16xi32>
      %scatter3A_2887 = arith.constant 1 : i32
      %scatter3A_2888 = arith.constant 0 : i32
      %scatter3A_2889 = arith.constant 0 : i32
      %scatter3A_2890 = tpu.memref_slice %arg6[%scatter3A_2887, %scatter3A_2888, %scatter3A_2889] : memref<2x128x128xf32, #tpu.memory_space<vmem>> -> memref<1x128x128xf32, #tpu.memory_space<vmem>>
      %scatter3A_2891 = tpu.memref_squeeze %scatter3A_2890 : memref<1x128x128xf32, #tpu.memory_space<vmem>> -> memref<128x128xf32, #tpu.memory_space<vmem>>
      tpu.vector_store_idx %scatter3A_2891[%and3A_1909, %add3A_2883], %broadcast_in_dim3A_1 masked %eq3A_2886 : memref<128x128xf32, #tpu.memory_space<vmem>>[vector<16xi32>, vector<16xi32>], vector<16xf32>, vector<16xi1>
      %iota3A_2892 = tpu.iota {dimensions = array<i32: 0>} : vector<16xi32>
      %add3A_2893 = arith.constant 80 : i32
      %add3A_2894 = vector.broadcast %add3A_2893 : i32 to vector<16xi32>
      %add3A_2895 = arith.addi %iota3A_2892, %add3A_2894 : vector<16xi32>
      %eq3A_2896 = arith.constant 1 : i32
      %eq3A_2897 = vector.broadcast %eq3A_2896 : i32 to vector<16xi32>
      %eq3A_2898 = arith.cmpi eq, %shift_right_logical3A_1922, %eq3A_2897 : vector<16xi32>
      %scatter3A_2899 = arith.constant 1 : i32
      %scatter3A_2900 = arith.constant 0 : i32
      %scatter3A_2901 = arith.constant 0 : i32
      %scatter3A_2902 = tpu.memref_slice %arg6[%scatter3A_2899, %scatter3A_2900, %scatter3A_2901] : memref<2x128x128xf32, #tpu.memory_space<vmem>> -> memref<1x128x128xf32, #tpu.memory_space<vmem>>
      %scatter3A_2903 = tpu.memref_squeeze %scatter3A_2902 : memref<1x128x128xf32, #tpu.memory_space<vmem>> -> memref<128x128xf32, #tpu.memory_space<vmem>>
      tpu.vector_store_idx %scatter3A_2903[%and3A_1925, %add3A_2895], %broadcast_in_dim3A_1 masked %eq3A_2898 : memref<128x128xf32, #tpu.memory_space<vmem>>[vector<16xi32>, vector<16xi32>], vector<16xf32>, vector<16xi1>
      %iota3A_2904 = tpu.iota {dimensions = array<i32: 0>} : vector<16xi32>
      %add3A_2905 = arith.constant 96 : i32
      %add3A_2906 = vector.broadcast %add3A_2905 : i32 to vector<16xi32>
      %add3A_2907 = arith.addi %iota3A_2904, %add3A_2906 : vector<16xi32>
      %eq3A_2908 = arith.constant 1 : i32
      %eq3A_2909 = vector.broadcast %eq3A_2908 : i32 to vector<16xi32>
      %eq3A_2910 = arith.cmpi eq, %shift_right_logical3A_1938, %eq3A_2909 : vector<16xi32>
      %scatter3A_2911 = arith.constant 1 : i32
      %scatter3A_2912 = arith.constant 0 : i32
      %scatter3A_2913 = arith.constant 0 : i32
      %scatter3A_2914 = tpu.memref_slice %arg6[%scatter3A_2911, %scatter3A_2912, %scatter3A_2913] : memref<2x128x128xf32, #tpu.memory_space<vmem>> -> memref<1x128x128xf32, #tpu.memory_space<vmem>>
      %scatter3A_2915 = tpu.memref_squeeze %scatter3A_2914 : memref<1x128x128xf32, #tpu.memory_space<vmem>> -> memref<128x128xf32, #tpu.memory_space<vmem>>
      tpu.vector_store_idx %scatter3A_2915[%and3A_1941, %add3A_2907], %broadcast_in_dim3A_1 masked %eq3A_2910 : memref<128x128xf32, #tpu.memory_space<vmem>>[vector<16xi32>, vector<16xi32>], vector<16xf32>, vector<16xi1>
      %iota3A_2916 = tpu.iota {dimensions = array<i32: 0>} : vector<16xi32>
      %add3A_2917 = arith.constant 112 : i32
      %add3A_2918 = vector.broadcast %add3A_2917 : i32 to vector<16xi32>
      %add3A_2919 = arith.addi %iota3A_2916, %add3A_2918 : vector<16xi32>
      %eq3A_2920 = arith.constant 1 : i32
      %eq3A_2921 = vector.broadcast %eq3A_2920 : i32 to vector<16xi32>
      %eq3A_2922 = arith.cmpi eq, %shift_right_logical3A_1954, %eq3A_2921 : vector<16xi32>
      %scatter3A_2923 = arith.constant 1 : i32
      %scatter3A_2924 = arith.constant 0 : i32
      %scatter3A_2925 = arith.constant 0 : i32
      %scatter3A_2926 = tpu.memref_slice %arg6[%scatter3A_2923, %scatter3A_2924, %scatter3A_2925] : memref<2x128x128xf32, #tpu.memory_space<vmem>> -> memref<1x128x128xf32, #tpu.memory_space<vmem>>
      %scatter3A_2927 = tpu.memref_squeeze %scatter3A_2926 : memref<1x128x128xf32, #tpu.memory_space<vmem>> -> memref<128x128xf32, #tpu.memory_space<vmem>>
      tpu.vector_store_idx %scatter3A_2927[%and3A_1957, %add3A_2919], %broadcast_in_dim3A_1 masked %eq3A_2922 : memref<128x128xf32, #tpu.memory_space<vmem>>[vector<16xi32>, vector<16xi32>], vector<16xf32>, vector<16xi1>
      %iota3A_2928 = tpu.iota {dimensions = array<i32: 0>} : vector<16xi32>
      %add3A_2929 = arith.constant 0 : i32
      %add3A_2930 = vector.broadcast %add3A_2929 : i32 to vector<16xi32>
      %add3A_2931 = arith.addi %iota3A_2928, %add3A_2930 : vector<16xi32>
      %eq3A_2932 = arith.constant 3 : i32
      %eq3A_2933 = vector.broadcast %eq3A_2932 : i32 to vector<16xi32>
      %eq3A_2934 = arith.cmpi eq, %shift_right_logical3A_1842, %eq3A_2933 : vector<16xi32>
      %scatter3A_2935 = arith.constant 1 : i32
      %scatter3A_2936 = arith.constant 0 : i32
      %scatter3A_2937 = arith.constant 0 : i32
      %scatter3A_2938 = tpu.memref_slice %arg6[%scatter3A_2935, %scatter3A_2936, %scatter3A_2937] : memref<2x128x128xf32, #tpu.memory_space<vmem>> -> memref<1x128x128xf32, #tpu.memory_space<vmem>>
      %scatter3A_2939 = tpu.memref_squeeze %scatter3A_2938 : memref<1x128x128xf32, #tpu.memory_space<vmem>> -> memref<128x128xf32, #tpu.memory_space<vmem>>
      tpu.vector_store_idx %scatter3A_2939[%and3A_1845, %add3A_2931], %broadcast_in_dim3A_3 masked %eq3A_2934 : memref<128x128xf32, #tpu.memory_space<vmem>>[vector<16xi32>, vector<16xi32>], vector<16xf32>, vector<16xi1>
      %iota3A_2940 = tpu.iota {dimensions = array<i32: 0>} : vector<16xi32>
      %add3A_2941 = arith.constant 16 : i32
      %add3A_2942 = vector.broadcast %add3A_2941 : i32 to vector<16xi32>
      %add3A_2943 = arith.addi %iota3A_2940, %add3A_2942 : vector<16xi32>
      %eq3A_2944 = arith.constant 3 : i32
      %eq3A_2945 = vector.broadcast %eq3A_2944 : i32 to vector<16xi32>
      %eq3A_2946 = arith.cmpi eq, %shift_right_logical3A_1858, %eq3A_2945 : vector<16xi32>
      %scatter3A_2947 = arith.constant 1 : i32
      %scatter3A_2948 = arith.constant 0 : i32
      %scatter3A_2949 = arith.constant 0 : i32
      %scatter3A_2950 = tpu.memref_slice %arg6[%scatter3A_2947, %scatter3A_2948, %scatter3A_2949] : memref<2x128x128xf32, #tpu.memory_space<vmem>> -> memref<1x128x128xf32, #tpu.memory_space<vmem>>
      %scatter3A_2951 = tpu.memref_squeeze %scatter3A_2950 : memref<1x128x128xf32, #tpu.memory_space<vmem>> -> memref<128x128xf32, #tpu.memory_space<vmem>>
      tpu.vector_store_idx %scatter3A_2951[%and3A_1861, %add3A_2943], %broadcast_in_dim3A_3 masked %eq3A_2946 : memref<128x128xf32, #tpu.memory_space<vmem>>[vector<16xi32>, vector<16xi32>], vector<16xf32>, vector<16xi1>
      %iota3A_2952 = tpu.iota {dimensions = array<i32: 0>} : vector<16xi32>
      %add3A_2953 = arith.constant 32 : i32
      %add3A_2954 = vector.broadcast %add3A_2953 : i32 to vector<16xi32>
      %add3A_2955 = arith.addi %iota3A_2952, %add3A_2954 : vector<16xi32>
      %eq3A_2956 = arith.constant 3 : i32
      %eq3A_2957 = vector.broadcast %eq3A_2956 : i32 to vector<16xi32>
      %eq3A_2958 = arith.cmpi eq, %shift_right_logical3A_1874, %eq3A_2957 : vector<16xi32>
      %scatter3A_2959 = arith.constant 1 : i32
      %scatter3A_2960 = arith.constant 0 : i32
      %scatter3A_2961 = arith.constant 0 : i32
      %scatter3A_2962 = tpu.memref_slice %arg6[%scatter3A_2959, %scatter3A_2960, %scatter3A_2961] : memref<2x128x128xf32, #tpu.memory_space<vmem>> -> memref<1x128x128xf32, #tpu.memory_space<vmem>>
      %scatter3A_2963 = tpu.memref_squeeze %scatter3A_2962 : memref<1x128x128xf32, #tpu.memory_space<vmem>> -> memref<128x128xf32, #tpu.memory_space<vmem>>
      tpu.vector_store_idx %scatter3A_2963[%and3A_1877, %add3A_2955], %broadcast_in_dim3A_3 masked %eq3A_2958 : memref<128x128xf32, #tpu.memory_space<vmem>>[vector<16xi32>, vector<16xi32>], vector<16xf32>, vector<16xi1>
      %iota3A_2964 = tpu.iota {dimensions = array<i32: 0>} : vector<16xi32>
      %add3A_2965 = arith.constant 48 : i32
      %add3A_2966 = vector.broadcast %add3A_2965 : i32 to vector<16xi32>
      %add3A_2967 = arith.addi %iota3A_2964, %add3A_2966 : vector<16xi32>
      %eq3A_2968 = arith.constant 3 : i32
      %eq3A_2969 = vector.broadcast %eq3A_2968 : i32 to vector<16xi32>
      %eq3A_2970 = arith.cmpi eq, %shift_right_logical3A_1890, %eq3A_2969 : vector<16xi32>
      %scatter3A_2971 = arith.constant 1 : i32
      %scatter3A_2972 = arith.constant 0 : i32
      %scatter3A_2973 = arith.constant 0 : i32
      %scatter3A_2974 = tpu.memref_slice %arg6[%scatter3A_2971, %scatter3A_2972, %scatter3A_2973] : memref<2x128x128xf32, #tpu.memory_space<vmem>> -> memref<1x128x128xf32, #tpu.memory_space<vmem>>
      %scatter3A_2975 = tpu.memref_squeeze %scatter3A_2974 : memref<1x128x128xf32, #tpu.memory_space<vmem>> -> memref<128x128xf32, #tpu.memory_space<vmem>>
      tpu.vector_store_idx %scatter3A_2975[%and3A_1893, %add3A_2967], %broadcast_in_dim3A_3 masked %eq3A_2970 : memref<128x128xf32, #tpu.memory_space<vmem>>[vector<16xi32>, vector<16xi32>], vector<16xf32>, vector<16xi1>
      %iota3A_2976 = tpu.iota {dimensions = array<i32: 0>} : vector<16xi32>
      %add3A_2977 = arith.constant 64 : i32
      %add3A_2978 = vector.broadcast %add3A_2977 : i32 to vector<16xi32>
      %add3A_2979 = arith.addi %iota3A_2976, %add3A_2978 : vector<16xi32>
      %eq3A_2980 = arith.constant 3 : i32
      %eq3A_2981 = vector.broadcast %eq3A_2980 : i32 to vector<16xi32>
      %eq3A_2982 = arith.cmpi eq, %shift_right_logical3A_1906, %eq3A_2981 : vector<16xi32>
      %scatter3A_2983 = arith.constant 1 : i32
      %scatter3A_2984 = arith.constant 0 : i32
      %scatter3A_2985 = arith.constant 0 : i32
      %scatter3A_2986 = tpu.memref_slice %arg6[%scatter3A_2983, %scatter3A_2984, %scatter3A_2985] : memref<2x128x128xf32, #tpu.memory_space<vmem>> -> memref<1x128x128xf32, #tpu.memory_space<vmem>>
      %scatter3A_2987 = tpu.memref_squeeze %scatter3A_2986 : memref<1x128x128xf32, #tpu.memory_space<vmem>> -> memref<128x128xf32, #tpu.memory_space<vmem>>
      tpu.vector_store_idx %scatter3A_2987[%and3A_1909, %add3A_2979], %broadcast_in_dim3A_3 masked %eq3A_2982 : memref<128x128xf32, #tpu.memory_space<vmem>>[vector<16xi32>, vector<16xi32>], vector<16xf32>, vector<16xi1>
      %iota3A_2988 = tpu.iota {dimensions = array<i32: 0>} : vector<16xi32>
      %add3A_2989 = arith.constant 80 : i32
      %add3A_2990 = vector.broadcast %add3A_2989 : i32 to vector<16xi32>
      %add3A_2991 = arith.addi %iota3A_2988, %add3A_2990 : vector<16xi32>
      %eq3A_2992 = arith.constant 3 : i32
      %eq3A_2993 = vector.broadcast %eq3A_2992 : i32 to vector<16xi32>
      %eq3A_2994 = arith.cmpi eq, %shift_right_logical3A_1922, %eq3A_2993 : vector<16xi32>
      %scatter3A_2995 = arith.constant 1 : i32
      %scatter3A_2996 = arith.constant 0 : i32
      %scatter3A_2997 = arith.constant 0 : i32
      %scatter3A_2998 = tpu.memref_slice %arg6[%scatter3A_2995, %scatter3A_2996, %scatter3A_2997] : memref<2x128x128xf32, #tpu.memory_space<vmem>> -> memref<1x128x128xf32, #tpu.memory_space<vmem>>
      %scatter3A_2999 = tpu.memref_squeeze %scatter3A_2998 : memref<1x128x128xf32, #tpu.memory_space<vmem>> -> memref<128x128xf32, #tpu.memory_space<vmem>>
      tpu.vector_store_idx %scatter3A_2999[%and3A_1925, %add3A_2991], %broadcast_in_dim3A_3 masked %eq3A_2994 : memref<128x128xf32, #tpu.memory_space<vmem>>[vector<16xi32>, vector<16xi32>], vector<16xf32>, vector<16xi1>
      %iota3A_3000 = tpu.iota {dimensions = array<i32: 0>} : vector<16xi32>
      %add3A_3001 = arith.constant 96 : i32
      %add3A_3002 = vector.broadcast %add3A_3001 : i32 to vector<16xi32>
      %add3A_3003 = arith.addi %iota3A_3000, %add3A_3002 : vector<16xi32>
      %eq3A_3004 = arith.constant 3 : i32
      %eq3A_3005 = vector.broadcast %eq3A_3004 : i32 to vector<16xi32>
      %eq3A_3006 = arith.cmpi eq, %shift_right_logical3A_1938, %eq3A_3005 : vector<16xi32>
      %scatter3A_3007 = arith.constant 1 : i32
      %scatter3A_3008 = arith.constant 0 : i32
      %scatter3A_3009 = arith.constant 0 : i32
      %scatter3A_3010 = tpu.memref_slice %arg6[%scatter3A_3007, %scatter3A_3008, %scatter3A_3009] : memref<2x128x128xf32, #tpu.memory_space<vmem>> -> memref<1x128x128xf32, #tpu.memory_space<vmem>>
      %scatter3A_3011 = tpu.memref_squeeze %scatter3A_3010 : memref<1x128x128xf32, #tpu.memory_space<vmem>> -> memref<128x128xf32, #tpu.memory_space<vmem>>
      tpu.vector_store_idx %scatter3A_3011[%and3A_1941, %add3A_3003], %broadcast_in_dim3A_3 masked %eq3A_3006 : memref<128x128xf32, #tpu.memory_space<vmem>>[vector<16xi32>, vector<16xi32>], vector<16xf32>, vector<16xi1>
      %iota3A_3012 = tpu.iota {dimensions = array<i32: 0>} : vector<16xi32>
      %add3A_3013 = arith.constant 112 : i32
      %add3A_3014 = vector.broadcast %add3A_3013 : i32 to vector<16xi32>
      %add3A_3015 = arith.addi %iota3A_3012, %add3A_3014 : vector<16xi32>
      %eq3A_3016 = arith.constant 3 : i32
      %eq3A_3017 = vector.broadcast %eq3A_3016 : i32 to vector<16xi32>
      %eq3A_3018 = arith.cmpi eq, %shift_right_logical3A_1954, %eq3A_3017 : vector<16xi32>
      %scatter3A_3019 = arith.constant 1 : i32
      %scatter3A_3020 = arith.constant 0 : i32
      %scatter3A_3021 = arith.constant 0 : i32
      %scatter3A_3022 = tpu.memref_slice %arg6[%scatter3A_3019, %scatter3A_3020, %scatter3A_3021] : memref<2x128x128xf32, #tpu.memory_space<vmem>> -> memref<1x128x128xf32, #tpu.memory_space<vmem>>
      %scatter3A_3023 = tpu.memref_squeeze %scatter3A_3022 : memref<1x128x128xf32, #tpu.memory_space<vmem>> -> memref<128x128xf32, #tpu.memory_space<vmem>>
      tpu.vector_store_idx %scatter3A_3023[%and3A_1957, %add3A_3015], %broadcast_in_dim3A_3 masked %eq3A_3018 : memref<128x128xf32, #tpu.memory_space<vmem>>[vector<16xi32>, vector<16xi32>], vector<16xf32>, vector<16xi1>
      %dma_start3A_3024 = arith.constant 1 : i32
      %dma_start3A_3025 = arith.constant 0 : i32
      %dma_start3A_3026 = arith.constant 0 : i32
      %dma_start3A_3027 = tpu.memref_slice %arg6[%dma_start3A_3024, %dma_start3A_3025, %dma_start3A_3026] : memref<2x128x128xf32, #tpu.memory_space<vmem>> -> memref<1x128x128xf32, #tpu.memory_space<vmem>>
      %dma_start3A_3028 = tpu.memref_squeeze %dma_start3A_3027 : memref<1x128x128xf32, #tpu.memory_space<vmem>> -> memref<128x128xf32, #tpu.memory_space<vmem>>
      %dma_start3A_3029 = arith.constant 384 : i32
      %dma_start3A_3030 = tpu.memref_slice %arg3[%dma_start3A_3029, %add3A_1800] : memref<1128x16384xf32, #tpu.memory_space<hbm>> -> memref<128x128xf32, #tpu.memory_space<hbm>>
      %dma_start3A_3031 = arith.constant 384 : i32
      %dma_start3A_3032 = tpu.memref_slice %arg3[%dma_start3A_3031, %add3A_1800] : memref<1128x16384xf32, #tpu.memory_space<hbm>> -> memref<128x128xf32, #tpu.memory_space<hbm>>
      %dma_start3A_3033 = arith.constant 0 : i32
      %dma_start3A_3034 = arith.constant 0 : i32
      %dma_start3A_3035 = tpu.memref_slice %arg6[%dma_start3A_3024, %dma_start3A_3033, %dma_start3A_3034] : memref<2x128x128xf32, #tpu.memory_space<vmem>> -> memref<1x128x128xf32, #tpu.memory_space<vmem>>
      %dma_start3A_3036 = tpu.memref_squeeze %dma_start3A_3035 : memref<1x128x128xf32, #tpu.memory_space<vmem>> -> memref<128x128xf32, #tpu.memory_space<vmem>>
      tpu.enqueue_dma source(%dma_start3A_3036 : memref<128x128xf32, #tpu.memory_space<vmem>>) target(%dma_start3A_3032 : memref<128x128xf32, #tpu.memory_space<hbm>>) target_semaphore(%arg9 : memref<!tpu.dma_semaphore, #tpu.memory_space<semaphore_mem>>)
      %dma_wait3A_3037 = arith.constant 0 : i32
      %dma_wait3A_3038 = arith.constant 0 : i32
      %dma_wait3A_3039 = arith.constant 0 : i32
      %dma_wait3A_3040 = tpu.memref_slice %arg6[%dma_wait3A_3037, %dma_wait3A_3038, %dma_wait3A_3039] : memref<2x128x128xf32, #tpu.memory_space<vmem>> -> memref<1x128x128xf32, #tpu.memory_space<vmem>>
      %dma_wait3A_3041 = tpu.memref_squeeze %dma_wait3A_3040 : memref<1x128x128xf32, #tpu.memory_space<vmem>> -> memref<128x128xf32, #tpu.memory_space<vmem>>
      %dma_wait3A_3042 = arith.constant 256 : i32
      %dma_wait3A_3043 = tpu.memref_slice %arg3[%dma_wait3A_3042, %add3A_1800] : memref<1128x16384xf32, #tpu.memory_space<hbm>> -> memref<128x128xf32, #tpu.memory_space<hbm>>
      %dma_wait3A_3044 = arith.constant 256 : i32
      %dma_wait3A_3045 = tpu.memref_slice %arg3[%dma_wait3A_3044, %add3A_1800] : memref<1128x16384xf32, #tpu.memory_space<hbm>> -> memref<128x128xf32, #tpu.memory_space<hbm>>
      %dma_wait3A_3046 = arith.constant 0 : i32
      %dma_wait3A_3047 = arith.constant 0 : i32
      %dma_wait3A_3048 = tpu.memref_slice %arg6[%dma_wait3A_3037, %dma_wait3A_3046, %dma_wait3A_3047] : memref<2x128x128xf32, #tpu.memory_space<vmem>> -> memref<1x128x128xf32, #tpu.memory_space<vmem>>
      %dma_wait3A_3049 = tpu.memref_squeeze %dma_wait3A_3048 : memref<1x128x128xf32, #tpu.memory_space<vmem>> -> memref<128x128xf32, #tpu.memory_space<vmem>>
      tpu.wait_dma2 semaphore(%arg8 : memref<!tpu.dma_semaphore, #tpu.memory_space<semaphore_mem>>) src(%dma_wait3A_3049 : memref<128x128xf32, #tpu.memory_space<vmem>>) dst(%dma_wait3A_3045 : memref<128x128xf32, #tpu.memory_space<hbm>>)
      %iota3A_3050 = tpu.iota {dimensions = array<i32: 0>} : vector<16xi32>
      %add3A_3051 = arith.constant 0 : i32
      %add3A_3052 = vector.broadcast %add3A_3051 : i32 to vector<16xi32>
      %add3A_3053 = arith.addi %iota3A_3050, %add3A_3052 : vector<16xi32>
      %eq3A_3054 = arith.constant 2 : i32
      %eq3A_3055 = vector.broadcast %eq3A_3054 : i32 to vector<16xi32>
      %eq3A_3056 = arith.cmpi eq, %shift_right_logical3A_1842, %eq3A_3055 : vector<16xi32>
      %scatter3A_3057 = arith.constant 0 : i32
      %scatter3A_3058 = arith.constant 0 : i32
      %scatter3A_3059 = arith.constant 0 : i32
      %scatter3A_3060 = tpu.memref_slice %arg6[%scatter3A_3057, %scatter3A_3058, %scatter3A_3059] : memref<2x128x128xf32, #tpu.memory_space<vmem>> -> memref<1x128x128xf32, #tpu.memory_space<vmem>>
      %scatter3A_3061 = tpu.memref_squeeze %scatter3A_3060 : memref<1x128x128xf32, #tpu.memory_space<vmem>> -> memref<128x128xf32, #tpu.memory_space<vmem>>
      tpu.vector_store_idx %scatter3A_3061[%and3A_1845, %add3A_3053], %broadcast_in_dim3A_1 masked %eq3A_3056 : memref<128x128xf32, #tpu.memory_space<vmem>>[vector<16xi32>, vector<16xi32>], vector<16xf32>, vector<16xi1>
      %iota3A_3062 = tpu.iota {dimensions = array<i32: 0>} : vector<16xi32>
      %add3A_3063 = arith.constant 16 : i32
      %add3A_3064 = vector.broadcast %add3A_3063 : i32 to vector<16xi32>
      %add3A_3065 = arith.addi %iota3A_3062, %add3A_3064 : vector<16xi32>
      %eq3A_3066 = arith.constant 2 : i32
      %eq3A_3067 = vector.broadcast %eq3A_3066 : i32 to vector<16xi32>
      %eq3A_3068 = arith.cmpi eq, %shift_right_logical3A_1858, %eq3A_3067 : vector<16xi32>
      %scatter3A_3069 = arith.constant 0 : i32
      %scatter3A_3070 = arith.constant 0 : i32
      %scatter3A_3071 = arith.constant 0 : i32
      %scatter3A_3072 = tpu.memref_slice %arg6[%scatter3A_3069, %scatter3A_3070, %scatter3A_3071] : memref<2x128x128xf32, #tpu.memory_space<vmem>> -> memref<1x128x128xf32, #tpu.memory_space<vmem>>
      %scatter3A_3073 = tpu.memref_squeeze %scatter3A_3072 : memref<1x128x128xf32, #tpu.memory_space<vmem>> -> memref<128x128xf32, #tpu.memory_space<vmem>>
      tpu.vector_store_idx %scatter3A_3073[%and3A_1861, %add3A_3065], %broadcast_in_dim3A_1 masked %eq3A_3068 : memref<128x128xf32, #tpu.memory_space<vmem>>[vector<16xi32>, vector<16xi32>], vector<16xf32>, vector<16xi1>
      %iota3A_3074 = tpu.iota {dimensions = array<i32: 0>} : vector<16xi32>
      %add3A_3075 = arith.constant 32 : i32
      %add3A_3076 = vector.broadcast %add3A_3075 : i32 to vector<16xi32>
      %add3A_3077 = arith.addi %iota3A_3074, %add3A_3076 : vector<16xi32>
      %eq3A_3078 = arith.constant 2 : i32
      %eq3A_3079 = vector.broadcast %eq3A_3078 : i32 to vector<16xi32>
      %eq3A_3080 = arith.cmpi eq, %shift_right_logical3A_1874, %eq3A_3079 : vector<16xi32>
      %scatter3A_3081 = arith.constant 0 : i32
      %scatter3A_3082 = arith.constant 0 : i32
      %scatter3A_3083 = arith.constant 0 : i32
      %scatter3A_3084 = tpu.memref_slice %arg6[%scatter3A_3081, %scatter3A_3082, %scatter3A_3083] : memref<2x128x128xf32, #tpu.memory_space<vmem>> -> memref<1x128x128xf32, #tpu.memory_space<vmem>>
      %scatter3A_3085 = tpu.memref_squeeze %scatter3A_3084 : memref<1x128x128xf32, #tpu.memory_space<vmem>> -> memref<128x128xf32, #tpu.memory_space<vmem>>
      tpu.vector_store_idx %scatter3A_3085[%and3A_1877, %add3A_3077], %broadcast_in_dim3A_1 masked %eq3A_3080 : memref<128x128xf32, #tpu.memory_space<vmem>>[vector<16xi32>, vector<16xi32>], vector<16xf32>, vector<16xi1>
      %iota3A_3086 = tpu.iota {dimensions = array<i32: 0>} : vector<16xi32>
      %add3A_3087 = arith.constant 48 : i32
      %add3A_3088 = vector.broadcast %add3A_3087 : i32 to vector<16xi32>
      %add3A_3089 = arith.addi %iota3A_3086, %add3A_3088 : vector<16xi32>
      %eq3A_3090 = arith.constant 2 : i32
      %eq3A_3091 = vector.broadcast %eq3A_3090 : i32 to vector<16xi32>
      %eq3A_3092 = arith.cmpi eq, %shift_right_logical3A_1890, %eq3A_3091 : vector<16xi32>
      %scatter3A_3093 = arith.constant 0 : i32
      %scatter3A_3094 = arith.constant 0 : i32
      %scatter3A_3095 = arith.constant 0 : i32
      %scatter3A_3096 = tpu.memref_slice %arg6[%scatter3A_3093, %scatter3A_3094, %scatter3A_3095] : memref<2x128x128xf32, #tpu.memory_space<vmem>> -> memref<1x128x128xf32, #tpu.memory_space<vmem>>
      %scatter3A_3097 = tpu.memref_squeeze %scatter3A_3096 : memref<1x128x128xf32, #tpu.memory_space<vmem>> -> memref<128x128xf32, #tpu.memory_space<vmem>>
      tpu.vector_store_idx %scatter3A_3097[%and3A_1893, %add3A_3089], %broadcast_in_dim3A_1 masked %eq3A_3092 : memref<128x128xf32, #tpu.memory_space<vmem>>[vector<16xi32>, vector<16xi32>], vector<16xf32>, vector<16xi1>
      %iota3A_3098 = tpu.iota {dimensions = array<i32: 0>} : vector<16xi32>
      %add3A_3099 = arith.constant 64 : i32
      %add3A_3100 = vector.broadcast %add3A_3099 : i32 to vector<16xi32>
      %add3A_3101 = arith.addi %iota3A_3098, %add3A_3100 : vector<16xi32>
      %eq3A_3102 = arith.constant 2 : i32
      %eq3A_3103 = vector.broadcast %eq3A_3102 : i32 to vector<16xi32>
      %eq3A_3104 = arith.cmpi eq, %shift_right_logical3A_1906, %eq3A_3103 : vector<16xi32>
      %scatter3A_3105 = arith.constant 0 : i32
      %scatter3A_3106 = arith.constant 0 : i32
      %scatter3A_3107 = arith.constant 0 : i32
      %scatter3A_3108 = tpu.memref_slice %arg6[%scatter3A_3105, %scatter3A_3106, %scatter3A_3107] : memref<2x128x128xf32, #tpu.memory_space<vmem>> -> memref<1x128x128xf32, #tpu.memory_space<vmem>>
      %scatter3A_3109 = tpu.memref_squeeze %scatter3A_3108 : memref<1x128x128xf32, #tpu.memory_space<vmem>> -> memref<128x128xf32, #tpu.memory_space<vmem>>
      tpu.vector_store_idx %scatter3A_3109[%and3A_1909, %add3A_3101], %broadcast_in_dim3A_1 masked %eq3A_3104 : memref<128x128xf32, #tpu.memory_space<vmem>>[vector<16xi32>, vector<16xi32>], vector<16xf32>, vector<16xi1>
      %iota3A_3110 = tpu.iota {dimensions = array<i32: 0>} : vector<16xi32>
      %add3A_3111 = arith.constant 80 : i32
      %add3A_3112 = vector.broadcast %add3A_3111 : i32 to vector<16xi32>
      %add3A_3113 = arith.addi %iota3A_3110, %add3A_3112 : vector<16xi32>
      %eq3A_3114 = arith.constant 2 : i32
      %eq3A_3115 = vector.broadcast %eq3A_3114 : i32 to vector<16xi32>
      %eq3A_3116 = arith.cmpi eq, %shift_right_logical3A_1922, %eq3A_3115 : vector<16xi32>
      %scatter3A_3117 = arith.constant 0 : i32
      %scatter3A_3118 = arith.constant 0 : i32
      %scatter3A_3119 = arith.constant 0 : i32
      %scatter3A_3120 = tpu.memref_slice %arg6[%scatter3A_3117, %scatter3A_3118, %scatter3A_3119] : memref<2x128x128xf32, #tpu.memory_space<vmem>> -> memref<1x128x128xf32, #tpu.memory_space<vmem>>
      %scatter3A_3121 = tpu.memref_squeeze %scatter3A_3120 : memref<1x128x128xf32, #tpu.memory_space<vmem>> -> memref<128x128xf32, #tpu.memory_space<vmem>>
      tpu.vector_store_idx %scatter3A_3121[%and3A_1925, %add3A_3113], %broadcast_in_dim3A_1 masked %eq3A_3116 : memref<128x128xf32, #tpu.memory_space<vmem>>[vector<16xi32>, vector<16xi32>], vector<16xf32>, vector<16xi1>
      %iota3A_3122 = tpu.iota {dimensions = array<i32: 0>} : vector<16xi32>
      %add3A_3123 = arith.constant 96 : i32
      %add3A_3124 = vector.broadcast %add3A_3123 : i32 to vector<16xi32>
      %add3A_3125 = arith.addi %iota3A_3122, %add3A_3124 : vector<16xi32>
      %eq3A_3126 = arith.constant 2 : i32
      %eq3A_3127 = vector.broadcast %eq3A_3126 : i32 to vector<16xi32>
      %eq3A_3128 = arith.cmpi eq, %shift_right_logical3A_1938, %eq3A_3127 : vector<16xi32>
      %scatter3A_3129 = arith.constant 0 : i32
      %scatter3A_3130 = arith.constant 0 : i32
      %scatter3A_3131 = arith.constant 0 : i32
      %scatter3A_3132 = tpu.memref_slice %arg6[%scatter3A_3129, %scatter3A_3130, %scatter3A_3131] : memref<2x128x128xf32, #tpu.memory_space<vmem>> -> memref<1x128x128xf32, #tpu.memory_space<vmem>>
      %scatter3A_3133 = tpu.memref_squeeze %scatter3A_3132 : memref<1x128x128xf32, #tpu.memory_space<vmem>> -> memref<128x128xf32, #tpu.memory_space<vmem>>
      tpu.vector_store_idx %scatter3A_3133[%and3A_1941, %add3A_3125], %broadcast_in_dim3A_1 masked %eq3A_3128 : memref<128x128xf32, #tpu.memory_space<vmem>>[vector<16xi32>, vector<16xi32>], vector<16xf32>, vector<16xi1>
      %iota3A_3134 = tpu.iota {dimensions = array<i32: 0>} : vector<16xi32>
      %add3A_3135 = arith.constant 112 : i32
      %add3A_3136 = vector.broadcast %add3A_3135 : i32 to vector<16xi32>
      %add3A_3137 = arith.addi %iota3A_3134, %add3A_3136 : vector<16xi32>
      %eq3A_3138 = arith.constant 2 : i32
      %eq3A_3139 = vector.broadcast %eq3A_3138 : i32 to vector<16xi32>
      %eq3A_3140 = arith.cmpi eq, %shift_right_logical3A_1954, %eq3A_3139 : vector<16xi32>
      %scatter3A_3141 = arith.constant 0 : i32
      %scatter3A_3142 = arith.constant 0 : i32
      %scatter3A_3143 = arith.constant 0 : i32
      %scatter3A_3144 = tpu.memref_slice %arg6[%scatter3A_3141, %scatter3A_3142, %scatter3A_3143] : memref<2x128x128xf32, #tpu.memory_space<vmem>> -> memref<1x128x128xf32, #tpu.memory_space<vmem>>
      %scatter3A_3145 = tpu.memref_squeeze %scatter3A_3144 : memref<1x128x128xf32, #tpu.memory_space<vmem>> -> memref<128x128xf32, #tpu.memory_space<vmem>>
      tpu.vector_store_idx %scatter3A_3145[%and3A_1957, %add3A_3137], %broadcast_in_dim3A_1 masked %eq3A_3140 : memref<128x128xf32, #tpu.memory_space<vmem>>[vector<16xi32>, vector<16xi32>], vector<16xf32>, vector<16xi1>
      %iota3A_3146 = tpu.iota {dimensions = array<i32: 0>} : vector<16xi32>
      %add3A_3147 = arith.constant 0 : i32
      %add3A_3148 = vector.broadcast %add3A_3147 : i32 to vector<16xi32>
      %add3A_3149 = arith.addi %iota3A_3146, %add3A_3148 : vector<16xi32>
      %eq3A_3150 = arith.constant 4 : i32
      %eq3A_3151 = vector.broadcast %eq3A_3150 : i32 to vector<16xi32>
      %eq3A_3152 = arith.cmpi eq, %shift_right_logical3A_1842, %eq3A_3151 : vector<16xi32>
      %scatter3A_3153 = arith.constant 0 : i32
      %scatter3A_3154 = arith.constant 0 : i32
      %scatter3A_3155 = arith.constant 0 : i32
      %scatter3A_3156 = tpu.memref_slice %arg6[%scatter3A_3153, %scatter3A_3154, %scatter3A_3155] : memref<2x128x128xf32, #tpu.memory_space<vmem>> -> memref<1x128x128xf32, #tpu.memory_space<vmem>>
      %scatter3A_3157 = tpu.memref_squeeze %scatter3A_3156 : memref<1x128x128xf32, #tpu.memory_space<vmem>> -> memref<128x128xf32, #tpu.memory_space<vmem>>
      tpu.vector_store_idx %scatter3A_3157[%and3A_1845, %add3A_3149], %broadcast_in_dim3A_3 masked %eq3A_3152 : memref<128x128xf32, #tpu.memory_space<vmem>>[vector<16xi32>, vector<16xi32>], vector<16xf32>, vector<16xi1>
      %iota3A_3158 = tpu.iota {dimensions = array<i32: 0>} : vector<16xi32>
      %add3A_3159 = arith.constant 16 : i32
      %add3A_3160 = vector.broadcast %add3A_3159 : i32 to vector<16xi32>
      %add3A_3161 = arith.addi %iota3A_3158, %add3A_3160 : vector<16xi32>
      %eq3A_3162 = arith.constant 4 : i32
      %eq3A_3163 = vector.broadcast %eq3A_3162 : i32 to vector<16xi32>
      %eq3A_3164 = arith.cmpi eq, %shift_right_logical3A_1858, %eq3A_3163 : vector<16xi32>
      %scatter3A_3165 = arith.constant 0 : i32
      %scatter3A_3166 = arith.constant 0 : i32
      %scatter3A_3167 = arith.constant 0 : i32
      %scatter3A_3168 = tpu.memref_slice %arg6[%scatter3A_3165, %scatter3A_3166, %scatter3A_3167] : memref<2x128x128xf32, #tpu.memory_space<vmem>> -> memref<1x128x128xf32, #tpu.memory_space<vmem>>
      %scatter3A_3169 = tpu.memref_squeeze %scatter3A_3168 : memref<1x128x128xf32, #tpu.memory_space<vmem>> -> memref<128x128xf32, #tpu.memory_space<vmem>>
      tpu.vector_store_idx %scatter3A_3169[%and3A_1861, %add3A_3161], %broadcast_in_dim3A_3 masked %eq3A_3164 : memref<128x128xf32, #tpu.memory_space<vmem>>[vector<16xi32>, vector<16xi32>], vector<16xf32>, vector<16xi1>
      %iota3A_3170 = tpu.iota {dimensions = array<i32: 0>} : vector<16xi32>
      %add3A_3171 = arith.constant 32 : i32
      %add3A_3172 = vector.broadcast %add3A_3171 : i32 to vector<16xi32>
      %add3A_3173 = arith.addi %iota3A_3170, %add3A_3172 : vector<16xi32>
      %eq3A_3174 = arith.constant 4 : i32
      %eq3A_3175 = vector.broadcast %eq3A_3174 : i32 to vector<16xi32>
      %eq3A_3176 = arith.cmpi eq, %shift_right_logical3A_1874, %eq3A_3175 : vector<16xi32>
      %scatter3A_3177 = arith.constant 0 : i32
      %scatter3A_3178 = arith.constant 0 : i32
      %scatter3A_3179 = arith.constant 0 : i32
      %scatter3A_3180 = tpu.memref_slice %arg6[%scatter3A_3177, %scatter3A_3178, %scatter3A_3179] : memref<2x128x128xf32, #tpu.memory_space<vmem>> -> memref<1x128x128xf32, #tpu.memory_space<vmem>>
      %scatter3A_3181 = tpu.memref_squeeze %scatter3A_3180 : memref<1x128x128xf32, #tpu.memory_space<vmem>> -> memref<128x128xf32, #tpu.memory_space<vmem>>
      tpu.vector_store_idx %scatter3A_3181[%and3A_1877, %add3A_3173], %broadcast_in_dim3A_3 masked %eq3A_3176 : memref<128x128xf32, #tpu.memory_space<vmem>>[vector<16xi32>, vector<16xi32>], vector<16xf32>, vector<16xi1>
      %iota3A_3182 = tpu.iota {dimensions = array<i32: 0>} : vector<16xi32>
      %add3A_3183 = arith.constant 48 : i32
      %add3A_3184 = vector.broadcast %add3A_3183 : i32 to vector<16xi32>
      %add3A_3185 = arith.addi %iota3A_3182, %add3A_3184 : vector<16xi32>
      %eq3A_3186 = arith.constant 4 : i32
      %eq3A_3187 = vector.broadcast %eq3A_3186 : i32 to vector<16xi32>
      %eq3A_3188 = arith.cmpi eq, %shift_right_logical3A_1890, %eq3A_3187 : vector<16xi32>
      %scatter3A_3189 = arith.constant 0 : i32
      %scatter3A_3190 = arith.constant 0 : i32
      %scatter3A_3191 = arith.constant 0 : i32
      %scatter3A_3192 = tpu.memref_slice %arg6[%scatter3A_3189, %scatter3A_3190, %scatter3A_3191] : memref<2x128x128xf32, #tpu.memory_space<vmem>> -> memref<1x128x128xf32, #tpu.memory_space<vmem>>
      %scatter3A_3193 = tpu.memref_squeeze %scatter3A_3192 : memref<1x128x128xf32, #tpu.memory_space<vmem>> -> memref<128x128xf32, #tpu.memory_space<vmem>>
      tpu.vector_store_idx %scatter3A_3193[%and3A_1893, %add3A_3185], %broadcast_in_dim3A_3 masked %eq3A_3188 : memref<128x128xf32, #tpu.memory_space<vmem>>[vector<16xi32>, vector<16xi32>], vector<16xf32>, vector<16xi1>
      %iota3A_3194 = tpu.iota {dimensions = array<i32: 0>} : vector<16xi32>
      %add3A_3195 = arith.constant 64 : i32
      %add3A_3196 = vector.broadcast %add3A_3195 : i32 to vector<16xi32>
      %add3A_3197 = arith.addi %iota3A_3194, %add3A_3196 : vector<16xi32>
      %eq3A_3198 = arith.constant 4 : i32
      %eq3A_3199 = vector.broadcast %eq3A_3198 : i32 to vector<16xi32>
      %eq3A_3200 = arith.cmpi eq, %shift_right_logical3A_1906, %eq3A_3199 : vector<16xi32>
      %scatter3A_3201 = arith.constant 0 : i32
      %scatter3A_3202 = arith.constant 0 : i32
      %scatter3A_3203 = arith.constant 0 : i32
      %scatter3A_3204 = tpu.memref_slice %arg6[%scatter3A_3201, %scatter3A_3202, %scatter3A_3203] : memref<2x128x128xf32, #tpu.memory_space<vmem>> -> memref<1x128x128xf32, #tpu.memory_space<vmem>>
      %scatter3A_3205 = tpu.memref_squeeze %scatter3A_3204 : memref<1x128x128xf32, #tpu.memory_space<vmem>> -> memref<128x128xf32, #tpu.memory_space<vmem>>
      tpu.vector_store_idx %scatter3A_3205[%and3A_1909, %add3A_3197], %broadcast_in_dim3A_3 masked %eq3A_3200 : memref<128x128xf32, #tpu.memory_space<vmem>>[vector<16xi32>, vector<16xi32>], vector<16xf32>, vector<16xi1>
      %iota3A_3206 = tpu.iota {dimensions = array<i32: 0>} : vector<16xi32>
      %add3A_3207 = arith.constant 80 : i32
      %add3A_3208 = vector.broadcast %add3A_3207 : i32 to vector<16xi32>
      %add3A_3209 = arith.addi %iota3A_3206, %add3A_3208 : vector<16xi32>
      %eq3A_3210 = arith.constant 4 : i32
      %eq3A_3211 = vector.broadcast %eq3A_3210 : i32 to vector<16xi32>
      %eq3A_3212 = arith.cmpi eq, %shift_right_logical3A_1922, %eq3A_3211 : vector<16xi32>
      %scatter3A_3213 = arith.constant 0 : i32
      %scatter3A_3214 = arith.constant 0 : i32
      %scatter3A_3215 = arith.constant 0 : i32
      %scatter3A_3216 = tpu.memref_slice %arg6[%scatter3A_3213, %scatter3A_3214, %scatter3A_3215] : memref<2x128x128xf32, #tpu.memory_space<vmem>> -> memref<1x128x128xf32, #tpu.memory_space<vmem>>
      %scatter3A_3217 = tpu.memref_squeeze %scatter3A_3216 : memref<1x128x128xf32, #tpu.memory_space<vmem>> -> memref<128x128xf32, #tpu.memory_space<vmem>>
      tpu.vector_store_idx %scatter3A_3217[%and3A_1925, %add3A_3209], %broadcast_in_dim3A_3 masked %eq3A_3212 : memref<128x128xf32, #tpu.memory_space<vmem>>[vector<16xi32>, vector<16xi32>], vector<16xf32>, vector<16xi1>
      %iota3A_3218 = tpu.iota {dimensions = array<i32: 0>} : vector<16xi32>
      %add3A_3219 = arith.constant 96 : i32
      %add3A_3220 = vector.broadcast %add3A_3219 : i32 to vector<16xi32>
      %add3A_3221 = arith.addi %iota3A_3218, %add3A_3220 : vector<16xi32>
      %eq3A_3222 = arith.constant 4 : i32
      %eq3A_3223 = vector.broadcast %eq3A_3222 : i32 to vector<16xi32>
      %eq3A_3224 = arith.cmpi eq, %shift_right_logical3A_1938, %eq3A_3223 : vector<16xi32>
      %scatter3A_3225 = arith.constant 0 : i32
      %scatter3A_3226 = arith.constant 0 : i32
      %scatter3A_3227 = arith.constant 0 : i32
      %scatter3A_3228 = tpu.memref_slice %arg6[%scatter3A_3225, %scatter3A_3226, %scatter3A_3227] : memref<2x128x128xf32, #tpu.memory_space<vmem>> -> memref<1x128x128xf32, #tpu.memory_space<vmem>>
      %scatter3A_3229 = tpu.memref_squeeze %scatter3A_3228 : memref<1x128x128xf32, #tpu.memory_space<vmem>> -> memref<128x128xf32, #tpu.memory_space<vmem>>
      tpu.vector_store_idx %scatter3A_3229[%and3A_1941, %add3A_3221], %broadcast_in_dim3A_3 masked %eq3A_3224 : memref<128x128xf32, #tpu.memory_space<vmem>>[vector<16xi32>, vector<16xi32>], vector<16xf32>, vector<16xi1>
      %iota3A_3230 = tpu.iota {dimensions = array<i32: 0>} : vector<16xi32>
      %add3A_3231 = arith.constant 112 : i32
      %add3A_3232 = vector.broadcast %add3A_3231 : i32 to vector<16xi32>
      %add3A_3233 = arith.addi %iota3A_3230, %add3A_3232 : vector<16xi32>
      %eq3A_3234 = arith.constant 4 : i32
      %eq3A_3235 = vector.broadcast %eq3A_3234 : i32 to vector<16xi32>
      %eq3A_3236 = arith.cmpi eq, %shift_right_logical3A_1954, %eq3A_3235 : vector<16xi32>
      %scatter3A_3237 = arith.constant 0 : i32
      %scatter3A_3238 = arith.constant 0 : i32
      %scatter3A_3239 = arith.constant 0 : i32
      %scatter3A_3240 = tpu.memref_slice %arg6[%scatter3A_3237, %scatter3A_3238, %scatter3A_3239] : memref<2x128x128xf32, #tpu.memory_space<vmem>> -> memref<1x128x128xf32, #tpu.memory_space<vmem>>
      %scatter3A_3241 = tpu.memref_squeeze %scatter3A_3240 : memref<1x128x128xf32, #tpu.memory_space<vmem>> -> memref<128x128xf32, #tpu.memory_space<vmem>>
      tpu.vector_store_idx %scatter3A_3241[%and3A_1957, %add3A_3233], %broadcast_in_dim3A_3 masked %eq3A_3236 : memref<128x128xf32, #tpu.memory_space<vmem>>[vector<16xi32>, vector<16xi32>], vector<16xf32>, vector<16xi1>
      %dma_start3A_3242 = arith.constant 0 : i32
      %dma_start3A_3243 = arith.constant 0 : i32
      %dma_start3A_3244 = arith.constant 0 : i32
      %dma_start3A_3245 = tpu.memref_slice %arg6[%dma_start3A_3242, %dma_start3A_3243, %dma_start3A_3244] : memref<2x128x128xf32, #tpu.memory_space<vmem>> -> memref<1x128x128xf32, #tpu.memory_space<vmem>>
      %dma_start3A_3246 = tpu.memref_squeeze %dma_start3A_3245 : memref<1x128x128xf32, #tpu.memory_space<vmem>> -> memref<128x128xf32, #tpu.memory_space<vmem>>
      %dma_start3A_3247 = arith.constant 512 : i32
      %dma_start3A_3248 = tpu.memref_slice %arg3[%dma_start3A_3247, %add3A_1800] : memref<1128x16384xf32, #tpu.memory_space<hbm>> -> memref<128x128xf32, #tpu.memory_space<hbm>>
      %dma_start3A_3249 = arith.constant 512 : i32
      %dma_start3A_3250 = tpu.memref_slice %arg3[%dma_start3A_3249, %add3A_1800] : memref<1128x16384xf32, #tpu.memory_space<hbm>> -> memref<128x128xf32, #tpu.memory_space<hbm>>
      %dma_start3A_3251 = arith.constant 0 : i32
      %dma_start3A_3252 = arith.constant 0 : i32
      %dma_start3A_3253 = tpu.memref_slice %arg6[%dma_start3A_3242, %dma_start3A_3251, %dma_start3A_3252] : memref<2x128x128xf32, #tpu.memory_space<vmem>> -> memref<1x128x128xf32, #tpu.memory_space<vmem>>
      %dma_start3A_3254 = tpu.memref_squeeze %dma_start3A_3253 : memref<1x128x128xf32, #tpu.memory_space<vmem>> -> memref<128x128xf32, #tpu.memory_space<vmem>>
      tpu.enqueue_dma source(%dma_start3A_3254 : memref<128x128xf32, #tpu.memory_space<vmem>>) target(%dma_start3A_3250 : memref<128x128xf32, #tpu.memory_space<hbm>>) target_semaphore(%arg8 : memref<!tpu.dma_semaphore, #tpu.memory_space<semaphore_mem>>)
      %dma_wait3A_3255 = arith.constant 1 : i32
      %dma_wait3A_3256 = arith.constant 0 : i32
      %dma_wait3A_3257 = arith.constant 0 : i32
      %dma_wait3A_3258 = tpu.memref_slice %arg6[%dma_wait3A_3255, %dma_wait3A_3256, %dma_wait3A_3257] : memref<2x128x128xf32, #tpu.memory_space<vmem>> -> memref<1x128x128xf32, #tpu.memory_space<vmem>>
      %dma_wait3A_3259 = tpu.memref_squeeze %dma_wait3A_3258 : memref<1x128x128xf32, #tpu.memory_space<vmem>> -> memref<128x128xf32, #tpu.memory_space<vmem>>
      %dma_wait3A_3260 = arith.constant 384 : i32
      %dma_wait3A_3261 = tpu.memref_slice %arg3[%dma_wait3A_3260, %add3A_1800] : memref<1128x16384xf32, #tpu.memory_space<hbm>> -> memref<128x128xf32, #tpu.memory_space<hbm>>
      %dma_wait3A_3262 = arith.constant 384 : i32
      %dma_wait3A_3263 = tpu.memref_slice %arg3[%dma_wait3A_3262, %add3A_1800] : memref<1128x16384xf32, #tpu.memory_space<hbm>> -> memref<128x128xf32, #tpu.memory_space<hbm>>
      %dma_wait3A_3264 = arith.constant 0 : i32
      %dma_wait3A_3265 = arith.constant 0 : i32
      %dma_wait3A_3266 = tpu.memref_slice %arg6[%dma_wait3A_3255, %dma_wait3A_3264, %dma_wait3A_3265] : memref<2x128x128xf32, #tpu.memory_space<vmem>> -> memref<1x128x128xf32, #tpu.memory_space<vmem>>
      %dma_wait3A_3267 = tpu.memref_squeeze %dma_wait3A_3266 : memref<1x128x128xf32, #tpu.memory_space<vmem>> -> memref<128x128xf32, #tpu.memory_space<vmem>>
      tpu.wait_dma2 semaphore(%arg9 : memref<!tpu.dma_semaphore, #tpu.memory_space<semaphore_mem>>) src(%dma_wait3A_3267 : memref<128x128xf32, #tpu.memory_space<vmem>>) dst(%dma_wait3A_3263 : memref<128x128xf32, #tpu.memory_space<hbm>>)
      %iota3A_3268 = tpu.iota {dimensions = array<i32: 0>} : vector<16xi32>
      %add3A_3269 = arith.constant 0 : i32
      %add3A_3270 = vector.broadcast %add3A_3269 : i32 to vector<16xi32>
      %add3A_3271 = arith.addi %iota3A_3268, %add3A_3270 : vector<16xi32>
      %eq3A_3272 = arith.constant 3 : i32
      %eq3A_3273 = vector.broadcast %eq3A_3272 : i32 to vector<16xi32>
      %eq3A_3274 = arith.cmpi eq, %shift_right_logical3A_1842, %eq3A_3273 : vector<16xi32>
      %scatter3A_3275 = arith.constant 1 : i32
      %scatter3A_3276 = arith.constant 0 : i32
      %scatter3A_3277 = arith.constant 0 : i32
      %scatter3A_3278 = tpu.memref_slice %arg6[%scatter3A_3275, %scatter3A_3276, %scatter3A_3277] : memref<2x128x128xf32, #tpu.memory_space<vmem>> -> memref<1x128x128xf32, #tpu.memory_space<vmem>>
      %scatter3A_3279 = tpu.memref_squeeze %scatter3A_3278 : memref<1x128x128xf32, #tpu.memory_space<vmem>> -> memref<128x128xf32, #tpu.memory_space<vmem>>
      tpu.vector_store_idx %scatter3A_3279[%and3A_1845, %add3A_3271], %broadcast_in_dim3A_1 masked %eq3A_3274 : memref<128x128xf32, #tpu.memory_space<vmem>>[vector<16xi32>, vector<16xi32>], vector<16xf32>, vector<16xi1>
      %iota3A_3280 = tpu.iota {dimensions = array<i32: 0>} : vector<16xi32>
      %add3A_3281 = arith.constant 16 : i32
      %add3A_3282 = vector.broadcast %add3A_3281 : i32 to vector<16xi32>
      %add3A_3283 = arith.addi %iota3A_3280, %add3A_3282 : vector<16xi32>
      %eq3A_3284 = arith.constant 3 : i32
      %eq3A_3285 = vector.broadcast %eq3A_3284 : i32 to vector<16xi32>
      %eq3A_3286 = arith.cmpi eq, %shift_right_logical3A_1858, %eq3A_3285 : vector<16xi32>
      %scatter3A_3287 = arith.constant 1 : i32
      %scatter3A_3288 = arith.constant 0 : i32
      %scatter3A_3289 = arith.constant 0 : i32
      %scatter3A_3290 = tpu.memref_slice %arg6[%scatter3A_3287, %scatter3A_3288, %scatter3A_3289] : memref<2x128x128xf32, #tpu.memory_space<vmem>> -> memref<1x128x128xf32, #tpu.memory_space<vmem>>
      %scatter3A_3291 = tpu.memref_squeeze %scatter3A_3290 : memref<1x128x128xf32, #tpu.memory_space<vmem>> -> memref<128x128xf32, #tpu.memory_space<vmem>>
      tpu.vector_store_idx %scatter3A_3291[%and3A_1861, %add3A_3283], %broadcast_in_dim3A_1 masked %eq3A_3286 : memref<128x128xf32, #tpu.memory_space<vmem>>[vector<16xi32>, vector<16xi32>], vector<16xf32>, vector<16xi1>
      %iota3A_3292 = tpu.iota {dimensions = array<i32: 0>} : vector<16xi32>
      %add3A_3293 = arith.constant 32 : i32
      %add3A_3294 = vector.broadcast %add3A_3293 : i32 to vector<16xi32>
      %add3A_3295 = arith.addi %iota3A_3292, %add3A_3294 : vector<16xi32>
      %eq3A_3296 = arith.constant 3 : i32
      %eq3A_3297 = vector.broadcast %eq3A_3296 : i32 to vector<16xi32>
      %eq3A_3298 = arith.cmpi eq, %shift_right_logical3A_1874, %eq3A_3297 : vector<16xi32>
      %scatter3A_3299 = arith.constant 1 : i32
      %scatter3A_3300 = arith.constant 0 : i32
      %scatter3A_3301 = arith.constant 0 : i32
      %scatter3A_3302 = tpu.memref_slice %arg6[%scatter3A_3299, %scatter3A_3300, %scatter3A_3301] : memref<2x128x128xf32, #tpu.memory_space<vmem>> -> memref<1x128x128xf32, #tpu.memory_space<vmem>>
      %scatter3A_3303 = tpu.memref_squeeze %scatter3A_3302 : memref<1x128x128xf32, #tpu.memory_space<vmem>> -> memref<128x128xf32, #tpu.memory_space<vmem>>
      tpu.vector_store_idx %scatter3A_3303[%and3A_1877, %add3A_3295], %broadcast_in_dim3A_1 masked %eq3A_3298 : memref<128x128xf32, #tpu.memory_space<vmem>>[vector<16xi32>, vector<16xi32>], vector<16xf32>, vector<16xi1>
      %iota3A_3304 = tpu.iota {dimensions = array<i32: 0>} : vector<16xi32>
      %add3A_3305 = arith.constant 48 : i32
      %add3A_3306 = vector.broadcast %add3A_3305 : i32 to vector<16xi32>
      %add3A_3307 = arith.addi %iota3A_3304, %add3A_3306 : vector<16xi32>
      %eq3A_3308 = arith.constant 3 : i32
      %eq3A_3309 = vector.broadcast %eq3A_3308 : i32 to vector<16xi32>
      %eq3A_3310 = arith.cmpi eq, %shift_right_logical3A_1890, %eq3A_3309 : vector<16xi32>
      %scatter3A_3311 = arith.constant 1 : i32
      %scatter3A_3312 = arith.constant 0 : i32
      %scatter3A_3313 = arith.constant 0 : i32
      %scatter3A_3314 = tpu.memref_slice %arg6[%scatter3A_3311, %scatter3A_3312, %scatter3A_3313] : memref<2x128x128xf32, #tpu.memory_space<vmem>> -> memref<1x128x128xf32, #tpu.memory_space<vmem>>
      %scatter3A_3315 = tpu.memref_squeeze %scatter3A_3314 : memref<1x128x128xf32, #tpu.memory_space<vmem>> -> memref<128x128xf32, #tpu.memory_space<vmem>>
      tpu.vector_store_idx %scatter3A_3315[%and3A_1893, %add3A_3307], %broadcast_in_dim3A_1 masked %eq3A_3310 : memref<128x128xf32, #tpu.memory_space<vmem>>[vector<16xi32>, vector<16xi32>], vector<16xf32>, vector<16xi1>
      %iota3A_3316 = tpu.iota {dimensions = array<i32: 0>} : vector<16xi32>
      %add3A_3317 = arith.constant 64 : i32
      %add3A_3318 = vector.broadcast %add3A_3317 : i32 to vector<16xi32>
      %add3A_3319 = arith.addi %iota3A_3316, %add3A_3318 : vector<16xi32>
      %eq3A_3320 = arith.constant 3 : i32
      %eq3A_3321 = vector.broadcast %eq3A_3320 : i32 to vector<16xi32>
      %eq3A_3322 = arith.cmpi eq, %shift_right_logical3A_1906, %eq3A_3321 : vector<16xi32>
      %scatter3A_3323 = arith.constant 1 : i32
      %scatter3A_3324 = arith.constant 0 : i32
      %scatter3A_3325 = arith.constant 0 : i32
      %scatter3A_3326 = tpu.memref_slice %arg6[%scatter3A_3323, %scatter3A_3324, %scatter3A_3325] : memref<2x128x128xf32, #tpu.memory_space<vmem>> -> memref<1x128x128xf32, #tpu.memory_space<vmem>>
      %scatter3A_3327 = tpu.memref_squeeze %scatter3A_3326 : memref<1x128x128xf32, #tpu.memory_space<vmem>> -> memref<128x128xf32, #tpu.memory_space<vmem>>
      tpu.vector_store_idx %scatter3A_3327[%and3A_1909, %add3A_3319], %broadcast_in_dim3A_1 masked %eq3A_3322 : memref<128x128xf32, #tpu.memory_space<vmem>>[vector<16xi32>, vector<16xi32>], vector<16xf32>, vector<16xi1>
      %iota3A_3328 = tpu.iota {dimensions = array<i32: 0>} : vector<16xi32>
      %add3A_3329 = arith.constant 80 : i32
      %add3A_3330 = vector.broadcast %add3A_3329 : i32 to vector<16xi32>
      %add3A_3331 = arith.addi %iota3A_3328, %add3A_3330 : vector<16xi32>
      %eq3A_3332 = arith.constant 3 : i32
      %eq3A_3333 = vector.broadcast %eq3A_3332 : i32 to vector<16xi32>
      %eq3A_3334 = arith.cmpi eq, %shift_right_logical3A_1922, %eq3A_3333 : vector<16xi32>
      %scatter3A_3335 = arith.constant 1 : i32
      %scatter3A_3336 = arith.constant 0 : i32
      %scatter3A_3337 = arith.constant 0 : i32
      %scatter3A_3338 = tpu.memref_slice %arg6[%scatter3A_3335, %scatter3A_3336, %scatter3A_3337] : memref<2x128x128xf32, #tpu.memory_space<vmem>> -> memref<1x128x128xf32, #tpu.memory_space<vmem>>
      %scatter3A_3339 = tpu.memref_squeeze %scatter3A_3338 : memref<1x128x128xf32, #tpu.memory_space<vmem>> -> memref<128x128xf32, #tpu.memory_space<vmem>>
      tpu.vector_store_idx %scatter3A_3339[%and3A_1925, %add3A_3331], %broadcast_in_dim3A_1 masked %eq3A_3334 : memref<128x128xf32, #tpu.memory_space<vmem>>[vector<16xi32>, vector<16xi32>], vector<16xf32>, vector<16xi1>
      %iota3A_3340 = tpu.iota {dimensions = array<i32: 0>} : vector<16xi32>
      %add3A_3341 = arith.constant 96 : i32
      %add3A_3342 = vector.broadcast %add3A_3341 : i32 to vector<16xi32>
      %add3A_3343 = arith.addi %iota3A_3340, %add3A_3342 : vector<16xi32>
      %eq3A_3344 = arith.constant 3 : i32
      %eq3A_3345 = vector.broadcast %eq3A_3344 : i32 to vector<16xi32>
      %eq3A_3346 = arith.cmpi eq, %shift_right_logical3A_1938, %eq3A_3345 : vector<16xi32>
      %scatter3A_3347 = arith.constant 1 : i32
      %scatter3A_3348 = arith.constant 0 : i32
      %scatter3A_3349 = arith.constant 0 : i32
      %scatter3A_3350 = tpu.memref_slice %arg6[%scatter3A_3347, %scatter3A_3348, %scatter3A_3349] : memref<2x128x128xf32, #tpu.memory_space<vmem>> -> memref<1x128x128xf32, #tpu.memory_space<vmem>>
      %scatter3A_3351 = tpu.memref_squeeze %scatter3A_3350 : memref<1x128x128xf32, #tpu.memory_space<vmem>> -> memref<128x128xf32, #tpu.memory_space<vmem>>
      tpu.vector_store_idx %scatter3A_3351[%and3A_1941, %add3A_3343], %broadcast_in_dim3A_1 masked %eq3A_3346 : memref<128x128xf32, #tpu.memory_space<vmem>>[vector<16xi32>, vector<16xi32>], vector<16xf32>, vector<16xi1>
      %iota3A_3352 = tpu.iota {dimensions = array<i32: 0>} : vector<16xi32>
      %add3A_3353 = arith.constant 112 : i32
      %add3A_3354 = vector.broadcast %add3A_3353 : i32 to vector<16xi32>
      %add3A_3355 = arith.addi %iota3A_3352, %add3A_3354 : vector<16xi32>
      %eq3A_3356 = arith.constant 3 : i32
      %eq3A_3357 = vector.broadcast %eq3A_3356 : i32 to vector<16xi32>
      %eq3A_3358 = arith.cmpi eq, %shift_right_logical3A_1954, %eq3A_3357 : vector<16xi32>
      %scatter3A_3359 = arith.constant 1 : i32
      %scatter3A_3360 = arith.constant 0 : i32
      %scatter3A_3361 = arith.constant 0 : i32
      %scatter3A_3362 = tpu.memref_slice %arg6[%scatter3A_3359, %scatter3A_3360, %scatter3A_3361] : memref<2x128x128xf32, #tpu.memory_space<vmem>> -> memref<1x128x128xf32, #tpu.memory_space<vmem>>
      %scatter3A_3363 = tpu.memref_squeeze %scatter3A_3362 : memref<1x128x128xf32, #tpu.memory_space<vmem>> -> memref<128x128xf32, #tpu.memory_space<vmem>>
      tpu.vector_store_idx %scatter3A_3363[%and3A_1957, %add3A_3355], %broadcast_in_dim3A_1 masked %eq3A_3358 : memref<128x128xf32, #tpu.memory_space<vmem>>[vector<16xi32>, vector<16xi32>], vector<16xf32>, vector<16xi1>
      %iota3A_3364 = tpu.iota {dimensions = array<i32: 0>} : vector<16xi32>
      %add3A_3365 = arith.constant 0 : i32
      %add3A_3366 = vector.broadcast %add3A_3365 : i32 to vector<16xi32>
      %add3A_3367 = arith.addi %iota3A_3364, %add3A_3366 : vector<16xi32>
      %eq3A_3368 = arith.constant 5 : i32
      %eq3A_3369 = vector.broadcast %eq3A_3368 : i32 to vector<16xi32>
      %eq3A_3370 = arith.cmpi eq, %shift_right_logical3A_1842, %eq3A_3369 : vector<16xi32>
      %scatter3A_3371 = arith.constant 1 : i32
      %scatter3A_3372 = arith.constant 0 : i32
      %scatter3A_3373 = arith.constant 0 : i32
      %scatter3A_3374 = tpu.memref_slice %arg6[%scatter3A_3371, %scatter3A_3372, %scatter3A_3373] : memref<2x128x128xf32, #tpu.memory_space<vmem>> -> memref<1x128x128xf32, #tpu.memory_space<vmem>>
      %scatter3A_3375 = tpu.memref_squeeze %scatter3A_3374 : memref<1x128x128xf32, #tpu.memory_space<vmem>> -> memref<128x128xf32, #tpu.memory_space<vmem>>
      tpu.vector_store_idx %scatter3A_3375[%and3A_1845, %add3A_3367], %broadcast_in_dim3A_3 masked %eq3A_3370 : memref<128x128xf32, #tpu.memory_space<vmem>>[vector<16xi32>, vector<16xi32>], vector<16xf32>, vector<16xi1>
      %iota3A_3376 = tpu.iota {dimensions = array<i32: 0>} : vector<16xi32>
      %add3A_3377 = arith.constant 16 : i32
      %add3A_3378 = vector.broadcast %add3A_3377 : i32 to vector<16xi32>
      %add3A_3379 = arith.addi %iota3A_3376, %add3A_3378 : vector<16xi32>
      %eq3A_3380 = arith.constant 5 : i32
      %eq3A_3381 = vector.broadcast %eq3A_3380 : i32 to vector<16xi32>
      %eq3A_3382 = arith.cmpi eq, %shift_right_logical3A_1858, %eq3A_3381 : vector<16xi32>
      %scatter3A_3383 = arith.constant 1 : i32
      %scatter3A_3384 = arith.constant 0 : i32
      %scatter3A_3385 = arith.constant 0 : i32
      %scatter3A_3386 = tpu.memref_slice %arg6[%scatter3A_3383, %scatter3A_3384, %scatter3A_3385] : memref<2x128x128xf32, #tpu.memory_space<vmem>> -> memref<1x128x128xf32, #tpu.memory_space<vmem>>
      %scatter3A_3387 = tpu.memref_squeeze %scatter3A_3386 : memref<1x128x128xf32, #tpu.memory_space<vmem>> -> memref<128x128xf32, #tpu.memory_space<vmem>>
      tpu.vector_store_idx %scatter3A_3387[%and3A_1861, %add3A_3379], %broadcast_in_dim3A_3 masked %eq3A_3382 : memref<128x128xf32, #tpu.memory_space<vmem>>[vector<16xi32>, vector<16xi32>], vector<16xf32>, vector<16xi1>
      %iota3A_3388 = tpu.iota {dimensions = array<i32: 0>} : vector<16xi32>
      %add3A_3389 = arith.constant 32 : i32
      %add3A_3390 = vector.broadcast %add3A_3389 : i32 to vector<16xi32>
      %add3A_3391 = arith.addi %iota3A_3388, %add3A_3390 : vector<16xi32>
      %eq3A_3392 = arith.constant 5 : i32
      %eq3A_3393 = vector.broadcast %eq3A_3392 : i32 to vector<16xi32>
      %eq3A_3394 = arith.cmpi eq, %shift_right_logical3A_1874, %eq3A_3393 : vector<16xi32>
      %scatter3A_3395 = arith.constant 1 : i32
      %scatter3A_3396 = arith.constant 0 : i32
      %scatter3A_3397 = arith.constant 0 : i32
      %scatter3A_3398 = tpu.memref_slice %arg6[%scatter3A_3395, %scatter3A_3396, %scatter3A_3397] : memref<2x128x128xf32, #tpu.memory_space<vmem>> -> memref<1x128x128xf32, #tpu.memory_space<vmem>>
      %scatter3A_3399 = tpu.memref_squeeze %scatter3A_3398 : memref<1x128x128xf32, #tpu.memory_space<vmem>> -> memref<128x128xf32, #tpu.memory_space<vmem>>
      tpu.vector_store_idx %scatter3A_3399[%and3A_1877, %add3A_3391], %broadcast_in_dim3A_3 masked %eq3A_3394 : memref<128x128xf32, #tpu.memory_space<vmem>>[vector<16xi32>, vector<16xi32>], vector<16xf32>, vector<16xi1>
      %iota3A_3400 = tpu.iota {dimensions = array<i32: 0>} : vector<16xi32>
      %add3A_3401 = arith.constant 48 : i32
      %add3A_3402 = vector.broadcast %add3A_3401 : i32 to vector<16xi32>
      %add3A_3403 = arith.addi %iota3A_3400, %add3A_3402 : vector<16xi32>
      %eq3A_3404 = arith.constant 5 : i32
      %eq3A_3405 = vector.broadcast %eq3A_3404 : i32 to vector<16xi32>
      %eq3A_3406 = arith.cmpi eq, %shift_right_logical3A_1890, %eq3A_3405 : vector<16xi32>
      %scatter3A_3407 = arith.constant 1 : i32
      %scatter3A_3408 = arith.constant 0 : i32
      %scatter3A_3409 = arith.constant 0 : i32
      %scatter3A_3410 = tpu.memref_slice %arg6[%scatter3A_3407, %scatter3A_3408, %scatter3A_3409] : memref<2x128x128xf32, #tpu.memory_space<vmem>> -> memref<1x128x128xf32, #tpu.memory_space<vmem>>
      %scatter3A_3411 = tpu.memref_squeeze %scatter3A_3410 : memref<1x128x128xf32, #tpu.memory_space<vmem>> -> memref<128x128xf32, #tpu.memory_space<vmem>>
      tpu.vector_store_idx %scatter3A_3411[%and3A_1893, %add3A_3403], %broadcast_in_dim3A_3 masked %eq3A_3406 : memref<128x128xf32, #tpu.memory_space<vmem>>[vector<16xi32>, vector<16xi32>], vector<16xf32>, vector<16xi1>
      %iota3A_3412 = tpu.iota {dimensions = array<i32: 0>} : vector<16xi32>
      %add3A_3413 = arith.constant 64 : i32
      %add3A_3414 = vector.broadcast %add3A_3413 : i32 to vector<16xi32>
      %add3A_3415 = arith.addi %iota3A_3412, %add3A_3414 : vector<16xi32>
      %eq3A_3416 = arith.constant 5 : i32
      %eq3A_3417 = vector.broadcast %eq3A_3416 : i32 to vector<16xi32>
      %eq3A_3418 = arith.cmpi eq, %shift_right_logical3A_1906, %eq3A_3417 : vector<16xi32>
      %scatter3A_3419 = arith.constant 1 : i32
      %scatter3A_3420 = arith.constant 0 : i32
      %scatter3A_3421 = arith.constant 0 : i32
      %scatter3A_3422 = tpu.memref_slice %arg6[%scatter3A_3419, %scatter3A_3420, %scatter3A_3421] : memref<2x128x128xf32, #tpu.memory_space<vmem>> -> memref<1x128x128xf32, #tpu.memory_space<vmem>>
      %scatter3A_3423 = tpu.memref_squeeze %scatter3A_3422 : memref<1x128x128xf32, #tpu.memory_space<vmem>> -> memref<128x128xf32, #tpu.memory_space<vmem>>
      tpu.vector_store_idx %scatter3A_3423[%and3A_1909, %add3A_3415], %broadcast_in_dim3A_3 masked %eq3A_3418 : memref<128x128xf32, #tpu.memory_space<vmem>>[vector<16xi32>, vector<16xi32>], vector<16xf32>, vector<16xi1>
      %iota3A_3424 = tpu.iota {dimensions = array<i32: 0>} : vector<16xi32>
      %add3A_3425 = arith.constant 80 : i32
      %add3A_3426 = vector.broadcast %add3A_3425 : i32 to vector<16xi32>
      %add3A_3427 = arith.addi %iota3A_3424, %add3A_3426 : vector<16xi32>
      %eq3A_3428 = arith.constant 5 : i32
      %eq3A_3429 = vector.broadcast %eq3A_3428 : i32 to vector<16xi32>
      %eq3A_3430 = arith.cmpi eq, %shift_right_logical3A_1922, %eq3A_3429 : vector<16xi32>
      %scatter3A_3431 = arith.constant 1 : i32
      %scatter3A_3432 = arith.constant 0 : i32
      %scatter3A_3433 = arith.constant 0 : i32
      %scatter3A_3434 = tpu.memref_slice %arg6[%scatter3A_3431, %scatter3A_3432, %scatter3A_3433] : memref<2x128x128xf32, #tpu.memory_space<vmem>> -> memref<1x128x128xf32, #tpu.memory_space<vmem>>
      %scatter3A_3435 = tpu.memref_squeeze %scatter3A_3434 : memref<1x128x128xf32, #tpu.memory_space<vmem>> -> memref<128x128xf32, #tpu.memory_space<vmem>>
      tpu.vector_store_idx %scatter3A_3435[%and3A_1925, %add3A_3427], %broadcast_in_dim3A_3 masked %eq3A_3430 : memref<128x128xf32, #tpu.memory_space<vmem>>[vector<16xi32>, vector<16xi32>], vector<16xf32>, vector<16xi1>
      %iota3A_3436 = tpu.iota {dimensions = array<i32: 0>} : vector<16xi32>
      %add3A_3437 = arith.constant 96 : i32
      %add3A_3438 = vector.broadcast %add3A_3437 : i32 to vector<16xi32>
      %add3A_3439 = arith.addi %iota3A_3436, %add3A_3438 : vector<16xi32>
      %eq3A_3440 = arith.constant 5 : i32
      %eq3A_3441 = vector.broadcast %eq3A_3440 : i32 to vector<16xi32>
      %eq3A_3442 = arith.cmpi eq, %shift_right_logical3A_1938, %eq3A_3441 : vector<16xi32>
      %scatter3A_3443 = arith.constant 1 : i32
      %scatter3A_3444 = arith.constant 0 : i32
      %scatter3A_3445 = arith.constant 0 : i32
      %scatter3A_3446 = tpu.memref_slice %arg6[%scatter3A_3443, %scatter3A_3444, %scatter3A_3445] : memref<2x128x128xf32, #tpu.memory_space<vmem>> -> memref<1x128x128xf32, #tpu.memory_space<vmem>>
      %scatter3A_3447 = tpu.memref_squeeze %scatter3A_3446 : memref<1x128x128xf32, #tpu.memory_space<vmem>> -> memref<128x128xf32, #tpu.memory_space<vmem>>
      tpu.vector_store_idx %scatter3A_3447[%and3A_1941, %add3A_3439], %broadcast_in_dim3A_3 masked %eq3A_3442 : memref<128x128xf32, #tpu.memory_space<vmem>>[vector<16xi32>, vector<16xi32>], vector<16xf32>, vector<16xi1>
      %iota3A_3448 = tpu.iota {dimensions = array<i32: 0>} : vector<16xi32>
      %add3A_3449 = arith.constant 112 : i32
      %add3A_3450 = vector.broadcast %add3A_3449 : i32 to vector<16xi32>
      %add3A_3451 = arith.addi %iota3A_3448, %add3A_3450 : vector<16xi32>
      %eq3A_3452 = arith.constant 5 : i32
      %eq3A_3453 = vector.broadcast %eq3A_3452 : i32 to vector<16xi32>
      %eq3A_3454 = arith.cmpi eq, %shift_right_logical3A_1954, %eq3A_3453 : vector<16xi32>
      %scatter3A_3455 = arith.constant 1 : i32
      %scatter3A_3456 = arith.constant 0 : i32
      %scatter3A_3457 = arith.constant 0 : i32
      %scatter3A_3458 = tpu.memref_slice %arg6[%scatter3A_3455, %scatter3A_3456, %scatter3A_3457] : memref<2x128x128xf32, #tpu.memory_space<vmem>> -> memref<1x128x128xf32, #tpu.memory_space<vmem>>
      %scatter3A_3459 = tpu.memref_squeeze %scatter3A_3458 : memref<1x128x128xf32, #tpu.memory_space<vmem>> -> memref<128x128xf32, #tpu.memory_space<vmem>>
      tpu.vector_store_idx %scatter3A_3459[%and3A_1957, %add3A_3451], %broadcast_in_dim3A_3 masked %eq3A_3454 : memref<128x128xf32, #tpu.memory_space<vmem>>[vector<16xi32>, vector<16xi32>], vector<16xf32>, vector<16xi1>
      %dma_start3A_3460 = arith.constant 1 : i32
      %dma_start3A_3461 = arith.constant 0 : i32
      %dma_start3A_3462 = arith.constant 0 : i32
      %dma_start3A_3463 = tpu.memref_slice %arg6[%dma_start3A_3460, %dma_start3A_3461, %dma_start3A_3462] : memref<2x128x128xf32, #tpu.memory_space<vmem>> -> memref<1x128x128xf32, #tpu.memory_space<vmem>>
      %dma_start3A_3464 = tpu.memref_squeeze %dma_start3A_3463 : memref<1x128x128xf32, #tpu.memory_space<vmem>> -> memref<128x128xf32, #tpu.memory_space<vmem>>
      %dma_start3A_3465 = arith.constant 640 : i32
      %dma_start3A_3466 = tpu.memref_slice %arg3[%dma_start3A_3465, %add3A_1800] : memref<1128x16384xf32, #tpu.memory_space<hbm>> -> memref<128x128xf32, #tpu.memory_space<hbm>>
      %dma_start3A_3467 = arith.constant 640 : i32
      %dma_start3A_3468 = tpu.memref_slice %arg3[%dma_start3A_3467, %add3A_1800] : memref<1128x16384xf32, #tpu.memory_space<hbm>> -> memref<128x128xf32, #tpu.memory_space<hbm>>
      %dma_start3A_3469 = arith.constant 0 : i32
      %dma_start3A_3470 = arith.constant 0 : i32
      %dma_start3A_3471 = tpu.memref_slice %arg6[%dma_start3A_3460, %dma_start3A_3469, %dma_start3A_3470] : memref<2x128x128xf32, #tpu.memory_space<vmem>> -> memref<1x128x128xf32, #tpu.memory_space<vmem>>
      %dma_start3A_3472 = tpu.memref_squeeze %dma_start3A_3471 : memref<1x128x128xf32, #tpu.memory_space<vmem>> -> memref<128x128xf32, #tpu.memory_space<vmem>>
      tpu.enqueue_dma source(%dma_start3A_3472 : memref<128x128xf32, #tpu.memory_space<vmem>>) target(%dma_start3A_3468 : memref<128x128xf32, #tpu.memory_space<hbm>>) target_semaphore(%arg9 : memref<!tpu.dma_semaphore, #tpu.memory_space<semaphore_mem>>)
      %dma_wait3A_3473 = arith.constant 0 : i32
      %dma_wait3A_3474 = arith.constant 0 : i32
      %dma_wait3A_3475 = arith.constant 0 : i32
      %dma_wait3A_3476 = tpu.memref_slice %arg6[%dma_wait3A_3473, %dma_wait3A_3474, %dma_wait3A_3475] : memref<2x128x128xf32, #tpu.memory_space<vmem>> -> memref<1x128x128xf32, #tpu.memory_space<vmem>>
      %dma_wait3A_3477 = tpu.memref_squeeze %dma_wait3A_3476 : memref<1x128x128xf32, #tpu.memory_space<vmem>> -> memref<128x128xf32, #tpu.memory_space<vmem>>
      %dma_wait3A_3478 = arith.constant 512 : i32
      %dma_wait3A_3479 = tpu.memref_slice %arg3[%dma_wait3A_3478, %add3A_1800] : memref<1128x16384xf32, #tpu.memory_space<hbm>> -> memref<128x128xf32, #tpu.memory_space<hbm>>
      %dma_wait3A_3480 = arith.constant 512 : i32
      %dma_wait3A_3481 = tpu.memref_slice %arg3[%dma_wait3A_3480, %add3A_1800] : memref<1128x16384xf32, #tpu.memory_space<hbm>> -> memref<128x128xf32, #tpu.memory_space<hbm>>
      %dma_wait3A_3482 = arith.constant 0 : i32
      %dma_wait3A_3483 = arith.constant 0 : i32
      %dma_wait3A_3484 = tpu.memref_slice %arg6[%dma_wait3A_3473, %dma_wait3A_3482, %dma_wait3A_3483] : memref<2x128x128xf32, #tpu.memory_space<vmem>> -> memref<1x128x128xf32, #tpu.memory_space<vmem>>
      %dma_wait3A_3485 = tpu.memref_squeeze %dma_wait3A_3484 : memref<1x128x128xf32, #tpu.memory_space<vmem>> -> memref<128x128xf32, #tpu.memory_space<vmem>>
      tpu.wait_dma2 semaphore(%arg8 : memref<!tpu.dma_semaphore, #tpu.memory_space<semaphore_mem>>) src(%dma_wait3A_3485 : memref<128x128xf32, #tpu.memory_space<vmem>>) dst(%dma_wait3A_3481 : memref<128x128xf32, #tpu.memory_space<hbm>>)
      %iota3A_3486 = tpu.iota {dimensions = array<i32: 0>} : vector<16xi32>
      %add3A_3487 = arith.constant 0 : i32
      %add3A_3488 = vector.broadcast %add3A_3487 : i32 to vector<16xi32>
      %add3A_3489 = arith.addi %iota3A_3486, %add3A_3488 : vector<16xi32>
      %eq3A_3490 = arith.constant 4 : i32
      %eq3A_3491 = vector.broadcast %eq3A_3490 : i32 to vector<16xi32>
      %eq3A_3492 = arith.cmpi eq, %shift_right_logical3A_1842, %eq3A_3491 : vector<16xi32>
      %scatter3A_3493 = arith.constant 0 : i32
      %scatter3A_3494 = arith.constant 0 : i32
      %scatter3A_3495 = arith.constant 0 : i32
      %scatter3A_3496 = tpu.memref_slice %arg6[%scatter3A_3493, %scatter3A_3494, %scatter3A_3495] : memref<2x128x128xf32, #tpu.memory_space<vmem>> -> memref<1x128x128xf32, #tpu.memory_space<vmem>>
      %scatter3A_3497 = tpu.memref_squeeze %scatter3A_3496 : memref<1x128x128xf32, #tpu.memory_space<vmem>> -> memref<128x128xf32, #tpu.memory_space<vmem>>
      tpu.vector_store_idx %scatter3A_3497[%and3A_1845, %add3A_3489], %broadcast_in_dim3A_1 masked %eq3A_3492 : memref<128x128xf32, #tpu.memory_space<vmem>>[vector<16xi32>, vector<16xi32>], vector<16xf32>, vector<16xi1>
      %iota3A_3498 = tpu.iota {dimensions = array<i32: 0>} : vector<16xi32>
      %add3A_3499 = arith.constant 16 : i32
      %add3A_3500 = vector.broadcast %add3A_3499 : i32 to vector<16xi32>
      %add3A_3501 = arith.addi %iota3A_3498, %add3A_3500 : vector<16xi32>
      %eq3A_3502 = arith.constant 4 : i32
      %eq3A_3503 = vector.broadcast %eq3A_3502 : i32 to vector<16xi32>
      %eq3A_3504 = arith.cmpi eq, %shift_right_logical3A_1858, %eq3A_3503 : vector<16xi32>
      %scatter3A_3505 = arith.constant 0 : i32
      %scatter3A_3506 = arith.constant 0 : i32
      %scatter3A_3507 = arith.constant 0 : i32
      %scatter3A_3508 = tpu.memref_slice %arg6[%scatter3A_3505, %scatter3A_3506, %scatter3A_3507] : memref<2x128x128xf32, #tpu.memory_space<vmem>> -> memref<1x128x128xf32, #tpu.memory_space<vmem>>
      %scatter3A_3509 = tpu.memref_squeeze %scatter3A_3508 : memref<1x128x128xf32, #tpu.memory_space<vmem>> -> memref<128x128xf32, #tpu.memory_space<vmem>>
      tpu.vector_store_idx %scatter3A_3509[%and3A_1861, %add3A_3501], %broadcast_in_dim3A_1 masked %eq3A_3504 : memref<128x128xf32, #tpu.memory_space<vmem>>[vector<16xi32>, vector<16xi32>], vector<16xf32>, vector<16xi1>
      %iota3A_3510 = tpu.iota {dimensions = array<i32: 0>} : vector<16xi32>
      %add3A_3511 = arith.constant 32 : i32
      %add3A_3512 = vector.broadcast %add3A_3511 : i32 to vector<16xi32>
      %add3A_3513 = arith.addi %iota3A_3510, %add3A_3512 : vector<16xi32>
      %eq3A_3514 = arith.constant 4 : i32
      %eq3A_3515 = vector.broadcast %eq3A_3514 : i32 to vector<16xi32>
      %eq3A_3516 = arith.cmpi eq, %shift_right_logical3A_1874, %eq3A_3515 : vector<16xi32>
      %scatter3A_3517 = arith.constant 0 : i32
      %scatter3A_3518 = arith.constant 0 : i32
      %scatter3A_3519 = arith.constant 0 : i32
      %scatter3A_3520 = tpu.memref_slice %arg6[%scatter3A_3517, %scatter3A_3518, %scatter3A_3519] : memref<2x128x128xf32, #tpu.memory_space<vmem>> -> memref<1x128x128xf32, #tpu.memory_space<vmem>>
      %scatter3A_3521 = tpu.memref_squeeze %scatter3A_3520 : memref<1x128x128xf32, #tpu.memory_space<vmem>> -> memref<128x128xf32, #tpu.memory_space<vmem>>
      tpu.vector_store_idx %scatter3A_3521[%and3A_1877, %add3A_3513], %broadcast_in_dim3A_1 masked %eq3A_3516 : memref<128x128xf32, #tpu.memory_space<vmem>>[vector<16xi32>, vector<16xi32>], vector<16xf32>, vector<16xi1>
      %iota3A_3522 = tpu.iota {dimensions = array<i32: 0>} : vector<16xi32>
      %add3A_3523 = arith.constant 48 : i32
      %add3A_3524 = vector.broadcast %add3A_3523 : i32 to vector<16xi32>
      %add3A_3525 = arith.addi %iota3A_3522, %add3A_3524 : vector<16xi32>
      %eq3A_3526 = arith.constant 4 : i32
      %eq3A_3527 = vector.broadcast %eq3A_3526 : i32 to vector<16xi32>
      %eq3A_3528 = arith.cmpi eq, %shift_right_logical3A_1890, %eq3A_3527 : vector<16xi32>
      %scatter3A_3529 = arith.constant 0 : i32
      %scatter3A_3530 = arith.constant 0 : i32
      %scatter3A_3531 = arith.constant 0 : i32
      %scatter3A_3532 = tpu.memref_slice %arg6[%scatter3A_3529, %scatter3A_3530, %scatter3A_3531] : memref<2x128x128xf32, #tpu.memory_space<vmem>> -> memref<1x128x128xf32, #tpu.memory_space<vmem>>
      %scatter3A_3533 = tpu.memref_squeeze %scatter3A_3532 : memref<1x128x128xf32, #tpu.memory_space<vmem>> -> memref<128x128xf32, #tpu.memory_space<vmem>>
      tpu.vector_store_idx %scatter3A_3533[%and3A_1893, %add3A_3525], %broadcast_in_dim3A_1 masked %eq3A_3528 : memref<128x128xf32, #tpu.memory_space<vmem>>[vector<16xi32>, vector<16xi32>], vector<16xf32>, vector<16xi1>
      %iota3A_3534 = tpu.iota {dimensions = array<i32: 0>} : vector<16xi32>
      %add3A_3535 = arith.constant 64 : i32
      %add3A_3536 = vector.broadcast %add3A_3535 : i32 to vector<16xi32>
      %add3A_3537 = arith.addi %iota3A_3534, %add3A_3536 : vector<16xi32>
      %eq3A_3538 = arith.constant 4 : i32
      %eq3A_3539 = vector.broadcast %eq3A_3538 : i32 to vector<16xi32>
      %eq3A_3540 = arith.cmpi eq, %shift_right_logical3A_1906, %eq3A_3539 : vector<16xi32>
      %scatter3A_3541 = arith.constant 0 : i32
      %scatter3A_3542 = arith.constant 0 : i32
      %scatter3A_3543 = arith.constant 0 : i32
      %scatter3A_3544 = tpu.memref_slice %arg6[%scatter3A_3541, %scatter3A_3542, %scatter3A_3543] : memref<2x128x128xf32, #tpu.memory_space<vmem>> -> memref<1x128x128xf32, #tpu.memory_space<vmem>>
      %scatter3A_3545 = tpu.memref_squeeze %scatter3A_3544 : memref<1x128x128xf32, #tpu.memory_space<vmem>> -> memref<128x128xf32, #tpu.memory_space<vmem>>
      tpu.vector_store_idx %scatter3A_3545[%and3A_1909, %add3A_3537], %broadcast_in_dim3A_1 masked %eq3A_3540 : memref<128x128xf32, #tpu.memory_space<vmem>>[vector<16xi32>, vector<16xi32>], vector<16xf32>, vector<16xi1>
      %iota3A_3546 = tpu.iota {dimensions = array<i32: 0>} : vector<16xi32>
      %add3A_3547 = arith.constant 80 : i32
      %add3A_3548 = vector.broadcast %add3A_3547 : i32 to vector<16xi32>
      %add3A_3549 = arith.addi %iota3A_3546, %add3A_3548 : vector<16xi32>
      %eq3A_3550 = arith.constant 4 : i32
      %eq3A_3551 = vector.broadcast %eq3A_3550 : i32 to vector<16xi32>
      %eq3A_3552 = arith.cmpi eq, %shift_right_logical3A_1922, %eq3A_3551 : vector<16xi32>
      %scatter3A_3553 = arith.constant 0 : i32
      %scatter3A_3554 = arith.constant 0 : i32
      %scatter3A_3555 = arith.constant 0 : i32
      %scatter3A_3556 = tpu.memref_slice %arg6[%scatter3A_3553, %scatter3A_3554, %scatter3A_3555] : memref<2x128x128xf32, #tpu.memory_space<vmem>> -> memref<1x128x128xf32, #tpu.memory_space<vmem>>
      %scatter3A_3557 = tpu.memref_squeeze %scatter3A_3556 : memref<1x128x128xf32, #tpu.memory_space<vmem>> -> memref<128x128xf32, #tpu.memory_space<vmem>>
      tpu.vector_store_idx %scatter3A_3557[%and3A_1925, %add3A_3549], %broadcast_in_dim3A_1 masked %eq3A_3552 : memref<128x128xf32, #tpu.memory_space<vmem>>[vector<16xi32>, vector<16xi32>], vector<16xf32>, vector<16xi1>
      %iota3A_3558 = tpu.iota {dimensions = array<i32: 0>} : vector<16xi32>
      %add3A_3559 = arith.constant 96 : i32
      %add3A_3560 = vector.broadcast %add3A_3559 : i32 to vector<16xi32>
      %add3A_3561 = arith.addi %iota3A_3558, %add3A_3560 : vector<16xi32>
      %eq3A_3562 = arith.constant 4 : i32
      %eq3A_3563 = vector.broadcast %eq3A_3562 : i32 to vector<16xi32>
      %eq3A_3564 = arith.cmpi eq, %shift_right_logical3A_1938, %eq3A_3563 : vector<16xi32>
      %scatter3A_3565 = arith.constant 0 : i32
      %scatter3A_3566 = arith.constant 0 : i32
      %scatter3A_3567 = arith.constant 0 : i32
      %scatter3A_3568 = tpu.memref_slice %arg6[%scatter3A_3565, %scatter3A_3566, %scatter3A_3567] : memref<2x128x128xf32, #tpu.memory_space<vmem>> -> memref<1x128x128xf32, #tpu.memory_space<vmem>>
      %scatter3A_3569 = tpu.memref_squeeze %scatter3A_3568 : memref<1x128x128xf32, #tpu.memory_space<vmem>> -> memref<128x128xf32, #tpu.memory_space<vmem>>
      tpu.vector_store_idx %scatter3A_3569[%and3A_1941, %add3A_3561], %broadcast_in_dim3A_1 masked %eq3A_3564 : memref<128x128xf32, #tpu.memory_space<vmem>>[vector<16xi32>, vector<16xi32>], vector<16xf32>, vector<16xi1>
      %iota3A_3570 = tpu.iota {dimensions = array<i32: 0>} : vector<16xi32>
      %add3A_3571 = arith.constant 112 : i32
      %add3A_3572 = vector.broadcast %add3A_3571 : i32 to vector<16xi32>
      %add3A_3573 = arith.addi %iota3A_3570, %add3A_3572 : vector<16xi32>
      %eq3A_3574 = arith.constant 4 : i32
      %eq3A_3575 = vector.broadcast %eq3A_3574 : i32 to vector<16xi32>
      %eq3A_3576 = arith.cmpi eq, %shift_right_logical3A_1954, %eq3A_3575 : vector<16xi32>
      %scatter3A_3577 = arith.constant 0 : i32
      %scatter3A_3578 = arith.constant 0 : i32
      %scatter3A_3579 = arith.constant 0 : i32
      %scatter3A_3580 = tpu.memref_slice %arg6[%scatter3A_3577, %scatter3A_3578, %scatter3A_3579] : memref<2x128x128xf32, #tpu.memory_space<vmem>> -> memref<1x128x128xf32, #tpu.memory_space<vmem>>
      %scatter3A_3581 = tpu.memref_squeeze %scatter3A_3580 : memref<1x128x128xf32, #tpu.memory_space<vmem>> -> memref<128x128xf32, #tpu.memory_space<vmem>>
      tpu.vector_store_idx %scatter3A_3581[%and3A_1957, %add3A_3573], %broadcast_in_dim3A_1 masked %eq3A_3576 : memref<128x128xf32, #tpu.memory_space<vmem>>[vector<16xi32>, vector<16xi32>], vector<16xf32>, vector<16xi1>
      %iota3A_3582 = tpu.iota {dimensions = array<i32: 0>} : vector<16xi32>
      %add3A_3583 = arith.constant 0 : i32
      %add3A_3584 = vector.broadcast %add3A_3583 : i32 to vector<16xi32>
      %add3A_3585 = arith.addi %iota3A_3582, %add3A_3584 : vector<16xi32>
      %eq3A_3586 = arith.constant 6 : i32
      %eq3A_3587 = vector.broadcast %eq3A_3586 : i32 to vector<16xi32>
      %eq3A_3588 = arith.cmpi eq, %shift_right_logical3A_1842, %eq3A_3587 : vector<16xi32>
      %scatter3A_3589 = arith.constant 0 : i32
      %scatter3A_3590 = arith.constant 0 : i32
      %scatter3A_3591 = arith.constant 0 : i32
      %scatter3A_3592 = tpu.memref_slice %arg6[%scatter3A_3589, %scatter3A_3590, %scatter3A_3591] : memref<2x128x128xf32, #tpu.memory_space<vmem>> -> memref<1x128x128xf32, #tpu.memory_space<vmem>>
      %scatter3A_3593 = tpu.memref_squeeze %scatter3A_3592 : memref<1x128x128xf32, #tpu.memory_space<vmem>> -> memref<128x128xf32, #tpu.memory_space<vmem>>
      tpu.vector_store_idx %scatter3A_3593[%and3A_1845, %add3A_3585], %broadcast_in_dim3A_3 masked %eq3A_3588 : memref<128x128xf32, #tpu.memory_space<vmem>>[vector<16xi32>, vector<16xi32>], vector<16xf32>, vector<16xi1>
      %iota3A_3594 = tpu.iota {dimensions = array<i32: 0>} : vector<16xi32>
      %add3A_3595 = arith.constant 16 : i32
      %add3A_3596 = vector.broadcast %add3A_3595 : i32 to vector<16xi32>
      %add3A_3597 = arith.addi %iota3A_3594, %add3A_3596 : vector<16xi32>
      %eq3A_3598 = arith.constant 6 : i32
      %eq3A_3599 = vector.broadcast %eq3A_3598 : i32 to vector<16xi32>
      %eq3A_3600 = arith.cmpi eq, %shift_right_logical3A_1858, %eq3A_3599 : vector<16xi32>
      %scatter3A_3601 = arith.constant 0 : i32
      %scatter3A_3602 = arith.constant 0 : i32
      %scatter3A_3603 = arith.constant 0 : i32
      %scatter3A_3604 = tpu.memref_slice %arg6[%scatter3A_3601, %scatter3A_3602, %scatter3A_3603] : memref<2x128x128xf32, #tpu.memory_space<vmem>> -> memref<1x128x128xf32, #tpu.memory_space<vmem>>
      %scatter3A_3605 = tpu.memref_squeeze %scatter3A_3604 : memref<1x128x128xf32, #tpu.memory_space<vmem>> -> memref<128x128xf32, #tpu.memory_space<vmem>>
      tpu.vector_store_idx %scatter3A_3605[%and3A_1861, %add3A_3597], %broadcast_in_dim3A_3 masked %eq3A_3600 : memref<128x128xf32, #tpu.memory_space<vmem>>[vector<16xi32>, vector<16xi32>], vector<16xf32>, vector<16xi1>
      %iota3A_3606 = tpu.iota {dimensions = array<i32: 0>} : vector<16xi32>
      %add3A_3607 = arith.constant 32 : i32
      %add3A_3608 = vector.broadcast %add3A_3607 : i32 to vector<16xi32>
      %add3A_3609 = arith.addi %iota3A_3606, %add3A_3608 : vector<16xi32>
      %eq3A_3610 = arith.constant 6 : i32
      %eq3A_3611 = vector.broadcast %eq3A_3610 : i32 to vector<16xi32>
      %eq3A_3612 = arith.cmpi eq, %shift_right_logical3A_1874, %eq3A_3611 : vector<16xi32>
      %scatter3A_3613 = arith.constant 0 : i32
      %scatter3A_3614 = arith.constant 0 : i32
      %scatter3A_3615 = arith.constant 0 : i32
      %scatter3A_3616 = tpu.memref_slice %arg6[%scatter3A_3613, %scatter3A_3614, %scatter3A_3615] : memref<2x128x128xf32, #tpu.memory_space<vmem>> -> memref<1x128x128xf32, #tpu.memory_space<vmem>>
      %scatter3A_3617 = tpu.memref_squeeze %scatter3A_3616 : memref<1x128x128xf32, #tpu.memory_space<vmem>> -> memref<128x128xf32, #tpu.memory_space<vmem>>
      tpu.vector_store_idx %scatter3A_3617[%and3A_1877, %add3A_3609], %broadcast_in_dim3A_3 masked %eq3A_3612 : memref<128x128xf32, #tpu.memory_space<vmem>>[vector<16xi32>, vector<16xi32>], vector<16xf32>, vector<16xi1>
      %iota3A_3618 = tpu.iota {dimensions = array<i32: 0>} : vector<16xi32>
      %add3A_3619 = arith.constant 48 : i32
      %add3A_3620 = vector.broadcast %add3A_3619 : i32 to vector<16xi32>
      %add3A_3621 = arith.addi %iota3A_3618, %add3A_3620 : vector<16xi32>
      %eq3A_3622 = arith.constant 6 : i32
      %eq3A_3623 = vector.broadcast %eq3A_3622 : i32 to vector<16xi32>
      %eq3A_3624 = arith.cmpi eq, %shift_right_logical3A_1890, %eq3A_3623 : vector<16xi32>
      %scatter3A_3625 = arith.constant 0 : i32
      %scatter3A_3626 = arith.constant 0 : i32
      %scatter3A_3627 = arith.constant 0 : i32
      %scatter3A_3628 = tpu.memref_slice %arg6[%scatter3A_3625, %scatter3A_3626, %scatter3A_3627] : memref<2x128x128xf32, #tpu.memory_space<vmem>> -> memref<1x128x128xf32, #tpu.memory_space<vmem>>
      %scatter3A_3629 = tpu.memref_squeeze %scatter3A_3628 : memref<1x128x128xf32, #tpu.memory_space<vmem>> -> memref<128x128xf32, #tpu.memory_space<vmem>>
      tpu.vector_store_idx %scatter3A_3629[%and3A_1893, %add3A_3621], %broadcast_in_dim3A_3 masked %eq3A_3624 : memref<128x128xf32, #tpu.memory_space<vmem>>[vector<16xi32>, vector<16xi32>], vector<16xf32>, vector<16xi1>
      %iota3A_3630 = tpu.iota {dimensions = array<i32: 0>} : vector<16xi32>
      %add3A_3631 = arith.constant 64 : i32
      %add3A_3632 = vector.broadcast %add3A_3631 : i32 to vector<16xi32>
      %add3A_3633 = arith.addi %iota3A_3630, %add3A_3632 : vector<16xi32>
      %eq3A_3634 = arith.constant 6 : i32
      %eq3A_3635 = vector.broadcast %eq3A_3634 : i32 to vector<16xi32>
      %eq3A_3636 = arith.cmpi eq, %shift_right_logical3A_1906, %eq3A_3635 : vector<16xi32>
      %scatter3A_3637 = arith.constant 0 : i32
      %scatter3A_3638 = arith.constant 0 : i32
      %scatter3A_3639 = arith.constant 0 : i32
      %scatter3A_3640 = tpu.memref_slice %arg6[%scatter3A_3637, %scatter3A_3638, %scatter3A_3639] : memref<2x128x128xf32, #tpu.memory_space<vmem>> -> memref<1x128x128xf32, #tpu.memory_space<vmem>>
      %scatter3A_3641 = tpu.memref_squeeze %scatter3A_3640 : memref<1x128x128xf32, #tpu.memory_space<vmem>> -> memref<128x128xf32, #tpu.memory_space<vmem>>
      tpu.vector_store_idx %scatter3A_3641[%and3A_1909, %add3A_3633], %broadcast_in_dim3A_3 masked %eq3A_3636 : memref<128x128xf32, #tpu.memory_space<vmem>>[vector<16xi32>, vector<16xi32>], vector<16xf32>, vector<16xi1>
      %iota3A_3642 = tpu.iota {dimensions = array<i32: 0>} : vector<16xi32>
      %add3A_3643 = arith.constant 80 : i32
      %add3A_3644 = vector.broadcast %add3A_3643 : i32 to vector<16xi32>
      %add3A_3645 = arith.addi %iota3A_3642, %add3A_3644 : vector<16xi32>
      %eq3A_3646 = arith.constant 6 : i32
      %eq3A_3647 = vector.broadcast %eq3A_3646 : i32 to vector<16xi32>
      %eq3A_3648 = arith.cmpi eq, %shift_right_logical3A_1922, %eq3A_3647 : vector<16xi32>
      %scatter3A_3649 = arith.constant 0 : i32
      %scatter3A_3650 = arith.constant 0 : i32
      %scatter3A_3651 = arith.constant 0 : i32
      %scatter3A_3652 = tpu.memref_slice %arg6[%scatter3A_3649, %scatter3A_3650, %scatter3A_3651] : memref<2x128x128xf32, #tpu.memory_space<vmem>> -> memref<1x128x128xf32, #tpu.memory_space<vmem>>
      %scatter3A_3653 = tpu.memref_squeeze %scatter3A_3652 : memref<1x128x128xf32, #tpu.memory_space<vmem>> -> memref<128x128xf32, #tpu.memory_space<vmem>>
      tpu.vector_store_idx %scatter3A_3653[%and3A_1925, %add3A_3645], %broadcast_in_dim3A_3 masked %eq3A_3648 : memref<128x128xf32, #tpu.memory_space<vmem>>[vector<16xi32>, vector<16xi32>], vector<16xf32>, vector<16xi1>
      %iota3A_3654 = tpu.iota {dimensions = array<i32: 0>} : vector<16xi32>
      %add3A_3655 = arith.constant 96 : i32
      %add3A_3656 = vector.broadcast %add3A_3655 : i32 to vector<16xi32>
      %add3A_3657 = arith.addi %iota3A_3654, %add3A_3656 : vector<16xi32>
      %eq3A_3658 = arith.constant 6 : i32
      %eq3A_3659 = vector.broadcast %eq3A_3658 : i32 to vector<16xi32>
      %eq3A_3660 = arith.cmpi eq, %shift_right_logical3A_1938, %eq3A_3659 : vector<16xi32>
      %scatter3A_3661 = arith.constant 0 : i32
      %scatter3A_3662 = arith.constant 0 : i32
      %scatter3A_3663 = arith.constant 0 : i32
      %scatter3A_3664 = tpu.memref_slice %arg6[%scatter3A_3661, %scatter3A_3662, %scatter3A_3663] : memref<2x128x128xf32, #tpu.memory_space<vmem>> -> memref<1x128x128xf32, #tpu.memory_space<vmem>>
      %scatter3A_3665 = tpu.memref_squeeze %scatter3A_3664 : memref<1x128x128xf32, #tpu.memory_space<vmem>> -> memref<128x128xf32, #tpu.memory_space<vmem>>
      tpu.vector_store_idx %scatter3A_3665[%and3A_1941, %add3A_3657], %broadcast_in_dim3A_3 masked %eq3A_3660 : memref<128x128xf32, #tpu.memory_space<vmem>>[vector<16xi32>, vector<16xi32>], vector<16xf32>, vector<16xi1>
      %iota3A_3666 = tpu.iota {dimensions = array<i32: 0>} : vector<16xi32>
      %add3A_3667 = arith.constant 112 : i32
      %add3A_3668 = vector.broadcast %add3A_3667 : i32 to vector<16xi32>
      %add3A_3669 = arith.addi %iota3A_3666, %add3A_3668 : vector<16xi32>
      %eq3A_3670 = arith.constant 6 : i32
      %eq3A_3671 = vector.broadcast %eq3A_3670 : i32 to vector<16xi32>
      %eq3A_3672 = arith.cmpi eq, %shift_right_logical3A_1954, %eq3A_3671 : vector<16xi32>
      %scatter3A_3673 = arith.constant 0 : i32
      %scatter3A_3674 = arith.constant 0 : i32
      %scatter3A_3675 = arith.constant 0 : i32
      %scatter3A_3676 = tpu.memref_slice %arg6[%scatter3A_3673, %scatter3A_3674, %scatter3A_3675] : memref<2x128x128xf32, #tpu.memory_space<vmem>> -> memref<1x128x128xf32, #tpu.memory_space<vmem>>
      %scatter3A_3677 = tpu.memref_squeeze %scatter3A_3676 : memref<1x128x128xf32, #tpu.memory_space<vmem>> -> memref<128x128xf32, #tpu.memory_space<vmem>>
      tpu.vector_store_idx %scatter3A_3677[%and3A_1957, %add3A_3669], %broadcast_in_dim3A_3 masked %eq3A_3672 : memref<128x128xf32, #tpu.memory_space<vmem>>[vector<16xi32>, vector<16xi32>], vector<16xf32>, vector<16xi1>
      %dma_start3A_3678 = arith.constant 0 : i32
      %dma_start3A_3679 = arith.constant 0 : i32
      %dma_start3A_3680 = arith.constant 0 : i32
      %dma_start3A_3681 = tpu.memref_slice %arg6[%dma_start3A_3678, %dma_start3A_3679, %dma_start3A_3680] : memref<2x128x128xf32, #tpu.memory_space<vmem>> -> memref<1x128x128xf32, #tpu.memory_space<vmem>>
      %dma_start3A_3682 = tpu.memref_squeeze %dma_start3A_3681 : memref<1x128x128xf32, #tpu.memory_space<vmem>> -> memref<128x128xf32, #tpu.memory_space<vmem>>
      %dma_start3A_3683 = arith.constant 768 : i32
      %dma_start3A_3684 = tpu.memref_slice %arg3[%dma_start3A_3683, %add3A_1800] : memref<1128x16384xf32, #tpu.memory_space<hbm>> -> memref<128x128xf32, #tpu.memory_space<hbm>>
      %dma_start3A_3685 = arith.constant 768 : i32
      %dma_start3A_3686 = tpu.memref_slice %arg3[%dma_start3A_3685, %add3A_1800] : memref<1128x16384xf32, #tpu.memory_space<hbm>> -> memref<128x128xf32, #tpu.memory_space<hbm>>
      %dma_start3A_3687 = arith.constant 0 : i32
      %dma_start3A_3688 = arith.constant 0 : i32
      %dma_start3A_3689 = tpu.memref_slice %arg6[%dma_start3A_3678, %dma_start3A_3687, %dma_start3A_3688] : memref<2x128x128xf32, #tpu.memory_space<vmem>> -> memref<1x128x128xf32, #tpu.memory_space<vmem>>
      %dma_start3A_3690 = tpu.memref_squeeze %dma_start3A_3689 : memref<1x128x128xf32, #tpu.memory_space<vmem>> -> memref<128x128xf32, #tpu.memory_space<vmem>>
      tpu.enqueue_dma source(%dma_start3A_3690 : memref<128x128xf32, #tpu.memory_space<vmem>>) target(%dma_start3A_3686 : memref<128x128xf32, #tpu.memory_space<hbm>>) target_semaphore(%arg8 : memref<!tpu.dma_semaphore, #tpu.memory_space<semaphore_mem>>)
      %iota3A_3691 = tpu.iota {dimensions = array<i32: 0>} : vector<16xi32>
      %add3A_3692 = arith.constant 0 : i32
      %add3A_3693 = vector.broadcast %add3A_3692 : i32 to vector<16xi32>
      %add3A_3694 = arith.addi %iota3A_3691, %add3A_3693 : vector<16xi32>
      %eq3A_3695 = arith.constant 7 : i32
      %eq3A_3696 = vector.broadcast %eq3A_3695 : i32 to vector<16xi32>
      %eq3A_3697 = arith.cmpi eq, %shift_right_logical3A_1842, %eq3A_3696 : vector<16xi32>
      %scatter3A_3698 = arith.constant 0 : i32
      %scatter3A_3699 = arith.constant 0 : i32
      %scatter3A_3700 = tpu.memref_slice %arg7[%scatter3A_3698, %scatter3A_3699] : memref<232x128xf32, #tpu.memory_space<vmem>> -> memref<104x128xf32, #tpu.memory_space<vmem>>
      tpu.vector_store_idx %scatter3A_3700[%and3A_1845, %add3A_3694], %broadcast_in_dim3A_3 masked %eq3A_3697 : memref<104x128xf32, #tpu.memory_space<vmem>>[vector<16xi32>, vector<16xi32>], vector<16xf32>, vector<16xi1>
      %iota3A_3701 = tpu.iota {dimensions = array<i32: 0>} : vector<16xi32>
      %add3A_3702 = arith.constant 16 : i32
      %add3A_3703 = vector.broadcast %add3A_3702 : i32 to vector<16xi32>
      %add3A_3704 = arith.addi %iota3A_3701, %add3A_3703 : vector<16xi32>
      %eq3A_3705 = arith.constant 7 : i32
      %eq3A_3706 = vector.broadcast %eq3A_3705 : i32 to vector<16xi32>
      %eq3A_3707 = arith.cmpi eq, %shift_right_logical3A_1858, %eq3A_3706 : vector<16xi32>
      %scatter3A_3708 = arith.constant 0 : i32
      %scatter3A_3709 = arith.constant 0 : i32
      %scatter3A_3710 = tpu.memref_slice %arg7[%scatter3A_3708, %scatter3A_3709] : memref<232x128xf32, #tpu.memory_space<vmem>> -> memref<104x128xf32, #tpu.memory_space<vmem>>
      tpu.vector_store_idx %scatter3A_3710[%and3A_1861, %add3A_3704], %broadcast_in_dim3A_3 masked %eq3A_3707 : memref<104x128xf32, #tpu.memory_space<vmem>>[vector<16xi32>, vector<16xi32>], vector<16xf32>, vector<16xi1>
      %iota3A_3711 = tpu.iota {dimensions = array<i32: 0>} : vector<16xi32>
      %add3A_3712 = arith.constant 32 : i32
      %add3A_3713 = vector.broadcast %add3A_3712 : i32 to vector<16xi32>
      %add3A_3714 = arith.addi %iota3A_3711, %add3A_3713 : vector<16xi32>
      %eq3A_3715 = arith.constant 7 : i32
      %eq3A_3716 = vector.broadcast %eq3A_3715 : i32 to vector<16xi32>
      %eq3A_3717 = arith.cmpi eq, %shift_right_logical3A_1874, %eq3A_3716 : vector<16xi32>
      %scatter3A_3718 = arith.constant 0 : i32
      %scatter3A_3719 = arith.constant 0 : i32
      %scatter3A_3720 = tpu.memref_slice %arg7[%scatter3A_3718, %scatter3A_3719] : memref<232x128xf32, #tpu.memory_space<vmem>> -> memref<104x128xf32, #tpu.memory_space<vmem>>
      tpu.vector_store_idx %scatter3A_3720[%and3A_1877, %add3A_3714], %broadcast_in_dim3A_3 masked %eq3A_3717 : memref<104x128xf32, #tpu.memory_space<vmem>>[vector<16xi32>, vector<16xi32>], vector<16xf32>, vector<16xi1>
      %iota3A_3721 = tpu.iota {dimensions = array<i32: 0>} : vector<16xi32>
      %add3A_3722 = arith.constant 48 : i32
      %add3A_3723 = vector.broadcast %add3A_3722 : i32 to vector<16xi32>
      %add3A_3724 = arith.addi %iota3A_3721, %add3A_3723 : vector<16xi32>
      %eq3A_3725 = arith.constant 7 : i32
      %eq3A_3726 = vector.broadcast %eq3A_3725 : i32 to vector<16xi32>
      %eq3A_3727 = arith.cmpi eq, %shift_right_logical3A_1890, %eq3A_3726 : vector<16xi32>
      %scatter3A_3728 = arith.constant 0 : i32
      %scatter3A_3729 = arith.constant 0 : i32
      %scatter3A_3730 = tpu.memref_slice %arg7[%scatter3A_3728, %scatter3A_3729] : memref<232x128xf32, #tpu.memory_space<vmem>> -> memref<104x128xf32, #tpu.memory_space<vmem>>
      tpu.vector_store_idx %scatter3A_3730[%and3A_1893, %add3A_3724], %broadcast_in_dim3A_3 masked %eq3A_3727 : memref<104x128xf32, #tpu.memory_space<vmem>>[vector<16xi32>, vector<16xi32>], vector<16xf32>, vector<16xi1>
      %iota3A_3731 = tpu.iota {dimensions = array<i32: 0>} : vector<16xi32>
      %add3A_3732 = arith.constant 64 : i32
      %add3A_3733 = vector.broadcast %add3A_3732 : i32 to vector<16xi32>
      %add3A_3734 = arith.addi %iota3A_3731, %add3A_3733 : vector<16xi32>
      %eq3A_3735 = arith.constant 7 : i32
      %eq3A_3736 = vector.broadcast %eq3A_3735 : i32 to vector<16xi32>
      %eq3A_3737 = arith.cmpi eq, %shift_right_logical3A_1906, %eq3A_3736 : vector<16xi32>
      %scatter3A_3738 = arith.constant 0 : i32
      %scatter3A_3739 = arith.constant 0 : i32
      %scatter3A_3740 = tpu.memref_slice %arg7[%scatter3A_3738, %scatter3A_3739] : memref<232x128xf32, #tpu.memory_space<vmem>> -> memref<104x128xf32, #tpu.memory_space<vmem>>
      tpu.vector_store_idx %scatter3A_3740[%and3A_1909, %add3A_3734], %broadcast_in_dim3A_3 masked %eq3A_3737 : memref<104x128xf32, #tpu.memory_space<vmem>>[vector<16xi32>, vector<16xi32>], vector<16xf32>, vector<16xi1>
      %iota3A_3741 = tpu.iota {dimensions = array<i32: 0>} : vector<16xi32>
      %add3A_3742 = arith.constant 80 : i32
      %add3A_3743 = vector.broadcast %add3A_3742 : i32 to vector<16xi32>
      %add3A_3744 = arith.addi %iota3A_3741, %add3A_3743 : vector<16xi32>
      %eq3A_3745 = arith.constant 7 : i32
      %eq3A_3746 = vector.broadcast %eq3A_3745 : i32 to vector<16xi32>
      %eq3A_3747 = arith.cmpi eq, %shift_right_logical3A_1922, %eq3A_3746 : vector<16xi32>
      %scatter3A_3748 = arith.constant 0 : i32
      %scatter3A_3749 = arith.constant 0 : i32
      %scatter3A_3750 = tpu.memref_slice %arg7[%scatter3A_3748, %scatter3A_3749] : memref<232x128xf32, #tpu.memory_space<vmem>> -> memref<104x128xf32, #tpu.memory_space<vmem>>
      tpu.vector_store_idx %scatter3A_3750[%and3A_1925, %add3A_3744], %broadcast_in_dim3A_3 masked %eq3A_3747 : memref<104x128xf32, #tpu.memory_space<vmem>>[vector<16xi32>, vector<16xi32>], vector<16xf32>, vector<16xi1>
      %iota3A_3751 = tpu.iota {dimensions = array<i32: 0>} : vector<16xi32>
      %add3A_3752 = arith.constant 96 : i32
      %add3A_3753 = vector.broadcast %add3A_3752 : i32 to vector<16xi32>
      %add3A_3754 = arith.addi %iota3A_3751, %add3A_3753 : vector<16xi32>
      %eq3A_3755 = arith.constant 7 : i32
      %eq3A_3756 = vector.broadcast %eq3A_3755 : i32 to vector<16xi32>
      %eq3A_3757 = arith.cmpi eq, %shift_right_logical3A_1938, %eq3A_3756 : vector<16xi32>
      %scatter3A_3758 = arith.constant 0 : i32
      %scatter3A_3759 = arith.constant 0 : i32
      %scatter3A_3760 = tpu.memref_slice %arg7[%scatter3A_3758, %scatter3A_3759] : memref<232x128xf32, #tpu.memory_space<vmem>> -> memref<104x128xf32, #tpu.memory_space<vmem>>
      tpu.vector_store_idx %scatter3A_3760[%and3A_1941, %add3A_3754], %broadcast_in_dim3A_3 masked %eq3A_3757 : memref<104x128xf32, #tpu.memory_space<vmem>>[vector<16xi32>, vector<16xi32>], vector<16xf32>, vector<16xi1>
      %iota3A_3761 = tpu.iota {dimensions = array<i32: 0>} : vector<16xi32>
      %add3A_3762 = arith.constant 112 : i32
      %add3A_3763 = vector.broadcast %add3A_3762 : i32 to vector<16xi32>
      %add3A_3764 = arith.addi %iota3A_3761, %add3A_3763 : vector<16xi32>
      %eq3A_3765 = arith.constant 7 : i32
      %eq3A_3766 = vector.broadcast %eq3A_3765 : i32 to vector<16xi32>
      %eq3A_3767 = arith.cmpi eq, %shift_right_logical3A_1954, %eq3A_3766 : vector<16xi32>
      %scatter3A_3768 = arith.constant 0 : i32
      %scatter3A_3769 = arith.constant 0 : i32
      %scatter3A_3770 = tpu.memref_slice %arg7[%scatter3A_3768, %scatter3A_3769] : memref<232x128xf32, #tpu.memory_space<vmem>> -> memref<104x128xf32, #tpu.memory_space<vmem>>
      tpu.vector_store_idx %scatter3A_3770[%and3A_1957, %add3A_3764], %broadcast_in_dim3A_3 masked %eq3A_3767 : memref<104x128xf32, #tpu.memory_space<vmem>>[vector<16xi32>, vector<16xi32>], vector<16xf32>, vector<16xi1>
      %dma_start3A_3771 = arith.constant 896 : i32
      %dma_start3A_3772 = tpu.memref_slice %arg3[%dma_start3A_3771, %add3A_1800] : memref<1128x16384xf32, #tpu.memory_space<hbm>> -> memref<232x128xf32, #tpu.memory_space<hbm>>
      %dma_start3A_3773 = arith.constant 896 : i32
      %dma_start3A_3774 = tpu.memref_slice %arg3[%dma_start3A_3773, %add3A_1800] : memref<1128x16384xf32, #tpu.memory_space<hbm>> -> memref<232x128xf32, #tpu.memory_space<hbm>>
      tpu.enqueue_dma source(%arg7 : memref<232x128xf32, #tpu.memory_space<vmem>>) target(%dma_start3A_3774 : memref<232x128xf32, #tpu.memory_space<hbm>>) target_semaphore(%arg10 : memref<!tpu.dma_semaphore, #tpu.memory_space<semaphore_mem>>)
      scf.yield %shift_right_logical3A_1842, %shift_right_logical3A_1858, %shift_right_logical3A_1874, %shift_right_logical3A_1890, %shift_right_logical3A_1906, %shift_right_logical3A_1922, %shift_right_logical3A_1938, %shift_right_logical3A_1954, %and3A_1845, %and3A_1861, %and3A_1877, %and3A_1893, %and3A_1909, %and3A_1925, %and3A_1941, %and3A_1957 : vector<16xi32>, vector<16xi32>, vector<16xi32>, vector<16xi32>, vector<16xi32>, vector<16xi32>, vector<16xi32>, vector<16xi32>, vector<16xi32>, vector<16xi32>, vector<16xi32>, vector<16xi32>, vector<16xi32>, vector<16xi32>, vector<16xi32>, vector<16xi32>
    }
    %scan3A_79 = arith.constant 2 : i32
    %add3A_80 = arith.constant 384 : i32
    %add3A_81 = arith.addi %mul3A_7, %add3A_80 : i32
    %dma_wait3A = arith.constant 0 : i32
    %dma_wait3A_82 = arith.constant 0 : i32
    %dma_wait3A_83 = arith.constant 0 : i32
    %dma_wait3A_84 = tpu.memref_slice %arg6[%dma_wait3A, %dma_wait3A_82, %dma_wait3A_83] : memref<2x128x128xf32, #tpu.memory_space<vmem>> -> memref<1x128x128xf32, #tpu.memory_space<vmem>>
    %dma_wait3A_85 = tpu.memref_squeeze %dma_wait3A_84 : memref<1x128x128xf32, #tpu.memory_space<vmem>> -> memref<128x128xf32, #tpu.memory_space<vmem>>
    %dma_wait3A_86 = arith.constant 768 : i32
    %dma_wait3A_87 = tpu.memref_slice %arg3[%dma_wait3A_86, %add3A_81] : memref<1128x16384xf32, #tpu.memory_space<hbm>> -> memref<128x128xf32, #tpu.memory_space<hbm>>
    %dma_wait3A_88 = arith.constant 768 : i32
    %dma_wait3A_89 = tpu.memref_slice %arg3[%dma_wait3A_88, %add3A_81] : memref<1128x16384xf32, #tpu.memory_space<hbm>> -> memref<128x128xf32, #tpu.memory_space<hbm>>
    %dma_wait3A_90 = arith.constant 0 : i32
    %dma_wait3A_91 = arith.constant 0 : i32
    %dma_wait3A_92 = tpu.memref_slice %arg6[%dma_wait3A, %dma_wait3A_90, %dma_wait3A_91] : memref<2x128x128xf32, #tpu.memory_space<vmem>> -> memref<1x128x128xf32, #tpu.memory_space<vmem>>
    %dma_wait3A_93 = tpu.memref_squeeze %dma_wait3A_92 : memref<1x128x128xf32, #tpu.memory_space<vmem>> -> memref<128x128xf32, #tpu.memory_space<vmem>>
    tpu.wait_dma2 semaphore(%arg8 : memref<!tpu.dma_semaphore, #tpu.memory_space<semaphore_mem>>) src(%dma_wait3A_93 : memref<128x128xf32, #tpu.memory_space<vmem>>) dst(%dma_wait3A_89 : memref<128x128xf32, #tpu.memory_space<hbm>>)
    %dma_wait3A_94 = arith.constant 1 : i32
    %dma_wait3A_95 = arith.constant 0 : i32
    %dma_wait3A_96 = arith.constant 0 : i32
    %dma_wait3A_97 = tpu.memref_slice %arg6[%dma_wait3A_94, %dma_wait3A_95, %dma_wait3A_96] : memref<2x128x128xf32, #tpu.memory_space<vmem>> -> memref<1x128x128xf32, #tpu.memory_space<vmem>>
    %dma_wait3A_98 = tpu.memref_squeeze %dma_wait3A_97 : memref<1x128x128xf32, #tpu.memory_space<vmem>> -> memref<128x128xf32, #tpu.memory_space<vmem>>
    %dma_wait3A_99 = arith.constant 640 : i32
    %dma_wait3A_100 = tpu.memref_slice %arg3[%dma_wait3A_99, %add3A_81] : memref<1128x16384xf32, #tpu.memory_space<hbm>> -> memref<128x128xf32, #tpu.memory_space<hbm>>
    %dma_wait3A_101 = arith.constant 640 : i32
    %dma_wait3A_102 = tpu.memref_slice %arg3[%dma_wait3A_101, %add3A_81] : memref<1128x16384xf32, #tpu.memory_space<hbm>> -> memref<128x128xf32, #tpu.memory_space<hbm>>
    %dma_wait3A_103 = arith.constant 0 : i32
    %dma_wait3A_104 = arith.constant 0 : i32
    %dma_wait3A_105 = tpu.memref_slice %arg6[%dma_wait3A_94, %dma_wait3A_103, %dma_wait3A_104] : memref<2x128x128xf32, #tpu.memory_space<vmem>> -> memref<1x128x128xf32, #tpu.memory_space<vmem>>
    %dma_wait3A_106 = tpu.memref_squeeze %dma_wait3A_105 : memref<1x128x128xf32, #tpu.memory_space<vmem>> -> memref<128x128xf32, #tpu.memory_space<vmem>>
    tpu.wait_dma2 semaphore(%arg9 : memref<!tpu.dma_semaphore, #tpu.memory_space<semaphore_mem>>) src(%dma_wait3A_106 : memref<128x128xf32, #tpu.memory_space<vmem>>) dst(%dma_wait3A_102 : memref<128x128xf32, #tpu.memory_space<hbm>>)
    %dma_wait3A_107 = arith.constant 896 : i32
    %dma_wait3A_108 = tpu.memref_slice %arg3[%dma_wait3A_107, %add3A_81] : memref<1128x16384xf32, #tpu.memory_space<hbm>> -> memref<232x128xf32, #tpu.memory_space<hbm>>
    %dma_wait3A_109 = arith.constant 896 : i32
    %dma_wait3A_110 = tpu.memref_slice %arg3[%dma_wait3A_109, %add3A_81] : memref<1128x16384xf32, #tpu.memory_space<hbm>> -> memref<232x128xf32, #tpu.memory_space<hbm>>
    tpu.wait_dma2 semaphore(%arg10 : memref<!tpu.dma_semaphore, #tpu.memory_space<semaphore_mem>>) src(%arg7 : memref<232x128xf32, #tpu.memory_space<vmem>>) dst(%dma_wait3A_110 : memref<232x128xf32, #tpu.memory_space<hbm>>)
    return
  }
}

</mosaic_0001>

<sc_bundles>
// kernel: _run.3.cloned.1.call-start
scs
__scs_entry_jumppad:
0x0: {  	(pc) =	sbr.rel $0x88, $3  }
0x1: {  	(tag) =	ssettag $0x0;
	lr =	simm.s32 $0x1  }
0x2: {  	[smem:$0x3FA0] =	sst lr;
	_ =	strace $0xD0000000  }
0x3: {  	_ = 	snop  }
0x4: {  	_ = 	snop  }
0x5: {  	_ = 	snop  }
0x6: {  	_ = 	snop  }
0x7: {  	_ = 	snop  }
__scs_overlays_trampoline_lowered:
0x8: {  	[smem:$0x3FAF] =	sst s0  }
0x9: {  	[smem:$0x3FB0] =	sst s1  }
0xa: {  	[smem:$0x3FB1] =	sst s2  }
0xb: {  	[smem:$0x3FB2] =	sst s3  }
0xc: {  	[smem:$0x3FB3] =	sst s4  }
0xd: {  	[smem:$0x3FB4] =	sst s5  }
0xe: {  	[smem:$0x3FB5] =	sst s6  }
0xf: {  	[smem:$0x3FB6] =	sst s7  }
0x10: {  	[smem:$0x3FB7] =	sst s8  }
0x11: {  	[smem:$0x3FB8] =	sst s9;
	s0 =	simm.s32 @!p0 $0x0  }
0x12: {  	s1 =	sld [smem:$0x3F9E];
	s0 =	simm.s32 @p0 $0x1  }
0x13: {  	[smem:$0x3FB9] =	sst s0;
	s0 =	simm.s32 @!p1 $0x0  }
0x14: {  	s2 =	sld [smem:$0x3F9D];
	s0 =	simm.s32 @p1 $0x1  }
0x15: {  	[smem:$0x3FBA] =	sst s0;
	s0 =	simm.s32 @!p2 $0x0  }
0x16: {  	s3 =	sld [smem:$0x3FDB];
	s0 =	simm.s32 @p2 $0x1  }
0x17: {  	s4 =	simm.s32 $0x1BF5;
	[smem:$0x3FBC] =	sst s0  }
0x18: {  	s0 =	sld [smem:$0x3F9F];
	_ =	swait.ge [sflag:s4], $0x0  }
0x19: {  	s7 =	sld [smem:$0x3FA0]  }
0x1a: {  	s8 =	sadd.s32 $0xFFFFE003, lr  }
0x1b: {  	s9 =	sadd.s32 $0xFFFFFEF7, lr;
	s5 =	simm.s32 $0xFFFFFFFF;
	p2 =	slt.u32 s8, $0xFFFFF086  }
0x1c: {  	p1 =	slt.u32 s9, $0xF7A;
	s5 =	simm.s32 @!p2 $0x0  }
0x1d: {  	s5 =	simm.s32 @p1 $0x1;
	p0 =	seq.s32 s7, s2  }
0x1e: {  	s7 =	smul.u32 @!p0 $0xF7A, s2;
	p2 =	seq.s32 @!p0 s5, $0x0  }
0x1f: {  	s9 =	smul.u32 $0xF7A, s1;
	s8 =	simm.s32 @!p0 $0x1BF5;
	p2 =	por !p2, p0  }
0x20: {  	[sflag:s8] =	ssyncset.s32 @!p0 $0xFFFFF086;
	s6 =	sadd.s32 @!p0 s3, s7;
	s7 =	simm.s32 @!p0 $0x108  }
0x21: {  	s3 =	sadd.s32 s3, s9;
	s6 =	sadd.s32 @!p0 $0x88, s6;
	s7 =	simm.s32 @p2 $0x1082  }
0x22: {  	[simem:s7], [sflag:s8] =	dma.local @!p0 [hbm:s6], $0xF7A  }
0x23: {  	s9 =	sor.u32 $0xD0000000, s2;
	s6 =	simm.s32 $0x108;
	_ =	swait.ge @!p0 [sflag:s8], $0x0  }
0x24: {  	s3 =	sadd.s32 $0x88, s3;
	s6 =	simm.s32 @!p1 $0x1082;
	[sflag:s4] =	ssyncset.s32 $0xFFFFF086  }
0x25: {  	[simem:s6], [sflag:s4] =	dma.local [hbm:s3], $0xF7A  }
0x26: {  	[smem:$0x3FA0] =	sst s1;
	(tag) =	ssettag s2;
	_ =	strace s9  }
0x27: {  	s1 =	sld [smem:$0x3FB0]  }
0x28: {  	s2 =	sld [smem:$0x3FB1]  }
0x29: {  	s4 =	sld [smem:$0x3FB3]  }
0x2a: {  	p0 =	seq.s32 s5, $0x0;
	s5 =	sld [smem:$0x3FB4]  }
0x2b: {  	s6 =	sld [smem:$0x3FB5]  }
0x2c: {  	s7 =	sld [smem:$0x3FB6]  }
0x2d: {  	s3 =	simm.s32 $0x108;
	s8 =	sld [smem:$0x3FB7]  }
0x2e: {  	s3 =	simm.s32 @!p0 $0x1082;
	s9 =	sld [smem:$0x3FB8]  }
0x2f: {  	lr =	sadd.s32 s0, s3;
	s0 =	sld [smem:$0x3FAF]  }
0x30: {  	s3 =	sld [smem:$0x3FB2]  }
0x31: {  	[smem:$0x3FBB] =	sst s10  }
0x32: {  	s10 =	sld [smem:$0x3FB9];
	_ =	sdelay $0x3  }
0x33: {  	p0 =	seq.s32 s10, $0x1;
	s10 =	sld [smem:$0x3FBB];
	_ =	sdelay $0x3  }
0x34: {  	[smem:$0x3FBB] =	sst s10  }
0x35: {  	s10 =	sld [smem:$0x3FBA];
	_ =	sdelay $0x3  }
0x36: {  	p1 =	seq.s32 s10, $0x1;
	s10 =	sld [smem:$0x3FBB];
	_ =	sdelay $0x3  }
0x37: {  	[smem:$0x3FBB] =	sst s10  }
0x38: {  	s10 =	sld [smem:$0x3FBC]  }
0x39: {  	_ = 	snop;
	(pc) =	sbr.ind lr, $3  }
0x3a: {  	_ = 	snop  }
0x3b: {  	_ = 	snop  }
0x3c: {  	p2 =	seq.s32 s10, $0x1;
	s10 =	sld [smem:$0x3FBB]  }
0x3d: {  	_ =	shalt  }
0x3e: {  	_ =	shalt  }
0x3f: {  	_ =	shalt  }
0x40: {  	_ =	shalt  }
0x41: {  	_ =	shalt  }
0x42: {  	_ =	shalt  }
0x43: {  	_ =	shalt  }
0x44: {  	_ =	shalt  }
0x45: {  	_ =	shalt  }
0x46: {  	_ =	shalt  }
0x47: {  	_ =	shalt  }
0x48: {  	_ =	shalt  }
0x49: {  	_ =	shalt  }
0x4a: {  	_ =	shalt  }
0x4b: {  	_ =	shalt  }
0x4c: {  	_ =	shalt  }
0x4d: {  	_ =	shalt  }
0x4e: {  	_ =	shalt  }
0x4f: {  	_ =	shalt  }
0x50: {  	_ =	shalt  }
0x51: {  	_ =	shalt  }
0x52: {  	_ =	shalt  }
0x53: {  	_ =	shalt  }
0x54: {  	_ =	shalt  }
0x55: {  	_ =	shalt  }
0x56: {  	_ =	shalt  }
0x57: {  	_ =	shalt  }
0x58: {  	_ =	shalt  }
0x59: {  	_ =	shalt  }
0x5a: {  	_ =	shalt  }
0x5b: {  	_ =	shalt  }
0x5c: {  	_ =	shalt  }
0x5d: {  	_ =	shalt  }
0x5e: {  	_ =	shalt  }
0x5f: {  	_ =	shalt  }
0x60: {  	_ =	shalt  }
0x61: {  	_ =	shalt  }
0x62: {  	_ =	shalt  }
0x63: {  	_ =	shalt  }
0x64: {  	_ =	shalt  }
0x65: {  	_ =	shalt  }
0x66: {  	_ =	shalt  }
0x67: {  	_ =	shalt  }
0x68: {  	_ =	shalt  }
0x69: {  	_ =	shalt  }
0x6a: {  	_ =	shalt  }
0x6b: {  	_ =	shalt  }
0x6c: {  	_ =	shalt  }
0x6d: {  	_ =	shalt  }
0x6e: {  	_ =	shalt  }
0x6f: {  	_ =	shalt  }
0x70: {  	_ =	shalt  }
0x71: {  	_ =	shalt  }
0x72: {  	_ =	shalt  }
0x73: {  	_ =	shalt  }
0x74: {  	_ =	shalt  }
0x75: {  	_ =	shalt  }
0x76: {  	_ =	shalt  }
0x77: {  	_ =	shalt  }
0x78: {  	_ =	shalt  }
0x79: {  	_ =	shalt  }
0x7a: {  	_ =	shalt  }
0x7b: {  	_ =	shalt  }
0x7c: {  	_ =	shalt  }
0x7d: {  	_ =	shalt  }
0x7e: {  	_ =	shalt  }
0x7f: {  	_ =	shalt  }
0x80: {  	_ =	shalt  }
0x81: {  	_ =	shalt  }
0x82: {  	_ =	shalt  }
0x83: {  	_ =	shalt  }
0x84: {  	_ =	shalt  }
0x85: {  	_ =	shalt  }
0x86: {  	_ =	shalt  }
0x87: {  	_ =	shalt  }
.Lfunc_end0:
.L_simem_size_0:
called_computation_lowered:
.L_overlay_start_0:
0x88: {  	s2 =	sld [smem:$0x3FD9]  }
0x89: {  	s3 =	sld [smem:$0x3FFE];
	_ =	sdelay $0x1  }
0x8a: {  	s1 =	srdreg.scid  }
0x8b: {  	s0 =	sand.u32 $0x1, s1  }
0x8c: {  	s18 =	sshll.u32 s0, $0xA;
	s2 =	sadd.s32 s3, s2  }
0x8d: {  	s2 =	sadd.s32 s2, s18  }
0x8e: {  	[smem:$0x3FC7] =	sst s2  }
0x8f: {  	_ = 	snop  }
0x90: {  	s2 =	sld [smem:$0x3FC9]  }
0x91: {  	s19 =	sld [smem:$0x3FD0];
	(tm) =	ssettm $0x1  }
0x92: {  	s4 =	sld [smem:$0x3FFB];
	_ =	sdelay $0x3  }
0x93: {  	_ =	strace s4  }
0x94: {  	s4 =	sld [smem:$0x3FFC];
	_ =	sdelay $0x3  }
0x95: {  	_ =	strace s4  }
0x96: {  	s4 =	sld [smem:$0x3FFD];
	_ =	sdelay $0x3  }
0x97: {  	_ =	strace s4  }
0x98: {  	_ =	strace $0x8FFFFFFF  }
0x99: {  	s20 =	sld [smem:$0x3FDB];
	_ =	sdelay $0x1  }
0x9a: {  	s5 =	simm.s32 $_scs_section_size  }
0x9b: {  	s6 =	simm.s32 $_size__tile_overlayer_lowered;
	s7 =	simm.s32 $_tile_overlayer_lowered  }
0x9c: {  	s23 =	simm.s32 $0x1BFF;
	s22 =	sshll.u32 s7, $0x1;
	s4 =	sadd.s32 s5, s20  }
0x9d: {  	s8 =	simm.s32 $0x0;
	s21 =	sshll.u32 s6, $0x1;
	s6 =	sadd.s32 s22, s4  }
0x9e: {  	[timem:s8], [sflag:s23] =	dma.local [hbm:s6], s21  }
0x9f: {  	_ =	swait.ge [sflag:s23], s21  }
0xa0: {  	s5 =	ssub.s32 $0x0, s21;
	[sflag:s23] =	ssyncset.done $0x0  }
0xa1: {  	[sflag:s23] =	ssyncadd.s32 s5;
	_ =	sdelay $0x1  }
0xa2: {  	s24 =	simm.s32 $0x1B8B  }
0xa3: {  	_ =	swait.ge [sflag:s24], $0x1  }
0xa4: {  	[sflag:s24] =	ssyncset.done $0x0  }
0xa5: {  	s25 =	simm.s32 $0x1B8E;
	[sflag:s24] =	ssyncadd.s32 $0xFFFFFFFF  }
0xa6: {  	s26 =	simm.s32 $execute0_lowered;
	[smem:$0x3FD2] =	sst s25  }
0xa7: {  	s5 =	sshll.u32 s26, $0x1;
	_ =	strace $0x80000046;
	[dreg:$0x1] =	wrdreg $0xFFFFFFFF  }
0xa8: {  	s28 =	simm.s32 $_size_execute0_lowered;
	s4 =	sadd.s32 s4, s5;
	[dreg:$0x0] =	wrdreg $0x0  }
0xa9: {  	s5 =	sshll.u32 s28, $0x1;
	[dreg:$0x2] =	wrdreg s4  }
0xaa: {  	[dreg:$0x3] =	wrdreg s5  }
0xab: {  	[dreg:$0x4] =	wrdreg $0xC0  }
0xac: {  	_ =	task [dreg:s8], $0x5FFFF  }
0xad: {  	[dreg:$0x1] =	wrdreg $0xFFFFFFFF  }
0xae: {  	[dreg:$0x0] =	wrdreg $0x60  }
0xaf: {  	[dreg:$0x2] =	wrdreg s2  }
0xb0: {  	[dreg:$0x3] =	wrdreg s19  }
0xb1: {  	[dreg:$0x4] =	wrdreg $0x9  }
0xb2: {  	_ =	task.clear_ibuf [dreg:s8], $0x5FFFF;
	_ =	strace $0x90000046  }
0xb3: {  	s29 =	simm.s32 $0x9;
	_ =	strace $0x80000048  }
0xb4: {  	_ =	swait.ge [sflag:s29], $0x1  }
0xb5: {  	[sflag:s29] =	ssyncadd.s32 $0xFFFFFFFF  }
0xb6: {  	_ =	strace $0x90000048  }
0xb7: {  	_ =	sfence  }
0xb8: {  	s30 =	sld [smem:$0x0];
	_ =	sdelay $0x2  }
0xb9: {  	s31 =	sshll.u32 s1, $0xD;
	s1 =	sshrl.u32 s1, $0x2  }
0xba: {  	s3 =	sand.u32 $0x4000, s31;
	s1 =	sadd.s32 s1, s30  }
0xbb: {  	s0 =	sor.u32 s3, s0;
	s1 =	sshll.u32 s1, $0x11  }
0xbc: {  	s0 =	sor.u32 s1, s0  }
0xbd: {  	s0 =	sadd.s32 $0x8F2B, s0  }
0xbe: {  	[sflag:s0] =	ssyncadd.remote.s32 $0x1  }
0xbf: {  	_ =	sfence.sel $0xFFFF  }
0xc0: {  	[dreg:$0x0] =	wrdreg $0xFFFFFFFF;
	(pc) =	sbr.abs _section_cstart, $3  }
0xc1: {  	[dreg:$0x1] =	wrdreg $0xFFFFFFFF  }
0xc2: {  	_ =	task.clear_ibuf [dreg:s8], $0x2FFFF;
	_ =	strace $0x9FFFFFFF  }
0xc3: {  	(tm) =	ssettm $0x7FFFFFFF  }
tec
execute0_lowered:
.L_overlay_start_1:
0x0: {  	(tag) =	ssettag $0x1  }
0x1: {  	s0 =	rddreg [dreg:$0x0]  }
0x2: {  	s2 =	rddreg [dreg:$0x1]  }
0x3: {  	s1 =	srdreg.scid;
	s5 =	simm.s32 $0x0;
	s4 =	stileid.u32  }
0x4: {  	s28 =	simm.s32 $0x4;
	s29 =	simm.s32 $0x8100;
	s30 =	simm.s32 $0xC100  }
0x5: {  	s31 =	simm.s32 $0x1;
	s7 =	simm.s32 $0x3;
	s1 =	sand.u32 $0x1, s1  }
0x6: {  	s4 =	sshll.u32 s4, $0xA;
	[smem:$0x7FF] =	sst s5;
	s10 =	sadd.s32 $0x40000, s2  }
0x7: {  	s13 =	sadd.s32 $0x80000, s2;
	s14 =	sadd.s32 $0xC0000, s2;
	s15 =	sadd.s32 $0x100000, s2  }
0x8: {  	s16 =	sadd.s32 $0x140000, s2;
	s17 =	sadd.s32 $0x180000, s2;
	s18 =	sadd.s32 $0x1C0000, s2  }
0x9: {  	s3 =	ssub.s32 $0x2, s1;
	s1 =	sshll.u32 s1, $0x9;
	_ =	strace $0x80000047  }
0xa: {  	s21 =	sshrl.u32 s3, $0x1;
	s4 =	sor.u32 s1, s4;
	s1 =	simm.s32 $0x10100  }
0xb: {  	s22 =	ssub.s32 s3, s21;
	s0 =	sadd.s32 s0, s4;
	s9 =	sor.u32 $0x80, s4  }
0xc: {  	s23 =	sadd.s32 $0x40000, s0;
	s24 =	sadd.s32 $0x80, s0;
	[dreg:$0x3] =	wrdreg s0  }
0xd: {  	s25 =	sadd.s32 $0x40080, s0;
	s11 =	sadd.s32 $0x100, s0;
	[dreg:$0x4] =	wrdreg s23  }
0xe: {  	v0 =	vlaneseq.u32;
	s12 =	sadd.s32 $0x40100, s0;
	s19 =	sadd.s32 $0x180, s0;
	[dreg:$0x5] =	wrdreg s24  }
0xf: {  	v1 =	vimm.f32 $0.0e+00;
	v2 =	vimm.f32 $1.000000000e+00;
	v3 =	vor.u32 $0x10, v0;
	s20 =	sadd.s32 $0x40180, s0;
	s26 =	smax.u32 s22, $0x1;
	[dreg:$0x6] =	wrdreg s25  }
0x10: {  	v4 =	vor.u32 $0x20, v0;
	v5 =	vor.u32 $0x30, v0;
	v6 =	vor.u32 $0x40, v0;
	s22 =	simm.s32 $0x400;
	s0 =	simm.s32 $0x2;
	[dreg:$0x7] =	wrdreg s26  }
0x11: {  	v7 =	vor.u32 $0x50, v0;
	v8 =	vor.u32 $0x60, v0;
	v9 =	vor.u32 $0x70, v0;
	s23 =	simm.s32 $0x20000;
	s25 =	simm.s32 $0x5;
	s24 =	simm.s32 $0x0  }
.LBB2_1:
0x12: {  	s3 =	simm.s32 $0x0;
	s5 =	rddreg [dreg:$0x3]  }
0x13: {  	[tilespmem:s3], [sflag:$0x4] =	stream.strided.gather [hbm4b:s5+s22], $0x4000, s23, s22, $0x38;
	[tilespmem:$0x17500] =	vst v63  }
0x14: {  	s26 =	rddreg [dreg:$0x4];
	s6 =	simm.s32 $0x8000  }
0x15: {  	[tilespmem:s6], [sflag:$0x4] =	stream.strided.gather [hbm4b:s26+s22], $0x0, s23, s22, $0x38;
	[tilespmem:$0x17500] =	vst v63  }
0x16: {  	_ = 	snop  }
0x17: {  	[tilespmem:s6], [sflag:$0x4] =	stream.linear.gather [hbm4b:s26+s3], $0x80, $0x38;
	[tilespmem:$0x17500] =	vst v63  }
0x18: {  	s8 =	simm.s32 $0x4000;
	s6 =	rddreg [dreg:$0x5]  }
0x19: {  	[tilespmem:s8], [sflag:$0x5] =	stream.strided.gather [hbm4b:s6+s22], $0x4000, s23, s22, $0x38;
	[tilespmem:$0x17500] =	vst v63  }
0x1a: {  	s21 =	rddreg [dreg:$0x6];
	s26 =	simm.s32 $0x8080  }
0x1b: {  	[tilespmem:s26], [sflag:$0x5] =	stream.strided.gather [hbm4b:s21+s22], $0x0, s23, s22, $0x38;
	[tilespmem:$0x17500] =	vst v63  }
0x1c: {  	_ = 	snop  }
0x1d: {  	[tilespmem:s26], [sflag:$0x5] =	stream.linear.gather [hbm4b:s21+s3], $0x80, $0x38;
	[tilespmem:$0x17500] =	vst v63  }
0x1e: {  	s21 =	simm.s32 $0x0;
	s3 =	simm.s32 $0x200  }
.LBB2_2:
0x1f: {  	p0 =	sne.s32 s3, $0xFE00;
	[tilespmem:s21+$0xC170] =	vst v1  }
0x20: {  	[tilespmem:s21+$0x8100] =	vst v1  }
0x21: {  	[tilespmem:s21+$0xC100] =	vst v1  }
0x22: {  	[tilespmem:s21+$0x8110] =	vst v1  }
0x23: {  	[tilespmem:s21+$0xC110] =	vst v1  }
0x24: {  	[tilespmem:s21+$0x8120] =	vst v1  }
0x25: {  	[tilespmem:s21+$0xC120] =	vst v1  }
0x26: {  	[tilespmem:s21+$0x8130] =	vst v1  }
0x27: {  	[tilespmem:s21+$0xC130] =	vst v1  }
0x28: {  	[tilespmem:s21+$0x8140] =	vst v1  }
0x29: {  	[tilespmem:s21+$0xC140] =	vst v1  }
.Ltmp0:
0x2a: {  	[tilespmem:s21+$0x8150] =	vst v1;
	(pc) =	sbr.rel @p0 .LBB2_2-.Ltmp0, $4  }
0x2b: {  	[tilespmem:s21+$0xC150] =	vst v1  }
0x2c: {  	[tilespmem:s21+$0x8160] =	vst v1  }
0x2d: {  	[tilespmem:s21+$0xC160] =	vst v1  }
0x2e: {  	[tilespmem:s21+$0x8170] =	vst v1;
	s21 =	sshra.s32 s3, $0x2;
	s3 =	sadd.s32 $0x200, s3  }
0x2f: {  	[tilespmem:s21+$0xC170] =	vst v1  }
0x30: {  	[tilespmem:s21+$0x8100] =	vst v1  }
0x31: {  	[tilespmem:s21+$0xC100] =	vst v1  }
0x32: {  	[tilespmem:s21+$0x8110] =	vst v1  }
0x33: {  	[tilespmem:s21+$0xC110] =	vst v1  }
0x34: {  	[tilespmem:s21+$0x8120] =	vst v1  }
0x35: {  	[tilespmem:s21+$0xC120] =	vst v1  }
0x36: {  	[tilespmem:s21+$0x8130] =	vst v1  }
0x37: {  	[tilespmem:s21+$0xC130] =	vst v1  }
0x38: {  	[tilespmem:s21+$0x8140] =	vst v1  }
0x39: {  	[tilespmem:s21+$0xC140] =	vst v1  }
0x3a: {  	[tilespmem:s21+$0x8150] =	vst v1  }
0x3b: {  	[tilespmem:s21+$0xC150] =	vst v1  }
0x3c: {  	[tilespmem:s21+$0x8160] =	vst v1  }
0x3d: {  	[tilespmem:s21+$0xC160] =	vst v1  }
0x3e: {  	s26 =	simm.s32 $0x0;
	[tilespmem:s21+$0x8170] =	vst v1;
	s3 =	simm.s32 $0x0;
	s5 =	simm.s32 $0x200  }
.LBB2_4:
0x3f: {  	p0 =	sne.s32 s5, $0xCE00;
	[tilespmem:s3+$0x10170] =	vst v1  }
0x40: {  	[tilespmem:s3+$0x10100] =	vst v1  }
0x41: {  	[tilespmem:s3+$0x10110] =	vst v1  }
.Ltmp1:
0x42: {  	[tilespmem:s3+$0x10120] =	vst v1;
	(pc) =	sbr.rel @p0 .LBB2_4-.Ltmp1, $4  }
0x43: {  	[tilespmem:s3+$0x10130] =	vst v1  }
0x44: {  	[tilespmem:s3+$0x10140] =	vst v1  }
0x45: {  	[tilespmem:s3+$0x10150] =	vst v1  }
0x46: {  	[tilespmem:s3+$0x10160] =	vst v1;
	s3 =	sshra.s32 s5, $0x2;
	s5 =	sadd.s32 $0x200, s5  }
0x47: {  	[tilespmem:s3+$0x10170] =	vst v1  }
0x48: {  	[tilespmem:s3+$0x10100] =	vst v1  }
0x49: {  	[tilespmem:s3+$0x10110] =	vst v1;
	v18 =	vimm.s32 $0x0  }
0x4a: {  	[tilespmem:s3+$0x10120] =	vst v1;
	v19 =	vimm.s32 $0x0;
	v23 =	vimm.s32 $0x0;
	v25 =	vimm.s32 $0x0  }
0x4b: {  	[tilespmem:s3+$0x10130] =	vst v1;
	v24 =	vimm.s32 $0x0;
	v20 =	vimm.s32 $0x0;
	v21 =	vimm.s32 $0x0  }
0x4c: {  	[tilespmem:s3+$0x10140] =	vst v1;
	v22 =	vimm.s32 $0x0;
	v14 =	vimm.s32 $0x0;
	v16 =	vimm.s32 $0x0  }
0x4d: {  	[tilespmem:s3+$0x10150] =	vst v1;
	v17 =	vimm.s32 $0x0;
	v15 =	vimm.s32 $0x0;
	v13 =	vimm.s32 $0x0  }
0x4e: {  	[tilespmem:s3+$0x10160] =	vst v1;
	p1 =	por $0x1, $0x1;
	v12 =	vimm.s32 $0x0;
	v11 =	vimm.s32 $0x0;
	v10 =	vimm.s32 $0x0  }
.LBB2_6:
0x4f: {  	_ =	swait.ge [sflag:s28], $0x4000  }
0x50: {  	[sflag:s28] =	ssyncset.done $0x0  }
0x51: {  	[sflag:s28] =	ssyncadd.s32 $0xFFFFC000  }
0x52: {  	_ =	swait.ge [sflag:s28], $0x80  }
0x53: {  	[sflag:s28] =	ssyncset.done $0x0  }
0x54: {  	[sflag:s28] =	ssyncadd.s32 $0xFFFFFF80  }
0x55: {  	v32 =	vld [tilespmem:$0x0]  }
0x56: {  	v33 =	vld [tilespmem:$0x10]  }
0x57: {  	v30 =	vld [tilespmem:$0x20]  }
.Ltmp2:
0x58: {  	v31 =	vld [tilespmem:$0x30];
	(pc) =	sbr.rel @p1 .LBB2_8-.Ltmp2, $4  }
0x59: {  	v28 =	vld [tilespmem:$0x40]  }
0x5a: {  	v29 =	vld [tilespmem:$0x50]  }
0x5b: {  	v26 =	vld [tilespmem:$0x60]  }
0x5c: {  	p0 =	por p1, p1;
	v27 =	vld [tilespmem:$0x70]  }
0x5d: {  	vm0 =	veq.s32 v10, $0x6;
	v22 =	vshll.u32 v22, $0x7  }
0x5e: {  	vm1 =	veq.s32 v11, $0x6;
	v21 =	vshll.u32 v21, $0x7;
	v22 =	vor.u32 v0, v22  }
0x5f: {  	vm2 =	veq.s32 v12, $0x6;
	v20 =	vshll.u32 v20, $0x7;
	v21 =	vor.u32 v3, v21  }
0x60: {  	_ =	swait.ge [sflag:s31], $0x4000;
	vm3 =	veq.s32 v13, $0x6;
	v24 =	vshll.u32 v24, $0x7;
	v20 =	vor.u32 v4, v20  }
0x61: {  	vm4 =	veq.s32 v15, $0x6;
	v25 =	vshll.u32 v25, $0x7;
	[sflag:s31] =	ssyncset.done $0x0;
	v24 =	vor.u32 v5, v24  }
0x62: {  	vm5 =	veq.s32 v17, $0x6;
	v23 =	vshll.u32 v23, $0x7;
	v25 =	vor.u32 v6, v25;
	[sflag:s31] =	ssyncadd.s32 $0xFFFFC000  }
0x63: {  	vm8 =	veq.s32 v16, $0x6;
	v19 =	vshll.u32 v19, $0x7;
	v23 =	vor.u32 v7, v23;
	[tilespmem:v22+s29+$0x0] =	vst.idx.msk vm0, v1  }
0x64: {  	vm9 =	veq.s32 v14, $0x6;
	v18 =	vshll.u32 v18, $0x7;
	v19 =	vor.u32 v8, v19;
	[tilespmem:v21+s29+$0x0] =	vst.idx.msk vm1, v1  }
0x65: {  	v18 =	vor.u32 v9, v18;
	[tilespmem:v20+s29+$0x0] =	vst.idx.msk vm2, v1  }
0x66: {  	[tilespmem:v24+s29+$0x0] =	vst.idx.msk vm3, v1  }
0x67: {  	[tilespmem:v25+s29+$0x0] =	vst.idx.msk vm4, v1  }
0x68: {  	vm10 =	veq.s32 v10, $0x5;
	[tilespmem:v23+s29+$0x0] =	vst.idx.msk vm5, v1  }
0x69: {  	vm11 =	veq.s32 v11, $0x5;
	[tilespmem:v19+s29+$0x0] =	vst.idx.msk vm8, v1  }
0x6a: {  	vm12 =	veq.s32 v12, $0x5;
	[tilespmem:v18+s29+$0x0] =	vst.idx.msk vm9, v1  }
0x6b: {  	vm13 =	veq.s32 v13, $0x5;
	_ =	swait.ge [sflag:s0], $0x4000  }
0x6c: {  	vm14 =	veq.s32 v15, $0x5;
	[sflag:s0] =	ssyncset.done $0x0  }
0x6d: {  	vm15 =	veq.s32 v17, $0x5;
	[sflag:s0] =	ssyncadd.s32 $0xFFFFC000  }
0x6e: {  	vm6 =	veq.s32 v16, $0x5;
	[tilespmem:v22+s30+$0x0] =	vst.idx.msk vm10, v1  }
0x6f: {  	vm7 =	veq.s32 v14, $0x5;
	[tilespmem:v21+s30+$0x0] =	vst.idx.msk vm11, v1  }
0x70: {  	[tilespmem:v20+s30+$0x0] =	vst.idx.msk vm12, v1  }
0x71: {  	[tilespmem:v24+s30+$0x0] =	vst.idx.msk vm13, v1  }
0x72: {  	[tilespmem:v25+s30+$0x0] =	vst.idx.msk vm14, v1  }
0x73: {  	vm8 =	veq.s32 v10, $0x7;
	[tilespmem:v23+s30+$0x0] =	vst.idx.msk vm15, v1  }
0x74: {  	vm9 =	veq.s32 v11, $0x7;
	[tilespmem:v19+s30+$0x0] =	vst.idx.msk vm6, v1  }
0x75: {  	vm10 =	veq.s32 v12, $0x7;
	[tilespmem:v18+s30+$0x0] =	vst.idx.msk vm7, v1  }
0x76: {  	vm11 =	veq.s32 v13, $0x7;
	_ =	swait.ge [sflag:s7], $0x7400  }
0x77: {  	vm12 =	veq.s32 v15, $0x7;
	[sflag:s7] =	ssyncset.done $0x0  }
0x78: {  	vm13 =	veq.s32 v17, $0x7;
	[sflag:s7] =	ssyncadd.s32 $0xFFFF8C00  }
0x79: {  	vm14 =	veq.s32 v16, $0x7;
	[tilespmem:v22+s1+$0x0] =	vst.idx.msk vm8, v1  }
0x7a: {  	vm15 =	veq.s32 v14, $0x7;
	[tilespmem:v21+s1+$0x0] =	vst.idx.msk vm9, v1  }
0x7b: {  	[tilespmem:v20+s1+$0x0] =	vst.idx.msk vm10, v1  }
0x7c: {  	[tilespmem:v24+s1+$0x0] =	vst.idx.msk vm11, v1  }
0x7d: {  	[tilespmem:v25+s1+$0x0] =	vst.idx.msk vm12, v1  }
0x7e: {  	[tilespmem:v23+s1+$0x0] =	vst.idx.msk vm13, v1  }
0x7f: {  	[tilespmem:v19+s1+$0x0] =	vst.idx.msk vm14, v1  }
0x80: {  	[tilespmem:v18+s1+$0x0] =	vst.idx.msk vm15, v1  }
.LBB2_8:
0x81: {  	v10 =	vtrunc.f32 v32;
	v11 =	vtrunc.f32 v33  }
0x82: {  	v14 =	vcvt.f32.s32 v10;
	v18 =	vcvt.f32.s32 v11  }
0x83: {  	v10 =	vtrunc.f32 v30;
	v11 =	vtrunc.f32 v31  }
0x84: {  	v20 =	vcvt.f32.s32 v10;
	v21 =	vcvt.f32.s32 v11  }
0x85: {  	v10 =	vtrunc.f32 v28;
	v11 =	vtrunc.f32 v29  }
0x86: {  	v12 =	vshrl.u32 v14, $0x7;
	v22 =	vcvt.f32.s32 v10;
	v23 =	vcvt.f32.s32 v11  }
0x87: {  	v15 =	vshrl.u32 v18, $0x7;
	v10 =	vtrunc.f32 v26;
	v14 =	vshll.u32 v14, $0x7  }
0x88: {  	v18 =	vshll.u32 v18, $0x7;
	v11 =	vtrunc.f32 v27;
	v17 =	vshrl.u32 v20, $0x7  }
0x89: {  	v24 =	vcvt.f32.s32 v10;
	v19 =	vshrl.u32 v21, $0x7;
	vm2 =	veq.s32 v12, $0x0  }
0x8a: {  	v14 =	vand.u32 $0x3F80, v14;
	v18 =	vand.u32 $0x3F80, v18;
	v20 =	vshll.u32 v20, $0x7  }
0x8b: {  	vm4 =	veq.s32 v15, $0x0;
	v25 =	vcvt.f32.s32 v11;
	v16 =	vshrl.u32 v22, $0x7  }
0x8c: {  	v13 =	vshrl.u32 v23, $0x7;
	v14 =	vor.u32 v0, v14;
	v18 =	vor.u32 v3, v18  }
0x8d: {  	v20 =	vand.u32 $0x3F80, v20;
	vm3 =	veq.s32 v17, $0x0;
	vm5 =	veq.s32 v19, $0x0  }
0x8e: {  	v11 =	vshrl.u32 v24, $0x7;
	v26 =	vor.u32 v4, v20;
	v20 =	vshll.u32 v21, $0x7  }
0x8f: {  	v21 =	vshll.u32 v22, $0x7;
	vm12 =	veq.s32 v16, $0x0;
	v20 =	vand.u32 $0x3F80, v20  }
0x90: {  	v28 =	vor.u32 v5, v20;
	v20 =	vand.u32 $0x3F80, v21;
	v21 =	vshll.u32 v23, $0x7  }
0x91: {  	vm13 =	veq.s32 v13, $0x0;
	v29 =	vor.u32 v6, v20;
	v20 =	vand.u32 $0x3F80, v21  }
0x92: {  	v10 =	vshrl.u32 v25, $0x7;
	v27 =	vor.u32 v7, v20;
	v20 =	vshll.u32 v24, $0x7  }
0x93: {  	vm14 =	veq.s32 v11, $0x0;
	v21 =	vshll.u32 v25, $0x7;
	[tilespmem:v14+s29+$0x0] =	vst.idx.msk vm2, v2;
	v20 =	vand.u32 $0x3F80, v20  }
0x94: {  	vm15 =	veq.s32 v10, $0x0;
	[tilespmem:v18+s29+$0x0] =	vst.idx.msk vm4, v2;
	v30 =	vor.u32 v8, v20;
	v20 =	vand.u32 $0x3F80, v21  }
0x95: {  	[tilespmem:v26+s29+$0x0] =	vst.idx.msk vm3, v2;
	v31 =	vor.u32 v9, v20  }
0x96: {  	vm0 =	veq.s32 v12, $0x1;
	[tilespmem:v28+s29+$0x0] =	vst.idx.msk vm5, v2  }
0x97: {  	vm9 =	veq.s32 v15, $0x1;
	[tilespmem:v29+s29+$0x0] =	vst.idx.msk vm12, v2  }
0x98: {  	vm6 =	veq.s32 v17, $0x1;
	[tilespmem:v27+s29+$0x0] =	vst.idx.msk vm13, v2  }
0x99: {  	s21 =	sor.u32 s4, s26;
	vm7 =	veq.s32 v19, $0x1;
	[tilespmem:v30+s29+$0x0] =	vst.idx.msk vm14, v2  }
0x9a: {  	s3 =	sadd.s32 s2, s21;
	vm8 =	veq.s32 v16, $0x1;
	[tilespmem:v31+s29+$0x0] =	vst.idx.msk vm15, v2  }
0x9b: {  	vm1 =	veq.s32 v13, $0x1;
	[hbm4b:s3+s22] =	stream.strided.scatter [tilespmem:s29], [sflag:$0x1], $0x4000, s23, s22, $0x38;
	[tilespmem:$0x17500] =	vst v63  }
0x9c: {  	vm10 =	veq.s32 v11, $0x1;
	[tilespmem:v14+s30+$0x0] =	vst.idx.msk vm0, v2  }
0x9d: {  	vm11 =	veq.s32 v10, $0x1;
	[tilespmem:v18+s30+$0x0] =	vst.idx.msk vm9, v2  }
0x9e: {  	[tilespmem:v26+s30+$0x0] =	vst.idx.msk vm6, v2  }
0x9f: {  	[tilespmem:v28+s30+$0x0] =	vst.idx.msk vm7, v2  }
0xa0: {  	[tilespmem:v29+s30+$0x0] =	vst.idx.msk vm8, v2  }
0xa1: {  	[tilespmem:v27+s30+$0x0] =	vst.idx.msk vm1, v2  }
0xa2: {  	[tilespmem:v30+s30+$0x0] =	vst.idx.msk vm10, v2  }
0xa3: {  	s5 =	simm.s32 $0x0;
	s8 =	sadd.s32 s21, s10;
	[tilespmem:v31+s30+$0x0] =	vst.idx.msk vm11, v2  }
0xa4: {  	[hbm4b:s8+s22] =	stream.strided.scatter [tilespmem:s30], [sflag:$0x2], $0x4000, s23, s22, $0x38;
	[tilespmem:$0x17500] =	vst v63  }
0xa5: {  	v23 =	vld [tilespmem:s5+$0xF0]  }
0xa6: {  	v24 =	vld [tilespmem:s5+$0x80]  }
0xa7: {  	v20 =	vimm.s32 $0x0;
	v25 =	vld [tilespmem:s5+$0x90]  }
0xa8: {  	v20 =	vsel vm0, $0xFFFFFFFF, v20;
	v22 =	vld [tilespmem:s5+$0xA0]  }
0xa9: {  	[tilespmem:$0x1FFF0] =	vst v20;
	v20 =	vld [tilespmem:s5+$0xB0]  }
0xaa: {  	v21 =	vld [tilespmem:s5+$0xC0];
	[tilespmem:s5+$0x13570] =	vst v23  }
0xab: {  	[tilespmem:s5+$0x13500] =	vst v24;
	v23 =	vld [tilespmem:s5+$0xD0]  }
0xac: {  	s6 =	simm.s32 $0x400;
	s3 =	simm.s32 $0x80;
	[tilespmem:s5+$0x13510] =	vst v25;
	v24 =	vld [tilespmem:s5+$0xE0]  }
.LBB2_9:
0xad: {  	p1 =	sne.s32 s6, $0xFC00;
	v25 =	vld [tilespmem:s3+$0xF0];
	[tilespmem:s5+$0x13520] =	vst v22  }
0xae: {  	v32 =	vld [tilespmem:s3+$0x80];
	[tilespmem:s5+$0x13530] =	vst v20  }
0xaf: {  	v33 =	vld [tilespmem:s3+$0x90];
	[tilespmem:s5+$0x13540] =	vst v21  }
.Ltmp3:
0xb0: {  	v22 =	vld [tilespmem:s3+$0xA0];
	[tilespmem:s5+$0x13550] =	vst v23;
	(pc) =	sbr.rel @p1 .LBB2_9-.Ltmp3, $4  }
0xb1: {  	v20 =	vld [tilespmem:s3+$0xB0];
	[tilespmem:s5+$0x13560] =	vst v24;
	s5 =	smov.u32 s3  }
0xb2: {  	v21 =	vld [tilespmem:s5+$0xC0];
	[tilespmem:s5+$0x13570] =	vst v25  }
0xb3: {  	[tilespmem:s5+$0x13500] =	vst v32;
	v23 =	vld [tilespmem:s5+$0xD0]  }
0xb4: {  	s3 =	sshra.s32 s6, $0x2;
	s6 =	sadd.s32 $0x200, s6;
	[tilespmem:s5+$0x13510] =	vst v33;
	v24 =	vld [tilespmem:s5+$0xE0]  }
0xb5: {  	v25 =	vld [tilespmem:s3+$0xF0];
	[tilespmem:s5+$0x13520] =	vst v22  }
0xb6: {  	v22 =	vld [tilespmem:s3+$0x80];
	[tilespmem:s5+$0x13530] =	vst v20  }
0xb7: {  	v20 =	vld [tilespmem:s3+$0x90];
	[tilespmem:s5+$0x13540] =	vst v21  }
0xb8: {  	v21 =	vld [tilespmem:s3+$0xA0];
	[tilespmem:s5+$0x13550] =	vst v23  }
0xb9: {  	v23 =	vld [tilespmem:s3+$0xB0];
	[tilespmem:s5+$0x13560] =	vst v24  }
0xba: {  	v24 =	vld [tilespmem:s3+$0xC0];
	[tilespmem:s3+$0x13570] =	vst v25  }
0xbb: {  	[tilespmem:s3+$0x13500] =	vst v22;
	v22 =	vld [tilespmem:s3+$0xD0]  }
0xbc: {  	[tilespmem:s3+$0x13510] =	vst v20;
	v20 =	vld [tilespmem:s3+$0xE0]  }
0xbd: {  	[tilespmem:s3+$0x13520] =	vst v21  }
0xbe: {  	[tilespmem:s3+$0x13530] =	vst v23  }
0xbf: {  	[tilespmem:s3+$0x13540] =	vst v24  }
0xc0: {  	[tilespmem:s3+$0x13550] =	vst v22  }
0xc1: {  	[tilespmem:s3+$0x13560] =	vst v20  }
0xc2: {  	v20 =	vld [tilespmem:$0x8000]  }
0xc3: {  	v21 =	vld [tilespmem:$0x8010]  }
0xc4: {  	v22 =	vld [tilespmem:$0x8020]  }
0xc5: {  	v23 =	vld [tilespmem:$0x8030]  }
0xc6: {  	v24 =	vld [tilespmem:$0x8040]  }
0xc7: {  	[tilespmem:$0x17480] =	vst v20;
	v20 =	vld [tilespmem:$0x8050]  }
0xc8: {  	[tilespmem:$0x17490] =	vst v21;
	v21 =	vld [tilespmem:$0x8060]  }
0xc9: {  	[tilespmem:$0x174A0] =	vst v22;
	v22 =	vld [tilespmem:$0x8070]  }
0xca: {  	[tilespmem:$0x174B0] =	vst v23  }
0xcb: {  	[tilespmem:$0x174C0] =	vst v24  }
0xcc: {  	[tilespmem:$0x174D0] =	vst v20  }
0xcd: {  	[tilespmem:$0x174E0] =	vst v21  }
0xce: {  	s6 =	simm.s32 @p0 $0x0;
	s5 =	simm.s32 @p0 $0x20000;
	s3 =	simm.s32 @p0 $0x400;
	[tilespmem:$0x174F0] =	vst v22  }
0xcf: {  	[tilespmem:s6], [sflag:$0x4] =	stream.strided.gather @p0 [hbm4b:s11+s3], $0x4000, s5, s3, $0x38;
	[tilespmem:$0x17500] =	vst v63  }
0xd0: {  	s8 =	simm.s32 @p0 $0x8000  }
0xd1: {  	[tilespmem:s8], [sflag:$0x4] =	stream.strided.gather @p0 [hbm4b:s12+s3], $0x0, s5, s3, $0x38;
	[tilespmem:$0x17500] =	vst v63  }
0xd2: {  	_ = 	snop  }
0xd3: {  	[tilespmem:s8], [sflag:$0x4] =	stream.linear.gather @p0 [hbm4b:s12+s6], $0x80, $0x38;
	[tilespmem:$0x17500] =	vst v63  }
0xd4: {  	_ =	swait.ge [sflag:s31], $0x4000  }
0xd5: {  	[sflag:s31] =	ssyncset.done $0x0  }
0xd6: {  	[sflag:s31] =	ssyncadd.s32 $0xFFFFC000  }
0xd7: {  	[tilespmem:v14+s29+$0x0] =	vst.idx.msk vm2, v1  }
0xd8: {  	[tilespmem:v18+s29+$0x0] =	vst.idx.msk vm4, v1  }
0xd9: {  	vm2 =	veq.s32 v12, $0x2;
	[tilespmem:v26+s29+$0x0] =	vst.idx.msk vm3, v1  }
0xda: {  	vm0 =	veq.s32 v15, $0x2;
	[tilespmem:v28+s29+$0x0] =	vst.idx.msk vm5, v1  }
0xdb: {  	vm5 =	veq.s32 v17, $0x2;
	[tilespmem:v29+s29+$0x0] =	vst.idx.msk vm12, v1  }
0xdc: {  	vm12 =	veq.s32 v19, $0x2;
	[tilespmem:v27+s29+$0x0] =	vst.idx.msk vm13, v1  }
0xdd: {  	vm13 =	veq.s32 v16, $0x2;
	[tilespmem:v30+s29+$0x0] =	vst.idx.msk vm14, v1  }
0xde: {  	vm14 =	veq.s32 v13, $0x2;
	[tilespmem:v31+s29+$0x0] =	vst.idx.msk vm15, v1  }
0xdf: {  	vm15 =	veq.s32 v11, $0x2;
	[tilespmem:v14+s29+$0x0] =	vst.idx.msk vm2, v2  }
0xe0: {  	vm4 =	veq.s32 v10, $0x2;
	[tilespmem:v18+s29+$0x0] =	vst.idx.msk vm0, v2  }
0xe1: {  	[tilespmem:v26+s29+$0x0] =	vst.idx.msk vm5, v2  }
0xe2: {  	[tilespmem:v28+s29+$0x0] =	vst.idx.msk vm12, v2  }
0xe3: {  	[tilespmem:v29+s29+$0x0] =	vst.idx.msk vm13, v2  }
0xe4: {  	[tilespmem:v27+s29+$0x0] =	vst.idx.msk vm14, v2  }
0xe5: {  	[tilespmem:v30+s29+$0x0] =	vst.idx.msk vm15, v2  }
0xe6: {  	s8 =	sadd.s32 s21, s13;
	[tilespmem:v31+s29+$0x0] =	vst.idx.msk vm4, v2  }
0xe7: {  	[hbm4b:s8+s22] =	stream.strided.scatter [tilespmem:s29], [sflag:$0x1], $0x4000, s23, s22, $0x38;
	[tilespmem:$0x17500] =	vst v63  }
0xe8: {  	_ =	swait.ge [sflag:s0], $0x4000  }
0xe9: {  	v20 =	vld [tilespmem:$0x1FFF0];
	_ =	sdelay $0x4  }
0xea: {  	vm3 =	vnez.u8 v20;
	_ =	sdelay $0x3  }
0xeb: {  	[sflag:s0] =	ssyncset.done $0x0  }
0xec: {  	[sflag:s0] =	ssyncadd.s32 $0xFFFFC000  }
0xed: {  	[tilespmem:v14+s30+$0x0] =	vst.idx.msk vm3, v1  }
0xee: {  	[tilespmem:v18+s30+$0x0] =	vst.idx.msk vm9, v1  }
0xef: {  	vm9 =	veq.s32 v12, $0x3;
	[tilespmem:v26+s30+$0x0] =	vst.idx.msk vm6, v1  }
0xf0: {  	[tilespmem:v28+s30+$0x0] =	vst.idx.msk vm7, v1;
	vm7 =	veq.s32 v15, $0x3  }
0xf1: {  	vm6 =	veq.s32 v17, $0x3;
	[tilespmem:v29+s30+$0x0] =	vst.idx.msk vm8, v1  }
0xf2: {  	vm8 =	veq.s32 v19, $0x3;
	[tilespmem:v27+s30+$0x0] =	vst.idx.msk vm1, v1  }
0xf3: {  	[tilespmem:v30+s30+$0x0] =	vst.idx.msk vm10, v1;
	vm10 =	veq.s32 v16, $0x3  }
0xf4: {  	[tilespmem:v31+s30+$0x0] =	vst.idx.msk vm11, v1;
	vm11 =	veq.s32 v13, $0x3  }
0xf5: {  	vm3 =	veq.s32 v11, $0x3;
	[tilespmem:v14+s30+$0x0] =	vst.idx.msk vm9, v2  }
0xf6: {  	vm1 =	veq.s32 v10, $0x3;
	[tilespmem:v18+s30+$0x0] =	vst.idx.msk vm7, v2  }
0xf7: {  	[tilespmem:v26+s30+$0x0] =	vst.idx.msk vm6, v2  }
0xf8: {  	[tilespmem:v28+s30+$0x0] =	vst.idx.msk vm8, v2  }
0xf9: {  	[tilespmem:v29+s30+$0x0] =	vst.idx.msk vm10, v2  }
0xfa: {  	[tilespmem:v27+s30+$0x0] =	vst.idx.msk vm11, v2  }
0xfb: {  	[tilespmem:v30+s30+$0x0] =	vst.idx.msk vm3, v2  }
0xfc: {  	s5 =	sadd.s32 s21, s14;
	[tilespmem:v31+s30+$0x0] =	vst.idx.msk vm1, v2  }
0xfd: {  	[hbm4b:s5+s22] =	stream.strided.scatter [tilespmem:s30], [sflag:$0x2], $0x4000, s23, s22, $0x38;
	[tilespmem:$0x17500] =	vst v63  }
0xfe: {  	_ =	swait.ge [sflag:s31], $0x4000  }
0xff: {  	[sflag:s31] =	ssyncset.done $0x0  }
0x100: {  	[sflag:s31] =	ssyncadd.s32 $0xFFFFC000  }
0x101: {  	[tilespmem:v14+s29+$0x0] =	vst.idx.msk vm2, v1  }
0x102: {  	v20 =	vimm.s32 $0x0;
	[tilespmem:v18+s29+$0x0] =	vst.idx.msk vm0, v1;
	vm0 =	veq.s32 v12, $0x4  }
0x103: {  	[tilespmem:v26+s29+$0x0] =	vst.idx.msk vm5, v1;
	v20 =	vsel vm0, $0xFFFFFFFF, v20  }
0x104: {  	[tilespmem:$0x1FF50] =	vst v20  }
0x105: {  	vm5 =	veq.s32 v15, $0x4;
	[tilespmem:v28+s29+$0x0] =	vst.idx.msk vm12, v1  }
0x106: {  	vm12 =	veq.s32 v17, $0x4;
	[tilespmem:v29+s29+$0x0] =	vst.idx.msk vm13, v1  }
0x107: {  	vm13 =	veq.s32 v19, $0x4;
	[tilespmem:v27+s29+$0x0] =	vst.idx.msk vm14, v1  }
0x108: {  	vm14 =	veq.s32 v16, $0x4;
	[tilespmem:v30+s29+$0x0] =	vst.idx.msk vm15, v1  }
0x109: {  	vm15 =	veq.s32 v13, $0x4;
	[tilespmem:v31+s29+$0x0] =	vst.idx.msk vm4, v1  }
0x10a: {  	vm4 =	veq.s32 v11, $0x4;
	[tilespmem:v14+s29+$0x0] =	vst.idx.msk vm0, v2  }
0x10b: {  	vm2 =	veq.s32 v10, $0x4;
	[tilespmem:v18+s29+$0x0] =	vst.idx.msk vm5, v2  }
0x10c: {  	[tilespmem:v26+s29+$0x0] =	vst.idx.msk vm12, v2  }
0x10d: {  	[tilespmem:v28+s29+$0x0] =	vst.idx.msk vm13, v2  }
0x10e: {  	[tilespmem:v29+s29+$0x0] =	vst.idx.msk vm14, v2  }
0x10f: {  	[tilespmem:v27+s29+$0x0] =	vst.idx.msk vm15, v2  }
0x110: {  	[tilespmem:v30+s29+$0x0] =	vst.idx.msk vm4, v2  }
0x111: {  	s6 =	sadd.s32 s21, s15;
	[tilespmem:v31+s29+$0x0] =	vst.idx.msk vm2, v2  }
0x112: {  	[hbm4b:s6+s22] =	stream.strided.scatter [tilespmem:s29], [sflag:$0x1], $0x4000, s23, s22, $0x38;
	[tilespmem:$0x17500] =	vst v63  }
0x113: {  	_ =	swait.ge [sflag:s0], $0x4000  }
0x114: {  	[sflag:s0] =	ssyncset.done $0x0  }
0x115: {  	[sflag:s0] =	ssyncadd.s32 $0xFFFFC000  }
0x116: {  	[tilespmem:v14+s30+$0x0] =	vst.idx.msk vm9, v1  }
0x117: {  	v20 =	vimm.s32 $0x0;
	vm9 =	veq.s32 v12, $0x5;
	[tilespmem:v18+s30+$0x0] =	vst.idx.msk vm7, v1  }
0x118: {  	v20 =	vsel vm9, $0xFFFFFFFF, v20;
	[tilespmem:v26+s30+$0x0] =	vst.idx.msk vm6, v1  }
0x119: {  	vm0 =	veq.s32 v15, $0x5;
	[tilespmem:$0x1FF60] =	vst v20;
	v20 =	vimm.s32 $0x0  }
0x11a: {  	[tilespmem:v28+s30+$0x0] =	vst.idx.msk vm8, v1;
	v20 =	vsel vm0, $0xFFFFFFFF, v20  }
0x11b: {  	[tilespmem:$0x1FF70] =	vst v20  }
0x11c: {  	vm8 =	veq.s32 v17, $0x5;
	[tilespmem:v29+s30+$0x0] =	vst.idx.msk vm10, v1;
	v20 =	vimm.s32 $0x0  }
0x11d: {  	v20 =	vsel vm8, $0xFFFFFFFF, v20;
	[tilespmem:v27+s30+$0x0] =	vst.idx.msk vm11, v1  }
0x11e: {  	[tilespmem:$0x1FF80] =	vst v20  }
0x11f: {  	vm7 =	veq.s32 v19, $0x5;
	v20 =	vimm.s32 $0x0;
	[tilespmem:v30+s30+$0x0] =	vst.idx.msk vm3, v1  }
0x120: {  	v20 =	vsel vm7, $0xFFFFFFFF, v20;
	[tilespmem:v31+s30+$0x0] =	vst.idx.msk vm1, v1  }
0x121: {  	[tilespmem:$0x1FF90] =	vst v20  }
0x122: {  	vm6 =	veq.s32 v16, $0x5;
	v20 =	vimm.s32 $0x0;
	[tilespmem:v14+s30+$0x0] =	vst.idx.msk vm9, v2  }
0x123: {  	vm3 =	veq.s32 v13, $0x5;
	v20 =	vsel vm6, $0xFFFFFFFF, v20;
	[tilespmem:v18+s30+$0x0] =	vst.idx.msk vm0, v2  }
0x124: {  	[tilespmem:$0x1FFA0] =	vst v20  }
0x125: {  	vm1 =	veq.s32 v11, $0x5;
	v20 =	vimm.s32 $0x0;
	[tilespmem:v26+s30+$0x0] =	vst.idx.msk vm8, v2  }
0x126: {  	vm0 =	veq.s32 v10, $0x5;
	v20 =	vsel vm3, $0xFFFFFFFF, v20;
	[tilespmem:v28+s30+$0x0] =	vst.idx.msk vm7, v2  }
0x127: {  	[tilespmem:$0x1FFB0] =	vst v20  }
0x128: {  	v20 =	vimm.s32 $0x0;
	[tilespmem:v29+s30+$0x0] =	vst.idx.msk vm6, v2  }
0x129: {  	v20 =	vsel vm1, $0xFFFFFFFF, v20;
	[tilespmem:v27+s30+$0x0] =	vst.idx.msk vm3, v2  }
0x12a: {  	[tilespmem:$0x1FFC0] =	vst v20  }
0x12b: {  	v20 =	vimm.s32 $0x0;
	[tilespmem:v30+s30+$0x0] =	vst.idx.msk vm1, v2  }
0x12c: {  	v20 =	vsel vm0, $0xFFFFFFFF, v20;
	[tilespmem:v31+s30+$0x0] =	vst.idx.msk vm0, v2  }
0x12d: {  	s8 =	sadd.s32 s21, s16;
	[tilespmem:$0x1FFD0] =	vst v20  }
0x12e: {  	[hbm4b:s8+s22] =	stream.strided.scatter [tilespmem:s30], [sflag:$0x2], $0x4000, s23, s22, $0x38;
	[tilespmem:$0x17500] =	vst v63  }
0x12f: {  	_ =	swait.ge [sflag:s31], $0x4000  }
0x130: {  	v20 =	vld [tilespmem:$0x1FF50];
	_ =	sdelay $0x4  }
0x131: {  	vm0 =	vnez.u8 v20;
	_ =	sdelay $0x2  }
0x132: {  	vm3 =	veq.s32 v11, $0x6;
	vm1 =	veq.s32 v11, $0x7;
	v11 =	vimm.s32 $0x0  }
0x133: {  	v11 =	vsel vm1, $0xFFFFFFFF, v11;
	[sflag:s31] =	ssyncset.done $0x0  }
0x134: {  	[tilespmem:$0x1FFE0] =	vst v11;
	[sflag:s31] =	ssyncadd.s32 $0xFFFFC000  }
0x135: {  	[tilespmem:v14+s29+$0x0] =	vst.idx.msk vm0, v1  }
0x136: {  	[tilespmem:v18+s29+$0x0] =	vst.idx.msk vm5, v1  }
0x137: {  	vm9 =	veq.s32 v12, $0x6;
	[tilespmem:v26+s29+$0x0] =	vst.idx.msk vm12, v1  }
0x138: {  	vm7 =	veq.s32 v15, $0x6;
	[tilespmem:v28+s29+$0x0] =	vst.idx.msk vm13, v1  }
0x139: {  	vm8 =	veq.s32 v17, $0x6;
	[tilespmem:v29+s29+$0x0] =	vst.idx.msk vm14, v1  }
0x13a: {  	vm6 =	veq.s32 v19, $0x6;
	[tilespmem:v27+s29+$0x0] =	vst.idx.msk vm15, v1  }
0x13b: {  	vm5 =	veq.s32 v16, $0x6;
	[tilespmem:v30+s29+$0x0] =	vst.idx.msk vm4, v1  }
0x13c: {  	vm4 =	veq.s32 v13, $0x6;
	[tilespmem:v31+s29+$0x0] =	vst.idx.msk vm2, v1  }
0x13d: {  	[tilespmem:v14+s29+$0x0] =	vst.idx.msk vm9, v2  }
0x13e: {  	vm2 =	veq.s32 v10, $0x6;
	[tilespmem:v18+s29+$0x0] =	vst.idx.msk vm7, v2  }
0x13f: {  	[tilespmem:v26+s29+$0x0] =	vst.idx.msk vm8, v2  }
0x140: {  	vm15 =	veq.s32 v12, $0x7;
	[tilespmem:v28+s29+$0x0] =	vst.idx.msk vm6, v2  }
0x141: {  	vm13 =	veq.s32 v15, $0x7;
	[tilespmem:v29+s29+$0x0] =	vst.idx.msk vm5, v2  }
0x142: {  	vm14 =	veq.s32 v17, $0x7;
	[tilespmem:v27+s29+$0x0] =	vst.idx.msk vm4, v2  }
0x143: {  	vm12 =	veq.s32 v19, $0x7;
	[tilespmem:v30+s29+$0x0] =	vst.idx.msk vm3, v2  }
0x144: {  	s5 =	sadd.s32 s21, s17;
	vm11 =	veq.s32 v16, $0x7;
	[tilespmem:v31+s29+$0x0] =	vst.idx.msk vm2, v2  }
0x145: {  	vm10 =	veq.s32 v13, $0x7;
	[hbm4b:s5+s22] =	stream.strided.scatter [tilespmem:s29], [sflag:$0x1], $0x4000, s23, s22, $0x38;
	[tilespmem:$0x17500] =	vst v63  }
0x146: {  	[tilespmem:v14+s1+$0x0] =	vst.idx.msk vm15, v2  }
0x147: {  	vm0 =	veq.s32 v10, $0x7;
	[tilespmem:v18+s1+$0x0] =	vst.idx.msk vm13, v2  }
0x148: {  	[tilespmem:v26+s1+$0x0] =	vst.idx.msk vm14, v2  }
0x149: {  	[tilespmem:v28+s1+$0x0] =	vst.idx.msk vm12, v2  }
0x14a: {  	[tilespmem:v29+s1+$0x0] =	vst.idx.msk vm11, v2  }
0x14b: {  	[tilespmem:v27+s1+$0x0] =	vst.idx.msk vm10, v2  }
0x14c: {  	[tilespmem:v30+s1+$0x0] =	vst.idx.msk vm1, v2  }
0x14d: {  	s6 =	sadd.s32 s21, s18;
	[tilespmem:v31+s1+$0x0] =	vst.idx.msk vm0, v2  }
0x14e: {  	[hbm4b:s6+s22] =	stream.strided.scatter [tilespmem:s1], [sflag:$0x3], $0x7400, s23, s22, $0x38;
	[tilespmem:$0x17500] =	vst v63  }
0x14f: {  	_ =	swait.ge [sflag:s25], $0x4000  }
0x150: {  	[sflag:s25] =	ssyncset.done $0x0  }
0x151: {  	[sflag:s25] =	ssyncadd.s32 $0xFFFFC000  }
0x152: {  	_ =	swait.ge [sflag:s25], $0x80  }
0x153: {  	[sflag:s25] =	ssyncset.done $0x0  }
0x154: {  	[sflag:s25] =	ssyncadd.s32 $0xFFFFFF80  }
0x155: {  	v10 =	vld [tilespmem:$0x4000]  }
0x156: {  	v11 =	vld [tilespmem:$0x4010]  }
0x157: {  	v12 =	vld [tilespmem:$0x4020]  }
0x158: {  	v13 =	vld [tilespmem:$0x4030]  }
0x159: {  	v15 =	vld [tilespmem:$0x4040]  }
0x15a: {  	v16 =	vld [tilespmem:$0x4050]  }
0x15b: {  	v17 =	vld [tilespmem:$0x4060]  }
0x15c: {  	v19 =	vld [tilespmem:$0x4070];
	_ =	swait.ge [sflag:s31], $0x4000  }
0x15d: {  	[sflag:s31] =	ssyncset.done $0x0  }
0x15e: {  	[sflag:s31] =	ssyncadd.s32 $0xFFFFC000  }
0x15f: {  	[tilespmem:v14+s29+$0x0] =	vst.idx.msk vm9, v1  }
0x160: {  	[tilespmem:v18+s29+$0x0] =	vst.idx.msk vm7, v1  }
0x161: {  	[tilespmem:v26+s29+$0x0] =	vst.idx.msk vm8, v1  }
0x162: {  	[tilespmem:v28+s29+$0x0] =	vst.idx.msk vm6, v1  }
0x163: {  	[tilespmem:v29+s29+$0x0] =	vst.idx.msk vm5, v1  }
0x164: {  	[tilespmem:v27+s29+$0x0] =	vst.idx.msk vm4, v1  }
0x165: {  	[tilespmem:v30+s29+$0x0] =	vst.idx.msk vm3, v1  }
0x166: {  	[tilespmem:v31+s29+$0x0] =	vst.idx.msk vm2, v1  }
0x167: {  	_ =	swait.ge [sflag:s0], $0x4000  }
0x168: {  	v20 =	vld [tilespmem:$0x1FF60];
	_ =	sdelay $0x4  }
0x169: {  	vm1 =	vmmov vm0;
	vm0 =	vnez.u8 v20  }
0x16a: {  	v20 =	vld [tilespmem:$0x1FF70];
	_ =	sdelay $0x2  }
0x16b: {  	[sflag:s0] =	ssyncset.done $0x0  }
0x16c: {  	[sflag:s0] =	ssyncadd.s32 $0xFFFFC000  }
0x16d: {  	v10 =	vtrunc.f32 v10;
	[tilespmem:v14+s30+$0x0] =	vst.idx.msk vm0, v1;
	vm0 =	vnez.u8 v20  }
0x16e: {  	v20 =	vcvt.f32.s32 v10;
	v10 =	vtrunc.f32 v11;
	v11 =	vld [tilespmem:$0x1FF80];
	_ =	sdelay $0x4  }
0x16f: {  	[tilespmem:v18+s30+$0x0] =	vst.idx.msk vm0, v1;
	vm0 =	vnez.u8 v11  }
0x170: {  	v21 =	vcvt.f32.s32 v10;
	v10 =	vld [tilespmem:$0x1FF90];
	_ =	sdelay $0x4  }
0x171: {  	v11 =	vtrunc.f32 v12;
	[tilespmem:v26+s30+$0x0] =	vst.idx.msk vm0, v1;
	vm0 =	vnez.u8 v10  }
0x172: {  	v23 =	vcvt.f32.s32 v11;
	v11 =	vld [tilespmem:$0x1FFA0];
	_ =	sdelay $0x4  }
0x173: {  	[tilespmem:v28+s30+$0x0] =	vst.idx.msk vm0, v1;
	vm0 =	vnez.u8 v11  }
0x174: {  	v12 =	vld [tilespmem:$0x1FFB0];
	_ =	sdelay $0x4  }
0x175: {  	v13 =	vtrunc.f32 v13;
	[tilespmem:v29+s30+$0x0] =	vst.idx.msk vm0, v1;
	vm0 =	vnez.u8 v12  }
0x176: {  	v24 =	vcvt.f32.s32 v13;
	v13 =	vld [tilespmem:$0x1FFC0];
	_ =	sdelay $0x4  }
0x177: {  	[tilespmem:v27+s30+$0x0] =	vst.idx.msk vm0, v1;
	vm0 =	vnez.u8 v13  }
0x178: {  	v13 =	vld [tilespmem:$0x1FFD0];
	_ =	sdelay $0x4  }
0x179: {  	[tilespmem:v30+s30+$0x0] =	vst.idx.msk vm0, v1;
	vm0 =	vnez.u8 v13;
	_ =	sdelay $0x5  }
0x17a: {  	v16 =	vtrunc.f32 v16;
	v17 =	vtrunc.f32 v17;
	[tilespmem:v31+s30+$0x0] =	vst.idx.msk vm0, v1  }
0x17b: {  	v16 =	vcvt.f32.s32 v16;
	v32 =	vcvt.f32.s32 v17;
	_ =	swait.ge [sflag:s7], $0x7400  }
0x17c: {  	v15 =	vtrunc.f32 v15;
	v19 =	vtrunc.f32 v19;
	v62 =	vld [tilespmem:$0x1FFE0]  }
0x17d: {  	v33 =	vcvt.f32.s32 v19;
	v17 =	vshrl.u32 v16, $0x7;
	v19 =	vand.u32 $0x7F, v32  }
0x17e: {  	v63 =	vshll.u32 v19, $0x7;
	v22 =	vand.u32 $0x7F, v20;
	v10 =	vshrl.u32 v20, $0x7  }
0x17f: {  	v20 =	vand.u32 $0x7F, v23;
	vm3 =	veq.s32 v10, $0x0;
	v11 =	vshrl.u32 v21, $0x7;
	[sflag:s7] =	ssyncset.done $0x0  }
0x180: {  	v21 =	vand.u32 $0x7F, v21;
	v12 =	vshrl.u32 v23, $0x7;
	v23 =	vcvt.f32.s32 v15;
	[sflag:s7] =	ssyncadd.s32 $0xFFFF8C00  }
0x181: {  	vm5 =	veq.s32 v11, $0x0;
	vm4 =	veq.s32 v12, $0x0;
	[tilespmem:v14+s1+$0x0] =	vst.idx.msk vm15, v1;
	vm0 =	vnez.u8 v62  }
0x182: {  	v15 =	vshrl.u32 v23, $0x7;
	v25 =	vand.u32 $0x7F, v23;
	v23 =	vand.u32 $0x7F, v16;
	[tilespmem:v18+s1+$0x0] =	vst.idx.msk vm13, v1  }
0x183: {  	v16 =	vshrl.u32 v32, $0x7;
	v13 =	vshrl.u32 v24, $0x7;
	[tilespmem:v26+s1+$0x0] =	vst.idx.msk vm14, v1;
	v26 =	vshll.u32 v22, $0x7  }
0x184: {  	v24 =	vand.u32 $0x7F, v24;
	[tilespmem:v28+s1+$0x0] =	vst.idx.msk vm12, v1;
	v26 =	vor.u32 v0, v26;
	v28 =	vshll.u32 v21, $0x7  }
0x185: {  	vm7 =	veq.s32 v13, $0x0;
	[tilespmem:v29+s1+$0x0] =	vst.idx.msk vm11, v1;
	v28 =	vor.u32 v3, v28;
	v29 =	vshll.u32 v20, $0x7  }
0x186: {  	v14 =	vshrl.u32 v33, $0x7;
	[tilespmem:v27+s1+$0x0] =	vst.idx.msk vm10, v1;
	v27 =	vor.u32 v4, v29;
	v29 =	vshll.u32 v24, $0x7  }
0x187: {  	vm12 =	veq.s32 v15, $0x0;
	v29 =	vor.u32 v5, v29;
	[tilespmem:v30+s1+$0x0] =	vst.idx.msk vm0, v1;
	v30 =	vshll.u32 v25, $0x7  }
0x188: {  	vm13 =	veq.s32 v17, $0x0;
	[tilespmem:v31+s1+$0x0] =	vst.idx.msk vm1, v1;
	v30 =	vor.u32 v6, v30;
	v31 =	vshll.u32 v23, $0x7  }
0x189: {  	v18 =	vand.u32 $0x7F, v33;
	vm14 =	veq.s32 v16, $0x0;
	[tilespmem:v26+s29+$0x0] =	vst.idx.msk vm3, v2;
	v31 =	vor.u32 v7, v31  }
0x18a: {  	v32 =	vor.u32 v8, v63;
	vm15 =	veq.s32 v14, $0x0;
	v33 =	vshll.u32 v18, $0x7;
	[tilespmem:v28+s29+$0x0] =	vst.idx.msk vm5, v2  }
0x18b: {  	v33 =	vor.u32 v9, v33;
	[tilespmem:v27+s29+$0x0] =	vst.idx.msk vm4, v2  }
0x18c: {  	vm2 =	veq.s32 v10, $0x1;
	[tilespmem:v29+s29+$0x0] =	vst.idx.msk vm7, v2  }
0x18d: {  	vm0 =	veq.s32 v11, $0x1;
	[tilespmem:v30+s29+$0x0] =	vst.idx.msk vm12, v2  }
0x18e: {  	vm1 =	veq.s32 v12, $0x1;
	[tilespmem:v31+s29+$0x0] =	vst.idx.msk vm13, v2  }
0x18f: {  	s26 =	sor.u32 s9, s26;
	vm6 =	veq.s32 v13, $0x1;
	[tilespmem:v32+s29+$0x0] =	vst.idx.msk vm14, v2  }
0x190: {  	s8 =	sadd.s32 s2, s26;
	vm8 =	veq.s32 v15, $0x1;
	[tilespmem:v33+s29+$0x0] =	vst.idx.msk vm15, v2  }
0x191: {  	vm9 =	veq.s32 v17, $0x1;
	[hbm4b:s8+s22] =	stream.strided.scatter [tilespmem:s29], [sflag:$0x1], $0x4000, s23, s22, $0x38;
	[tilespmem:$0x17500] =	vst v63  }
0x192: {  	vm10 =	veq.s32 v16, $0x1;
	[tilespmem:v26+s30+$0x0] =	vst.idx.msk vm2, v2  }
0x193: {  	vm11 =	veq.s32 v14, $0x1;
	[tilespmem:v28+s30+$0x0] =	vst.idx.msk vm0, v2  }
0x194: {  	[tilespmem:v27+s30+$0x0] =	vst.idx.msk vm1, v2  }
0x195: {  	[tilespmem:v29+s30+$0x0] =	vst.idx.msk vm6, v2  }
0x196: {  	[tilespmem:v30+s30+$0x0] =	vst.idx.msk vm8, v2  }
0x197: {  	[tilespmem:v31+s30+$0x0] =	vst.idx.msk vm9, v2  }
0x198: {  	[tilespmem:v32+s30+$0x0] =	vst.idx.msk vm10, v2  }
0x199: {  	s21 =	sadd.s32 s26, s10;
	s5 =	simm.s32 $0x0;
	[tilespmem:v33+s30+$0x0] =	vst.idx.msk vm11, v2  }
0x19a: {  	[hbm4b:s21+s22] =	stream.strided.scatter [tilespmem:s30], [sflag:$0x2], $0x4000, s23, s22, $0x38;
	[tilespmem:$0x17500] =	vst v63  }
0x19b: {  	v37 =	vld [tilespmem:s5+$0x40F0]  }
0x19c: {  	v38 =	vld [tilespmem:s5+$0x4080]  }
0x19d: {  	v39 =	vld [tilespmem:s5+$0x4090]  }
0x19e: {  	v36 =	vld [tilespmem:s5+$0x40A0]  }
0x19f: {  	v34 =	vld [tilespmem:s5+$0x40B0]  }
0x1a0: {  	v35 =	vld [tilespmem:s5+$0x40C0];
	[tilespmem:s5+$0x13570] =	vst v37  }
0x1a1: {  	[tilespmem:s5+$0x13500] =	vst v38;
	v37 =	vld [tilespmem:s5+$0x40D0]  }
0x1a2: {  	s3 =	simm.s32 $0x80;
	s6 =	simm.s32 $0x400;
	[tilespmem:s5+$0x13510] =	vst v39;
	v38 =	vld [tilespmem:s5+$0x40E0]  }
.LBB2_11:
0x1a3: {  	p1 =	sne.s32 s6, $0xFC00;
	v39 =	vld [tilespmem:s3+$0x40F0];
	[tilespmem:s5+$0x13520] =	vst v36  }
0x1a4: {  	v40 =	vld [tilespmem:s3+$0x4080];
	[tilespmem:s5+$0x13530] =	vst v34  }
0x1a5: {  	v41 =	vld [tilespmem:s3+$0x4090];
	[tilespmem:s5+$0x13540] =	vst v35  }
.Ltmp4:
0x1a6: {  	v36 =	vld [tilespmem:s3+$0x40A0];
	[tilespmem:s5+$0x13550] =	vst v37;
	(pc) =	sbr.rel @p1 .LBB2_11-.Ltmp4, $4  }
0x1a7: {  	v34 =	vld [tilespmem:s3+$0x40B0];
	[tilespmem:s5+$0x13560] =	vst v38;
	s5 =	smov.u32 s3  }
0x1a8: {  	v35 =	vld [tilespmem:s5+$0x40C0];
	[tilespmem:s5+$0x13570] =	vst v39  }
0x1a9: {  	[tilespmem:s5+$0x13500] =	vst v40;
	v37 =	vld [tilespmem:s5+$0x40D0]  }
0x1aa: {  	s3 =	sshra.s32 s6, $0x2;
	s6 =	sadd.s32 $0x200, s6;
	[tilespmem:s5+$0x13510] =	vst v41;
	v38 =	vld [tilespmem:s5+$0x40E0]  }
0x1ab: {  	v39 =	vld [tilespmem:s3+$0x40F0];
	[tilespmem:s5+$0x13520] =	vst v36  }
0x1ac: {  	v36 =	vld [tilespmem:s3+$0x4080];
	[tilespmem:s5+$0x13530] =	vst v34  }
0x1ad: {  	v34 =	vld [tilespmem:s3+$0x4090];
	[tilespmem:s5+$0x13540] =	vst v35  }
0x1ae: {  	v35 =	vld [tilespmem:s3+$0x40A0];
	[tilespmem:s5+$0x13550] =	vst v37  }
0x1af: {  	v37 =	vld [tilespmem:s3+$0x40B0];
	[tilespmem:s5+$0x13560] =	vst v38  }
0x1b0: {  	v38 =	vld [tilespmem:s3+$0x40C0];
	[tilespmem:s3+$0x13570] =	vst v39  }
0x1b1: {  	v59 =	vld [tilespmem:s3+$0x40D0];
	[tilespmem:s3+$0x13500] =	vst v36  }
0x1b2: {  	v60 =	vld [tilespmem:s3+$0x40E0];
	[tilespmem:s3+$0x13510] =	vst v34  }
0x1b3: {  	[tilespmem:s3+$0x13520] =	vst v35  }
0x1b4: {  	[tilespmem:s3+$0x13530] =	vst v37  }
0x1b5: {  	[tilespmem:s3+$0x13540] =	vst v38  }
0x1b6: {  	[tilespmem:s3+$0x13550] =	vst v59  }
0x1b7: {  	[tilespmem:s3+$0x13560] =	vst v60  }
0x1b8: {  	v34 =	vld [tilespmem:$0x8080]  }
0x1b9: {  	v35 =	vld [tilespmem:$0x8090]  }
0x1ba: {  	v36 =	vld [tilespmem:$0x80A0]  }
0x1bb: {  	v37 =	vld [tilespmem:$0x80B0]  }
0x1bc: {  	v38 =	vld [tilespmem:$0x80C0]  }
0x1bd: {  	v61 =	vld [tilespmem:$0x80D0];
	[tilespmem:$0x17480] =	vst v34  }
0x1be: {  	v62 =	vld [tilespmem:$0x80E0];
	[tilespmem:$0x17490] =	vst v35  }
0x1bf: {  	v63 =	vld [tilespmem:$0x80F0];
	[tilespmem:$0x174A0] =	vst v36  }
0x1c0: {  	[tilespmem:$0x174B0] =	vst v37  }
0x1c1: {  	[tilespmem:$0x174C0] =	vst v38  }
0x1c2: {  	[tilespmem:$0x174D0] =	vst v61  }
0x1c3: {  	[tilespmem:$0x174E0] =	vst v62  }
0x1c4: {  	s6 =	simm.s32 @p0 $0x4000;
	s5 =	simm.s32 @p0 $0x20000;
	s3 =	simm.s32 @p0 $0x400;
	[tilespmem:$0x174F0] =	vst v63  }
0x1c5: {  	[tilespmem:s6], [sflag:$0x5] =	stream.strided.gather @p0 [hbm4b:s19+s3], $0x4000, s5, s3, $0x38;
	[tilespmem:$0x17500] =	vst v63  }
0x1c6: {  	s6 =	simm.s32 @p0 $0x8080  }
0x1c7: {  	[tilespmem:s6], [sflag:$0x5] =	stream.strided.gather @p0 [hbm4b:s20+s3], $0x0, s5, s3, $0x38;
	[tilespmem:$0x17500] =	vst v63  }
0x1c8: {  	s3 =	simm.s32 @p0 $0x0  }
0x1c9: {  	[tilespmem:s6], [sflag:$0x5] =	stream.linear.gather @p0 [hbm4b:s20+s3], $0x80, $0x38;
	[tilespmem:$0x17500] =	vst v63  }
0x1ca: {  	_ =	swait.ge [sflag:s31], $0x4000  }
0x1cb: {  	[sflag:s31] =	ssyncset.done $0x0  }
0x1cc: {  	[sflag:s31] =	ssyncadd.s32 $0xFFFFC000  }
0x1cd: {  	[tilespmem:v26+s29+$0x0] =	vst.idx.msk vm3, v1  }
0x1ce: {  	[tilespmem:v28+s29+$0x0] =	vst.idx.msk vm5, v1  }
0x1cf: {  	vm3 =	veq.s32 v10, $0x2;
	[tilespmem:v27+s29+$0x0] =	vst.idx.msk vm4, v1  }
0x1d0: {  	vm4 =	veq.s32 v11, $0x2;
	[tilespmem:v29+s29+$0x0] =	vst.idx.msk vm7, v1  }
0x1d1: {  	vm7 =	veq.s32 v12, $0x2;
	[tilespmem:v30+s29+$0x0] =	vst.idx.msk vm12, v1  }
0x1d2: {  	vm12 =	veq.s32 v13, $0x2;
	[tilespmem:v31+s29+$0x0] =	vst.idx.msk vm13, v1  }
0x1d3: {  	vm13 =	veq.s32 v15, $0x2;
	[tilespmem:v32+s29+$0x0] =	vst.idx.msk vm14, v1  }
0x1d4: {  	vm14 =	veq.s32 v17, $0x2;
	[tilespmem:v33+s29+$0x0] =	vst.idx.msk vm15, v1  }
0x1d5: {  	vm15 =	veq.s32 v16, $0x2;
	[tilespmem:v26+s29+$0x0] =	vst.idx.msk vm3, v2  }
0x1d6: {  	vm5 =	veq.s32 v14, $0x2;
	[tilespmem:v28+s29+$0x0] =	vst.idx.msk vm4, v2  }
0x1d7: {  	[tilespmem:v27+s29+$0x0] =	vst.idx.msk vm7, v2  }
0x1d8: {  	[tilespmem:v29+s29+$0x0] =	vst.idx.msk vm12, v2  }
0x1d9: {  	[tilespmem:v30+s29+$0x0] =	vst.idx.msk vm13, v2  }
0x1da: {  	[tilespmem:v31+s29+$0x0] =	vst.idx.msk vm14, v2  }
0x1db: {  	[tilespmem:v32+s29+$0x0] =	vst.idx.msk vm15, v2  }
0x1dc: {  	s21 =	sadd.s32 s26, s13;
	[tilespmem:v33+s29+$0x0] =	vst.idx.msk vm5, v2  }
0x1dd: {  	[hbm4b:s21+s22] =	stream.strided.scatter [tilespmem:s29], [sflag:$0x1], $0x4000, s23, s22, $0x38;
	[tilespmem:$0x17500] =	vst v63  }
0x1de: {  	_ =	swait.ge [sflag:s0], $0x4000  }
0x1df: {  	[sflag:s0] =	ssyncset.done $0x0  }
0x1e0: {  	[sflag:s0] =	ssyncadd.s32 $0xFFFFC000  }
0x1e1: {  	[tilespmem:v26+s30+$0x0] =	vst.idx.msk vm2, v1  }
0x1e2: {  	[tilespmem:v28+s30+$0x0] =	vst.idx.msk vm0, v1  }
0x1e3: {  	[tilespmem:v27+s30+$0x0] =	vst.idx.msk vm1, v1;
	vm1 =	veq.s32 v10, $0x3  }
0x1e4: {  	vm2 =	veq.s32 v11, $0x3;
	[tilespmem:v29+s30+$0x0] =	vst.idx.msk vm6, v1  }
0x1e5: {  	vm6 =	veq.s32 v12, $0x3;
	[tilespmem:v30+s30+$0x0] =	vst.idx.msk vm8, v1  }
0x1e6: {  	vm8 =	veq.s32 v13, $0x3;
	[tilespmem:v31+s30+$0x0] =	vst.idx.msk vm9, v1  }
0x1e7: {  	vm9 =	veq.s32 v15, $0x3;
	[tilespmem:v32+s30+$0x0] =	vst.idx.msk vm10, v1  }
0x1e8: {  	vm10 =	veq.s32 v17, $0x3;
	[tilespmem:v33+s30+$0x0] =	vst.idx.msk vm11, v1  }
0x1e9: {  	vm11 =	veq.s32 v16, $0x3;
	[tilespmem:v26+s30+$0x0] =	vst.idx.msk vm1, v2  }
0x1ea: {  	vm0 =	veq.s32 v14, $0x3;
	[tilespmem:v28+s30+$0x0] =	vst.idx.msk vm2, v2  }
0x1eb: {  	[tilespmem:v27+s30+$0x0] =	vst.idx.msk vm6, v2  }
0x1ec: {  	[tilespmem:v29+s30+$0x0] =	vst.idx.msk vm8, v2  }
0x1ed: {  	[tilespmem:v30+s30+$0x0] =	vst.idx.msk vm9, v2  }
0x1ee: {  	[tilespmem:v31+s30+$0x0] =	vst.idx.msk vm10, v2  }
0x1ef: {  	[tilespmem:v32+s30+$0x0] =	vst.idx.msk vm11, v2  }
0x1f0: {  	s5 =	sadd.s32 s26, s14;
	[tilespmem:v33+s30+$0x0] =	vst.idx.msk vm0, v2  }
0x1f1: {  	[hbm4b:s5+s22] =	stream.strided.scatter [tilespmem:s30], [sflag:$0x2], $0x4000, s23, s22, $0x38;
	[tilespmem:$0x17500] =	vst v63  }
0x1f2: {  	_ =	swait.ge [sflag:s31], $0x4000  }
0x1f3: {  	[sflag:s31] =	ssyncset.done $0x0  }
0x1f4: {  	[sflag:s31] =	ssyncadd.s32 $0xFFFFC000  }
0x1f5: {  	[tilespmem:v26+s29+$0x0] =	vst.idx.msk vm3, v1  }
0x1f6: {  	[tilespmem:v28+s29+$0x0] =	vst.idx.msk vm4, v1  }
0x1f7: {  	vm4 =	veq.s32 v10, $0x4;
	[tilespmem:v27+s29+$0x0] =	vst.idx.msk vm7, v1  }
0x1f8: {  	vm3 =	veq.s32 v11, $0x4;
	[tilespmem:v29+s29+$0x0] =	vst.idx.msk vm12, v1  }
0x1f9: {  	vm7 =	veq.s32 v12, $0x4;
	[tilespmem:v30+s29+$0x0] =	vst.idx.msk vm13, v1  }
0x1fa: {  	vm12 =	veq.s32 v13, $0x4;
	[tilespmem:v31+s29+$0x0] =	vst.idx.msk vm14, v1  }
0x1fb: {  	vm13 =	veq.s32 v15, $0x4;
	[tilespmem:v32+s29+$0x0] =	vst.idx.msk vm15, v1  }
0x1fc: {  	[tilespmem:v33+s29+$0x0] =	vst.idx.msk vm5, v1;
	vm5 =	veq.s32 v17, $0x4  }
0x1fd: {  	vm14 =	veq.s32 v16, $0x4;
	[tilespmem:v26+s29+$0x0] =	vst.idx.msk vm4, v2  }
0x1fe: {  	vm15 =	veq.s32 v14, $0x4;
	[tilespmem:v28+s29+$0x0] =	vst.idx.msk vm3, v2  }
0x1ff: {  	[tilespmem:v27+s29+$0x0] =	vst.idx.msk vm7, v2  }
0x200: {  	[tilespmem:v29+s29+$0x0] =	vst.idx.msk vm12, v2  }
0x201: {  	[tilespmem:v30+s29+$0x0] =	vst.idx.msk vm13, v2  }
0x202: {  	[tilespmem:v31+s29+$0x0] =	vst.idx.msk vm5, v2  }
0x203: {  	[tilespmem:v32+s29+$0x0] =	vst.idx.msk vm14, v2  }
0x204: {  	s6 =	sadd.s32 s26, s15;
	[tilespmem:v33+s29+$0x0] =	vst.idx.msk vm15, v2  }
0x205: {  	[hbm4b:s6+s22] =	stream.strided.scatter [tilespmem:s29], [sflag:$0x1], $0x4000, s23, s22, $0x38;
	[tilespmem:$0x17500] =	vst v63  }
0x206: {  	_ =	swait.ge [sflag:s0], $0x4000  }
0x207: {  	[sflag:s0] =	ssyncset.done $0x0  }
0x208: {  	[sflag:s0] =	ssyncadd.s32 $0xFFFFC000  }
0x209: {  	[tilespmem:v26+s30+$0x0] =	vst.idx.msk vm1, v1  }
0x20a: {  	[tilespmem:v28+s30+$0x0] =	vst.idx.msk vm2, v1  }
0x20b: {  	vm1 =	veq.s32 v10, $0x5;
	[tilespmem:v27+s30+$0x0] =	vst.idx.msk vm6, v1  }
0x20c: {  	vm2 =	veq.s32 v11, $0x5;
	[tilespmem:v29+s30+$0x0] =	vst.idx.msk vm8, v1  }
0x20d: {  	vm6 =	veq.s32 v12, $0x5;
	[tilespmem:v30+s30+$0x0] =	vst.idx.msk vm9, v1  }
0x20e: {  	vm8 =	veq.s32 v13, $0x5;
	[tilespmem:v31+s30+$0x0] =	vst.idx.msk vm10, v1  }
0x20f: {  	vm9 =	veq.s32 v15, $0x5;
	[tilespmem:v32+s30+$0x0] =	vst.idx.msk vm11, v1  }
0x210: {  	[tilespmem:v33+s30+$0x0] =	vst.idx.msk vm0, v1;
	vm0 =	veq.s32 v17, $0x5  }
0x211: {  	vm10 =	veq.s32 v16, $0x5;
	[tilespmem:v26+s30+$0x0] =	vst.idx.msk vm1, v2  }
0x212: {  	vm11 =	veq.s32 v14, $0x5;
	[tilespmem:v28+s30+$0x0] =	vst.idx.msk vm2, v2  }
0x213: {  	[tilespmem:v27+s30+$0x0] =	vst.idx.msk vm6, v2  }
0x214: {  	[tilespmem:v29+s30+$0x0] =	vst.idx.msk vm8, v2  }
0x215: {  	[tilespmem:v30+s30+$0x0] =	vst.idx.msk vm9, v2  }
0x216: {  	[tilespmem:v31+s30+$0x0] =	vst.idx.msk vm0, v2  }
0x217: {  	[tilespmem:v32+s30+$0x0] =	vst.idx.msk vm10, v2  }
0x218: {  	s8 =	sadd.s32 s26, s16;
	[tilespmem:v33+s30+$0x0] =	vst.idx.msk vm11, v2  }
0x219: {  	[hbm4b:s8+s22] =	stream.strided.scatter [tilespmem:s30], [sflag:$0x2], $0x4000, s23, s22, $0x38;
	[tilespmem:$0x17500] =	vst v63  }
0x21a: {  	_ =	swait.ge [sflag:s31], $0x4000  }
0x21b: {  	[sflag:s31] =	ssyncset.done $0x0  }
0x21c: {  	[sflag:s31] =	ssyncadd.s32 $0xFFFFC000  }
0x21d: {  	[tilespmem:v26+s29+$0x0] =	vst.idx.msk vm4, v1  }
0x21e: {  	[tilespmem:v28+s29+$0x0] =	vst.idx.msk vm3, v1  }
0x21f: {  	vm8 =	veq.s32 v10, $0x6;
	[tilespmem:v27+s29+$0x0] =	vst.idx.msk vm7, v1  }
0x220: {  	vm9 =	veq.s32 v11, $0x6;
	[tilespmem:v29+s29+$0x0] =	vst.idx.msk vm12, v1  }
0x221: {  	vm10 =	veq.s32 v12, $0x6;
	[tilespmem:v30+s29+$0x0] =	vst.idx.msk vm13, v1  }
0x222: {  	vm11 =	veq.s32 v13, $0x6;
	[tilespmem:v31+s29+$0x0] =	vst.idx.msk vm5, v1  }
0x223: {  	vm12 =	veq.s32 v15, $0x6;
	[tilespmem:v32+s29+$0x0] =	vst.idx.msk vm14, v1  }
0x224: {  	vm13 =	veq.s32 v17, $0x6;
	[tilespmem:v33+s29+$0x0] =	vst.idx.msk vm15, v1  }
0x225: {  	vm14 =	veq.s32 v16, $0x6;
	[tilespmem:v26+s29+$0x0] =	vst.idx.msk vm8, v2  }
0x226: {  	vm15 =	veq.s32 v14, $0x6;
	[tilespmem:v28+s29+$0x0] =	vst.idx.msk vm9, v2  }
0x227: {  	[tilespmem:v27+s29+$0x0] =	vst.idx.msk vm10, v2  }
0x228: {  	vm8 =	veq.s32 v10, $0x7;
	[tilespmem:v29+s29+$0x0] =	vst.idx.msk vm11, v2  }
0x229: {  	vm9 =	veq.s32 v11, $0x7;
	[tilespmem:v30+s29+$0x0] =	vst.idx.msk vm12, v2  }
0x22a: {  	vm10 =	veq.s32 v12, $0x7;
	[tilespmem:v31+s29+$0x0] =	vst.idx.msk vm13, v2  }
0x22b: {  	vm11 =	veq.s32 v13, $0x7;
	[tilespmem:v32+s29+$0x0] =	vst.idx.msk vm14, v2  }
0x22c: {  	s21 =	sadd.s32 s26, s17;
	vm12 =	veq.s32 v15, $0x7;
	[tilespmem:v33+s29+$0x0] =	vst.idx.msk vm15, v2  }
0x22d: {  	vm13 =	veq.s32 v17, $0x7;
	[hbm4b:s21+s22] =	stream.strided.scatter [tilespmem:s29], [sflag:$0x1], $0x4000, s23, s22, $0x38;
	[tilespmem:$0x17500] =	vst v63  }
0x22e: {  	vm14 =	veq.s32 v16, $0x7;
	[tilespmem:v26+s1+$0x0] =	vst.idx.msk vm8, v2  }
0x22f: {  	vm15 =	veq.s32 v14, $0x7;
	[tilespmem:v28+s1+$0x0] =	vst.idx.msk vm9, v2  }
0x230: {  	[tilespmem:v27+s1+$0x0] =	vst.idx.msk vm10, v2  }
0x231: {  	[tilespmem:v29+s1+$0x0] =	vst.idx.msk vm11, v2  }
0x232: {  	[tilespmem:v30+s1+$0x0] =	vst.idx.msk vm12, v2  }
.Ltmp5:
0x233: {  	[tilespmem:v31+s1+$0x0] =	vst.idx.msk vm13, v2;
	(pc) =	sbr.rel @p0 .LBB2_6-.Ltmp5, $4  }
0x234: {  	[tilespmem:v32+s1+$0x0] =	vst.idx.msk vm14, v2  }
0x235: {  	s26 =	sadd.s32 s26, s18;
	[tilespmem:v33+s1+$0x0] =	vst.idx.msk vm15, v2  }
0x236: {  	[hbm4b:s26+s22] =	stream.strided.scatter [tilespmem:s1], [sflag:$0x3], $0x7400, s23, s22, $0x38;
	[tilespmem:$0x17500] =	vst v63  }
0x237: {  	p1 =	por $0x0, $0x0;
	s26 =	simm.s32 $0x100  }
0x238: {  	_ =	swait.ge [sflag:s31], $0x4000  }
0x239: {  	[sflag:s31] =	ssyncset.done $0x0  }
0x23a: {  	[sflag:s31] =	ssyncadd.s32 $0xFFFFC000  }
0x23b: {  	_ =	swait.ge [sflag:s0], $0x4000  }
0x23c: {  	[sflag:s0] =	ssyncset.done $0x0  }
0x23d: {  	[sflag:s0] =	ssyncadd.s32 $0xFFFFC000  }
0x23e: {  	_ =	swait.ge [sflag:s7], $0x7400  }
0x23f: {  	s24 =	sadd.s32 $0x1, s24;
	s3 =	rddreg [dreg:$0x7]  }
0x240: {  	p0 =	sne.s32 s24, s3  }
.Ltmp6:
0x241: {  	_ = 	snop;
	(pc) =	sbr.rel @p0 .LBB2_1-.Ltmp6, $3  }
0x242: {  	_ =	sdelay $0x1  }
0x243: {  	[sflag:s7] =	ssyncset.done $0x0  }
0x244: {  	[sflag:s7] =	ssyncadd.s32 $0xFFFF8C00  }
0x245: {  	_ =	sfence.sel $0x180000  }
0x246: {  	[bflag:$0x0] =	sbarrier.arrive $0xFFFF  }
0x247: {  	_ =	strace $0x90000047  }
0x248: {  	s0 =	stileid.u32;
	[bflag:$0x2] =	sbarrier.arrive $0xFFFF  }
0x249: {  	p0 =	sne.s32 s0, $0x0;
	s0 =	rddreg [dreg:$0x2]  }
0x24a: {  	s0 =	sadd.s32 @!p0 $0x100000, s0  }
0x24b: {  	[sflag:s0] =	ssyncadd.tile.s32 @!p0 $0x1;
	_ =	shalt  }
.Lfunc_end2:
_tile_overlayer_lowered:
.L_overlay_start_2:
0x24c: {  	(tag) =	ssettag $0x2  }
0x24d: {  	s0 =	rddreg [dreg:$0x0];
	s2 =	stileid.u32  }
0x24e: {  	s1 =	rddreg [dreg:$0x1];
	p0 =	sne.s32 s2, $0x0  }
0x24f: {  	s3 =	rddreg [dreg:$0x2];
	[bflag:$0x3] =	sbarrier.arrive $0xFFFF;
	s2 =	simm.s32 @!p0 $0x1C06  }
0x250: {  	[timem:s3], [sflag:s2] =	dma.local @!p0 [hbm:s0], s1  }
0x251: {  	s0 =	simm.s32 @!p0 $0x6  }
0x252: {  	_ =	swait.ge @!p0 [sflag:s0], s1  }
0x253: {  	s1 =	ssub.s32 @!p0 $0x0, s1;
	[sflag:s0] =	ssyncset.done @!p0 $0x0  }
0x254: {  	[sflag:s0] =	ssyncadd.s32 @!p0 s1  }
0x255: {  	[bflag:$0x3] =	sbarrier.arrive $0xFFFF  }
0x256: {  	_ =	shalt  }

</sc_bundles>
